<compile_context>
chip_gen: v7x
topology: tpu7x:2x2x1
jax: 0.10.2.dev20260603
libtpu: 0.0.44.dev20260713+nightly
codegen_flags: <defaults>
</compile_context>

<pallas_src>
import jax
import jax.numpy as jnp
from jax import lax
from jax.experimental import pallas as pl
from jax.experimental.pallas import tpu as pltpu
from jax.experimental.pallas import tpu_sc as plsc

B = 16384
F = 26
FP = 32
G = FP // 8
D = 16
NC, NS = 2, 16
NW = NC * NS
CHUNK = 1024
SUB = 128
N_SUB = CHUNK // SUB

NCH = 4
BCH = B // NCH
N_ROWS_CH = BCH * FP

BM = 512
BK = 4096


def _make_gather(n_rows):
    rows_per_w = n_rows // NW
    n_chunks = rows_per_w // CHUNK

    def body(idx_hbm, table_hbm, out_hbm, idx_v, rows_v, sem):
        c = lax.axis_index("c")
        s = lax.axis_index("s")
        wid = s * NC + c
        base = wid * rows_per_w
        pltpu.sync_copy(idx_hbm.at[pl.ds(base, rows_per_w)], idx_v)

        def chunk_body(ci, carry):
            row0 = ci * CHUNK
            copies = []
            for j in range(N_SUB):
                cp = pltpu.make_async_copy(
                    table_hbm.at[idx_v.at[pl.ds(row0 + j * SUB, SUB)]],
                    rows_v.at[pl.ds(j * SUB, SUB)],
                    sem,
                )
                cp.start()
                copies.append(cp)
            for cp in copies:
                cp.wait()
            pltpu.sync_copy(rows_v, out_hbm.at[pl.ds(base + row0, CHUNK)])
            return carry

        lax.fori_loop(0, n_chunks, chunk_body, 0)

    return pl.kernel(
        body,
        out_type=jax.ShapeDtypeStruct((n_rows, D), jnp.float32),
        mesh=plsc.VectorSubcoreMesh(core_axis_name="c", subcore_axis_name="s"),
        compiler_params=pltpu.CompilerParams(use_tc_tiling_on_sc=False),
        scratch_types=[
            pltpu.VMEM((rows_per_w,), jnp.int32),
            pltpu.VMEM((CHUNK, D), jnp.float32),
            pltpu.SemaphoreType.DMA,
        ],
    )


_gather_ch = _make_gather(N_ROWS_CH)


def _transpose_body(xt, o):
    x = xt[...]
    s = BK // 8
    pieces = [x[:, k * s:(k + 1) * s].T for k in range(8)]
    o[...] = jnp.concatenate(pieces, axis=1)


def _relayout_table(table_t):
    v = table_t.shape[1]
    grid = (v + BK - 1) // BK
    vp8 = (v + 7) // 8 + (-((v + 7) // 8)) % (BK // 8)
    return pl.pallas_call(
        _transpose_body,
        grid=(grid,),
        in_specs=[
            pl.BlockSpec((16, BK), lambda i: (0, i)),
        ],
        out_specs=pl.BlockSpec((BK // 8, 128), lambda i: (i, 0)),
        out_shape=jax.ShapeDtypeStruct((vp8, 128), jnp.float32),
    )(table_t)


def _mlp_body(x4, xn, w1p, w1n, b1, w2, b2, w3, b3, o):
    h = jnp.dot(x4[0], w1p[0], preferred_element_type=jnp.float32)
    for j in range(1, G):
        h = h + jnp.dot(x4[j], w1p[j], preferred_element_type=jnp.float32)
    h = h + jnp.dot(xn[...], w1n[...], preferred_element_type=jnp.float32)
    h = jnp.maximum(h + b1[...], 0.0)
    h = jnp.maximum(jnp.dot(h, w2[...], preferred_element_type=jnp.float32) + b2[...], 0.0)
    o[...] = jnp.dot(h, w3[...], preferred_element_type=jnp.float32) + b3[...]


def _mlp(x4, xn, w1p, w1n, b1, w2, b2, w3, b3):
    nn = xn.shape[1]
    h1 = w2.shape[0]
    h2 = w2.shape[1]
    return pl.pallas_call(
        _mlp_body,
        grid=(BCH // BM,),
        in_specs=[
            pl.BlockSpec((G, BM, 128), lambda i: (0, i, 0)),
            pl.BlockSpec((BM, nn), lambda i: (i, 0)),
            pl.BlockSpec((G, 128, h1), lambda i: (0, 0, 0)),
            pl.BlockSpec((nn, h1), lambda i: (0, 0)),
            pl.BlockSpec((1, h1), lambda i: (0, 0)),
            pl.BlockSpec((h1, h2), lambda i: (0, 0)),
            pl.BlockSpec((1, h2), lambda i: (0, 0)),
            pl.BlockSpec((h2, 1), lambda i: (0, 0)),
            pl.BlockSpec((1, 1), lambda i: (0, 0)),
        ],
        out_specs=pl.BlockSpec((BM, 1), lambda i: (i, 0)),
        out_shape=jax.ShapeDtypeStruct((BCH, 1), jnp.float32),
    )(x4, xn, w1p, w1n, b1, w2, b2, w3, b3)


def kernel(x_categorical, x_numerical, emb_table, W1, b1, W2, b2, W3, b3):
    xc = x_categorical.astype(jnp.int32)
    xcp = jnp.concatenate([xc, xc[:, : FP - F]], axis=1)
    idxr = (xcp.T.reshape(G, 8, NCH, BCH)
            .transpose(2, 0, 3, 1)
            .reshape(NCH, G * BCH * 8))
    a = idxr % BK
    pidx = (idxr - a) + (a % (BK // 8)) * 8 + a // (BK // 8)
    tpad = _relayout_table(emb_table.T)
    table_rm = tpad.reshape(tpad.shape[0] * 8, 16)
    w1p = jnp.pad(W1[: F * D], ((0, G * 128 - F * D), (0, 0))).reshape(G, 128, -1)
    w1n = W1[F * D:]
    b1r = b1.reshape(1, -1)
    b2r = b2.reshape(1, -1)
    b3r = b3.reshape(1, -1)
    outs = []
    for ch in range(NCH):
        rows = _gather_ch(pidx[ch], table_rm)
        x4 = rows.reshape(G, BCH, 128)
        xn = lax.slice_in_dim(x_numerical, ch * BCH, (ch + 1) * BCH, axis=0)
        outs.append(_mlp(x4, xn, w1p, w1n, b1r, W2, b2r, W3, b3r))
    return jnp.concatenate(outs, axis=0).reshape(B)

# --- scband reference (transcript-rebuilt; emitter-appended) ---
"""Pipeline reference for scband-deep-factorization-machine-regression-34789235097941 (READ-ONLY COPY).

The authoritative reference and input builder live on the scoring server;
editing this copy changes nothing except your own understanding.
"""

import jax, jax.numpy as jnp
import numpy as np

B = 16384
NUM_FIELDS = 26
VOCAB = 38462 * 26  # sum(field_dims) = 1000012
EMBED_DIM = 16
NUM_NUMERICAL = 13
HIDDEN = [256, 128]


def setup_inputs(seed: int = 0) -> dict:
    key = jax.random.key(seed)
    ks = jax.random.split(key, 10)
    x_categorical = jax.random.randint(ks[0], (B, NUM_FIELDS), 0, VOCAB, dtype=jnp.int64 if jax.config.read('jax_enable_x64') else jnp.int32)
    x_numerical = jax.random.normal(ks[1], (B, NUM_NUMERICAL), dtype=jnp.float32)
    emb_table = jax.random.normal(ks[2], (VOCAB, EMBED_DIM), dtype=jnp.float32) * 0.02
    in_dim = NUM_FIELDS * EMBED_DIM + NUM_NUMERICAL
    W1 = jax.random.normal(ks[3], (in_dim, HIDDEN[0]), dtype=jnp.float32) * (1.0 / np.sqrt(in_dim))
    b1 = jnp.zeros((HIDDEN[0],), dtype=jnp.float32)
    W2 = jax.random.normal(ks[4], (HIDDEN[0], HIDDEN[1]), dtype=jnp.float32) * (1.0 / np.sqrt(HIDDEN[0]))
    b2 = jnp.zeros((HIDDEN[1],), dtype=jnp.float32)
    W3 = jax.random.normal(ks[5], (HIDDEN[1], 1), dtype=jnp.float32) * (1.0 / np.sqrt(HIDDEN[1]))
    b3 = jnp.zeros((1,), dtype=jnp.float32)
    return {
        'x_categorical': x_categorical,
        'x_numerical': x_numerical,
        'emb_table': emb_table,
        'W1': W1, 'b1': b1,
        'W2': W2, 'b2': b2,
        'W3': W3, 'b3': b3,
    }


def reference(x_categorical, x_numerical, emb_table, W1, b1, W2, b2, W3, b3):
    # embedding lookup: [B, F] -> [B, F, D] -> [B, F*D]
    embeds = jnp.take(emb_table, x_categorical, axis=0)
    embeds = embeds.reshape(embeds.shape[0], -1)
    x = jnp.concatenate([embeds, x_numerical], axis=1)
    # MLP (dropout is identity in eval mode)
    x = jax.nn.relu(x @ W1 + b1)
    x = jax.nn.relu(x @ W2 + b2)
    x = x @ W3 + b3
    return jnp.squeeze(x, axis=1)

if __name__ == "__main__":
    import jax
    _d = setup_inputs()
    print(jax.jit(kernel)(*tuple(_d.values())))

</pallas_src>

<mosaic_0001>
#map = affine_map<(d0, d1) -> (0)>
#map1 = affine_map<(d0, d1) -> (0, 0)>
module attributes {stable_mosaic.version = 14 : i64} {
  func.func @body(%arg0: i32, %arg1: i32, %arg2: memref<131072xi32, #tpu.memory_space<hbm>>, %arg3: memref<1003520x16xf32, #tpu.memory_space<hbm>>, %arg4: memref<131072x16xf32, #tpu.memory_space<hbm>>, %arg5: memref<4096xi32, #tpu.memory_space<vmem>>, %arg6: memref<1024x16xf32, #tpu.memory_space<vmem>>, %arg7: memref<!tpu.dma_semaphore, #tpu.memory_space<semaphore_mem>>) attributes {dimension_semantics = [#tpu.dimension_semantics<core_parallel>, #tpu.dimension_semantics<subcore_parallel>], iteration_bounds = array<i64: 2, 16>, scalar_prefetch = 0 : i64, scratch_operands = 3 : i64, tpu.core_type = #tpu.core_type<sc_vector_subcore>, window_params = [{transform_indices = #map}, {transform_indices = #map1}, {transform_indices = #map1}]} {
    %mul3A = arith.constant 2 : i32
    %mul3A_0 = arith.muli %arg1, %mul3A : i32
    %add3A = arith.addi %mul3A_0, %arg0 : i32
    %mul3A_1 = arith.constant 4096 : i32
    %mul3A_2 = arith.muli %add3A, %mul3A_1 : i32
    "tpu.region"() ({
      %run_scoped3A = tpu.sem_alloc : memref<!tpu.dma_semaphore, #tpu.memory_space<semaphore_mem>>
      %dma_start3A = tpu.memref_slice %arg2[%mul3A_2] : memref<131072xi32, #tpu.memory_space<hbm>> -> memref<4096xi32, #tpu.memory_space<hbm>>
      %dma_start3A_8 = tpu.memref_slice %arg2[%mul3A_2] : memref<131072xi32, #tpu.memory_space<hbm>> -> memref<4096xi32, #tpu.memory_space<hbm>>
      tpu.enqueue_dma source(%dma_start3A_8 : memref<4096xi32, #tpu.memory_space<hbm>>) target(%arg5 : memref<4096xi32, #tpu.memory_space<vmem>>) target_semaphore(%run_scoped3A : memref<!tpu.dma_semaphore, #tpu.memory_space<semaphore_mem>>)
      %dma_wait3A = tpu.memref_slice %arg2[%mul3A_2] : memref<131072xi32, #tpu.memory_space<hbm>> -> memref<4096xi32, #tpu.memory_space<hbm>>
      %dma_wait3A_9 = tpu.memref_slice %arg2[%mul3A_2] : memref<131072xi32, #tpu.memory_space<hbm>> -> memref<4096xi32, #tpu.memory_space<hbm>>
      tpu.wait_dma2 semaphore(%run_scoped3A : memref<!tpu.dma_semaphore, #tpu.memory_space<semaphore_mem>>) src(%dma_wait3A_9 : memref<4096xi32, #tpu.memory_space<hbm>>) dst(%arg5 : memref<4096xi32, #tpu.memory_space<vmem>>)
      tpu.yield
    }) : () -> ()
    %scan3A = arith.constant 0 : i32
    %scan3A_3 = arith.constant 0 : i32
    %scan3A_4 = arith.constant 4 : i32
    %scan3A_5 = arith.addi %scan3A_3, %scan3A_4 : i32
    %scan3A_6 = arith.constant 1 : i32
    scf.for %scan3A_8 = %scan3A_3 to %scan3A_5 step %scan3A_6  : i32 {
      %mul3A_9 = arith.constant 1024 : i32
      %mul3A_10 = arith.muli %scan3A_8, %mul3A_9 : i32
      %add3A_11 = arith.constant 0 : i32
      %add3A_12 = arith.addi %mul3A_10, %add3A_11 : i32
      %dma_start3A = arith.constant 0 : i32
      %dma_start3A_13 = arith.constant 0 : i32
      %dma_start3A_14 = tpu.memref_slice %arg6[%dma_start3A, %dma_start3A_13] : memref<1024x16xf32, #tpu.memory_space<vmem>> -> memref<128x16xf32, #tpu.memory_space<vmem>>
      %dma_start3A_15 = tpu.memref_slice %arg5[%add3A_12] : memref<4096xi32, #tpu.memory_space<vmem>> -> memref<128xi32, #tpu.memory_space<vmem>>
      %dma_start3A_16 = arith.constant 0 : i32
      %dma_start3A_17 = arith.constant 0 : i32
      %dma_start3A_18 = tpu.memref_slice %arg3[%dma_start3A_16, %dma_start3A_17] : memref<1003520x16xf32, #tpu.memory_space<hbm>> -> memref<1003520x16xf32, #tpu.memory_space<hbm>>
      tpu.enqueue_indirect_dma source(%dma_start3A_18 : memref<1003520x16xf32, #tpu.memory_space<hbm>>) target(%dma_start3A_14 : memref<128x16xf32, #tpu.memory_space<vmem>>) offsets(%dma_start3A_15 : memref<128xi32, #tpu.memory_space<vmem>>) semaphore(%arg7 : memref<!tpu.dma_semaphore, #tpu.memory_space<semaphore_mem>>)
      %add3A_19 = arith.constant 128 : i32
      %add3A_20 = arith.addi %mul3A_10, %add3A_19 : i32
      %dma_start3A_21 = arith.constant 128 : i32
      %dma_start3A_22 = arith.constant 0 : i32
      %dma_start3A_23 = tpu.memref_slice %arg6[%dma_start3A_21, %dma_start3A_22] : memref<1024x16xf32, #tpu.memory_space<vmem>> -> memref<128x16xf32, #tpu.memory_space<vmem>>
      %dma_start3A_24 = tpu.memref_slice %arg5[%add3A_20] : memref<4096xi32, #tpu.memory_space<vmem>> -> memref<128xi32, #tpu.memory_space<vmem>>
      %dma_start3A_25 = arith.constant 0 : i32
      %dma_start3A_26 = arith.constant 0 : i32
      %dma_start3A_27 = tpu.memref_slice %arg3[%dma_start3A_25, %dma_start3A_26] : memref<1003520x16xf32, #tpu.memory_space<hbm>> -> memref<1003520x16xf32, #tpu.memory_space<hbm>>
      tpu.enqueue_indirect_dma source(%dma_start3A_27 : memref<1003520x16xf32, #tpu.memory_space<hbm>>) target(%dma_start3A_23 : memref<128x16xf32, #tpu.memory_space<vmem>>) offsets(%dma_start3A_24 : memref<128xi32, #tpu.memory_space<vmem>>) semaphore(%arg7 : memref<!tpu.dma_semaphore, #tpu.memory_space<semaphore_mem>>)
      %add3A_28 = arith.constant 256 : i32
      %add3A_29 = arith.addi %mul3A_10, %add3A_28 : i32
      %dma_start3A_30 = arith.constant 256 : i32
      %dma_start3A_31 = arith.constant 0 : i32
      %dma_start3A_32 = tpu.memref_slice %arg6[%dma_start3A_30, %dma_start3A_31] : memref<1024x16xf32, #tpu.memory_space<vmem>> -> memref<128x16xf32, #tpu.memory_space<vmem>>
      %dma_start3A_33 = tpu.memref_slice %arg5[%add3A_29] : memref<4096xi32, #tpu.memory_space<vmem>> -> memref<128xi32, #tpu.memory_space<vmem>>
      %dma_start3A_34 = arith.constant 0 : i32
      %dma_start3A_35 = arith.constant 0 : i32
      %dma_start3A_36 = tpu.memref_slice %arg3[%dma_start3A_34, %dma_start3A_35] : memref<1003520x16xf32, #tpu.memory_space<hbm>> -> memref<1003520x16xf32, #tpu.memory_space<hbm>>
      tpu.enqueue_indirect_dma source(%dma_start3A_36 : memref<1003520x16xf32, #tpu.memory_space<hbm>>) target(%dma_start3A_32 : memref<128x16xf32, #tpu.memory_space<vmem>>) offsets(%dma_start3A_33 : memref<128xi32, #tpu.memory_space<vmem>>) semaphore(%arg7 : memref<!tpu.dma_semaphore, #tpu.memory_space<semaphore_mem>>)
      %add3A_37 = arith.constant 384 : i32
      %add3A_38 = arith.addi %mul3A_10, %add3A_37 : i32
      %dma_start3A_39 = arith.constant 384 : i32
      %dma_start3A_40 = arith.constant 0 : i32
      %dma_start3A_41 = tpu.memref_slice %arg6[%dma_start3A_39, %dma_start3A_40] : memref<1024x16xf32, #tpu.memory_space<vmem>> -> memref<128x16xf32, #tpu.memory_space<vmem>>
      %dma_start3A_42 = tpu.memref_slice %arg5[%add3A_38] : memref<4096xi32, #tpu.memory_space<vmem>> -> memref<128xi32, #tpu.memory_space<vmem>>
      %dma_start3A_43 = arith.constant 0 : i32
      %dma_start3A_44 = arith.constant 0 : i32
      %dma_start3A_45 = tpu.memref_slice %arg3[%dma_start3A_43, %dma_start3A_44] : memref<1003520x16xf32, #tpu.memory_space<hbm>> -> memref<1003520x16xf32, #tpu.memory_space<hbm>>
      tpu.enqueue_indirect_dma source(%dma_start3A_45 : memref<1003520x16xf32, #tpu.memory_space<hbm>>) target(%dma_start3A_41 : memref<128x16xf32, #tpu.memory_space<vmem>>) offsets(%dma_start3A_42 : memref<128xi32, #tpu.memory_space<vmem>>) semaphore(%arg7 : memref<!tpu.dma_semaphore, #tpu.memory_space<semaphore_mem>>)
      %add3A_46 = arith.constant 512 : i32
      %add3A_47 = arith.addi %mul3A_10, %add3A_46 : i32
      %dma_start3A_48 = arith.constant 512 : i32
      %dma_start3A_49 = arith.constant 0 : i32
      %dma_start3A_50 = tpu.memref_slice %arg6[%dma_start3A_48, %dma_start3A_49] : memref<1024x16xf32, #tpu.memory_space<vmem>> -> memref<128x16xf32, #tpu.memory_space<vmem>>
      %dma_start3A_51 = tpu.memref_slice %arg5[%add3A_47] : memref<4096xi32, #tpu.memory_space<vmem>> -> memref<128xi32, #tpu.memory_space<vmem>>
      %dma_start3A_52 = arith.constant 0 : i32
      %dma_start3A_53 = arith.constant 0 : i32
      %dma_start3A_54 = tpu.memref_slice %arg3[%dma_start3A_52, %dma_start3A_53] : memref<1003520x16xf32, #tpu.memory_space<hbm>> -> memref<1003520x16xf32, #tpu.memory_space<hbm>>
      tpu.enqueue_indirect_dma source(%dma_start3A_54 : memref<1003520x16xf32, #tpu.memory_space<hbm>>) target(%dma_start3A_50 : memref<128x16xf32, #tpu.memory_space<vmem>>) offsets(%dma_start3A_51 : memref<128xi32, #tpu.memory_space<vmem>>) semaphore(%arg7 : memref<!tpu.dma_semaphore, #tpu.memory_space<semaphore_mem>>)
      %add3A_55 = arith.constant 640 : i32
      %add3A_56 = arith.addi %mul3A_10, %add3A_55 : i32
      %dma_start3A_57 = arith.constant 640 : i32
      %dma_start3A_58 = arith.constant 0 : i32
      %dma_start3A_59 = tpu.memref_slice %arg6[%dma_start3A_57, %dma_start3A_58] : memref<1024x16xf32, #tpu.memory_space<vmem>> -> memref<128x16xf32, #tpu.memory_space<vmem>>
      %dma_start3A_60 = tpu.memref_slice %arg5[%add3A_56] : memref<4096xi32, #tpu.memory_space<vmem>> -> memref<128xi32, #tpu.memory_space<vmem>>
      %dma_start3A_61 = arith.constant 0 : i32
      %dma_start3A_62 = arith.constant 0 : i32
      %dma_start3A_63 = tpu.memref_slice %arg3[%dma_start3A_61, %dma_start3A_62] : memref<1003520x16xf32, #tpu.memory_space<hbm>> -> memref<1003520x16xf32, #tpu.memory_space<hbm>>
      tpu.enqueue_indirect_dma source(%dma_start3A_63 : memref<1003520x16xf32, #tpu.memory_space<hbm>>) target(%dma_start3A_59 : memref<128x16xf32, #tpu.memory_space<vmem>>) offsets(%dma_start3A_60 : memref<128xi32, #tpu.memory_space<vmem>>) semaphore(%arg7 : memref<!tpu.dma_semaphore, #tpu.memory_space<semaphore_mem>>)
      %add3A_64 = arith.constant 768 : i32
      %add3A_65 = arith.addi %mul3A_10, %add3A_64 : i32
      %dma_start3A_66 = arith.constant 768 : i32
      %dma_start3A_67 = arith.constant 0 : i32
      %dma_start3A_68 = tpu.memref_slice %arg6[%dma_start3A_66, %dma_start3A_67] : memref<1024x16xf32, #tpu.memory_space<vmem>> -> memref<128x16xf32, #tpu.memory_space<vmem>>
      %dma_start3A_69 = tpu.memref_slice %arg5[%add3A_65] : memref<4096xi32, #tpu.memory_space<vmem>> -> memref<128xi32, #tpu.memory_space<vmem>>
      %dma_start3A_70 = arith.constant 0 : i32
      %dma_start3A_71 = arith.constant 0 : i32
      %dma_start3A_72 = tpu.memref_slice %arg3[%dma_start3A_70, %dma_start3A_71] : memref<1003520x16xf32, #tpu.memory_space<hbm>> -> memref<1003520x16xf32, #tpu.memory_space<hbm>>
      tpu.enqueue_indirect_dma source(%dma_start3A_72 : memref<1003520x16xf32, #tpu.memory_space<hbm>>) target(%dma_start3A_68 : memref<128x16xf32, #tpu.memory_space<vmem>>) offsets(%dma_start3A_69 : memref<128xi32, #tpu.memory_space<vmem>>) semaphore(%arg7 : memref<!tpu.dma_semaphore, #tpu.memory_space<semaphore_mem>>)
      %add3A_73 = arith.constant 896 : i32
      %add3A_74 = arith.addi %mul3A_10, %add3A_73 : i32
      %dma_start3A_75 = arith.constant 896 : i32
      %dma_start3A_76 = arith.constant 0 : i32
      %dma_start3A_77 = tpu.memref_slice %arg6[%dma_start3A_75, %dma_start3A_76] : memref<1024x16xf32, #tpu.memory_space<vmem>> -> memref<128x16xf32, #tpu.memory_space<vmem>>
      %dma_start3A_78 = tpu.memref_slice %arg5[%add3A_74] : memref<4096xi32, #tpu.memory_space<vmem>> -> memref<128xi32, #tpu.memory_space<vmem>>
      %dma_start3A_79 = arith.constant 0 : i32
      %dma_start3A_80 = arith.constant 0 : i32
      %dma_start3A_81 = tpu.memref_slice %arg3[%dma_start3A_79, %dma_start3A_80] : memref<1003520x16xf32, #tpu.memory_space<hbm>> -> memref<1003520x16xf32, #tpu.memory_space<hbm>>
      tpu.enqueue_indirect_dma source(%dma_start3A_81 : memref<1003520x16xf32, #tpu.memory_space<hbm>>) target(%dma_start3A_77 : memref<128x16xf32, #tpu.memory_space<vmem>>) offsets(%dma_start3A_78 : memref<128xi32, #tpu.memory_space<vmem>>) semaphore(%arg7 : memref<!tpu.dma_semaphore, #tpu.memory_space<semaphore_mem>>)
      %dma_wait3A = arith.constant 0 : i32
      %dma_wait3A_82 = arith.constant 0 : i32
      %dma_wait3A_83 = tpu.memref_slice %arg6[%dma_wait3A, %dma_wait3A_82] : memref<1024x16xf32, #tpu.memory_space<vmem>> -> memref<128x16xf32, #tpu.memory_space<vmem>>
      %dma_wait3A_84 = tpu.memref_slice %arg5[%add3A_12] : memref<4096xi32, #tpu.memory_space<vmem>> -> memref<128xi32, #tpu.memory_space<vmem>>
      %dma_wait3A_85 = arith.constant 0 : i32
      %dma_wait3A_86 = arith.constant 0 : i32
      %dma_wait3A_87 = tpu.memref_slice %arg3[%dma_wait3A_85, %dma_wait3A_86] : memref<1003520x16xf32, #tpu.memory_space<hbm>> -> memref<1003520x16xf32, #tpu.memory_space<hbm>>
      tpu.wait_indirect_dma semaphore(%arg7 : memref<!tpu.dma_semaphore, #tpu.memory_space<semaphore_mem>>) src(%dma_wait3A_87 : memref<1003520x16xf32, #tpu.memory_space<hbm>>) dst(%dma_wait3A_83 : memref<128x16xf32, #tpu.memory_space<vmem>>)
      %dma_wait3A_88 = arith.constant 128 : i32
      %dma_wait3A_89 = arith.constant 0 : i32
      %dma_wait3A_90 = tpu.memref_slice %arg6[%dma_wait3A_88, %dma_wait3A_89] : memref<1024x16xf32, #tpu.memory_space<vmem>> -> memref<128x16xf32, #tpu.memory_space<vmem>>
      %dma_wait3A_91 = tpu.memref_slice %arg5[%add3A_20] : memref<4096xi32, #tpu.memory_space<vmem>> -> memref<128xi32, #tpu.memory_space<vmem>>
      %dma_wait3A_92 = arith.constant 0 : i32
      %dma_wait3A_93 = arith.constant 0 : i32
      %dma_wait3A_94 = tpu.memref_slice %arg3[%dma_wait3A_92, %dma_wait3A_93] : memref<1003520x16xf32, #tpu.memory_space<hbm>> -> memref<1003520x16xf32, #tpu.memory_space<hbm>>
      tpu.wait_indirect_dma semaphore(%arg7 : memref<!tpu.dma_semaphore, #tpu.memory_space<semaphore_mem>>) src(%dma_wait3A_94 : memref<1003520x16xf32, #tpu.memory_space<hbm>>) dst(%dma_wait3A_90 : memref<128x16xf32, #tpu.memory_space<vmem>>)
      %dma_wait3A_95 = arith.constant 256 : i32
      %dma_wait3A_96 = arith.constant 0 : i32
      %dma_wait3A_97 = tpu.memref_slice %arg6[%dma_wait3A_95, %dma_wait3A_96] : memref<1024x16xf32, #tpu.memory_space<vmem>> -> memref<128x16xf32, #tpu.memory_space<vmem>>
      %dma_wait3A_98 = tpu.memref_slice %arg5[%add3A_29] : memref<4096xi32, #tpu.memory_space<vmem>> -> memref<128xi32, #tpu.memory_space<vmem>>
      %dma_wait3A_99 = arith.constant 0 : i32
      %dma_wait3A_100 = arith.constant 0 : i32
      %dma_wait3A_101 = tpu.memref_slice %arg3[%dma_wait3A_99, %dma_wait3A_100] : memref<1003520x16xf32, #tpu.memory_space<hbm>> -> memref<1003520x16xf32, #tpu.memory_space<hbm>>
      tpu.wait_indirect_dma semaphore(%arg7 : memref<!tpu.dma_semaphore, #tpu.memory_space<semaphore_mem>>) src(%dma_wait3A_101 : memref<1003520x16xf32, #tpu.memory_space<hbm>>) dst(%dma_wait3A_97 : memref<128x16xf32, #tpu.memory_space<vmem>>)
      %dma_wait3A_102 = arith.constant 384 : i32
      %dma_wait3A_103 = arith.constant 0 : i32
      %dma_wait3A_104 = tpu.memref_slice %arg6[%dma_wait3A_102, %dma_wait3A_103] : memref<1024x16xf32, #tpu.memory_space<vmem>> -> memref<128x16xf32, #tpu.memory_space<vmem>>
      %dma_wait3A_105 = tpu.memref_slice %arg5[%add3A_38] : memref<4096xi32, #tpu.memory_space<vmem>> -> memref<128xi32, #tpu.memory_space<vmem>>
      %dma_wait3A_106 = arith.constant 0 : i32
      %dma_wait3A_107 = arith.constant 0 : i32
      %dma_wait3A_108 = tpu.memref_slice %arg3[%dma_wait3A_106, %dma_wait3A_107] : memref<1003520x16xf32, #tpu.memory_space<hbm>> -> memref<1003520x16xf32, #tpu.memory_space<hbm>>
      tpu.wait_indirect_dma semaphore(%arg7 : memref<!tpu.dma_semaphore, #tpu.memory_space<semaphore_mem>>) src(%dma_wait3A_108 : memref<1003520x16xf32, #tpu.memory_space<hbm>>) dst(%dma_wait3A_104 : memref<128x16xf32, #tpu.memory_space<vmem>>)
      %dma_wait3A_109 = arith.constant 512 : i32
      %dma_wait3A_110 = arith.constant 0 : i32
      %dma_wait3A_111 = tpu.memref_slice %arg6[%dma_wait3A_109, %dma_wait3A_110] : memref<1024x16xf32, #tpu.memory_space<vmem>> -> memref<128x16xf32, #tpu.memory_space<vmem>>
      %dma_wait3A_112 = tpu.memref_slice %arg5[%add3A_47] : memref<4096xi32, #tpu.memory_space<vmem>> -> memref<128xi32, #tpu.memory_space<vmem>>
      %dma_wait3A_113 = arith.constant 0 : i32
      %dma_wait3A_114 = arith.constant 0 : i32
      %dma_wait3A_115 = tpu.memref_slice %arg3[%dma_wait3A_113, %dma_wait3A_114] : memref<1003520x16xf32, #tpu.memory_space<hbm>> -> memref<1003520x16xf32, #tpu.memory_space<hbm>>
      tpu.wait_indirect_dma semaphore(%arg7 : memref<!tpu.dma_semaphore, #tpu.memory_space<semaphore_mem>>) src(%dma_wait3A_115 : memref<1003520x16xf32, #tpu.memory_space<hbm>>) dst(%dma_wait3A_111 : memref<128x16xf32, #tpu.memory_space<vmem>>)
      %dma_wait3A_116 = arith.constant 640 : i32
      %dma_wait3A_117 = arith.constant 0 : i32
      %dma_wait3A_118 = tpu.memref_slice %arg6[%dma_wait3A_116, %dma_wait3A_117] : memref<1024x16xf32, #tpu.memory_space<vmem>> -> memref<128x16xf32, #tpu.memory_space<vmem>>
      %dma_wait3A_119 = tpu.memref_slice %arg5[%add3A_56] : memref<4096xi32, #tpu.memory_space<vmem>> -> memref<128xi32, #tpu.memory_space<vmem>>
      %dma_wait3A_120 = arith.constant 0 : i32
      %dma_wait3A_121 = arith.constant 0 : i32
      %dma_wait3A_122 = tpu.memref_slice %arg3[%dma_wait3A_120, %dma_wait3A_121] : memref<1003520x16xf32, #tpu.memory_space<hbm>> -> memref<1003520x16xf32, #tpu.memory_space<hbm>>
      tpu.wait_indirect_dma semaphore(%arg7 : memref<!tpu.dma_semaphore, #tpu.memory_space<semaphore_mem>>) src(%dma_wait3A_122 : memref<1003520x16xf32, #tpu.memory_space<hbm>>) dst(%dma_wait3A_118 : memref<128x16xf32, #tpu.memory_space<vmem>>)
      %dma_wait3A_123 = arith.constant 768 : i32
      %dma_wait3A_124 = arith.constant 0 : i32
      %dma_wait3A_125 = tpu.memref_slice %arg6[%dma_wait3A_123, %dma_wait3A_124] : memref<1024x16xf32, #tpu.memory_space<vmem>> -> memref<128x16xf32, #tpu.memory_space<vmem>>
      %dma_wait3A_126 = tpu.memref_slice %arg5[%add3A_65] : memref<4096xi32, #tpu.memory_space<vmem>> -> memref<128xi32, #tpu.memory_space<vmem>>
      %dma_wait3A_127 = arith.constant 0 : i32
      %dma_wait3A_128 = arith.constant 0 : i32
      %dma_wait3A_129 = tpu.memref_slice %arg3[%dma_wait3A_127, %dma_wait3A_128] : memref<1003520x16xf32, #tpu.memory_space<hbm>> -> memref<1003520x16xf32, #tpu.memory_space<hbm>>
      tpu.wait_indirect_dma semaphore(%arg7 : memref<!tpu.dma_semaphore, #tpu.memory_space<semaphore_mem>>) src(%dma_wait3A_129 : memref<1003520x16xf32, #tpu.memory_space<hbm>>) dst(%dma_wait3A_125 : memref<128x16xf32, #tpu.memory_space<vmem>>)
      %dma_wait3A_130 = arith.constant 896 : i32
      %dma_wait3A_131 = arith.constant 0 : i32
      %dma_wait3A_132 = tpu.memref_slice %arg6[%dma_wait3A_130, %dma_wait3A_131] : memref<1024x16xf32, #tpu.memory_space<vmem>> -> memref<128x16xf32, #tpu.memory_space<vmem>>
      %dma_wait3A_133 = tpu.memref_slice %arg5[%add3A_74] : memref<4096xi32, #tpu.memory_space<vmem>> -> memref<128xi32, #tpu.memory_space<vmem>>
      %dma_wait3A_134 = arith.constant 0 : i32
      %dma_wait3A_135 = arith.constant 0 : i32
      %dma_wait3A_136 = tpu.memref_slice %arg3[%dma_wait3A_134, %dma_wait3A_135] : memref<1003520x16xf32, #tpu.memory_space<hbm>> -> memref<1003520x16xf32, #tpu.memory_space<hbm>>
      tpu.wait_indirect_dma semaphore(%arg7 : memref<!tpu.dma_semaphore, #tpu.memory_space<semaphore_mem>>) src(%dma_wait3A_136 : memref<1003520x16xf32, #tpu.memory_space<hbm>>) dst(%dma_wait3A_132 : memref<128x16xf32, #tpu.memory_space<vmem>>)
      %add3A_137 = arith.addi %mul3A_2, %mul3A_10 : i32
      "tpu.region"() ({
        %run_scoped3A = tpu.sem_alloc : memref<!tpu.dma_semaphore, #tpu.memory_space<semaphore_mem>>
        %dma_start3A_138 = arith.constant 0 : i32
        %dma_start3A_139 = tpu.memref_slice %arg4[%add3A_137, %dma_start3A_138] : memref<131072x16xf32, #tpu.memory_space<hbm>> -> memref<1024x16xf32, #tpu.memory_space<hbm>>
        %dma_start3A_140 = arith.constant 0 : i32
        %dma_start3A_141 = tpu.memref_slice %arg4[%add3A_137, %dma_start3A_140] : memref<131072x16xf32, #tpu.memory_space<hbm>> -> memref<1024x16xf32, #tpu.memory_space<hbm>>
        tpu.enqueue_dma source(%arg6 : memref<1024x16xf32, #tpu.memory_space<vmem>>) target(%dma_start3A_141 : memref<1024x16xf32, #tpu.memory_space<hbm>>) target_semaphore(%run_scoped3A : memref<!tpu.dma_semaphore, #tpu.memory_space<semaphore_mem>>)
        %dma_wait3A_142 = arith.constant 0 : i32
        %dma_wait3A_143 = tpu.memref_slice %arg4[%add3A_137, %dma_wait3A_142] : memref<131072x16xf32, #tpu.memory_space<hbm>> -> memref<1024x16xf32, #tpu.memory_space<hbm>>
        %dma_wait3A_144 = arith.constant 0 : i32
        %dma_wait3A_145 = tpu.memref_slice %arg4[%add3A_137, %dma_wait3A_144] : memref<131072x16xf32, #tpu.memory_space<hbm>> -> memref<1024x16xf32, #tpu.memory_space<hbm>>
        tpu.wait_dma2 semaphore(%run_scoped3A : memref<!tpu.dma_semaphore, #tpu.memory_space<semaphore_mem>>) src(%arg6 : memref<1024x16xf32, #tpu.memory_space<vmem>>) dst(%dma_wait3A_145 : memref<1024x16xf32, #tpu.memory_space<hbm>>)
        tpu.yield
      }) : () -> ()
    }
    %scan3A_7 = arith.constant 4 : i32
    return
  }
}

#map = affine_map<(d0, d1) -> (0)>
#map1 = affine_map<(d0, d1) -> (0, 0)>
module attributes {stable_mosaic.version = 14 : i64} {
  func.func @body(%arg0: i32, %arg1: i32, %arg2: memref<131072xi32, #tpu.memory_space<hbm>>, %arg3: memref<1003520x16xf32, #tpu.memory_space<hbm>>, %arg4: memref<131072x16xf32, #tpu.memory_space<hbm>>, %arg5: memref<4096xi32, #tpu.memory_space<vmem>>, %arg6: memref<1024x16xf32, #tpu.memory_space<vmem>>, %arg7: memref<!tpu.dma_semaphore, #tpu.memory_space<semaphore_mem>>) attributes {dimension_semantics = [#tpu.dimension_semantics<core_parallel>, #tpu.dimension_semantics<subcore_parallel>], iteration_bounds = array<i64: 2, 16>, scalar_prefetch = 0 : i64, scratch_operands = 3 : i64, tpu.core_type = #tpu.core_type<sc_vector_subcore>, window_params = [{transform_indices = #map}, {transform_indices = #map1}, {transform_indices = #map1}]} {
    %mul3A = arith.constant 2 : i32
    %mul3A_0 = arith.muli %arg1, %mul3A : i32
    %add3A = arith.addi %mul3A_0, %arg0 : i32
    %mul3A_1 = arith.constant 4096 : i32
    %mul3A_2 = arith.muli %add3A, %mul3A_1 : i32
    "tpu.region"() ({
      %run_scoped3A = tpu.sem_alloc : memref<!tpu.dma_semaphore, #tpu.memory_space<semaphore_mem>>
      %dma_start3A = tpu.memref_slice %arg2[%mul3A_2] : memref<131072xi32, #tpu.memory_space<hbm>> -> memref<4096xi32, #tpu.memory_space<hbm>>
      %dma_start3A_8 = tpu.memref_slice %arg2[%mul3A_2] : memref<131072xi32, #tpu.memory_space<hbm>> -> memref<4096xi32, #tpu.memory_space<hbm>>
      tpu.enqueue_dma source(%dma_start3A_8 : memref<4096xi32, #tpu.memory_space<hbm>>) target(%arg5 : memref<4096xi32, #tpu.memory_space<vmem>>) target_semaphore(%run_scoped3A : memref<!tpu.dma_semaphore, #tpu.memory_space<semaphore_mem>>)
      %dma_wait3A = tpu.memref_slice %arg2[%mul3A_2] : memref<131072xi32, #tpu.memory_space<hbm>> -> memref<4096xi32, #tpu.memory_space<hbm>>
      %dma_wait3A_9 = tpu.memref_slice %arg2[%mul3A_2] : memref<131072xi32, #tpu.memory_space<hbm>> -> memref<4096xi32, #tpu.memory_space<hbm>>
      tpu.wait_dma2 semaphore(%run_scoped3A : memref<!tpu.dma_semaphore, #tpu.memory_space<semaphore_mem>>) src(%dma_wait3A_9 : memref<4096xi32, #tpu.memory_space<hbm>>) dst(%arg5 : memref<4096xi32, #tpu.memory_space<vmem>>)
      tpu.yield
    }) : () -> ()
    %scan3A = arith.constant 0 : i32
    %scan3A_3 = arith.constant 0 : i32
    %scan3A_4 = arith.constant 4 : i32
    %scan3A_5 = arith.addi %scan3A_3, %scan3A_4 : i32
    %scan3A_6 = arith.constant 1 : i32
    scf.for %scan3A_8 = %scan3A_3 to %scan3A_5 step %scan3A_6  : i32 {
      %mul3A_9 = arith.constant 1024 : i32
      %mul3A_10 = arith.muli %scan3A_8, %mul3A_9 : i32
      %add3A_11 = arith.constant 0 : i32
      %add3A_12 = arith.addi %mul3A_10, %add3A_11 : i32
      %dma_start3A = arith.constant 0 : i32
      %dma_start3A_13 = arith.constant 0 : i32
      %dma_start3A_14 = tpu.memref_slice %arg6[%dma_start3A, %dma_start3A_13] : memref<1024x16xf32, #tpu.memory_space<vmem>> -> memref<128x16xf32, #tpu.memory_space<vmem>>
      %dma_start3A_15 = tpu.memref_slice %arg5[%add3A_12] : memref<4096xi32, #tpu.memory_space<vmem>> -> memref<128xi32, #tpu.memory_space<vmem>>
      %dma_start3A_16 = arith.constant 0 : i32
      %dma_start3A_17 = arith.constant 0 : i32
      %dma_start3A_18 = tpu.memref_slice %arg3[%dma_start3A_16, %dma_start3A_17] : memref<1003520x16xf32, #tpu.memory_space<hbm>> -> memref<1003520x16xf32, #tpu.memory_space<hbm>>
      tpu.enqueue_indirect_dma source(%dma_start3A_18 : memref<1003520x16xf32, #tpu.memory_space<hbm>>) target(%dma_start3A_14 : memref<128x16xf32, #tpu.memory_space<vmem>>) offsets(%dma_start3A_15 : memref<128xi32, #tpu.memory_space<vmem>>) semaphore(%arg7 : memref<!tpu.dma_semaphore, #tpu.memory_space<semaphore_mem>>)
      %add3A_19 = arith.constant 128 : i32
      %add3A_20 = arith.addi %mul3A_10, %add3A_19 : i32
      %dma_start3A_21 = arith.constant 128 : i32
      %dma_start3A_22 = arith.constant 0 : i32
      %dma_start3A_23 = tpu.memref_slice %arg6[%dma_start3A_21, %dma_start3A_22] : memref<1024x16xf32, #tpu.memory_space<vmem>> -> memref<128x16xf32, #tpu.memory_space<vmem>>
      %dma_start3A_24 = tpu.memref_slice %arg5[%add3A_20] : memref<4096xi32, #tpu.memory_space<vmem>> -> memref<128xi32, #tpu.memory_space<vmem>>
      %dma_start3A_25 = arith.constant 0 : i32
      %dma_start3A_26 = arith.constant 0 : i32
      %dma_start3A_27 = tpu.memref_slice %arg3[%dma_start3A_25, %dma_start3A_26] : memref<1003520x16xf32, #tpu.memory_space<hbm>> -> memref<1003520x16xf32, #tpu.memory_space<hbm>>
      tpu.enqueue_indirect_dma source(%dma_start3A_27 : memref<1003520x16xf32, #tpu.memory_space<hbm>>) target(%dma_start3A_23 : memref<128x16xf32, #tpu.memory_space<vmem>>) offsets(%dma_start3A_24 : memref<128xi32, #tpu.memory_space<vmem>>) semaphore(%arg7 : memref<!tpu.dma_semaphore, #tpu.memory_space<semaphore_mem>>)
      %add3A_28 = arith.constant 256 : i32
      %add3A_29 = arith.addi %mul3A_10, %add3A_28 : i32
      %dma_start3A_30 = arith.constant 256 : i32
      %dma_start3A_31 = arith.constant 0 : i32
      %dma_start3A_32 = tpu.memref_slice %arg6[%dma_start3A_30, %dma_start3A_31] : memref<1024x16xf32, #tpu.memory_space<vmem>> -> memref<128x16xf32, #tpu.memory_space<vmem>>
      %dma_start3A_33 = tpu.memref_slice %arg5[%add3A_29] : memref<4096xi32, #tpu.memory_space<vmem>> -> memref<128xi32, #tpu.memory_space<vmem>>
      %dma_start3A_34 = arith.constant 0 : i32
      %dma_start3A_35 = arith.constant 0 : i32
      %dma_start3A_36 = tpu.memref_slice %arg3[%dma_start3A_34, %dma_start3A_35] : memref<1003520x16xf32, #tpu.memory_space<hbm>> -> memref<1003520x16xf32, #tpu.memory_space<hbm>>
      tpu.enqueue_indirect_dma source(%dma_start3A_36 : memref<1003520x16xf32, #tpu.memory_space<hbm>>) target(%dma_start3A_32 : memref<128x16xf32, #tpu.memory_space<vmem>>) offsets(%dma_start3A_33 : memref<128xi32, #tpu.memory_space<vmem>>) semaphore(%arg7 : memref<!tpu.dma_semaphore, #tpu.memory_space<semaphore_mem>>)
      %add3A_37 = arith.constant 384 : i32
      %add3A_38 = arith.addi %mul3A_10, %add3A_37 : i32
      %dma_start3A_39 = arith.constant 384 : i32
      %dma_start3A_40 = arith.constant 0 : i32
      %dma_start3A_41 = tpu.memref_slice %arg6[%dma_start3A_39, %dma_start3A_40] : memref<1024x16xf32, #tpu.memory_space<vmem>> -> memref<128x16xf32, #tpu.memory_space<vmem>>
      %dma_start3A_42 = tpu.memref_slice %arg5[%add3A_38] : memref<4096xi32, #tpu.memory_space<vmem>> -> memref<128xi32, #tpu.memory_space<vmem>>
      %dma_start3A_43 = arith.constant 0 : i32
      %dma_start3A_44 = arith.constant 0 : i32
      %dma_start3A_45 = tpu.memref_slice %arg3[%dma_start3A_43, %dma_start3A_44] : memref<1003520x16xf32, #tpu.memory_space<hbm>> -> memref<1003520x16xf32, #tpu.memory_space<hbm>>
      tpu.enqueue_indirect_dma source(%dma_start3A_45 : memref<1003520x16xf32, #tpu.memory_space<hbm>>) target(%dma_start3A_41 : memref<128x16xf32, #tpu.memory_space<vmem>>) offsets(%dma_start3A_42 : memref<128xi32, #tpu.memory_space<vmem>>) semaphore(%arg7 : memref<!tpu.dma_semaphore, #tpu.memory_space<semaphore_mem>>)
      %add3A_46 = arith.constant 512 : i32
      %add3A_47 = arith.addi %mul3A_10, %add3A_46 : i32
      %dma_start3A_48 = arith.constant 512 : i32
      %dma_start3A_49 = arith.constant 0 : i32
      %dma_start3A_50 = tpu.memref_slice %arg6[%dma_start3A_48, %dma_start3A_49] : memref<1024x16xf32, #tpu.memory_space<vmem>> -> memref<128x16xf32, #tpu.memory_space<vmem>>
      %dma_start3A_51 = tpu.memref_slice %arg5[%add3A_47] : memref<4096xi32, #tpu.memory_space<vmem>> -> memref<128xi32, #tpu.memory_space<vmem>>
      %dma_start3A_52 = arith.constant 0 : i32
      %dma_start3A_53 = arith.constant 0 : i32
      %dma_start3A_54 = tpu.memref_slice %arg3[%dma_start3A_52, %dma_start3A_53] : memref<1003520x16xf32, #tpu.memory_space<hbm>> -> memref<1003520x16xf32, #tpu.memory_space<hbm>>
      tpu.enqueue_indirect_dma source(%dma_start3A_54 : memref<1003520x16xf32, #tpu.memory_space<hbm>>) target(%dma_start3A_50 : memref<128x16xf32, #tpu.memory_space<vmem>>) offsets(%dma_start3A_51 : memref<128xi32, #tpu.memory_space<vmem>>) semaphore(%arg7 : memref<!tpu.dma_semaphore, #tpu.memory_space<semaphore_mem>>)
      %add3A_55 = arith.constant 640 : i32
      %add3A_56 = arith.addi %mul3A_10, %add3A_55 : i32
      %dma_start3A_57 = arith.constant 640 : i32
      %dma_start3A_58 = arith.constant 0 : i32
      %dma_start3A_59 = tpu.memref_slice %arg6[%dma_start3A_57, %dma_start3A_58] : memref<1024x16xf32, #tpu.memory_space<vmem>> -> memref<128x16xf32, #tpu.memory_space<vmem>>
      %dma_start3A_60 = tpu.memref_slice %arg5[%add3A_56] : memref<4096xi32, #tpu.memory_space<vmem>> -> memref<128xi32, #tpu.memory_space<vmem>>
      %dma_start3A_61 = arith.constant 0 : i32
      %dma_start3A_62 = arith.constant 0 : i32
      %dma_start3A_63 = tpu.memref_slice %arg3[%dma_start3A_61, %dma_start3A_62] : memref<1003520x16xf32, #tpu.memory_space<hbm>> -> memref<1003520x16xf32, #tpu.memory_space<hbm>>
      tpu.enqueue_indirect_dma source(%dma_start3A_63 : memref<1003520x16xf32, #tpu.memory_space<hbm>>) target(%dma_start3A_59 : memref<128x16xf32, #tpu.memory_space<vmem>>) offsets(%dma_start3A_60 : memref<128xi32, #tpu.memory_space<vmem>>) semaphore(%arg7 : memref<!tpu.dma_semaphore, #tpu.memory_space<semaphore_mem>>)
      %add3A_64 = arith.constant 768 : i32
      %add3A_65 = arith.addi %mul3A_10, %add3A_64 : i32
      %dma_start3A_66 = arith.constant 768 : i32
      %dma_start3A_67 = arith.constant 0 : i32
      %dma_start3A_68 = tpu.memref_slice %arg6[%dma_start3A_66, %dma_start3A_67] : memref<1024x16xf32, #tpu.memory_space<vmem>> -> memref<128x16xf32, #tpu.memory_space<vmem>>
      %dma_start3A_69 = tpu.memref_slice %arg5[%add3A_65] : memref<4096xi32, #tpu.memory_space<vmem>> -> memref<128xi32, #tpu.memory_space<vmem>>
      %dma_start3A_70 = arith.constant 0 : i32
      %dma_start3A_71 = arith.constant 0 : i32
      %dma_start3A_72 = tpu.memref_slice %arg3[%dma_start3A_70, %dma_start3A_71] : memref<1003520x16xf32, #tpu.memory_space<hbm>> -> memref<1003520x16xf32, #tpu.memory_space<hbm>>
      tpu.enqueue_indirect_dma source(%dma_start3A_72 : memref<1003520x16xf32, #tpu.memory_space<hbm>>) target(%dma_start3A_68 : memref<128x16xf32, #tpu.memory_space<vmem>>) offsets(%dma_start3A_69 : memref<128xi32, #tpu.memory_space<vmem>>) semaphore(%arg7 : memref<!tpu.dma_semaphore, #tpu.memory_space<semaphore_mem>>)
      %add3A_73 = arith.constant 896 : i32
      %add3A_74 = arith.addi %mul3A_10, %add3A_73 : i32
      %dma_start3A_75 = arith.constant 896 : i32
      %dma_start3A_76 = arith.constant 0 : i32
      %dma_start3A_77 = tpu.memref_slice %arg6[%dma_start3A_75, %dma_start3A_76] : memref<1024x16xf32, #tpu.memory_space<vmem>> -> memref<128x16xf32, #tpu.memory_space<vmem>>
      %dma_start3A_78 = tpu.memref_slice %arg5[%add3A_74] : memref<4096xi32, #tpu.memory_space<vmem>> -> memref<128xi32, #tpu.memory_space<vmem>>
      %dma_start3A_79 = arith.constant 0 : i32
      %dma_start3A_80 = arith.constant 0 : i32
      %dma_start3A_81 = tpu.memref_slice %arg3[%dma_start3A_79, %dma_start3A_80] : memref<1003520x16xf32, #tpu.memory_space<hbm>> -> memref<1003520x16xf32, #tpu.memory_space<hbm>>
      tpu.enqueue_indirect_dma source(%dma_start3A_81 : memref<1003520x16xf32, #tpu.memory_space<hbm>>) target(%dma_start3A_77 : memref<128x16xf32, #tpu.memory_space<vmem>>) offsets(%dma_start3A_78 : memref<128xi32, #tpu.memory_space<vmem>>) semaphore(%arg7 : memref<!tpu.dma_semaphore, #tpu.memory_space<semaphore_mem>>)
      %dma_wait3A = arith.constant 0 : i32
      %dma_wait3A_82 = arith.constant 0 : i32
      %dma_wait3A_83 = tpu.memref_slice %arg6[%dma_wait3A, %dma_wait3A_82] : memref<1024x16xf32, #tpu.memory_space<vmem>> -> memref<128x16xf32, #tpu.memory_space<vmem>>
      %dma_wait3A_84 = tpu.memref_slice %arg5[%add3A_12] : memref<4096xi32, #tpu.memory_space<vmem>> -> memref<128xi32, #tpu.memory_space<vmem>>
      %dma_wait3A_85 = arith.constant 0 : i32
      %dma_wait3A_86 = arith.constant 0 : i32
      %dma_wait3A_87 = tpu.memref_slice %arg3[%dma_wait3A_85, %dma_wait3A_86] : memref<1003520x16xf32, #tpu.memory_space<hbm>> -> memref<1003520x16xf32, #tpu.memory_space<hbm>>
      tpu.wait_indirect_dma semaphore(%arg7 : memref<!tpu.dma_semaphore, #tpu.memory_space<semaphore_mem>>) src(%dma_wait3A_87 : memref<1003520x16xf32, #tpu.memory_space<hbm>>) dst(%dma_wait3A_83 : memref<128x16xf32, #tpu.memory_space<vmem>>)
      %dma_wait3A_88 = arith.constant 128 : i32
      %dma_wait3A_89 = arith.constant 0 : i32
      %dma_wait3A_90 = tpu.memref_slice %arg6[%dma_wait3A_88, %dma_wait3A_89] : memref<1024x16xf32, #tpu.memory_space<vmem>> -> memref<128x16xf32, #tpu.memory_space<vmem>>
      %dma_wait3A_91 = tpu.memref_slice %arg5[%add3A_20] : memref<4096xi32, #tpu.memory_space<vmem>> -> memref<128xi32, #tpu.memory_space<vmem>>
      %dma_wait3A_92 = arith.constant 0 : i32
      %dma_wait3A_93 = arith.constant 0 : i32
      %dma_wait3A_94 = tpu.memref_slice %arg3[%dma_wait3A_92, %dma_wait3A_93] : memref<1003520x16xf32, #tpu.memory_space<hbm>> -> memref<1003520x16xf32, #tpu.memory_space<hbm>>
      tpu.wait_indirect_dma semaphore(%arg7 : memref<!tpu.dma_semaphore, #tpu.memory_space<semaphore_mem>>) src(%dma_wait3A_94 : memref<1003520x16xf32, #tpu.memory_space<hbm>>) dst(%dma_wait3A_90 : memref<128x16xf32, #tpu.memory_space<vmem>>)
      %dma_wait3A_95 = arith.constant 256 : i32
      %dma_wait3A_96 = arith.constant 0 : i32
      %dma_wait3A_97 = tpu.memref_slice %arg6[%dma_wait3A_95, %dma_wait3A_96] : memref<1024x16xf32, #tpu.memory_space<vmem>> -> memref<128x16xf32, #tpu.memory_space<vmem>>
      %dma_wait3A_98 = tpu.memref_slice %arg5[%add3A_29] : memref<4096xi32, #tpu.memory_space<vmem>> -> memref<128xi32, #tpu.memory_space<vmem>>
      %dma_wait3A_99 = arith.constant 0 : i32
      %dma_wait3A_100 = arith.constant 0 : i32
      %dma_wait3A_101 = tpu.memref_slice %arg3[%dma_wait3A_99, %dma_wait3A_100] : memref<1003520x16xf32, #tpu.memory_space<hbm>> -> memref<1003520x16xf32, #tpu.memory_space<hbm>>
      tpu.wait_indirect_dma semaphore(%arg7 : memref<!tpu.dma_semaphore, #tpu.memory_space<semaphore_mem>>) src(%dma_wait3A_101 : memref<1003520x16xf32, #tpu.memory_space<hbm>>) dst(%dma_wait3A_97 : memref<128x16xf32, #tpu.memory_space<vmem>>)
      %dma_wait3A_102 = arith.constant 384 : i32
      %dma_wait3A_103 = arith.constant 0 : i32
      %dma_wait3A_104 = tpu.memref_slice %arg6[%dma_wait3A_102, %dma_wait3A_103] : memref<1024x16xf32, #tpu.memory_space<vmem>> -> memref<128x16xf32, #tpu.memory_space<vmem>>
      %dma_wait3A_105 = tpu.memref_slice %arg5[%add3A_38] : memref<4096xi32, #tpu.memory_space<vmem>> -> memref<128xi32, #tpu.memory_space<vmem>>
      %dma_wait3A_106 = arith.constant 0 : i32
      %dma_wait3A_107 = arith.constant 0 : i32
      %dma_wait3A_108 = tpu.memref_slice %arg3[%dma_wait3A_106, %dma_wait3A_107] : memref<1003520x16xf32, #tpu.memory_space<hbm>> -> memref<1003520x16xf32, #tpu.memory_space<hbm>>
      tpu.wait_indirect_dma semaphore(%arg7 : memref<!tpu.dma_semaphore, #tpu.memory_space<semaphore_mem>>) src(%dma_wait3A_108 : memref<1003520x16xf32, #tpu.memory_space<hbm>>) dst(%dma_wait3A_104 : memref<128x16xf32, #tpu.memory_space<vmem>>)
      %dma_wait3A_109 = arith.constant 512 : i32
      %dma_wait3A_110 = arith.constant 0 : i32
      %dma_wait3A_111 = tpu.memref_slice %arg6[%dma_wait3A_109, %dma_wait3A_110] : memref<1024x16xf32, #tpu.memory_space<vmem>> -> memref<128x16xf32, #tpu.memory_space<vmem>>
      %dma_wait3A_112 = tpu.memref_slice %arg5[%add3A_47] : memref<4096xi32, #tpu.memory_space<vmem>> -> memref<128xi32, #tpu.memory_space<vmem>>
      %dma_wait3A_113 = arith.constant 0 : i32
      %dma_wait3A_114 = arith.constant 0 : i32
      %dma_wait3A_115 = tpu.memref_slice %arg3[%dma_wait3A_113, %dma_wait3A_114] : memref<1003520x16xf32, #tpu.memory_space<hbm>> -> memref<1003520x16xf32, #tpu.memory_space<hbm>>
      tpu.wait_indirect_dma semaphore(%arg7 : memref<!tpu.dma_semaphore, #tpu.memory_space<semaphore_mem>>) src(%dma_wait3A_115 : memref<1003520x16xf32, #tpu.memory_space<hbm>>) dst(%dma_wait3A_111 : memref<128x16xf32, #tpu.memory_space<vmem>>)
      %dma_wait3A_116 = arith.constant 640 : i32
      %dma_wait3A_117 = arith.constant 0 : i32
      %dma_wait3A_118 = tpu.memref_slice %arg6[%dma_wait3A_116, %dma_wait3A_117] : memref<1024x16xf32, #tpu.memory_space<vmem>> -> memref<128x16xf32, #tpu.memory_space<vmem>>
      %dma_wait3A_119 = tpu.memref_slice %arg5[%add3A_56] : memref<4096xi32, #tpu.memory_space<vmem>> -> memref<128xi32, #tpu.memory_space<vmem>>
      %dma_wait3A_120 = arith.constant 0 : i32
      %dma_wait3A_121 = arith.constant 0 : i32
      %dma_wait3A_122 = tpu.memref_slice %arg3[%dma_wait3A_120, %dma_wait3A_121] : memref<1003520x16xf32, #tpu.memory_space<hbm>> -> memref<1003520x16xf32, #tpu.memory_space<hbm>>
      tpu.wait_indirect_dma semaphore(%arg7 : memref<!tpu.dma_semaphore, #tpu.memory_space<semaphore_mem>>) src(%dma_wait3A_122 : memref<1003520x16xf32, #tpu.memory_space<hbm>>) dst(%dma_wait3A_118 : memref<128x16xf32, #tpu.memory_space<vmem>>)
      %dma_wait3A_123 = arith.constant 768 : i32
      %dma_wait3A_124 = arith.constant 0 : i32
      %dma_wait3A_125 = tpu.memref_slice %arg6[%dma_wait3A_123, %dma_wait3A_124] : memref<1024x16xf32, #tpu.memory_space<vmem>> -> memref<128x16xf32, #tpu.memory_space<vmem>>
      %dma_wait3A_126 = tpu.memref_slice %arg5[%add3A_65] : memref<4096xi32, #tpu.memory_space<vmem>> -> memref<128xi32, #tpu.memory_space<vmem>>
      %dma_wait3A_127 = arith.constant 0 : i32
      %dma_wait3A_128 = arith.constant 0 : i32
      %dma_wait3A_129 = tpu.memref_slice %arg3[%dma_wait3A_127, %dma_wait3A_128] : memref<1003520x16xf32, #tpu.memory_space<hbm>> -> memref<1003520x16xf32, #tpu.memory_space<hbm>>
      tpu.wait_indirect_dma semaphore(%arg7 : memref<!tpu.dma_semaphore, #tpu.memory_space<semaphore_mem>>) src(%dma_wait3A_129 : memref<1003520x16xf32, #tpu.memory_space<hbm>>) dst(%dma_wait3A_125 : memref<128x16xf32, #tpu.memory_space<vmem>>)
      %dma_wait3A_130 = arith.constant 896 : i32
      %dma_wait3A_131 = arith.constant 0 : i32
      %dma_wait3A_132 = tpu.memref_slice %arg6[%dma_wait3A_130, %dma_wait3A_131] : memref<1024x16xf32, #tpu.memory_space<vmem>> -> memref<128x16xf32, #tpu.memory_space<vmem>>
      %dma_wait3A_133 = tpu.memref_slice %arg5[%add3A_74] : memref<4096xi32, #tpu.memory_space<vmem>> -> memref<128xi32, #tpu.memory_space<vmem>>
      %dma_wait3A_134 = arith.constant 0 : i32
      %dma_wait3A_135 = arith.constant 0 : i32
      %dma_wait3A_136 = tpu.memref_slice %arg3[%dma_wait3A_134, %dma_wait3A_135] : memref<1003520x16xf32, #tpu.memory_space<hbm>> -> memref<1003520x16xf32, #tpu.memory_space<hbm>>
      tpu.wait_indirect_dma semaphore(%arg7 : memref<!tpu.dma_semaphore, #tpu.memory_space<semaphore_mem>>) src(%dma_wait3A_136 : memref<1003520x16xf32, #tpu.memory_space<hbm>>) dst(%dma_wait3A_132 : memref<128x16xf32, #tpu.memory_space<vmem>>)
      %add3A_137 = arith.addi %mul3A_2, %mul3A_10 : i32
      "tpu.region"() ({
        %run_scoped3A = tpu.sem_alloc : memref<!tpu.dma_semaphore, #tpu.memory_space<semaphore_mem>>
        %dma_start3A_138 = arith.constant 0 : i32
        %dma_start3A_139 = tpu.memref_slice %arg4[%add3A_137, %dma_start3A_138] : memref<131072x16xf32, #tpu.memory_space<hbm>> -> memref<1024x16xf32, #tpu.memory_space<hbm>>
        %dma_start3A_140 = arith.constant 0 : i32
        %dma_start3A_141 = tpu.memref_slice %arg4[%add3A_137, %dma_start3A_140] : memref<131072x16xf32, #tpu.memory_space<hbm>> -> memref<1024x16xf32, #tpu.memory_space<hbm>>
        tpu.enqueue_dma source(%arg6 : memref<1024x16xf32, #tpu.memory_space<vmem>>) target(%dma_start3A_141 : memref<1024x16xf32, #tpu.memory_space<hbm>>) target_semaphore(%run_scoped3A : memref<!tpu.dma_semaphore, #tpu.memory_space<semaphore_mem>>)
        %dma_wait3A_142 = arith.constant 0 : i32
        %dma_wait3A_143 = tpu.memref_slice %arg4[%add3A_137, %dma_wait3A_142] : memref<131072x16xf32, #tpu.memory_space<hbm>> -> memref<1024x16xf32, #tpu.memory_space<hbm>>
        %dma_wait3A_144 = arith.constant 0 : i32
        %dma_wait3A_145 = tpu.memref_slice %arg4[%add3A_137, %dma_wait3A_144] : memref<131072x16xf32, #tpu.memory_space<hbm>> -> memref<1024x16xf32, #tpu.memory_space<hbm>>
        tpu.wait_dma2 semaphore(%run_scoped3A : memref<!tpu.dma_semaphore, #tpu.memory_space<semaphore_mem>>) src(%arg6 : memref<1024x16xf32, #tpu.memory_space<vmem>>) dst(%dma_wait3A_145 : memref<1024x16xf32, #tpu.memory_space<hbm>>)
        tpu.yield
      }) : () -> ()
    }
    %scan3A_7 = arith.constant 4 : i32
    return
  }
}

#map = affine_map<(d0, d1) -> (0)>
#map1 = affine_map<(d0, d1) -> (0, 0)>
module attributes {stable_mosaic.version = 14 : i64} {
  func.func @body(%arg0: i32, %arg1: i32, %arg2: memref<131072xi32, #tpu.memory_space<hbm>>, %arg3: memref<1003520x16xf32, #tpu.memory_space<hbm>>, %arg4: memref<131072x16xf32, #tpu.memory_space<hbm>>, %arg5: memref<4096xi32, #tpu.memory_space<vmem>>, %arg6: memref<1024x16xf32, #tpu.memory_space<vmem>>, %arg7: memref<!tpu.dma_semaphore, #tpu.memory_space<semaphore_mem>>) attributes {dimension_semantics = [#tpu.dimension_semantics<core_parallel>, #tpu.dimension_semantics<subcore_parallel>], iteration_bounds = array<i64: 2, 16>, scalar_prefetch = 0 : i64, scratch_operands = 3 : i64, tpu.core_type = #tpu.core_type<sc_vector_subcore>, window_params = [{transform_indices = #map}, {transform_indices = #map1}, {transform_indices = #map1}]} {
    %mul3A = arith.constant 2 : i32
    %mul3A_0 = arith.muli %arg1, %mul3A : i32
    %add3A = arith.addi %mul3A_0, %arg0 : i32
    %mul3A_1 = arith.constant 4096 : i32
    %mul3A_2 = arith.muli %add3A, %mul3A_1 : i32
    "tpu.region"() ({
      %run_scoped3A = tpu.sem_alloc : memref<!tpu.dma_semaphore, #tpu.memory_space<semaphore_mem>>
      %dma_start3A = tpu.memref_slice %arg2[%mul3A_2] : memref<131072xi32, #tpu.memory_space<hbm>> -> memref<4096xi32, #tpu.memory_space<hbm>>
      %dma_start3A_8 = tpu.memref_slice %arg2[%mul3A_2] : memref<131072xi32, #tpu.memory_space<hbm>> -> memref<4096xi32, #tpu.memory_space<hbm>>
      tpu.enqueue_dma source(%dma_start3A_8 : memref<4096xi32, #tpu.memory_space<hbm>>) target(%arg5 : memref<4096xi32, #tpu.memory_space<vmem>>) target_semaphore(%run_scoped3A : memref<!tpu.dma_semaphore, #tpu.memory_space<semaphore_mem>>)
      %dma_wait3A = tpu.memref_slice %arg2[%mul3A_2] : memref<131072xi32, #tpu.memory_space<hbm>> -> memref<4096xi32, #tpu.memory_space<hbm>>
      %dma_wait3A_9 = tpu.memref_slice %arg2[%mul3A_2] : memref<131072xi32, #tpu.memory_space<hbm>> -> memref<4096xi32, #tpu.memory_space<hbm>>
      tpu.wait_dma2 semaphore(%run_scoped3A : memref<!tpu.dma_semaphore, #tpu.memory_space<semaphore_mem>>) src(%dma_wait3A_9 : memref<4096xi32, #tpu.memory_space<hbm>>) dst(%arg5 : memref<4096xi32, #tpu.memory_space<vmem>>)
      tpu.yield
    }) : () -> ()
    %scan3A = arith.constant 0 : i32
    %scan3A_3 = arith.constant 0 : i32
    %scan3A_4 = arith.constant 4 : i32
    %scan3A_5 = arith.addi %scan3A_3, %scan3A_4 : i32
    %scan3A_6 = arith.constant 1 : i32
    scf.for %scan3A_8 = %scan3A_3 to %scan3A_5 step %scan3A_6  : i32 {
      %mul3A_9 = arith.constant 1024 : i32
      %mul3A_10 = arith.muli %scan3A_8, %mul3A_9 : i32
      %add3A_11 = arith.constant 0 : i32
      %add3A_12 = arith.addi %mul3A_10, %add3A_11 : i32
      %dma_start3A = arith.constant 0 : i32
      %dma_start3A_13 = arith.constant 0 : i32
      %dma_start3A_14 = tpu.memref_slice %arg6[%dma_start3A, %dma_start3A_13] : memref<1024x16xf32, #tpu.memory_space<vmem>> -> memref<128x16xf32, #tpu.memory_space<vmem>>
      %dma_start3A_15 = tpu.memref_slice %arg5[%add3A_12] : memref<4096xi32, #tpu.memory_space<vmem>> -> memref<128xi32, #tpu.memory_space<vmem>>
      %dma_start3A_16 = arith.constant 0 : i32
      %dma_start3A_17 = arith.constant 0 : i32
      %dma_start3A_18 = tpu.memref_slice %arg3[%dma_start3A_16, %dma_start3A_17] : memref<1003520x16xf32, #tpu.memory_space<hbm>> -> memref<1003520x16xf32, #tpu.memory_space<hbm>>
      tpu.enqueue_indirect_dma source(%dma_start3A_18 : memref<1003520x16xf32, #tpu.memory_space<hbm>>) target(%dma_start3A_14 : memref<128x16xf32, #tpu.memory_space<vmem>>) offsets(%dma_start3A_15 : memref<128xi32, #tpu.memory_space<vmem>>) semaphore(%arg7 : memref<!tpu.dma_semaphore, #tpu.memory_space<semaphore_mem>>)
      %add3A_19 = arith.constant 128 : i32
      %add3A_20 = arith.addi %mul3A_10, %add3A_19 : i32
      %dma_start3A_21 = arith.constant 128 : i32
      %dma_start3A_22 = arith.constant 0 : i32
      %dma_start3A_23 = tpu.memref_slice %arg6[%dma_start3A_21, %dma_start3A_22] : memref<1024x16xf32, #tpu.memory_space<vmem>> -> memref<128x16xf32, #tpu.memory_space<vmem>>
      %dma_start3A_24 = tpu.memref_slice %arg5[%add3A_20] : memref<4096xi32, #tpu.memory_space<vmem>> -> memref<128xi32, #tpu.memory_space<vmem>>
      %dma_start3A_25 = arith.constant 0 : i32
      %dma_start3A_26 = arith.constant 0 : i32
      %dma_start3A_27 = tpu.memref_slice %arg3[%dma_start3A_25, %dma_start3A_26] : memref<1003520x16xf32, #tpu.memory_space<hbm>> -> memref<1003520x16xf32, #tpu.memory_space<hbm>>
      tpu.enqueue_indirect_dma source(%dma_start3A_27 : memref<1003520x16xf32, #tpu.memory_space<hbm>>) target(%dma_start3A_23 : memref<128x16xf32, #tpu.memory_space<vmem>>) offsets(%dma_start3A_24 : memref<128xi32, #tpu.memory_space<vmem>>) semaphore(%arg7 : memref<!tpu.dma_semaphore, #tpu.memory_space<semaphore_mem>>)
      %add3A_28 = arith.constant 256 : i32
      %add3A_29 = arith.addi %mul3A_10, %add3A_28 : i32
      %dma_start3A_30 = arith.constant 256 : i32
      %dma_start3A_31 = arith.constant 0 : i32
      %dma_start3A_32 = tpu.memref_slice %arg6[%dma_start3A_30, %dma_start3A_31] : memref<1024x16xf32, #tpu.memory_space<vmem>> -> memref<128x16xf32, #tpu.memory_space<vmem>>
      %dma_start3A_33 = tpu.memref_slice %arg5[%add3A_29] : memref<4096xi32, #tpu.memory_space<vmem>> -> memref<128xi32, #tpu.memory_space<vmem>>
      %dma_start3A_34 = arith.constant 0 : i32
      %dma_start3A_35 = arith.constant 0 : i32
      %dma_start3A_36 = tpu.memref_slice %arg3[%dma_start3A_34, %dma_start3A_35] : memref<1003520x16xf32, #tpu.memory_space<hbm>> -> memref<1003520x16xf32, #tpu.memory_space<hbm>>
      tpu.enqueue_indirect_dma source(%dma_start3A_36 : memref<1003520x16xf32, #tpu.memory_space<hbm>>) target(%dma_start3A_32 : memref<128x16xf32, #tpu.memory_space<vmem>>) offsets(%dma_start3A_33 : memref<128xi32, #tpu.memory_space<vmem>>) semaphore(%arg7 : memref<!tpu.dma_semaphore, #tpu.memory_space<semaphore_mem>>)
      %add3A_37 = arith.constant 384 : i32
      %add3A_38 = arith.addi %mul3A_10, %add3A_37 : i32
      %dma_start3A_39 = arith.constant 384 : i32
      %dma_start3A_40 = arith.constant 0 : i32
      %dma_start3A_41 = tpu.memref_slice %arg6[%dma_start3A_39, %dma_start3A_40] : memref<1024x16xf32, #tpu.memory_space<vmem>> -> memref<128x16xf32, #tpu.memory_space<vmem>>
      %dma_start3A_42 = tpu.memref_slice %arg5[%add3A_38] : memref<4096xi32, #tpu.memory_space<vmem>> -> memref<128xi32, #tpu.memory_space<vmem>>
      %dma_start3A_43 = arith.constant 0 : i32
      %dma_start3A_44 = arith.constant 0 : i32
      %dma_start3A_45 = tpu.memref_slice %arg3[%dma_start3A_43, %dma_start3A_44] : memref<1003520x16xf32, #tpu.memory_space<hbm>> -> memref<1003520x16xf32, #tpu.memory_space<hbm>>
      tpu.enqueue_indirect_dma source(%dma_start3A_45 : memref<1003520x16xf32, #tpu.memory_space<hbm>>) target(%dma_start3A_41 : memref<128x16xf32, #tpu.memory_space<vmem>>) offsets(%dma_start3A_42 : memref<128xi32, #tpu.memory_space<vmem>>) semaphore(%arg7 : memref<!tpu.dma_semaphore, #tpu.memory_space<semaphore_mem>>)
      %add3A_46 = arith.constant 512 : i32
      %add3A_47 = arith.addi %mul3A_10, %add3A_46 : i32
      %dma_start3A_48 = arith.constant 512 : i32
      %dma_start3A_49 = arith.constant 0 : i32
      %dma_start3A_50 = tpu.memref_slice %arg6[%dma_start3A_48, %dma_start3A_49] : memref<1024x16xf32, #tpu.memory_space<vmem>> -> memref<128x16xf32, #tpu.memory_space<vmem>>
      %dma_start3A_51 = tpu.memref_slice %arg5[%add3A_47] : memref<4096xi32, #tpu.memory_space<vmem>> -> memref<128xi32, #tpu.memory_space<vmem>>
      %dma_start3A_52 = arith.constant 0 : i32
      %dma_start3A_53 = arith.constant 0 : i32
      %dma_start3A_54 = tpu.memref_slice %arg3[%dma_start3A_52, %dma_start3A_53] : memref<1003520x16xf32, #tpu.memory_space<hbm>> -> memref<1003520x16xf32, #tpu.memory_space<hbm>>
      tpu.enqueue_indirect_dma source(%dma_start3A_54 : memref<1003520x16xf32, #tpu.memory_space<hbm>>) target(%dma_start3A_50 : memref<128x16xf32, #tpu.memory_space<vmem>>) offsets(%dma_start3A_51 : memref<128xi32, #tpu.memory_space<vmem>>) semaphore(%arg7 : memref<!tpu.dma_semaphore, #tpu.memory_space<semaphore_mem>>)
      %add3A_55 = arith.constant 640 : i32
      %add3A_56 = arith.addi %mul3A_10, %add3A_55 : i32
      %dma_start3A_57 = arith.constant 640 : i32
      %dma_start3A_58 = arith.constant 0 : i32
      %dma_start3A_59 = tpu.memref_slice %arg6[%dma_start3A_57, %dma_start3A_58] : memref<1024x16xf32, #tpu.memory_space<vmem>> -> memref<128x16xf32, #tpu.memory_space<vmem>>
      %dma_start3A_60 = tpu.memref_slice %arg5[%add3A_56] : memref<4096xi32, #tpu.memory_space<vmem>> -> memref<128xi32, #tpu.memory_space<vmem>>
      %dma_start3A_61 = arith.constant 0 : i32
      %dma_start3A_62 = arith.constant 0 : i32
      %dma_start3A_63 = tpu.memref_slice %arg3[%dma_start3A_61, %dma_start3A_62] : memref<1003520x16xf32, #tpu.memory_space<hbm>> -> memref<1003520x16xf32, #tpu.memory_space<hbm>>
      tpu.enqueue_indirect_dma source(%dma_start3A_63 : memref<1003520x16xf32, #tpu.memory_space<hbm>>) target(%dma_start3A_59 : memref<128x16xf32, #tpu.memory_space<vmem>>) offsets(%dma_start3A_60 : memref<128xi32, #tpu.memory_space<vmem>>) semaphore(%arg7 : memref<!tpu.dma_semaphore, #tpu.memory_space<semaphore_mem>>)
      %add3A_64 = arith.constant 768 : i32
      %add3A_65 = arith.addi %mul3A_10, %add3A_64 : i32
      %dma_start3A_66 = arith.constant 768 : i32
      %dma_start3A_67 = arith.constant 0 : i32
      %dma_start3A_68 = tpu.memref_slice %arg6[%dma_start3A_66, %dma_start3A_67] : memref<1024x16xf32, #tpu.memory_space<vmem>> -> memref<128x16xf32, #tpu.memory_space<vmem>>
      %dma_start3A_69 = tpu.memref_slice %arg5[%add3A_65] : memref<4096xi32, #tpu.memory_space<vmem>> -> memref<128xi32, #tpu.memory_space<vmem>>
      %dma_start3A_70 = arith.constant 0 : i32
      %dma_start3A_71 = arith.constant 0 : i32
      %dma_start3A_72 = tpu.memref_slice %arg3[%dma_start3A_70, %dma_start3A_71] : memref<1003520x16xf32, #tpu.memory_space<hbm>> -> memref<1003520x16xf32, #tpu.memory_space<hbm>>
      tpu.enqueue_indirect_dma source(%dma_start3A_72 : memref<1003520x16xf32, #tpu.memory_space<hbm>>) target(%dma_start3A_68 : memref<128x16xf32, #tpu.memory_space<vmem>>) offsets(%dma_start3A_69 : memref<128xi32, #tpu.memory_space<vmem>>) semaphore(%arg7 : memref<!tpu.dma_semaphore, #tpu.memory_space<semaphore_mem>>)
      %add3A_73 = arith.constant 896 : i32
      %add3A_74 = arith.addi %mul3A_10, %add3A_73 : i32
      %dma_start3A_75 = arith.constant 896 : i32
      %dma_start3A_76 = arith.constant 0 : i32
      %dma_start3A_77 = tpu.memref_slice %arg6[%dma_start3A_75, %dma_start3A_76] : memref<1024x16xf32, #tpu.memory_space<vmem>> -> memref<128x16xf32, #tpu.memory_space<vmem>>
      %dma_start3A_78 = tpu.memref_slice %arg5[%add3A_74] : memref<4096xi32, #tpu.memory_space<vmem>> -> memref<128xi32, #tpu.memory_space<vmem>>
      %dma_start3A_79 = arith.constant 0 : i32
      %dma_start3A_80 = arith.constant 0 : i32
      %dma_start3A_81 = tpu.memref_slice %arg3[%dma_start3A_79, %dma_start3A_80] : memref<1003520x16xf32, #tpu.memory_space<hbm>> -> memref<1003520x16xf32, #tpu.memory_space<hbm>>
      tpu.enqueue_indirect_dma source(%dma_start3A_81 : memref<1003520x16xf32, #tpu.memory_space<hbm>>) target(%dma_start3A_77 : memref<128x16xf32, #tpu.memory_space<vmem>>) offsets(%dma_start3A_78 : memref<128xi32, #tpu.memory_space<vmem>>) semaphore(%arg7 : memref<!tpu.dma_semaphore, #tpu.memory_space<semaphore_mem>>)
      %dma_wait3A = arith.constant 0 : i32
      %dma_wait3A_82 = arith.constant 0 : i32
      %dma_wait3A_83 = tpu.memref_slice %arg6[%dma_wait3A, %dma_wait3A_82] : memref<1024x16xf32, #tpu.memory_space<vmem>> -> memref<128x16xf32, #tpu.memory_space<vmem>>
      %dma_wait3A_84 = tpu.memref_slice %arg5[%add3A_12] : memref<4096xi32, #tpu.memory_space<vmem>> -> memref<128xi32, #tpu.memory_space<vmem>>
      %dma_wait3A_85 = arith.constant 0 : i32
      %dma_wait3A_86 = arith.constant 0 : i32
      %dma_wait3A_87 = tpu.memref_slice %arg3[%dma_wait3A_85, %dma_wait3A_86] : memref<1003520x16xf32, #tpu.memory_space<hbm>> -> memref<1003520x16xf32, #tpu.memory_space<hbm>>
      tpu.wait_indirect_dma semaphore(%arg7 : memref<!tpu.dma_semaphore, #tpu.memory_space<semaphore_mem>>) src(%dma_wait3A_87 : memref<1003520x16xf32, #tpu.memory_space<hbm>>) dst(%dma_wait3A_83 : memref<128x16xf32, #tpu.memory_space<vmem>>)
      %dma_wait3A_88 = arith.constant 128 : i32
      %dma_wait3A_89 = arith.constant 0 : i32
      %dma_wait3A_90 = tpu.memref_slice %arg6[%dma_wait3A_88, %dma_wait3A_89] : memref<1024x16xf32, #tpu.memory_space<vmem>> -> memref<128x16xf32, #tpu.memory_space<vmem>>
      %dma_wait3A_91 = tpu.memref_slice %arg5[%add3A_20] : memref<4096xi32, #tpu.memory_space<vmem>> -> memref<128xi32, #tpu.memory_space<vmem>>
      %dma_wait3A_92 = arith.constant 0 : i32
      %dma_wait3A_93 = arith.constant 0 : i32
      %dma_wait3A_94 = tpu.memref_slice %arg3[%dma_wait3A_92, %dma_wait3A_93] : memref<1003520x16xf32, #tpu.memory_space<hbm>> -> memref<1003520x16xf32, #tpu.memory_space<hbm>>
      tpu.wait_indirect_dma semaphore(%arg7 : memref<!tpu.dma_semaphore, #tpu.memory_space<semaphore_mem>>) src(%dma_wait3A_94 : memref<1003520x16xf32, #tpu.memory_space<hbm>>) dst(%dma_wait3A_90 : memref<128x16xf32, #tpu.memory_space<vmem>>)
      %dma_wait3A_95 = arith.constant 256 : i32
      %dma_wait3A_96 = arith.constant 0 : i32
      %dma_wait3A_97 = tpu.memref_slice %arg6[%dma_wait3A_95, %dma_wait3A_96] : memref<1024x16xf32, #tpu.memory_space<vmem>> -> memref<128x16xf32, #tpu.memory_space<vmem>>
      %dma_wait3A_98 = tpu.memref_slice %arg5[%add3A_29] : memref<4096xi32, #tpu.memory_space<vmem>> -> memref<128xi32, #tpu.memory_space<vmem>>
      %dma_wait3A_99 = arith.constant 0 : i32
      %dma_wait3A_100 = arith.constant 0 : i32
      %dma_wait3A_101 = tpu.memref_slice %arg3[%dma_wait3A_99, %dma_wait3A_100] : memref<1003520x16xf32, #tpu.memory_space<hbm>> -> memref<1003520x16xf32, #tpu.memory_space<hbm>>
      tpu.wait_indirect_dma semaphore(%arg7 : memref<!tpu.dma_semaphore, #tpu.memory_space<semaphore_mem>>) src(%dma_wait3A_101 : memref<1003520x16xf32, #tpu.memory_space<hbm>>) dst(%dma_wait3A_97 : memref<128x16xf32, #tpu.memory_space<vmem>>)
      %dma_wait3A_102 = arith.constant 384 : i32
      %dma_wait3A_103 = arith.constant 0 : i32
      %dma_wait3A_104 = tpu.memref_slice %arg6[%dma_wait3A_102, %dma_wait3A_103] : memref<1024x16xf32, #tpu.memory_space<vmem>> -> memref<128x16xf32, #tpu.memory_space<vmem>>
      %dma_wait3A_105 = tpu.memref_slice %arg5[%add3A_38] : memref<4096xi32, #tpu.memory_space<vmem>> -> memref<128xi32, #tpu.memory_space<vmem>>
      %dma_wait3A_106 = arith.constant 0 : i32
      %dma_wait3A_107 = arith.constant 0 : i32
      %dma_wait3A_108 = tpu.memref_slice %arg3[%dma_wait3A_106, %dma_wait3A_107] : memref<1003520x16xf32, #tpu.memory_space<hbm>> -> memref<1003520x16xf32, #tpu.memory_space<hbm>>
      tpu.wait_indirect_dma semaphore(%arg7 : memref<!tpu.dma_semaphore, #tpu.memory_space<semaphore_mem>>) src(%dma_wait3A_108 : memref<1003520x16xf32, #tpu.memory_space<hbm>>) dst(%dma_wait3A_104 : memref<128x16xf32, #tpu.memory_space<vmem>>)
      %dma_wait3A_109 = arith.constant 512 : i32
      %dma_wait3A_110 = arith.constant 0 : i32
      %dma_wait3A_111 = tpu.memref_slice %arg6[%dma_wait3A_109, %dma_wait3A_110] : memref<1024x16xf32, #tpu.memory_space<vmem>> -> memref<128x16xf32, #tpu.memory_space<vmem>>
      %dma_wait3A_112 = tpu.memref_slice %arg5[%add3A_47] : memref<4096xi32, #tpu.memory_space<vmem>> -> memref<128xi32, #tpu.memory_space<vmem>>
      %dma_wait3A_113 = arith.constant 0 : i32
      %dma_wait3A_114 = arith.constant 0 : i32
      %dma_wait3A_115 = tpu.memref_slice %arg3[%dma_wait3A_113, %dma_wait3A_114] : memref<1003520x16xf32, #tpu.memory_space<hbm>> -> memref<1003520x16xf32, #tpu.memory_space<hbm>>
      tpu.wait_indirect_dma semaphore(%arg7 : memref<!tpu.dma_semaphore, #tpu.memory_space<semaphore_mem>>) src(%dma_wait3A_115 : memref<1003520x16xf32, #tpu.memory_space<hbm>>) dst(%dma_wait3A_111 : memref<128x16xf32, #tpu.memory_space<vmem>>)
      %dma_wait3A_116 = arith.constant 640 : i32
      %dma_wait3A_117 = arith.constant 0 : i32
      %dma_wait3A_118 = tpu.memref_slice %arg6[%dma_wait3A_116, %dma_wait3A_117] : memref<1024x16xf32, #tpu.memory_space<vmem>> -> memref<128x16xf32, #tpu.memory_space<vmem>>
      %dma_wait3A_119 = tpu.memref_slice %arg5[%add3A_56] : memref<4096xi32, #tpu.memory_space<vmem>> -> memref<128xi32, #tpu.memory_space<vmem>>
      %dma_wait3A_120 = arith.constant 0 : i32
      %dma_wait3A_121 = arith.constant 0 : i32
      %dma_wait3A_122 = tpu.memref_slice %arg3[%dma_wait3A_120, %dma_wait3A_121] : memref<1003520x16xf32, #tpu.memory_space<hbm>> -> memref<1003520x16xf32, #tpu.memory_space<hbm>>
      tpu.wait_indirect_dma semaphore(%arg7 : memref<!tpu.dma_semaphore, #tpu.memory_space<semaphore_mem>>) src(%dma_wait3A_122 : memref<1003520x16xf32, #tpu.memory_space<hbm>>) dst(%dma_wait3A_118 : memref<128x16xf32, #tpu.memory_space<vmem>>)
      %dma_wait3A_123 = arith.constant 768 : i32
      %dma_wait3A_124 = arith.constant 0 : i32
      %dma_wait3A_125 = tpu.memref_slice %arg6[%dma_wait3A_123, %dma_wait3A_124] : memref<1024x16xf32, #tpu.memory_space<vmem>> -> memref<128x16xf32, #tpu.memory_space<vmem>>
      %dma_wait3A_126 = tpu.memref_slice %arg5[%add3A_65] : memref<4096xi32, #tpu.memory_space<vmem>> -> memref<128xi32, #tpu.memory_space<vmem>>
      %dma_wait3A_127 = arith.constant 0 : i32
      %dma_wait3A_128 = arith.constant 0 : i32
      %dma_wait3A_129 = tpu.memref_slice %arg3[%dma_wait3A_127, %dma_wait3A_128] : memref<1003520x16xf32, #tpu.memory_space<hbm>> -> memref<1003520x16xf32, #tpu.memory_space<hbm>>
      tpu.wait_indirect_dma semaphore(%arg7 : memref<!tpu.dma_semaphore, #tpu.memory_space<semaphore_mem>>) src(%dma_wait3A_129 : memref<1003520x16xf32, #tpu.memory_space<hbm>>) dst(%dma_wait3A_125 : memref<128x16xf32, #tpu.memory_space<vmem>>)
      %dma_wait3A_130 = arith.constant 896 : i32
      %dma_wait3A_131 = arith.constant 0 : i32
      %dma_wait3A_132 = tpu.memref_slice %arg6[%dma_wait3A_130, %dma_wait3A_131] : memref<1024x16xf32, #tpu.memory_space<vmem>> -> memref<128x16xf32, #tpu.memory_space<vmem>>
      %dma_wait3A_133 = tpu.memref_slice %arg5[%add3A_74] : memref<4096xi32, #tpu.memory_space<vmem>> -> memref<128xi32, #tpu.memory_space<vmem>>
      %dma_wait3A_134 = arith.constant 0 : i32
      %dma_wait3A_135 = arith.constant 0 : i32
      %dma_wait3A_136 = tpu.memref_slice %arg3[%dma_wait3A_134, %dma_wait3A_135] : memref<1003520x16xf32, #tpu.memory_space<hbm>> -> memref<1003520x16xf32, #tpu.memory_space<hbm>>
      tpu.wait_indirect_dma semaphore(%arg7 : memref<!tpu.dma_semaphore, #tpu.memory_space<semaphore_mem>>) src(%dma_wait3A_136 : memref<1003520x16xf32, #tpu.memory_space<hbm>>) dst(%dma_wait3A_132 : memref<128x16xf32, #tpu.memory_space<vmem>>)
      %add3A_137 = arith.addi %mul3A_2, %mul3A_10 : i32
      "tpu.region"() ({
        %run_scoped3A = tpu.sem_alloc : memref<!tpu.dma_semaphore, #tpu.memory_space<semaphore_mem>>
        %dma_start3A_138 = arith.constant 0 : i32
        %dma_start3A_139 = tpu.memref_slice %arg4[%add3A_137, %dma_start3A_138] : memref<131072x16xf32, #tpu.memory_space<hbm>> -> memref<1024x16xf32, #tpu.memory_space<hbm>>
        %dma_start3A_140 = arith.constant 0 : i32
        %dma_start3A_141 = tpu.memref_slice %arg4[%add3A_137, %dma_start3A_140] : memref<131072x16xf32, #tpu.memory_space<hbm>> -> memref<1024x16xf32, #tpu.memory_space<hbm>>
        tpu.enqueue_dma source(%arg6 : memref<1024x16xf32, #tpu.memory_space<vmem>>) target(%dma_start3A_141 : memref<1024x16xf32, #tpu.memory_space<hbm>>) target_semaphore(%run_scoped3A : memref<!tpu.dma_semaphore, #tpu.memory_space<semaphore_mem>>)
        %dma_wait3A_142 = arith.constant 0 : i32
        %dma_wait3A_143 = tpu.memref_slice %arg4[%add3A_137, %dma_wait3A_142] : memref<131072x16xf32, #tpu.memory_space<hbm>> -> memref<1024x16xf32, #tpu.memory_space<hbm>>
        %dma_wait3A_144 = arith.constant 0 : i32
        %dma_wait3A_145 = tpu.memref_slice %arg4[%add3A_137, %dma_wait3A_144] : memref<131072x16xf32, #tpu.memory_space<hbm>> -> memref<1024x16xf32, #tpu.memory_space<hbm>>
        tpu.wait_dma2 semaphore(%run_scoped3A : memref<!tpu.dma_semaphore, #tpu.memory_space<semaphore_mem>>) src(%arg6 : memref<1024x16xf32, #tpu.memory_space<vmem>>) dst(%dma_wait3A_145 : memref<1024x16xf32, #tpu.memory_space<hbm>>)
        tpu.yield
      }) : () -> ()
    }
    %scan3A_7 = arith.constant 4 : i32
    return
  }
}

#map = affine_map<(d0, d1) -> (0)>
#map1 = affine_map<(d0, d1) -> (0, 0)>
module attributes {stable_mosaic.version = 14 : i64} {
  func.func @body(%arg0: i32, %arg1: i32, %arg2: memref<131072xi32, #tpu.memory_space<hbm>>, %arg3: memref<1003520x16xf32, #tpu.memory_space<hbm>>, %arg4: memref<131072x16xf32, #tpu.memory_space<hbm>>, %arg5: memref<4096xi32, #tpu.memory_space<vmem>>, %arg6: memref<1024x16xf32, #tpu.memory_space<vmem>>, %arg7: memref<!tpu.dma_semaphore, #tpu.memory_space<semaphore_mem>>) attributes {dimension_semantics = [#tpu.dimension_semantics<core_parallel>, #tpu.dimension_semantics<subcore_parallel>], iteration_bounds = array<i64: 2, 16>, scalar_prefetch = 0 : i64, scratch_operands = 3 : i64, tpu.core_type = #tpu.core_type<sc_vector_subcore>, window_params = [{transform_indices = #map}, {transform_indices = #map1}, {transform_indices = #map1}]} {
    %mul3A = arith.constant 2 : i32
    %mul3A_0 = arith.muli %arg1, %mul3A : i32
    %add3A = arith.addi %mul3A_0, %arg0 : i32
    %mul3A_1 = arith.constant 4096 : i32
    %mul3A_2 = arith.muli %add3A, %mul3A_1 : i32
    "tpu.region"() ({
      %run_scoped3A = tpu.sem_alloc : memref<!tpu.dma_semaphore, #tpu.memory_space<semaphore_mem>>
      %dma_start3A = tpu.memref_slice %arg2[%mul3A_2] : memref<131072xi32, #tpu.memory_space<hbm>> -> memref<4096xi32, #tpu.memory_space<hbm>>
      %dma_start3A_8 = tpu.memref_slice %arg2[%mul3A_2] : memref<131072xi32, #tpu.memory_space<hbm>> -> memref<4096xi32, #tpu.memory_space<hbm>>
      tpu.enqueue_dma source(%dma_start3A_8 : memref<4096xi32, #tpu.memory_space<hbm>>) target(%arg5 : memref<4096xi32, #tpu.memory_space<vmem>>) target_semaphore(%run_scoped3A : memref<!tpu.dma_semaphore, #tpu.memory_space<semaphore_mem>>)
      %dma_wait3A = tpu.memref_slice %arg2[%mul3A_2] : memref<131072xi32, #tpu.memory_space<hbm>> -> memref<4096xi32, #tpu.memory_space<hbm>>
      %dma_wait3A_9 = tpu.memref_slice %arg2[%mul3A_2] : memref<131072xi32, #tpu.memory_space<hbm>> -> memref<4096xi32, #tpu.memory_space<hbm>>
      tpu.wait_dma2 semaphore(%run_scoped3A : memref<!tpu.dma_semaphore, #tpu.memory_space<semaphore_mem>>) src(%dma_wait3A_9 : memref<4096xi32, #tpu.memory_space<hbm>>) dst(%arg5 : memref<4096xi32, #tpu.memory_space<vmem>>)
      tpu.yield
    }) : () -> ()
    %scan3A = arith.constant 0 : i32
    %scan3A_3 = arith.constant 0 : i32
    %scan3A_4 = arith.constant 4 : i32
    %scan3A_5 = arith.addi %scan3A_3, %scan3A_4 : i32
    %scan3A_6 = arith.constant 1 : i32
    scf.for %scan3A_8 = %scan3A_3 to %scan3A_5 step %scan3A_6  : i32 {
      %mul3A_9 = arith.constant 1024 : i32
      %mul3A_10 = arith.muli %scan3A_8, %mul3A_9 : i32
      %add3A_11 = arith.constant 0 : i32
      %add3A_12 = arith.addi %mul3A_10, %add3A_11 : i32
      %dma_start3A = arith.constant 0 : i32
      %dma_start3A_13 = arith.constant 0 : i32
      %dma_start3A_14 = tpu.memref_slice %arg6[%dma_start3A, %dma_start3A_13] : memref<1024x16xf32, #tpu.memory_space<vmem>> -> memref<128x16xf32, #tpu.memory_space<vmem>>
      %dma_start3A_15 = tpu.memref_slice %arg5[%add3A_12] : memref<4096xi32, #tpu.memory_space<vmem>> -> memref<128xi32, #tpu.memory_space<vmem>>
      %dma_start3A_16 = arith.constant 0 : i32
      %dma_start3A_17 = arith.constant 0 : i32
      %dma_start3A_18 = tpu.memref_slice %arg3[%dma_start3A_16, %dma_start3A_17] : memref<1003520x16xf32, #tpu.memory_space<hbm>> -> memref<1003520x16xf32, #tpu.memory_space<hbm>>
      tpu.enqueue_indirect_dma source(%dma_start3A_18 : memref<1003520x16xf32, #tpu.memory_space<hbm>>) target(%dma_start3A_14 : memref<128x16xf32, #tpu.memory_space<vmem>>) offsets(%dma_start3A_15 : memref<128xi32, #tpu.memory_space<vmem>>) semaphore(%arg7 : memref<!tpu.dma_semaphore, #tpu.memory_space<semaphore_mem>>)
      %add3A_19 = arith.constant 128 : i32
      %add3A_20 = arith.addi %mul3A_10, %add3A_19 : i32
      %dma_start3A_21 = arith.constant 128 : i32
      %dma_start3A_22 = arith.constant 0 : i32
      %dma_start3A_23 = tpu.memref_slice %arg6[%dma_start3A_21, %dma_start3A_22] : memref<1024x16xf32, #tpu.memory_space<vmem>> -> memref<128x16xf32, #tpu.memory_space<vmem>>
      %dma_start3A_24 = tpu.memref_slice %arg5[%add3A_20] : memref<4096xi32, #tpu.memory_space<vmem>> -> memref<128xi32, #tpu.memory_space<vmem>>
      %dma_start3A_25 = arith.constant 0 : i32
      %dma_start3A_26 = arith.constant 0 : i32
      %dma_start3A_27 = tpu.memref_slice %arg3[%dma_start3A_25, %dma_start3A_26] : memref<1003520x16xf32, #tpu.memory_space<hbm>> -> memref<1003520x16xf32, #tpu.memory_space<hbm>>
      tpu.enqueue_indirect_dma source(%dma_start3A_27 : memref<1003520x16xf32, #tpu.memory_space<hbm>>) target(%dma_start3A_23 : memref<128x16xf32, #tpu.memory_space<vmem>>) offsets(%dma_start3A_24 : memref<128xi32, #tpu.memory_space<vmem>>) semaphore(%arg7 : memref<!tpu.dma_semaphore, #tpu.memory_space<semaphore_mem>>)
      %add3A_28 = arith.constant 256 : i32
      %add3A_29 = arith.addi %mul3A_10, %add3A_28 : i32
      %dma_start3A_30 = arith.constant 256 : i32
      %dma_start3A_31 = arith.constant 0 : i32
      %dma_start3A_32 = tpu.memref_slice %arg6[%dma_start3A_30, %dma_start3A_31] : memref<1024x16xf32, #tpu.memory_space<vmem>> -> memref<128x16xf32, #tpu.memory_space<vmem>>
      %dma_start3A_33 = tpu.memref_slice %arg5[%add3A_29] : memref<4096xi32, #tpu.memory_space<vmem>> -> memref<128xi32, #tpu.memory_space<vmem>>
      %dma_start3A_34 = arith.constant 0 : i32
      %dma_start3A_35 = arith.constant 0 : i32
      %dma_start3A_36 = tpu.memref_slice %arg3[%dma_start3A_34, %dma_start3A_35] : memref<1003520x16xf32, #tpu.memory_space<hbm>> -> memref<1003520x16xf32, #tpu.memory_space<hbm>>
      tpu.enqueue_indirect_dma source(%dma_start3A_36 : memref<1003520x16xf32, #tpu.memory_space<hbm>>) target(%dma_start3A_32 : memref<128x16xf32, #tpu.memory_space<vmem>>) offsets(%dma_start3A_33 : memref<128xi32, #tpu.memory_space<vmem>>) semaphore(%arg7 : memref<!tpu.dma_semaphore, #tpu.memory_space<semaphore_mem>>)
      %add3A_37 = arith.constant 384 : i32
      %add3A_38 = arith.addi %mul3A_10, %add3A_37 : i32
      %dma_start3A_39 = arith.constant 384 : i32
      %dma_start3A_40 = arith.constant 0 : i32
      %dma_start3A_41 = tpu.memref_slice %arg6[%dma_start3A_39, %dma_start3A_40] : memref<1024x16xf32, #tpu.memory_space<vmem>> -> memref<128x16xf32, #tpu.memory_space<vmem>>
      %dma_start3A_42 = tpu.memref_slice %arg5[%add3A_38] : memref<4096xi32, #tpu.memory_space<vmem>> -> memref<128xi32, #tpu.memory_space<vmem>>
      %dma_start3A_43 = arith.constant 0 : i32
      %dma_start3A_44 = arith.constant 0 : i32
      %dma_start3A_45 = tpu.memref_slice %arg3[%dma_start3A_43, %dma_start3A_44] : memref<1003520x16xf32, #tpu.memory_space<hbm>> -> memref<1003520x16xf32, #tpu.memory_space<hbm>>
      tpu.enqueue_indirect_dma source(%dma_start3A_45 : memref<1003520x16xf32, #tpu.memory_space<hbm>>) target(%dma_start3A_41 : memref<128x16xf32, #tpu.memory_space<vmem>>) offsets(%dma_start3A_42 : memref<128xi32, #tpu.memory_space<vmem>>) semaphore(%arg7 : memref<!tpu.dma_semaphore, #tpu.memory_space<semaphore_mem>>)
      %add3A_46 = arith.constant 512 : i32
      %add3A_47 = arith.addi %mul3A_10, %add3A_46 : i32
      %dma_start3A_48 = arith.constant 512 : i32
      %dma_start3A_49 = arith.constant 0 : i32
      %dma_start3A_50 = tpu.memref_slice %arg6[%dma_start3A_48, %dma_start3A_49] : memref<1024x16xf32, #tpu.memory_space<vmem>> -> memref<128x16xf32, #tpu.memory_space<vmem>>
      %dma_start3A_51 = tpu.memref_slice %arg5[%add3A_47] : memref<4096xi32, #tpu.memory_space<vmem>> -> memref<128xi32, #tpu.memory_space<vmem>>
      %dma_start3A_52 = arith.constant 0 : i32
      %dma_start3A_53 = arith.constant 0 : i32
      %dma_start3A_54 = tpu.memref_slice %arg3[%dma_start3A_52, %dma_start3A_53] : memref<1003520x16xf32, #tpu.memory_space<hbm>> -> memref<1003520x16xf32, #tpu.memory_space<hbm>>
      tpu.enqueue_indirect_dma source(%dma_start3A_54 : memref<1003520x16xf32, #tpu.memory_space<hbm>>) target(%dma_start3A_50 : memref<128x16xf32, #tpu.memory_space<vmem>>) offsets(%dma_start3A_51 : memref<128xi32, #tpu.memory_space<vmem>>) semaphore(%arg7 : memref<!tpu.dma_semaphore, #tpu.memory_space<semaphore_mem>>)
      %add3A_55 = arith.constant 640 : i32
      %add3A_56 = arith.addi %mul3A_10, %add3A_55 : i32
      %dma_start3A_57 = arith.constant 640 : i32
      %dma_start3A_58 = arith.constant 0 : i32
      %dma_start3A_59 = tpu.memref_slice %arg6[%dma_start3A_57, %dma_start3A_58] : memref<1024x16xf32, #tpu.memory_space<vmem>> -> memref<128x16xf32, #tpu.memory_space<vmem>>
      %dma_start3A_60 = tpu.memref_slice %arg5[%add3A_56] : memref<4096xi32, #tpu.memory_space<vmem>> -> memref<128xi32, #tpu.memory_space<vmem>>
      %dma_start3A_61 = arith.constant 0 : i32
      %dma_start3A_62 = arith.constant 0 : i32
      %dma_start3A_63 = tpu.memref_slice %arg3[%dma_start3A_61, %dma_start3A_62] : memref<1003520x16xf32, #tpu.memory_space<hbm>> -> memref<1003520x16xf32, #tpu.memory_space<hbm>>
      tpu.enqueue_indirect_dma source(%dma_start3A_63 : memref<1003520x16xf32, #tpu.memory_space<hbm>>) target(%dma_start3A_59 : memref<128x16xf32, #tpu.memory_space<vmem>>) offsets(%dma_start3A_60 : memref<128xi32, #tpu.memory_space<vmem>>) semaphore(%arg7 : memref<!tpu.dma_semaphore, #tpu.memory_space<semaphore_mem>>)
      %add3A_64 = arith.constant 768 : i32
      %add3A_65 = arith.addi %mul3A_10, %add3A_64 : i32
      %dma_start3A_66 = arith.constant 768 : i32
      %dma_start3A_67 = arith.constant 0 : i32
      %dma_start3A_68 = tpu.memref_slice %arg6[%dma_start3A_66, %dma_start3A_67] : memref<1024x16xf32, #tpu.memory_space<vmem>> -> memref<128x16xf32, #tpu.memory_space<vmem>>
      %dma_start3A_69 = tpu.memref_slice %arg5[%add3A_65] : memref<4096xi32, #tpu.memory_space<vmem>> -> memref<128xi32, #tpu.memory_space<vmem>>
      %dma_start3A_70 = arith.constant 0 : i32
      %dma_start3A_71 = arith.constant 0 : i32
      %dma_start3A_72 = tpu.memref_slice %arg3[%dma_start3A_70, %dma_start3A_71] : memref<1003520x16xf32, #tpu.memory_space<hbm>> -> memref<1003520x16xf32, #tpu.memory_space<hbm>>
      tpu.enqueue_indirect_dma source(%dma_start3A_72 : memref<1003520x16xf32, #tpu.memory_space<hbm>>) target(%dma_start3A_68 : memref<128x16xf32, #tpu.memory_space<vmem>>) offsets(%dma_start3A_69 : memref<128xi32, #tpu.memory_space<vmem>>) semaphore(%arg7 : memref<!tpu.dma_semaphore, #tpu.memory_space<semaphore_mem>>)
      %add3A_73 = arith.constant 896 : i32
      %add3A_74 = arith.addi %mul3A_10, %add3A_73 : i32
      %dma_start3A_75 = arith.constant 896 : i32
      %dma_start3A_76 = arith.constant 0 : i32
      %dma_start3A_77 = tpu.memref_slice %arg6[%dma_start3A_75, %dma_start3A_76] : memref<1024x16xf32, #tpu.memory_space<vmem>> -> memref<128x16xf32, #tpu.memory_space<vmem>>
      %dma_start3A_78 = tpu.memref_slice %arg5[%add3A_74] : memref<4096xi32, #tpu.memory_space<vmem>> -> memref<128xi32, #tpu.memory_space<vmem>>
      %dma_start3A_79 = arith.constant 0 : i32
      %dma_start3A_80 = arith.constant 0 : i32
      %dma_start3A_81 = tpu.memref_slice %arg3[%dma_start3A_79, %dma_start3A_80] : memref<1003520x16xf32, #tpu.memory_space<hbm>> -> memref<1003520x16xf32, #tpu.memory_space<hbm>>
      tpu.enqueue_indirect_dma source(%dma_start3A_81 : memref<1003520x16xf32, #tpu.memory_space<hbm>>) target(%dma_start3A_77 : memref<128x16xf32, #tpu.memory_space<vmem>>) offsets(%dma_start3A_78 : memref<128xi32, #tpu.memory_space<vmem>>) semaphore(%arg7 : memref<!tpu.dma_semaphore, #tpu.memory_space<semaphore_mem>>)
      %dma_wait3A = arith.constant 0 : i32
      %dma_wait3A_82 = arith.constant 0 : i32
      %dma_wait3A_83 = tpu.memref_slice %arg6[%dma_wait3A, %dma_wait3A_82] : memref<1024x16xf32, #tpu.memory_space<vmem>> -> memref<128x16xf32, #tpu.memory_space<vmem>>
      %dma_wait3A_84 = tpu.memref_slice %arg5[%add3A_12] : memref<4096xi32, #tpu.memory_space<vmem>> -> memref<128xi32, #tpu.memory_space<vmem>>
      %dma_wait3A_85 = arith.constant 0 : i32
      %dma_wait3A_86 = arith.constant 0 : i32
      %dma_wait3A_87 = tpu.memref_slice %arg3[%dma_wait3A_85, %dma_wait3A_86] : memref<1003520x16xf32, #tpu.memory_space<hbm>> -> memref<1003520x16xf32, #tpu.memory_space<hbm>>
      tpu.wait_indirect_dma semaphore(%arg7 : memref<!tpu.dma_semaphore, #tpu.memory_space<semaphore_mem>>) src(%dma_wait3A_87 : memref<1003520x16xf32, #tpu.memory_space<hbm>>) dst(%dma_wait3A_83 : memref<128x16xf32, #tpu.memory_space<vmem>>)
      %dma_wait3A_88 = arith.constant 128 : i32
      %dma_wait3A_89 = arith.constant 0 : i32
      %dma_wait3A_90 = tpu.memref_slice %arg6[%dma_wait3A_88, %dma_wait3A_89] : memref<1024x16xf32, #tpu.memory_space<vmem>> -> memref<128x16xf32, #tpu.memory_space<vmem>>
      %dma_wait3A_91 = tpu.memref_slice %arg5[%add3A_20] : memref<4096xi32, #tpu.memory_space<vmem>> -> memref<128xi32, #tpu.memory_space<vmem>>
      %dma_wait3A_92 = arith.constant 0 : i32
      %dma_wait3A_93 = arith.constant 0 : i32
      %dma_wait3A_94 = tpu.memref_slice %arg3[%dma_wait3A_92, %dma_wait3A_93] : memref<1003520x16xf32, #tpu.memory_space<hbm>> -> memref<1003520x16xf32, #tpu.memory_space<hbm>>
      tpu.wait_indirect_dma semaphore(%arg7 : memref<!tpu.dma_semaphore, #tpu.memory_space<semaphore_mem>>) src(%dma_wait3A_94 : memref<1003520x16xf32, #tpu.memory_space<hbm>>) dst(%dma_wait3A_90 : memref<128x16xf32, #tpu.memory_space<vmem>>)
      %dma_wait3A_95 = arith.constant 256 : i32
      %dma_wait3A_96 = arith.constant 0 : i32
      %dma_wait3A_97 = tpu.memref_slice %arg6[%dma_wait3A_95, %dma_wait3A_96] : memref<1024x16xf32, #tpu.memory_space<vmem>> -> memref<128x16xf32, #tpu.memory_space<vmem>>
      %dma_wait3A_98 = tpu.memref_slice %arg5[%add3A_29] : memref<4096xi32, #tpu.memory_space<vmem>> -> memref<128xi32, #tpu.memory_space<vmem>>
      %dma_wait3A_99 = arith.constant 0 : i32
      %dma_wait3A_100 = arith.constant 0 : i32
      %dma_wait3A_101 = tpu.memref_slice %arg3[%dma_wait3A_99, %dma_wait3A_100] : memref<1003520x16xf32, #tpu.memory_space<hbm>> -> memref<1003520x16xf32, #tpu.memory_space<hbm>>
      tpu.wait_indirect_dma semaphore(%arg7 : memref<!tpu.dma_semaphore, #tpu.memory_space<semaphore_mem>>) src(%dma_wait3A_101 : memref<1003520x16xf32, #tpu.memory_space<hbm>>) dst(%dma_wait3A_97 : memref<128x16xf32, #tpu.memory_space<vmem>>)
      %dma_wait3A_102 = arith.constant 384 : i32
      %dma_wait3A_103 = arith.constant 0 : i32
      %dma_wait3A_104 = tpu.memref_slice %arg6[%dma_wait3A_102, %dma_wait3A_103] : memref<1024x16xf32, #tpu.memory_space<vmem>> -> memref<128x16xf32, #tpu.memory_space<vmem>>
      %dma_wait3A_105 = tpu.memref_slice %arg5[%add3A_38] : memref<4096xi32, #tpu.memory_space<vmem>> -> memref<128xi32, #tpu.memory_space<vmem>>
      %dma_wait3A_106 = arith.constant 0 : i32
      %dma_wait3A_107 = arith.constant 0 : i32
      %dma_wait3A_108 = tpu.memref_slice %arg3[%dma_wait3A_106, %dma_wait3A_107] : memref<1003520x16xf32, #tpu.memory_space<hbm>> -> memref<1003520x16xf32, #tpu.memory_space<hbm>>
      tpu.wait_indirect_dma semaphore(%arg7 : memref<!tpu.dma_semaphore, #tpu.memory_space<semaphore_mem>>) src(%dma_wait3A_108 : memref<1003520x16xf32, #tpu.memory_space<hbm>>) dst(%dma_wait3A_104 : memref<128x16xf32, #tpu.memory_space<vmem>>)
      %dma_wait3A_109 = arith.constant 512 : i32
      %dma_wait3A_110 = arith.constant 0 : i32
      %dma_wait3A_111 = tpu.memref_slice %arg6[%dma_wait3A_109, %dma_wait3A_110] : memref<1024x16xf32, #tpu.memory_space<vmem>> -> memref<128x16xf32, #tpu.memory_space<vmem>>
      %dma_wait3A_112 = tpu.memref_slice %arg5[%add3A_47] : memref<4096xi32, #tpu.memory_space<vmem>> -> memref<128xi32, #tpu.memory_space<vmem>>
      %dma_wait3A_113 = arith.constant 0 : i32
      %dma_wait3A_114 = arith.constant 0 : i32
      %dma_wait3A_115 = tpu.memref_slice %arg3[%dma_wait3A_113, %dma_wait3A_114] : memref<1003520x16xf32, #tpu.memory_space<hbm>> -> memref<1003520x16xf32, #tpu.memory_space<hbm>>
      tpu.wait_indirect_dma semaphore(%arg7 : memref<!tpu.dma_semaphore, #tpu.memory_space<semaphore_mem>>) src(%dma_wait3A_115 : memref<1003520x16xf32, #tpu.memory_space<hbm>>) dst(%dma_wait3A_111 : memref<128x16xf32, #tpu.memory_space<vmem>>)
      %dma_wait3A_116 = arith.constant 640 : i32
      %dma_wait3A_117 = arith.constant 0 : i32
      %dma_wait3A_118 = tpu.memref_slice %arg6[%dma_wait3A_116, %dma_wait3A_117] : memref<1024x16xf32, #tpu.memory_space<vmem>> -> memref<128x16xf32, #tpu.memory_space<vmem>>
      %dma_wait3A_119 = tpu.memref_slice %arg5[%add3A_56] : memref<4096xi32, #tpu.memory_space<vmem>> -> memref<128xi32, #tpu.memory_space<vmem>>
      %dma_wait3A_120 = arith.constant 0 : i32
      %dma_wait3A_121 = arith.constant 0 : i32
      %dma_wait3A_122 = tpu.memref_slice %arg3[%dma_wait3A_120, %dma_wait3A_121] : memref<1003520x16xf32, #tpu.memory_space<hbm>> -> memref<1003520x16xf32, #tpu.memory_space<hbm>>
      tpu.wait_indirect_dma semaphore(%arg7 : memref<!tpu.dma_semaphore, #tpu.memory_space<semaphore_mem>>) src(%dma_wait3A_122 : memref<1003520x16xf32, #tpu.memory_space<hbm>>) dst(%dma_wait3A_118 : memref<128x16xf32, #tpu.memory_space<vmem>>)
      %dma_wait3A_123 = arith.constant 768 : i32
      %dma_wait3A_124 = arith.constant 0 : i32
      %dma_wait3A_125 = tpu.memref_slice %arg6[%dma_wait3A_123, %dma_wait3A_124] : memref<1024x16xf32, #tpu.memory_space<vmem>> -> memref<128x16xf32, #tpu.memory_space<vmem>>
      %dma_wait3A_126 = tpu.memref_slice %arg5[%add3A_65] : memref<4096xi32, #tpu.memory_space<vmem>> -> memref<128xi32, #tpu.memory_space<vmem>>
      %dma_wait3A_127 = arith.constant 0 : i32
      %dma_wait3A_128 = arith.constant 0 : i32
      %dma_wait3A_129 = tpu.memref_slice %arg3[%dma_wait3A_127, %dma_wait3A_128] : memref<1003520x16xf32, #tpu.memory_space<hbm>> -> memref<1003520x16xf32, #tpu.memory_space<hbm>>
      tpu.wait_indirect_dma semaphore(%arg7 : memref<!tpu.dma_semaphore, #tpu.memory_space<semaphore_mem>>) src(%dma_wait3A_129 : memref<1003520x16xf32, #tpu.memory_space<hbm>>) dst(%dma_wait3A_125 : memref<128x16xf32, #tpu.memory_space<vmem>>)
      %dma_wait3A_130 = arith.constant 896 : i32
      %dma_wait3A_131 = arith.constant 0 : i32
      %dma_wait3A_132 = tpu.memref_slice %arg6[%dma_wait3A_130, %dma_wait3A_131] : memref<1024x16xf32, #tpu.memory_space<vmem>> -> memref<128x16xf32, #tpu.memory_space<vmem>>
      %dma_wait3A_133 = tpu.memref_slice %arg5[%add3A_74] : memref<4096xi32, #tpu.memory_space<vmem>> -> memref<128xi32, #tpu.memory_space<vmem>>
      %dma_wait3A_134 = arith.constant 0 : i32
      %dma_wait3A_135 = arith.constant 0 : i32
      %dma_wait3A_136 = tpu.memref_slice %arg3[%dma_wait3A_134, %dma_wait3A_135] : memref<1003520x16xf32, #tpu.memory_space<hbm>> -> memref<1003520x16xf32, #tpu.memory_space<hbm>>
      tpu.wait_indirect_dma semaphore(%arg7 : memref<!tpu.dma_semaphore, #tpu.memory_space<semaphore_mem>>) src(%dma_wait3A_136 : memref<1003520x16xf32, #tpu.memory_space<hbm>>) dst(%dma_wait3A_132 : memref<128x16xf32, #tpu.memory_space<vmem>>)
      %add3A_137 = arith.addi %mul3A_2, %mul3A_10 : i32
      "tpu.region"() ({
        %run_scoped3A = tpu.sem_alloc : memref<!tpu.dma_semaphore, #tpu.memory_space<semaphore_mem>>
        %dma_start3A_138 = arith.constant 0 : i32
        %dma_start3A_139 = tpu.memref_slice %arg4[%add3A_137, %dma_start3A_138] : memref<131072x16xf32, #tpu.memory_space<hbm>> -> memref<1024x16xf32, #tpu.memory_space<hbm>>
        %dma_start3A_140 = arith.constant 0 : i32
        %dma_start3A_141 = tpu.memref_slice %arg4[%add3A_137, %dma_start3A_140] : memref<131072x16xf32, #tpu.memory_space<hbm>> -> memref<1024x16xf32, #tpu.memory_space<hbm>>
        tpu.enqueue_dma source(%arg6 : memref<1024x16xf32, #tpu.memory_space<vmem>>) target(%dma_start3A_141 : memref<1024x16xf32, #tpu.memory_space<hbm>>) target_semaphore(%run_scoped3A : memref<!tpu.dma_semaphore, #tpu.memory_space<semaphore_mem>>)
        %dma_wait3A_142 = arith.constant 0 : i32
        %dma_wait3A_143 = tpu.memref_slice %arg4[%add3A_137, %dma_wait3A_142] : memref<131072x16xf32, #tpu.memory_space<hbm>> -> memref<1024x16xf32, #tpu.memory_space<hbm>>
        %dma_wait3A_144 = arith.constant 0 : i32
        %dma_wait3A_145 = tpu.memref_slice %arg4[%add3A_137, %dma_wait3A_144] : memref<131072x16xf32, #tpu.memory_space<hbm>> -> memref<1024x16xf32, #tpu.memory_space<hbm>>
        tpu.wait_dma2 semaphore(%run_scoped3A : memref<!tpu.dma_semaphore, #tpu.memory_space<semaphore_mem>>) src(%arg6 : memref<1024x16xf32, #tpu.memory_space<vmem>>) dst(%dma_wait3A_145 : memref<1024x16xf32, #tpu.memory_space<hbm>>)
        tpu.yield
      }) : () -> ()
    }
    %scan3A_7 = arith.constant 4 : i32
    return
  }
}

module attributes {stable_mosaic.version = 14 : i64} {
  func.func @_transpose_body(%arg0: i32, %arg1: memref<16x4096xf32, #tpu.memory_space<vmem>>, %arg2: memref<512x128xf32, #tpu.memory_space<vmem>>) attributes {dimension_semantics = [#tpu.dimension_semantics<arbitrary>], iteration_bounds = array<i64: 245>, scalar_prefetch = 0 : i64, scratch_operands = 0 : i64, tpu.core_type = #tpu.core_type<tc>, window_params = [{transform_indices = @transform_0, window_bounds = array<i64: 16, 4096>}, {transform_indices = @transform_1, window_bounds = array<i64: 512, 128>}]} {
    %get3A = arith.constant 0 : index
    %get3A_0 = arith.constant 0 : index
    %get3A_1 = vector.load %arg1[%get3A, %get3A_0] : memref<16x4096xf32, #tpu.memory_space<vmem>>, vector<16x4096xf32>
    %slice3A = vector.extract_strided_slice %get3A_1 {offsets = [0, 0], sizes = [16, 512], strides = [1, 1]} : vector<16x4096xf32> to vector<16x512xf32>
    %transpose3A = tpu.transpose %slice3A, [1, 0] : vector<16x512xf32> -> vector<512x16xf32>
    %slice3A_2 = vector.extract_strided_slice %get3A_1 {offsets = [0, 512], sizes = [16, 512], strides = [1, 1]} : vector<16x4096xf32> to vector<16x512xf32>
    %transpose3A_3 = tpu.transpose %slice3A_2, [1, 0] : vector<16x512xf32> -> vector<512x16xf32>
    %slice3A_4 = vector.extract_strided_slice %get3A_1 {offsets = [0, 1024], sizes = [16, 512], strides = [1, 1]} : vector<16x4096xf32> to vector<16x512xf32>
    %transpose3A_5 = tpu.transpose %slice3A_4, [1, 0] : vector<16x512xf32> -> vector<512x16xf32>
    %slice3A_6 = vector.extract_strided_slice %get3A_1 {offsets = [0, 1536], sizes = [16, 512], strides = [1, 1]} : vector<16x4096xf32> to vector<16x512xf32>
    %transpose3A_7 = tpu.transpose %slice3A_6, [1, 0] : vector<16x512xf32> -> vector<512x16xf32>
    %slice3A_8 = vector.extract_strided_slice %get3A_1 {offsets = [0, 2048], sizes = [16, 512], strides = [1, 1]} : vector<16x4096xf32> to vector<16x512xf32>
    %transpose3A_9 = tpu.transpose %slice3A_8, [1, 0] : vector<16x512xf32> -> vector<512x16xf32>
    %slice3A_10 = vector.extract_strided_slice %get3A_1 {offsets = [0, 2560], sizes = [16, 512], strides = [1, 1]} : vector<16x4096xf32> to vector<16x512xf32>
    %transpose3A_11 = tpu.transpose %slice3A_10, [1, 0] : vector<16x512xf32> -> vector<512x16xf32>
    %slice3A_12 = vector.extract_strided_slice %get3A_1 {offsets = [0, 3072], sizes = [16, 512], strides = [1, 1]} : vector<16x4096xf32> to vector<16x512xf32>
    %transpose3A_13 = tpu.transpose %slice3A_12, [1, 0] : vector<16x512xf32> -> vector<512x16xf32>
    %slice3A_14 = vector.extract_strided_slice %get3A_1 {offsets = [0, 3584], sizes = [16, 512], strides = [1, 1]} : vector<16x4096xf32> to vector<16x512xf32>
    %transpose3A_15 = tpu.transpose %slice3A_14, [1, 0] : vector<16x512xf32> -> vector<512x16xf32>
    %concatenate3A = tpu.concatenate %transpose3A, %transpose3A_3, %transpose3A_5, %transpose3A_7, %transpose3A_9, %transpose3A_11, %transpose3A_13, %transpose3A_15 in 1 : vector<512x16xf32>, vector<512x16xf32>, vector<512x16xf32>, vector<512x16xf32>, vector<512x16xf32>, vector<512x16xf32>, vector<512x16xf32>, vector<512x16xf32> -> vector<512x128xf32>
    %swap3A = arith.constant 0 : index
    %swap3A_16 = arith.constant 0 : index
    %swap3A_17 = vector.load %arg2[%swap3A, %swap3A_16] : memref<512x128xf32, #tpu.memory_space<vmem>>, vector<512x128xf32>
    tpu.vector_store %arg2[%swap3A, %swap3A_16], %concatenate3A {strides = array<i32>} : memref<512x128xf32, #tpu.memory_space<vmem>>, vector<512x128xf32>,
    return
  }
  func.func @transform_0(%arg0: i32) -> (i32, i32) {
    %c0_i32 = arith.constant 0 : i32
    %c0_i32_0 = arith.constant 0 : i32
    return %c0_i32, %arg0 : i32, i32
  }
  func.func @transform_1(%arg0: i32) -> (i32, i32) {
    %c0_i32 = arith.constant 0 : i32
    %c0_i32_0 = arith.constant 0 : i32
    return %arg0, %c0_i32 : i32, i32
  }
}

module attributes {stable_mosaic.version = 14 : i64} {
  func.func @_mlp_body(%arg0: i32, %arg1: memref<4x512x128xf32, #tpu.memory_space<vmem>>, %arg2: memref<512x13xf32, #tpu.memory_space<vmem>>, %arg3: memref<4x128x256xf32, #tpu.memory_space<vmem>>, %arg4: memref<13x256xf32, #tpu.memory_space<vmem>>, %arg5: memref<1x256xf32, #tpu.memory_space<vmem>>, %arg6: memref<256x128xf32, #tpu.memory_space<vmem>>, %arg7: memref<1x128xf32, #tpu.memory_space<vmem>>, %arg8: memref<128x1xf32, #tpu.memory_space<vmem>>, %arg9: memref<1x1xf32, #tpu.memory_space<vmem>>, %arg10: memref<512x1xf32, #tpu.memory_space<vmem>>) attributes {dimension_semantics = [#tpu.dimension_semantics<arbitrary>], iteration_bounds = array<i64: 8>, scalar_prefetch = 0 : i64, scratch_operands = 0 : i64, tpu.core_type = #tpu.core_type<tc>, window_params = [{transform_indices = @transform_0, window_bounds = array<i64: 4, 512, 128>}, {transform_indices = @transform_1, window_bounds = array<i64: 512, 13>}, {pipeline_mode = #tpu.pipeline_mode<synchronous>, transform_indices = @transform_2, window_bounds = array<i64: 4, 128, 256>}, {pipeline_mode = #tpu.pipeline_mode<synchronous>, transform_indices = @transform_3, window_bounds = array<i64: 13, 256>}, {pipeline_mode = #tpu.pipeline_mode<synchronous>, transform_indices = @transform_4, window_bounds = array<i64: 1, 256>}, {pipeline_mode = #tpu.pipeline_mode<synchronous>, transform_indices = @transform_5, window_bounds = array<i64: 256, 128>}, {pipeline_mode = #tpu.pipeline_mode<synchronous>, transform_indices = @transform_6, window_bounds = array<i64: 1, 128>}, {pipeline_mode = #tpu.pipeline_mode<synchronous>, transform_indices = @transform_7, window_bounds = array<i64: 128, 1>}, {pipeline_mode = #tpu.pipeline_mode<synchronous>, transform_indices = @transform_8, window_bounds = array<i64: 1, 1>}, {transform_indices = @transform_9, window_bounds = array<i64: 512, 1>}]} {
    %get3A = arith.constant 0 : index
    %get3A_0 = arith.constant 0 : index
    %get3A_1 = arith.constant 0 : index
    %get3A_2 = vector.load %arg1[%get3A, %get3A_0, %get3A_1] : memref<4x512x128xf32, #tpu.memory_space<vmem>>, vector<1x512x128xf32>
    %get3A_3 = vector.shape_cast %get3A_2 : vector<1x512x128xf32> to vector<512x128xf32>
    %get3A_4 = arith.constant 0 : index
    %get3A_5 = arith.constant 0 : index
    %get3A_6 = arith.constant 0 : index
    %get3A_7 = vector.load %arg3[%get3A_4, %get3A_5, %get3A_6] : memref<4x128x256xf32, #tpu.memory_space<vmem>>, vector<1x128x256xf32>
    %get3A_8 = vector.shape_cast %get3A_7 : vector<1x128x256xf32> to vector<128x256xf32>
    %dot_general3A = arith.constant dense<0.000000e+00> : vector<512x256xf32>
    %dot_general3A_9 = tpu.matmul %get3A_3, %get3A_8, %dot_general3A {dimension_numbers = #tpu.dot_dimension_numbers<[1], [0], [0], [1], [0, 0, 1, 1], [], []>, transpose_lhs_hint = false} : vector<512x128xf32>, vector<128x256xf32>, vector<512x256xf32> -> vector<512x256xf32>
    %get3A_10 = arith.constant 1 : index
    %get3A_11 = arith.constant 0 : index
    %get3A_12 = arith.constant 0 : index
    %get3A_13 = vector.load %arg1[%get3A_10, %get3A_11, %get3A_12] : memref<4x512x128xf32, #tpu.memory_space<vmem>>, vector<1x512x128xf32>
    %get3A_14 = vector.shape_cast %get3A_13 : vector<1x512x128xf32> to vector<512x128xf32>
    %get3A_15 = arith.constant 1 : index
    %get3A_16 = arith.constant 0 : index
    %get3A_17 = arith.constant 0 : index
    %get3A_18 = vector.load %arg3[%get3A_15, %get3A_16, %get3A_17] : memref<4x128x256xf32, #tpu.memory_space<vmem>>, vector<1x128x256xf32>
    %get3A_19 = vector.shape_cast %get3A_18 : vector<1x128x256xf32> to vector<128x256xf32>
    %dot_general3A_20 = arith.constant dense<0.000000e+00> : vector<512x256xf32>
    %dot_general3A_21 = tpu.matmul %get3A_14, %get3A_19, %dot_general3A_20 {dimension_numbers = #tpu.dot_dimension_numbers<[1], [0], [0], [1], [0, 0, 1, 1], [], []>, transpose_lhs_hint = false} : vector<512x128xf32>, vector<128x256xf32>, vector<512x256xf32> -> vector<512x256xf32>
    %add3A = arith.addf %dot_general3A_9, %dot_general3A_21 : vector<512x256xf32>
    %get3A_22 = arith.constant 2 : index
    %get3A_23 = arith.constant 0 : index
    %get3A_24 = arith.constant 0 : index
    %get3A_25 = vector.load %arg1[%get3A_22, %get3A_23, %get3A_24] : memref<4x512x128xf32, #tpu.memory_space<vmem>>, vector<1x512x128xf32>
    %get3A_26 = vector.shape_cast %get3A_25 : vector<1x512x128xf32> to vector<512x128xf32>
    %get3A_27 = arith.constant 2 : index
    %get3A_28 = arith.constant 0 : index
    %get3A_29 = arith.constant 0 : index
    %get3A_30 = vector.load %arg3[%get3A_27, %get3A_28, %get3A_29] : memref<4x128x256xf32, #tpu.memory_space<vmem>>, vector<1x128x256xf32>
    %get3A_31 = vector.shape_cast %get3A_30 : vector<1x128x256xf32> to vector<128x256xf32>
    %dot_general3A_32 = arith.constant dense<0.000000e+00> : vector<512x256xf32>
    %dot_general3A_33 = tpu.matmul %get3A_26, %get3A_31, %dot_general3A_32 {dimension_numbers = #tpu.dot_dimension_numbers<[1], [0], [0], [1], [0, 0, 1, 1], [], []>, transpose_lhs_hint = false} : vector<512x128xf32>, vector<128x256xf32>, vector<512x256xf32> -> vector<512x256xf32>
    %add3A_34 = arith.addf %add3A, %dot_general3A_33 : vector<512x256xf32>
    %get3A_35 = arith.constant 3 : index
    %get3A_36 = arith.constant 0 : index
    %get3A_37 = arith.constant 0 : index
    %get3A_38 = vector.load %arg1[%get3A_35, %get3A_36, %get3A_37] : memref<4x512x128xf32, #tpu.memory_space<vmem>>, vector<1x512x128xf32>
    %get3A_39 = vector.shape_cast %get3A_38 : vector<1x512x128xf32> to vector<512x128xf32>
    %get3A_40 = arith.constant 3 : index
    %get3A_41 = arith.constant 0 : index
    %get3A_42 = arith.constant 0 : index
    %get3A_43 = vector.load %arg3[%get3A_40, %get3A_41, %get3A_42] : memref<4x128x256xf32, #tpu.memory_space<vmem>>, vector<1x128x256xf32>
    %get3A_44 = vector.shape_cast %get3A_43 : vector<1x128x256xf32> to vector<128x256xf32>
    %dot_general3A_45 = arith.constant dense<0.000000e+00> : vector<512x256xf32>
    %dot_general3A_46 = tpu.matmul %get3A_39, %get3A_44, %dot_general3A_45 {dimension_numbers = #tpu.dot_dimension_numbers<[1], [0], [0], [1], [0, 0, 1, 1], [], []>, transpose_lhs_hint = false} : vector<512x128xf32>, vector<128x256xf32>, vector<512x256xf32> -> vector<512x256xf32>
    %add3A_47 = arith.addf %add3A_34, %dot_general3A_46 : vector<512x256xf32>
    %get3A_48 = arith.constant 0 : index
    %get3A_49 = arith.constant 0 : index
    %get3A_50 = vector.load %arg2[%get3A_48, %get3A_49] : memref<512x13xf32, #tpu.memory_space<vmem>>, vector<512x13xf32>
    %get3A_51 = arith.constant 0 : index
    %get3A_52 = arith.constant 0 : index
    %get3A_53 = vector.load %arg4[%get3A_51, %get3A_52] : memref<13x256xf32, #tpu.memory_space<vmem>>, vector<13x256xf32>
    %dot_general3A_54 = arith.constant dense<0.000000e+00> : vector<512x256xf32>
    %dot_general3A_55 = tpu.matmul %get3A_50, %get3A_53, %dot_general3A_54 {dimension_numbers = #tpu.dot_dimension_numbers<[1], [0], [0], [1], [0, 0, 1, 1], [], []>, transpose_lhs_hint = false} : vector<512x13xf32>, vector<13x256xf32>, vector<512x256xf32> -> vector<512x256xf32>
    %add3A_56 = arith.addf %add3A_47, %dot_general3A_55 : vector<512x256xf32>
    %get3A_57 = arith.constant 0 : index
    %get3A_58 = arith.constant 0 : index
    %get3A_59 = vector.load %arg5[%get3A_57, %get3A_58] : memref<1x256xf32, #tpu.memory_space<vmem>>, vector<1x256xf32>
    %add3A_60 = vector.broadcast %get3A_59 : vector<1x256xf32> to vector<512x256xf32>
    %add3A_61 = arith.addf %add3A_56, %add3A_60 : vector<512x256xf32>
    %max3A = arith.constant 0.000000e+00 : f32
    %max3A_62 = vector.broadcast %max3A : f32 to vector<512x256xf32>
    %max3A_63 = arith.maximumf %add3A_61, %max3A_62 : vector<512x256xf32>
    %get3A_64 = arith.constant 0 : index
    %get3A_65 = arith.constant 0 : index
    %get3A_66 = vector.load %arg6[%get3A_64, %get3A_65] : memref<256x128xf32, #tpu.memory_space<vmem>>, vector<256x128xf32>
    %dot_general3A_67 = arith.constant dense<0.000000e+00> : vector<512x128xf32>
    %dot_general3A_68 = tpu.matmul %max3A_63, %get3A_66, %dot_general3A_67 {dimension_numbers = #tpu.dot_dimension_numbers<[1], [0], [0], [1], [0, 0, 1, 1], [], []>, transpose_lhs_hint = false} : vector<512x256xf32>, vector<256x128xf32>, vector<512x128xf32> -> vector<512x128xf32>
    %get3A_69 = arith.constant 0 : index
    %get3A_70 = arith.constant 0 : index
    %get3A_71 = vector.load %arg7[%get3A_69, %get3A_70] : memref<1x128xf32, #tpu.memory_space<vmem>>, vector<1x128xf32>
    %add3A_72 = vector.broadcast %get3A_71 : vector<1x128xf32> to vector<512x128xf32>
    %add3A_73 = arith.addf %dot_general3A_68, %add3A_72 : vector<512x128xf32>
    %max3A_74 = arith.constant 0.000000e+00 : f32
    %max3A_75 = vector.broadcast %max3A_74 : f32 to vector<512x128xf32>
    %max3A_76 = arith.maximumf %add3A_73, %max3A_75 : vector<512x128xf32>
    %get3A_77 = arith.constant 0 : index
    %get3A_78 = arith.constant 0 : index
    %get3A_79 = vector.load %arg8[%get3A_77, %get3A_78] : memref<128x1xf32, #tpu.memory_space<vmem>>, vector<128x1xf32>
    %dot_general3A_80 = arith.constant dense<0.000000e+00> : vector<512x1xf32>
    %dot_general3A_81 = tpu.matmul %max3A_76, %get3A_79, %dot_general3A_80 {dimension_numbers = #tpu.dot_dimension_numbers<[1], [0], [0], [1], [0, 0, 1, 1], [], []>, transpose_lhs_hint = false} : vector<512x128xf32>, vector<128x1xf32>, vector<512x1xf32> -> vector<512x1xf32>
    %get3A_82 = arith.constant 0 : index
    %get3A_83 = arith.constant 0 : index
    %get3A_84 = vector.load %arg9[%get3A_82, %get3A_83] : memref<1x1xf32, #tpu.memory_space<vmem>>, vector<1x1xf32>
    %add3A_85 = vector.broadcast %get3A_84 : vector<1x1xf32> to vector<512x1xf32>
    %add3A_86 = arith.addf %dot_general3A_81, %add3A_85 : vector<512x1xf32>
    %swap3A = arith.constant 0 : index
    %swap3A_87 = arith.constant 0 : index
    %swap3A_88 = vector.load %arg10[%swap3A, %swap3A_87] : memref<512x1xf32, #tpu.memory_space<vmem>>, vector<512x1xf32>
    tpu.vector_store %arg10[%swap3A, %swap3A_87], %add3A_86 {strides = array<i32>} : memref<512x1xf32, #tpu.memory_space<vmem>>, vector<512x1xf32>,
    return
  }
  func.func @transform_0(%arg0: i32) -> (i32, i32, i32) {
    %c0_i32 = arith.constant 0 : i32
    %c0_i32_0 = arith.constant 0 : i32
    %c0_i32_1 = arith.constant 0 : i32
    return %c0_i32, %arg0, %c0_i32_0 : i32, i32, i32
  }
  func.func @transform_1(%arg0: i32) -> (i32, i32) {
    %c0_i32 = arith.constant 0 : i32
    %c0_i32_0 = arith.constant 0 : i32
    return %arg0, %c0_i32 : i32, i32
  }
  func.func @transform_2(%arg0: i32) -> (i32, i32, i32) {
    %c0_i32 = arith.constant 0 : i32
    %c0_i32_0 = arith.constant 0 : i32
    %c0_i32_1 = arith.constant 0 : i32
    %c0_i32_2 = arith.constant 0 : i32
    return %c0_i32, %c0_i32_0, %c0_i32_1 : i32, i32, i32
  }
  func.func @transform_3(%arg0: i32) -> (i32, i32) {
    %c0_i32 = arith.constant 0 : i32
    %c0_i32_0 = arith.constant 0 : i32
    %c0_i32_1 = arith.constant 0 : i32
    return %c0_i32, %c0_i32_0 : i32, i32
  }
  func.func @transform_4(%arg0: i32) -> (i32, i32) {
    %c0_i32 = arith.constant 0 : i32
    %c0_i32_0 = arith.constant 0 : i32
    %c0_i32_1 = arith.constant 0 : i32
    return %c0_i32, %c0_i32_0 : i32, i32
  }
  func.func @transform_5(%arg0: i32) -> (i32, i32) {
    %c0_i32 = arith.constant 0 : i32
    %c0_i32_0 = arith.constant 0 : i32
    %c0_i32_1 = arith.constant 0 : i32
    return %c0_i32, %c0_i32_0 : i32, i32
  }
  func.func @transform_6(%arg0: i32) -> (i32, i32) {
    %c0_i32 = arith.constant 0 : i32
    %c0_i32_0 = arith.constant 0 : i32
    %c0_i32_1 = arith.constant 0 : i32
    return %c0_i32, %c0_i32_0 : i32, i32
  }
  func.func @transform_7(%arg0: i32) -> (i32, i32) {
    %c0_i32 = arith.constant 0 : i32
    %c0_i32_0 = arith.constant 0 : i32
    %c0_i32_1 = arith.constant 0 : i32
    return %c0_i32, %c0_i32_0 : i32, i32
  }
  func.func @transform_8(%arg0: i32) -> (i32, i32) {
    %c0_i32 = arith.constant 0 : i32
    %c0_i32_0 = arith.constant 0 : i32
    %c0_i32_1 = arith.constant 0 : i32
    return %c0_i32, %c0_i32_0 : i32, i32
  }
  func.func @transform_9(%arg0: i32) -> (i32, i32) {
    %c0_i32 = arith.constant 0 : i32
    %c0_i32_0 = arith.constant 0 : i32
    return %arg0, %c0_i32 : i32, i32
  }
}

</mosaic_0001>

<sc_bundles>
// kernel: kernel.11.cloned.1.call-start
scs
__scs_entry_jumppad:
0x0: {  	(pc) =	sbr.rel $0x88, $3  }
0x1: {  	(tag) =	ssettag $0x0;
	lr =	simm.s32 $0x1  }
0x2: {  	[smem:$0x3F98] =	sst lr;
	_ =	strace $0xD0000000  }
0x3: {  	_ = 	snop  }
0x4: {  	_ = 	snop  }
0x5: {  	_ = 	snop  }
0x6: {  	_ = 	snop  }
0x7: {  	_ = 	snop  }
__scs_overlays_trampoline_lowered:
0x8: {  	[smem:$0x3FA7] =	sst s0  }
0x9: {  	[smem:$0x3FA8] =	sst s1  }
0xa: {  	[smem:$0x3FA9] =	sst s2  }
0xb: {  	[smem:$0x3FAA] =	sst s3  }
0xc: {  	[smem:$0x3FAB] =	sst s4  }
0xd: {  	[smem:$0x3FAC] =	sst s5  }
0xe: {  	[smem:$0x3FAD] =	sst s6  }
0xf: {  	[smem:$0x3FAE] =	sst s7  }
0x10: {  	[smem:$0x3FAF] =	sst s8  }
0x11: {  	[smem:$0x3FB0] =	sst s9;
	s0 =	simm.s32 @!p0 $0x0  }
0x12: {  	s1 =	sld [smem:$0x3F96];
	s0 =	simm.s32 @p0 $0x1  }
0x13: {  	[smem:$0x3FB1] =	sst s0;
	s0 =	simm.s32 @!p1 $0x0  }
0x14: {  	s2 =	sld [smem:$0x3F95];
	s0 =	simm.s32 @p1 $0x1  }
0x15: {  	[smem:$0x3FB2] =	sst s0;
	s0 =	simm.s32 @!p2 $0x0  }
0x16: {  	s3 =	sld [smem:$0x3FDB];
	s0 =	simm.s32 @p2 $0x1  }
0x17: {  	s4 =	simm.s32 $0x1BF5;
	[smem:$0x3FB4] =	sst s0  }
0x18: {  	s0 =	sld [smem:$0x3F97];
	_ =	swait.ge [sflag:s4], $0x0  }
0x19: {  	s7 =	sld [smem:$0x3F98]  }
0x1a: {  	s8 =	sadd.s32 $0xFFFFE003, lr  }
0x1b: {  	s9 =	sadd.s32 $0xFFFFFEF7, lr;
	s5 =	simm.s32 $0xFFFFFFFF;
	p2 =	slt.u32 s8, $0xFFFFF086  }
0x1c: {  	p1 =	slt.u32 s9, $0xF7A;
	s5 =	simm.s32 @!p2 $0x0  }
0x1d: {  	s5 =	simm.s32 @p1 $0x1;
	p0 =	seq.s32 s7, s2  }
0x1e: {  	s7 =	smul.u32 @!p0 $0xF7A, s2;
	p2 =	seq.s32 @!p0 s5, $0x0  }
0x1f: {  	s9 =	smul.u32 $0xF7A, s1;
	s8 =	simm.s32 @!p0 $0x1BF5;
	p2 =	por !p2, p0  }
0x20: {  	[sflag:s8] =	ssyncset.s32 @!p0 $0xFFFFF086;
	s6 =	sadd.s32 @!p0 s3, s7;
	s7 =	simm.s32 @!p0 $0x108  }
0x21: {  	s3 =	sadd.s32 s3, s9;
	s6 =	sadd.s32 @!p0 $0x88, s6;
	s7 =	simm.s32 @p2 $0x1082  }
0x22: {  	[simem:s7], [sflag:s8] =	dma.local @!p0 [hbm:s6], $0xF7A  }
0x23: {  	s9 =	sor.u32 $0xD0000000, s2;
	s6 =	simm.s32 $0x108;
	_ =	swait.ge @!p0 [sflag:s8], $0x0  }
0x24: {  	s3 =	sadd.s32 $0x88, s3;
	s6 =	simm.s32 @!p1 $0x1082;
	[sflag:s4] =	ssyncset.s32 $0xFFFFF086  }
0x25: {  	[simem:s6], [sflag:s4] =	dma.local [hbm:s3], $0xF7A  }
0x26: {  	[smem:$0x3F98] =	sst s1;
	(tag) =	ssettag s2;
	_ =	strace s9  }
0x27: {  	s1 =	sld [smem:$0x3FA8]  }
0x28: {  	s2 =	sld [smem:$0x3FA9]  }
0x29: {  	s4 =	sld [smem:$0x3FAB]  }
0x2a: {  	p0 =	seq.s32 s5, $0x0;
	s5 =	sld [smem:$0x3FAC]  }
0x2b: {  	s6 =	sld [smem:$0x3FAD]  }
0x2c: {  	s7 =	sld [smem:$0x3FAE]  }
0x2d: {  	s3 =	simm.s32 $0x108;
	s8 =	sld [smem:$0x3FAF]  }
0x2e: {  	s3 =	simm.s32 @!p0 $0x1082;
	s9 =	sld [smem:$0x3FB0]  }
0x2f: {  	lr =	sadd.s32 s0, s3;
	s0 =	sld [smem:$0x3FA7]  }
0x30: {  	s3 =	sld [smem:$0x3FAA]  }
0x31: {  	[smem:$0x3FB3] =	sst s10  }
0x32: {  	s10 =	sld [smem:$0x3FB1];
	_ =	sdelay $0x3  }
0x33: {  	p0 =	seq.s32 s10, $0x1;
	s10 =	sld [smem:$0x3FB3];
	_ =	sdelay $0x3  }
0x34: {  	[smem:$0x3FB3] =	sst s10  }
0x35: {  	s10 =	sld [smem:$0x3FB2];
	_ =	sdelay $0x3  }
0x36: {  	p1 =	seq.s32 s10, $0x1;
	s10 =	sld [smem:$0x3FB3];
	_ =	sdelay $0x3  }
0x37: {  	[smem:$0x3FB3] =	sst s10  }
0x38: {  	s10 =	sld [smem:$0x3FB4]  }
0x39: {  	_ = 	snop;
	(pc) =	sbr.ind lr, $3  }
0x3a: {  	_ = 	snop  }
0x3b: {  	_ = 	snop  }
0x3c: {  	p2 =	seq.s32 s10, $0x1;
	s10 =	sld [smem:$0x3FB3]  }
0x3d: {  	_ =	shalt  }
0x3e: {  	_ =	shalt  }
0x3f: {  	_ =	shalt  }
0x40: {  	_ =	shalt  }
0x41: {  	_ =	shalt  }
0x42: {  	_ =	shalt  }
0x43: {  	_ =	shalt  }
0x44: {  	_ =	shalt  }
0x45: {  	_ =	shalt  }
0x46: {  	_ =	shalt  }
0x47: {  	_ =	shalt  }
0x48: {  	_ =	shalt  }
0x49: {  	_ =	shalt  }
0x4a: {  	_ =	shalt  }
0x4b: {  	_ =	shalt  }
0x4c: {  	_ =	shalt  }
0x4d: {  	_ =	shalt  }
0x4e: {  	_ =	shalt  }
0x4f: {  	_ =	shalt  }
0x50: {  	_ =	shalt  }
0x51: {  	_ =	shalt  }
0x52: {  	_ =	shalt  }
0x53: {  	_ =	shalt  }
0x54: {  	_ =	shalt  }
0x55: {  	_ =	shalt  }
0x56: {  	_ =	shalt  }
0x57: {  	_ =	shalt  }
0x58: {  	_ =	shalt  }
0x59: {  	_ =	shalt  }
0x5a: {  	_ =	shalt  }
0x5b: {  	_ =	shalt  }
0x5c: {  	_ =	shalt  }
0x5d: {  	_ =	shalt  }
0x5e: {  	_ =	shalt  }
0x5f: {  	_ =	shalt  }
0x60: {  	_ =	shalt  }
0x61: {  	_ =	shalt  }
0x62: {  	_ =	shalt  }
0x63: {  	_ =	shalt  }
0x64: {  	_ =	shalt  }
0x65: {  	_ =	shalt  }
0x66: {  	_ =	shalt  }
0x67: {  	_ =	shalt  }
0x68: {  	_ =	shalt  }
0x69: {  	_ =	shalt  }
0x6a: {  	_ =	shalt  }
0x6b: {  	_ =	shalt  }
0x6c: {  	_ =	shalt  }
0x6d: {  	_ =	shalt  }
0x6e: {  	_ =	shalt  }
0x6f: {  	_ =	shalt  }
0x70: {  	_ =	shalt  }
0x71: {  	_ =	shalt  }
0x72: {  	_ =	shalt  }
0x73: {  	_ =	shalt  }
0x74: {  	_ =	shalt  }
0x75: {  	_ =	shalt  }
0x76: {  	_ =	shalt  }
0x77: {  	_ =	shalt  }
0x78: {  	_ =	shalt  }
0x79: {  	_ =	shalt  }
0x7a: {  	_ =	shalt  }
0x7b: {  	_ =	shalt  }
0x7c: {  	_ =	shalt  }
0x7d: {  	_ =	shalt  }
0x7e: {  	_ =	shalt  }
0x7f: {  	_ =	shalt  }
0x80: {  	_ =	shalt  }
0x81: {  	_ =	shalt  }
0x82: {  	_ =	shalt  }
0x83: {  	_ =	shalt  }
0x84: {  	_ =	shalt  }
0x85: {  	_ =	shalt  }
0x86: {  	_ =	shalt  }
0x87: {  	_ =	shalt  }
.Lfunc_end0:
.L_simem_size_0:
called_computation_lowered:
.L_overlay_start_0:
0x88: {  	s2 =	sld [smem:$0x3FD9]  }
0x89: {  	s3 =	sld [smem:$0x3FFE];
	_ =	sdelay $0x1  }
0x8a: {  	s1 =	srdreg.scid  }
0x8b: {  	s0 =	sand.u32 $0x1, s1  }
0x8c: {  	s17 =	sshll.u32 s0, $0xA;
	s2 =	sadd.s32 s3, s2  }
0x8d: {  	s2 =	sadd.s32 s2, s17  }
0x8e: {  	[smem:$0x3FBF] =	sst s2  }
0x8f: {  	_ = 	snop  }
0x90: {  	(tm) =	ssettm $0x1  }
0x91: {  	s18 =	sld [smem:$0x3FFB];
	_ =	sdelay $0x3  }
0x92: {  	_ =	strace s18  }
0x93: {  	s2 =	sld [smem:$0x3FFC];
	_ =	sdelay $0x3  }
0x94: {  	_ =	strace s2  }
0x95: {  	s2 =	sld [smem:$0x3FFD];
	_ =	sdelay $0x3  }
0x96: {  	_ =	strace s2  }
0x97: {  	_ =	strace $0x8FFFFFFF  }
0x98: {  	s19 =	sld [smem:$0x3FDB];
	_ =	sdelay $0x1  }
0x99: {  	s20 =	simm.s32 $_scs_section_size  }
0x9a: {  	s4 =	simm.s32 $_size__tile_overlayer_lowered;
	s5 =	simm.s32 $_tile_overlayer_lowered  }
0x9b: {  	s6 =	simm.s32 $0x1BFF;
	s21 =	sshll.u32 s5, $0x1;
	s3 =	sadd.s32 s20, s19  }
0x9c: {  	s22 =	simm.s32 $0x0;
	s4 =	sshll.u32 s4, $0x1;
	s5 =	sadd.s32 s21, s3  }
0x9d: {  	[timem:s22], [sflag:s6] =	dma.local [hbm:s5], s4  }
0x9e: {  	_ =	swait.ge [sflag:s6], s4  }
0x9f: {  	s4 =	ssub.s32 $0x0, s4;
	[sflag:s6] =	ssyncset.done $0x0  }
0xa0: {  	[sflag:s6] =	ssyncadd.s32 s4;
	_ =	sdelay $0x1  }
0xa1: {  	s23 =	simm.s32 $0x1B8B  }
0xa2: {  	_ =	swait.ge [sflag:s23], $0x1  }
0xa3: {  	[sflag:s23] =	ssyncset.done $0x0  }
0xa4: {  	[sflag:s23] =	ssyncadd.s32 $0xFFFFFFFF  }
0xa5: {  	s4 =	sld [smem:$0x0]  }
0xa6: {  	s5 =	sand.u32 $0xFFFFFFFE, s1  }
0xa7: {  	p0 =	sne.s32 s1, s5  }
0xa8: {  	s5 =	sshll.u32 @p0 s5, $0xE  }
0xa9: {  	s5 =	sadd.s32 @p0 $0x11B8D, s5;
	s6 =	sshll.u32 @p0 s4, $0x11  }
0xaa: {  	s5 =	sor.u32 @p0 s6, s5  }
0xab: {  	[sflag:s5] =	ssyncadd.remote.s32 @p0 $0x1;
	_ =	sdelay $0x1  }
0xac: {  	s5 =	simm.s32 @p0 $0x1B8D  }
0xad: {  	_ =	swait.eq @p0 [sflag:s5], $0x1  }
0xae: {  	[sflag:s5] =	ssyncadd.s32 @p0 $0xFFFFFFFF  }
0xaf: {  	s6 =	sshll.u32 @!p0 s1, $0xE  }
0xb0: {  	s6 =	sor.u32 @!p0 $0x4000, s6;
	s5 =	simm.s32 @!p0 $0x1B8D  }
0xb1: {  	s4 =	sshll.u32 @!p0 s4, $0x11;
	s6 =	sadd.s32 @!p0 $0x11B8D, s6;
	_ =	swait.eq @!p0 [sflag:s5], $0x1  }
0xb2: {  	s4 =	sor.u32 @!p0 s4, s6;
	[sflag:s5] =	ssyncadd.s32 @!p0 $0xFFFFFFFF  }
0xb3: {  	s25 =	simm.s32 $0x1B8E;
	s24 =	sld [smem:$0x3FFE];
	[sflag:s4] =	ssyncadd.remote.s32 @!p0 $0x1  }
0xb4: {  	s26 =	simm.s32 $execute0_lowered;
	[smem:$0x3FD2] =	sst s25  }
0xb5: {  	s5 =	sshll.u32 s26, $0x1;
	_ =	strace $0x8000004F;
	[dreg:$0x1] =	wrdreg $0xFFFFFFFF  }
0xb6: {  	s28 =	simm.s32 $_size_execute0_lowered;
	s3 =	sadd.s32 s3, s5;
	[dreg:$0x0] =	wrdreg $0x0  }
0xb7: {  	s5 =	sshll.u32 s28, $0x1;
	[dreg:$0x2] =	wrdreg s3  }
0xb8: {  	[dreg:$0x3] =	wrdreg s5  }
0xb9: {  	[dreg:$0x4] =	wrdreg $0xC0  }
0xba: {  	_ =	task [dreg:s22], $0x5FFFF  }
0xbb: {  	[dreg:$0x1] =	wrdreg $0xFFFFFFFF  }
0xbc: {  	[dreg:$0x0] =	wrdreg $0x60  }
0xbd: {  	[dreg:$0x2] =	wrdreg s24  }
0xbe: {  	[dreg:$0x3] =	wrdreg $0x9  }
0xbf: {  	_ =	task.clear_ibuf [dreg:s22], $0x4FFFF;
	_ =	strace $0x9000004F  }
0xc0: {  	s29 =	simm.s32 $0x9;
	_ =	strace $0x80000051  }
0xc1: {  	_ =	swait.ge [sflag:s29], $0x1  }
0xc2: {  	[sflag:s29] =	ssyncadd.s32 $0xFFFFFFFF  }
0xc3: {  	_ =	strace $0x90000051  }
0xc4: {  	_ =	sfence  }
0xc5: {  	s30 =	sld [smem:$0x0];
	_ =	sdelay $0x2  }
0xc6: {  	s31 =	sshll.u32 s1, $0xD;
	s1 =	sshrl.u32 s1, $0x2  }
0xc7: {  	s4 =	sand.u32 $0x4000, s31;
	s1 =	sadd.s32 s1, s30  }
0xc8: {  	s0 =	sor.u32 s4, s0;
	s1 =	sshll.u32 s1, $0x11  }
0xc9: {  	s0 =	sor.u32 s1, s0  }
0xca: {  	s0 =	sadd.s32 $0x8F2B, s0  }
0xcb: {  	[sflag:s0] =	ssyncadd.remote.s32 $0x1  }
0xcc: {  	_ =	sfence.sel $0xFFFF  }
0xcd: {  	[dreg:$0x0] =	wrdreg $0xFFFFFFFF;
	(pc) =	sbr.abs _section_cstart, $3  }
0xce: {  	[dreg:$0x1] =	wrdreg $0xFFFFFFFF  }
0xcf: {  	_ =	task.clear_ibuf [dreg:s22], $0x2FFFF;
	_ =	strace $0x9FFFFFFF  }
0xd0: {  	(tm) =	ssettm $0x7FFFFFFF  }
0xd1: {  	_ =	shalt  }
tec
execute0_lowered:
.L_overlay_start_1:
0x0: {  	(tag) =	ssettag $0x1  }
0x1: {  	s0 =	srdreg.scid  }
0x2: {  	s15 =	stileid.u32;
	s3 =	rddreg [dreg:$0x0];
	s12 =	simm.s32 $0x100  }
0x3: {  	s13 =	simm.s32 $0x180;
	s14 =	simm.s32 $0x200;
	s16 =	simm.s32 $0x280  }
0x4: {  	s6 =	simm.s32 $0x80;
	s17 =	simm.s32 $0x300;
	s0 =	sand.u32 $0x1, s0  }
0x5: {  	s18 =	simm.s32 $0x380;
	s1 =	sshll.u32 s15, $0xD;
	s2 =	sshll.u32 s0, $0xC  }
0x6: {  	s19 =	simm.s32 $0x400;
	s1 =	sor.u32 s2, s1;
	s2 =	simm.s32 $0x0  }
0x7: {  	s20 =	simm.s32 $0x480;
	s21 =	simm.s32 $0x500;
	[smem:$0x7FF] =	sst s2  }
0x8: {  	s22 =	simm.s32 $0x580;
	_ =	strace $0x80000050;
	[dreg:$0x7] =	wrdreg s12  }
0x9: {  	s23 =	simm.s32 $0x600;
	s24 =	simm.s32 $0x680;
	[dreg:$0x8] =	wrdreg s13  }
0xa: {  	s25 =	simm.s32 $0x700;
	s7 =	simm.s32 $0x1;
	[dreg:$0x9] =	wrdreg s14  }
0xb: {  	s26 =	simm.s32 $0x780;
	s28 =	simm.s32 $0x980;
	[dreg:$0xa] =	wrdreg s16  }
0xc: {  	s29 =	simm.s32 $0xA00;
	s30 =	simm.s32 $0xA80;
	[dreg:$0xb] =	wrdreg s17  }
0xd: {  	s31 =	simm.s32 $0xB00;
	p0 =	por $0x0, $0x0;
	[dreg:$0xc] =	wrdreg s18  }
0xe: {  	s5 =	sadd.s32 $0x12C00, s3;
	s0 =	ssub.s32 $0x2, s0;
	[dreg:$0xd] =	wrdreg s19  }
0xf: {  	s11 =	sshrl.u32 s0, $0x1;
	s4 =	sshrl.u32 s1, $0x3;
	[dreg:$0xe] =	wrdreg s20  }
0x10: {  	s1 =	sshll.u32 s1, $0x1;
	s0 =	ssub.s32 s0, s11;
	[dreg:$0xf] =	wrdreg s21  }
0x11: {  	s11 =	simm.s32 $0x3000;
	s4 =	sadd.s32 s4, s3;
	[dreg:$0x10] =	wrdreg s22  }
0x12: {  	s1 =	sadd.s32 s1, s3;
	s0 =	smax.u32 s0, $0x1;
	[dreg:$0x11] =	wrdreg s23  }
0x13: {  	s3 =	simm.s32 $0x2;
	s12 =	simm.s32 $0x3800;
	[dreg:$0x12] =	wrdreg s24  }
0x14: {  	s13 =	simm.s32 $0x4000;
	s14 =	simm.s32 $0x4800;
	[dreg:$0x13] =	wrdreg s25  }
0x15: {  	[dreg:$0x14] =	wrdreg s26;
	s25 =	simm.s32 $0x880;
	s26 =	simm.s32 $0x900  }
0x16: {  	s24 =	simm.s32 $0xB80;
	s16 =	simm.s32 $0xC00;
	s17 =	simm.s32 $0xC80  }
0x17: {  	s18 =	simm.s32 $0xD00;
	s19 =	simm.s32 $0xD80;
	s4 =	sadd.s32 $0xEC00, s4  }
0x18: {  	s20 =	simm.s32 $0xE00;
	s8 =	sadd.s32 $0x2BCC00, s1;
	[dreg:$0x2] =	wrdreg s4  }
0x19: {  	s9 =	sadd.s32 $0x2BD400, s1;
	p1 =	sne.s32 s0, $0x1;
	[dreg:$0x3] =	wrdreg s8  }
.Ltmp0:
0x1a: {  	s10 =	sadd.s32 $0x2BDC00, s1;
	[dreg:$0x4] =	wrdreg s9;
	(pc) =	sbr.rel @!p1 .LBB2_1-.Ltmp0, $4  }
0x1b: {  	s21 =	simm.s32 $0xE80;
	s1 =	sadd.s32 $0x2BE400, s1;
	[dreg:$0x5] =	wrdreg s10  }
0x1c: {  	s22 =	simm.s32 $0xF00;
	s23 =	simm.s32 $0xF80;
	[dreg:$0x6] =	wrdreg s1  }
0x1d: {  	s4 =	simm.s32 $0x1000;
	s8 =	simm.s32 $0x1800;
	s9 =	simm.s32 $0x2000  }
0x1e: {  	s10 =	simm.s32 $0x2800;
	s1 =	sadd.s32 $0xFFFFFFFF, s0;
	s0 =	rddreg [dreg:$0x2]  }
0x1f: {  	[tilespmem:s2], [sflag:$0x2] =	stream.linear.gather [hbm4b:s0+s2], $0x1000, $0x38;
	[tilespmem:$0x5000] =	vst v63  }
0x20: {  	_ =	swait.ge [sflag:s3], $0x1000  }
0x21: {  	[sflag:s3] =	ssyncset.done $0x0  }
0x22: {  	[sflag:s3] =	ssyncadd.s32 $0xFFFFF000  }
0x23: {  	[tilespmem:s4], [sflag:$0x1] =	stream.indirect.gather [hbm4b:s5+s6], $0x10, s2, s6, $0xb8;
	[tilespmem:$0x5000] =	vst v63  }
0x24: {  	_ = 	snop  }
0x25: {  	[tilespmem:s8], [sflag:$0x1] =	stream.indirect.gather [hbm4b:s5+s6], $0x10, s6, s6, $0xb8;
	[tilespmem:$0x5000] =	vst v63  }
0x26: {  	s0 =	rddreg [dreg:$0x7]  }
0x27: {  	[tilespmem:s9], [sflag:$0x1] =	stream.indirect.gather [hbm4b:s5+s6], $0x10, s0, s6, $0xb8;
	[tilespmem:$0x5000] =	vst v63  }
0x28: {  	s15 =	smov.u32 s1;
	s1 =	rddreg [dreg:$0x8]  }
0x29: {  	[tilespmem:s10], [sflag:$0x1] =	stream.indirect.gather [hbm4b:s5+s6], $0x10, s1, s6, $0xb8;
	[tilespmem:$0x5000] =	vst v63  }
0x2a: {  	s0 =	rddreg [dreg:$0x9]  }
0x2b: {  	[tilespmem:s11], [sflag:$0x1] =	stream.indirect.gather [hbm4b:s5+s6], $0x10, s0, s6, $0xb8;
	[tilespmem:$0x5000] =	vst v63  }
0x2c: {  	s1 =	rddreg [dreg:$0xa]  }
0x2d: {  	[tilespmem:s12], [sflag:$0x1] =	stream.indirect.gather [hbm4b:s5+s6], $0x10, s1, s6, $0xb8;
	[tilespmem:$0x5000] =	vst v63  }
0x2e: {  	s0 =	rddreg [dreg:$0xb]  }
0x2f: {  	[tilespmem:s13], [sflag:$0x1] =	stream.indirect.gather [hbm4b:s5+s6], $0x10, s0, s6, $0xb8;
	[tilespmem:$0x5000] =	vst v63  }
0x30: {  	s1 =	rddreg [dreg:$0xc]  }
0x31: {  	[tilespmem:s14], [sflag:$0x1] =	stream.indirect.gather [hbm4b:s5+s6], $0x10, s1, s6, $0xb8;
	[tilespmem:$0x5000] =	vst v63  }
0x32: {  	_ =	swait.ge [sflag:s7], $0x800  }
0x33: {  	[sflag:s7] =	ssyncset.done $0x0  }
0x34: {  	[sflag:s7] =	ssyncadd.s32 $0xFFFFF800  }
0x35: {  	_ =	swait.ge [sflag:s7], $0x800  }
0x36: {  	[sflag:s7] =	ssyncset.done $0x0  }
0x37: {  	[sflag:s7] =	ssyncadd.s32 $0xFFFFF800  }
0x38: {  	_ =	swait.ge [sflag:s7], $0x800  }
0x39: {  	[sflag:s7] =	ssyncset.done $0x0  }
0x3a: {  	[sflag:s7] =	ssyncadd.s32 $0xFFFFF800  }
0x3b: {  	_ =	swait.ge [sflag:s7], $0x800  }
0x3c: {  	[sflag:s7] =	ssyncset.done $0x0  }
0x3d: {  	[sflag:s7] =	ssyncadd.s32 $0xFFFFF800  }
0x3e: {  	_ =	swait.ge [sflag:s7], $0x800  }
0x3f: {  	[sflag:s7] =	ssyncset.done $0x0  }
0x40: {  	[sflag:s7] =	ssyncadd.s32 $0xFFFFF800  }
0x41: {  	_ =	swait.ge [sflag:s7], $0x800  }
0x42: {  	[sflag:s7] =	ssyncset.done $0x0  }
0x43: {  	[sflag:s7] =	ssyncadd.s32 $0xFFFFF800  }
0x44: {  	_ =	swait.ge [sflag:s7], $0x800  }
0x45: {  	[sflag:s7] =	ssyncset.done $0x0  }
0x46: {  	[sflag:s7] =	ssyncadd.s32 $0xFFFFF800  }
0x47: {  	_ =	swait.ge [sflag:s7], $0x800  }
0x48: {  	[sflag:s7] =	ssyncset.done $0x0  }
0x49: {  	s1 =	rddreg [dreg:$0x3];
	[sflag:s7] =	ssyncadd.s32 $0xFFFFF800  }
0x4a: {  	[hbm4b:s1+s2] =	stream.linear.scatter [tilespmem:s4], [sflag:$0x2], $0x4000, $0x38;
	[tilespmem:$0x5000] =	vst v63  }
0x4b: {  	_ =	swait.ge [sflag:s3], $0x4000  }
0x4c: {  	[sflag:s3] =	ssyncset.done $0x0  }
0x4d: {  	s0 =	rddreg [dreg:$0xd];
	[sflag:s3] =	ssyncadd.s32 $0xFFFFC000  }
0x4e: {  	[tilespmem:s4], [sflag:$0x1] =	stream.indirect.gather [hbm4b:s5+s6], $0x10, s0, s6, $0xb8;
	[tilespmem:$0x5000] =	vst v63  }
0x4f: {  	s1 =	rddreg [dreg:$0xe]  }
0x50: {  	[tilespmem:s8], [sflag:$0x1] =	stream.indirect.gather [hbm4b:s5+s6], $0x10, s1, s6, $0xb8;
	[tilespmem:$0x5000] =	vst v63  }
0x51: {  	s0 =	rddreg [dreg:$0xf]  }
0x52: {  	[tilespmem:s9], [sflag:$0x1] =	stream.indirect.gather [hbm4b:s5+s6], $0x10, s0, s6, $0xb8;
	[tilespmem:$0x5000] =	vst v63  }
0x53: {  	s1 =	rddreg [dreg:$0x10]  }
0x54: {  	[tilespmem:s10], [sflag:$0x1] =	stream.indirect.gather [hbm4b:s5+s6], $0x10, s1, s6, $0xb8;
	[tilespmem:$0x5000] =	vst v63  }
0x55: {  	s0 =	rddreg [dreg:$0x11]  }
0x56: {  	[tilespmem:s11], [sflag:$0x1] =	stream.indirect.gather [hbm4b:s5+s6], $0x10, s0, s6, $0xb8;
	[tilespmem:$0x5000] =	vst v63  }
0x57: {  	s1 =	rddreg [dreg:$0x12]  }
0x58: {  	[tilespmem:s12], [sflag:$0x1] =	stream.indirect.gather [hbm4b:s5+s6], $0x10, s1, s6, $0xb8;
	[tilespmem:$0x5000] =	vst v63  }
0x59: {  	s0 =	rddreg [dreg:$0x13]  }
0x5a: {  	[tilespmem:s13], [sflag:$0x1] =	stream.indirect.gather [hbm4b:s5+s6], $0x10, s0, s6, $0xb8;
	[tilespmem:$0x5000] =	vst v63  }
0x5b: {  	s1 =	rddreg [dreg:$0x14]  }
0x5c: {  	[tilespmem:s14], [sflag:$0x1] =	stream.indirect.gather [hbm4b:s5+s6], $0x10, s1, s6, $0xb8;
	[tilespmem:$0x5000] =	vst v63  }
0x5d: {  	_ =	swait.ge [sflag:s7], $0x800  }
0x5e: {  	[sflag:s7] =	ssyncset.done $0x0  }
0x5f: {  	[sflag:s7] =	ssyncadd.s32 $0xFFFFF800  }
0x60: {  	_ =	swait.ge [sflag:s7], $0x800  }
0x61: {  	[sflag:s7] =	ssyncset.done $0x0  }
0x62: {  	[sflag:s7] =	ssyncadd.s32 $0xFFFFF800  }
0x63: {  	_ =	swait.ge [sflag:s7], $0x800  }
0x64: {  	[sflag:s7] =	ssyncset.done $0x0  }
0x65: {  	[sflag:s7] =	ssyncadd.s32 $0xFFFFF800  }
0x66: {  	_ =	swait.ge [sflag:s7], $0x800  }
0x67: {  	[sflag:s7] =	ssyncset.done $0x0  }
0x68: {  	[sflag:s7] =	ssyncadd.s32 $0xFFFFF800  }
0x69: {  	_ =	swait.ge [sflag:s7], $0x800  }
0x6a: {  	[sflag:s7] =	ssyncset.done $0x0  }
0x6b: {  	[sflag:s7] =	ssyncadd.s32 $0xFFFFF800  }
0x6c: {  	_ =	swait.ge [sflag:s7], $0x800  }
0x6d: {  	[sflag:s7] =	ssyncset.done $0x0  }
0x6e: {  	[sflag:s7] =	ssyncadd.s32 $0xFFFFF800  }
0x6f: {  	_ =	swait.ge [sflag:s7], $0x800  }
0x70: {  	[sflag:s7] =	ssyncset.done $0x0  }
0x71: {  	[sflag:s7] =	ssyncadd.s32 $0xFFFFF800  }
0x72: {  	_ =	swait.ge [sflag:s7], $0x800  }
0x73: {  	[sflag:s7] =	ssyncset.done $0x0  }
0x74: {  	s1 =	rddreg [dreg:$0x4];
	[sflag:s7] =	ssyncadd.s32 $0xFFFFF800  }
0x75: {  	[hbm4b:s1+s2] =	stream.linear.scatter [tilespmem:s4], [sflag:$0x2], $0x4000, $0x38;
	[tilespmem:$0x5000] =	vst v63  }
0x76: {  	_ =	swait.ge [sflag:s3], $0x4000  }
0x77: {  	[sflag:s3] =	ssyncset.done $0x0  }
0x78: {  	s1 =	simm.s32 $0x800;
	[sflag:s3] =	ssyncadd.s32 $0xFFFFC000  }
0x79: {  	[tilespmem:s4], [sflag:$0x1] =	stream.indirect.gather [hbm4b:s5+s6], $0x10, s1, s6, $0xb8;
	[tilespmem:$0x5000] =	vst v63  }
0x7a: {  	_ = 	snop  }
0x7b: {  	[tilespmem:s8], [sflag:$0x1] =	stream.indirect.gather [hbm4b:s5+s6], $0x10, s25, s6, $0xb8;
	[tilespmem:$0x5000] =	vst v63  }
0x7c: {  	_ = 	snop  }
0x7d: {  	[tilespmem:s9], [sflag:$0x1] =	stream.indirect.gather [hbm4b:s5+s6], $0x10, s26, s6, $0xb8;
	[tilespmem:$0x5000] =	vst v63  }
0x7e: {  	_ = 	snop  }
0x7f: {  	[tilespmem:s10], [sflag:$0x1] =	stream.indirect.gather [hbm4b:s5+s6], $0x10, s28, s6, $0xb8;
	[tilespmem:$0x5000] =	vst v63  }
0x80: {  	_ = 	snop  }
0x81: {  	[tilespmem:s11], [sflag:$0x1] =	stream.indirect.gather [hbm4b:s5+s6], $0x10, s29, s6, $0xb8;
	[tilespmem:$0x5000] =	vst v63  }
0x82: {  	_ = 	snop  }
0x83: {  	[tilespmem:s12], [sflag:$0x1] =	stream.indirect.gather [hbm4b:s5+s6], $0x10, s30, s6, $0xb8;
	[tilespmem:$0x5000] =	vst v63  }
0x84: {  	_ = 	snop  }
0x85: {  	[tilespmem:s13], [sflag:$0x1] =	stream.indirect.gather [hbm4b:s5+s6], $0x10, s31, s6, $0xb8;
	[tilespmem:$0x5000] =	vst v63  }
0x86: {  	_ = 	snop  }
0x87: {  	[tilespmem:s14], [sflag:$0x1] =	stream.indirect.gather [hbm4b:s5+s6], $0x10, s24, s6, $0xb8;
	[tilespmem:$0x5000] =	vst v63  }
0x88: {  	_ =	swait.ge [sflag:s7], $0x800  }
0x89: {  	[sflag:s7] =	ssyncset.done $0x0  }
0x8a: {  	[sflag:s7] =	ssyncadd.s32 $0xFFFFF800  }
0x8b: {  	_ =	swait.ge [sflag:s7], $0x800  }
0x8c: {  	[sflag:s7] =	ssyncset.done $0x0  }
0x8d: {  	[sflag:s7] =	ssyncadd.s32 $0xFFFFF800  }
0x8e: {  	_ =	swait.ge [sflag:s7], $0x800  }
0x8f: {  	[sflag:s7] =	ssyncset.done $0x0  }
0x90: {  	[sflag:s7] =	ssyncadd.s32 $0xFFFFF800  }
0x91: {  	_ =	swait.ge [sflag:s7], $0x800  }
0x92: {  	[sflag:s7] =	ssyncset.done $0x0  }
0x93: {  	[sflag:s7] =	ssyncadd.s32 $0xFFFFF800  }
0x94: {  	_ =	swait.ge [sflag:s7], $0x800  }
0x95: {  	[sflag:s7] =	ssyncset.done $0x0  }
0x96: {  	[sflag:s7] =	ssyncadd.s32 $0xFFFFF800  }
0x97: {  	_ =	swait.ge [sflag:s7], $0x800  }
0x98: {  	[sflag:s7] =	ssyncset.done $0x0  }
0x99: {  	[sflag:s7] =	ssyncadd.s32 $0xFFFFF800  }
0x9a: {  	_ =	swait.ge [sflag:s7], $0x800  }
0x9b: {  	[sflag:s7] =	ssyncset.done $0x0  }
0x9c: {  	[sflag:s7] =	ssyncadd.s32 $0xFFFFF800  }
0x9d: {  	_ =	swait.ge [sflag:s7], $0x800  }
0x9e: {  	[sflag:s7] =	ssyncset.done $0x0  }
0x9f: {  	s1 =	rddreg [dreg:$0x5];
	[sflag:s7] =	ssyncadd.s32 $0xFFFFF800  }
0xa0: {  	[hbm4b:s1+s2] =	stream.linear.scatter [tilespmem:s4], [sflag:$0x2], $0x4000, $0x38;
	[tilespmem:$0x5000] =	vst v63  }
0xa1: {  	_ =	swait.ge [sflag:s3], $0x4000  }
0xa2: {  	[sflag:s3] =	ssyncset.done $0x0  }
0xa3: {  	[sflag:s3] =	ssyncadd.s32 $0xFFFFC000  }
0xa4: {  	[tilespmem:s4], [sflag:$0x1] =	stream.indirect.gather [hbm4b:s5+s6], $0x10, s16, s6, $0xb8;
	[tilespmem:$0x5000] =	vst v63  }
0xa5: {  	_ = 	snop  }
0xa6: {  	[tilespmem:s8], [sflag:$0x1] =	stream.indirect.gather [hbm4b:s5+s6], $0x10, s17, s6, $0xb8;
	[tilespmem:$0x5000] =	vst v63  }
0xa7: {  	_ = 	snop  }
0xa8: {  	[tilespmem:s9], [sflag:$0x1] =	stream.indirect.gather [hbm4b:s5+s6], $0x10, s18, s6, $0xb8;
	[tilespmem:$0x5000] =	vst v63  }
0xa9: {  	_ = 	snop  }
0xaa: {  	[tilespmem:s10], [sflag:$0x1] =	stream.indirect.gather [hbm4b:s5+s6], $0x10, s19, s6, $0xb8;
	[tilespmem:$0x5000] =	vst v63  }
0xab: {  	_ = 	snop  }
0xac: {  	[tilespmem:s11], [sflag:$0x1] =	stream.indirect.gather [hbm4b:s5+s6], $0x10, s20, s6, $0xb8;
	[tilespmem:$0x5000] =	vst v63  }
0xad: {  	_ = 	snop  }
0xae: {  	[tilespmem:s12], [sflag:$0x1] =	stream.indirect.gather [hbm4b:s5+s6], $0x10, s21, s6, $0xb8;
	[tilespmem:$0x5000] =	vst v63  }
0xaf: {  	_ = 	snop  }
0xb0: {  	[tilespmem:s13], [sflag:$0x1] =	stream.indirect.gather [hbm4b:s5+s6], $0x10, s22, s6, $0xb8;
	[tilespmem:$0x5000] =	vst v63  }
0xb1: {  	_ = 	snop  }
0xb2: {  	[tilespmem:s14], [sflag:$0x1] =	stream.indirect.gather [hbm4b:s5+s6], $0x10, s23, s6, $0xb8;
	[tilespmem:$0x5000] =	vst v63  }
0xb3: {  	_ =	swait.ge [sflag:s7], $0x800  }
0xb4: {  	[sflag:s7] =	ssyncset.done $0x0  }
0xb5: {  	[sflag:s7] =	ssyncadd.s32 $0xFFFFF800  }
0xb6: {  	_ =	swait.ge [sflag:s7], $0x800  }
0xb7: {  	[sflag:s7] =	ssyncset.done $0x0  }
0xb8: {  	[sflag:s7] =	ssyncadd.s32 $0xFFFFF800  }
0xb9: {  	_ =	swait.ge [sflag:s7], $0x800  }
0xba: {  	[sflag:s7] =	ssyncset.done $0x0  }
0xbb: {  	[sflag:s7] =	ssyncadd.s32 $0xFFFFF800  }
0xbc: {  	_ =	swait.ge [sflag:s7], $0x800  }
0xbd: {  	[sflag:s7] =	ssyncset.done $0x0  }
0xbe: {  	[sflag:s7] =	ssyncadd.s32 $0xFFFFF800  }
0xbf: {  	_ =	swait.ge [sflag:s7], $0x800  }
0xc0: {  	[sflag:s7] =	ssyncset.done $0x0  }
0xc1: {  	[sflag:s7] =	ssyncadd.s32 $0xFFFFF800  }
0xc2: {  	_ =	swait.ge [sflag:s7], $0x800  }
0xc3: {  	[sflag:s7] =	ssyncset.done $0x0  }
0xc4: {  	[sflag:s7] =	ssyncadd.s32 $0xFFFFF800  }
0xc5: {  	_ =	swait.ge [sflag:s7], $0x800  }
0xc6: {  	[sflag:s7] =	ssyncset.done $0x0  }
0xc7: {  	[sflag:s7] =	ssyncadd.s32 $0xFFFFF800  }
0xc8: {  	p1 =	sne.s32 s15, $0x1;
	_ =	swait.ge [sflag:s7], $0x800  }
.Ltmp1:
0xc9: {  	[sflag:s7] =	ssyncset.done $0x0;
	(pc) =	sbr.rel @!p1 .LBB2_3-.Ltmp1, $4  }
0xca: {  	s1 =	rddreg [dreg:$0x6];
	[sflag:s7] =	ssyncadd.s32 $0xFFFFF800  }
0xcb: {  	[hbm4b:s1+s2] =	stream.linear.scatter [tilespmem:s4], [sflag:$0x2], $0x4000, $0x38;
	[tilespmem:$0x5000] =	vst v63  }
0xcc: {  	p0 =	por $0x1, $0x1;
	_ =	swait.ge [sflag:s3], $0x4000  }
0xcd: {  	s1 =	sadd.s32 $0xFFFFFFFF, s15;
	s0 =	rddreg [dreg:$0x2];
	[sflag:s3] =	ssyncset.done $0x0  }
.LBB2_4:
0xce: {  	[sflag:s3] =	ssyncadd.s32 $0xFFFFC000  }
0xcf: {  	[tilespmem:s2], [sflag:$0x2] =	stream.linear.gather [hbm4b:s0+s2], $0x1000, $0x38;
	[tilespmem:$0x5000] =	vst v63  }
0xd0: {  	_ =	swait.ge [sflag:s3], $0x1000  }
0xd1: {  	[sflag:s3] =	ssyncset.done $0x0  }
0xd2: {  	[sflag:s3] =	ssyncadd.s32 $0xFFFFF000  }
0xd3: {  	[tilespmem:s4], [sflag:$0x1] =	stream.indirect.gather [hbm4b:s5+s6], $0x10, s2, s6, $0xb8;
	[tilespmem:$0x5000] =	vst v63  }
0xd4: {  	_ = 	snop  }
0xd5: {  	[tilespmem:s8], [sflag:$0x1] =	stream.indirect.gather [hbm4b:s5+s6], $0x10, s6, s6, $0xb8;
	[tilespmem:$0x5000] =	vst v63  }
0xd6: {  	s0 =	rddreg [dreg:$0x7]  }
0xd7: {  	[tilespmem:s9], [sflag:$0x1] =	stream.indirect.gather [hbm4b:s5+s6], $0x10, s0, s6, $0xb8;
	[tilespmem:$0x5000] =	vst v63  }
0xd8: {  	s15 =	rddreg [dreg:$0x8]  }
0xd9: {  	[tilespmem:s10], [sflag:$0x1] =	stream.indirect.gather [hbm4b:s5+s6], $0x10, s15, s6, $0xb8;
	[tilespmem:$0x5000] =	vst v63  }
0xda: {  	s0 =	rddreg [dreg:$0x9]  }
0xdb: {  	[tilespmem:s11], [sflag:$0x1] =	stream.indirect.gather [hbm4b:s5+s6], $0x10, s0, s6, $0xb8;
	[tilespmem:$0x5000] =	vst v63  }
0xdc: {  	s15 =	rddreg [dreg:$0xa]  }
0xdd: {  	[tilespmem:s12], [sflag:$0x1] =	stream.indirect.gather [hbm4b:s5+s6], $0x10, s15, s6, $0xb8;
	[tilespmem:$0x5000] =	vst v63  }
0xde: {  	s0 =	rddreg [dreg:$0xb]  }
0xdf: {  	[tilespmem:s13], [sflag:$0x1] =	stream.indirect.gather [hbm4b:s5+s6], $0x10, s0, s6, $0xb8;
	[tilespmem:$0x5000] =	vst v63  }
0xe0: {  	s15 =	rddreg [dreg:$0xc]  }
0xe1: {  	[tilespmem:s14], [sflag:$0x1] =	stream.indirect.gather [hbm4b:s5+s6], $0x10, s15, s6, $0xb8;
	[tilespmem:$0x5000] =	vst v63  }
0xe2: {  	_ =	swait.ge [sflag:s7], $0x800  }
0xe3: {  	[sflag:s7] =	ssyncset.done $0x0  }
0xe4: {  	[sflag:s7] =	ssyncadd.s32 $0xFFFFF800  }
0xe5: {  	_ =	swait.ge [sflag:s7], $0x800  }
0xe6: {  	[sflag:s7] =	ssyncset.done $0x0  }
0xe7: {  	[sflag:s7] =	ssyncadd.s32 $0xFFFFF800  }
0xe8: {  	_ =	swait.ge [sflag:s7], $0x800  }
0xe9: {  	[sflag:s7] =	ssyncset.done $0x0  }
0xea: {  	[sflag:s7] =	ssyncadd.s32 $0xFFFFF800  }
0xeb: {  	_ =	swait.ge [sflag:s7], $0x800  }
0xec: {  	[sflag:s7] =	ssyncset.done $0x0  }
0xed: {  	[sflag:s7] =	ssyncadd.s32 $0xFFFFF800  }
0xee: {  	_ =	swait.ge [sflag:s7], $0x800  }
0xef: {  	[sflag:s7] =	ssyncset.done $0x0  }
0xf0: {  	[sflag:s7] =	ssyncadd.s32 $0xFFFFF800  }
0xf1: {  	_ =	swait.ge [sflag:s7], $0x800  }
0xf2: {  	[sflag:s7] =	ssyncset.done $0x0  }
0xf3: {  	[sflag:s7] =	ssyncadd.s32 $0xFFFFF800  }
0xf4: {  	_ =	swait.ge [sflag:s7], $0x800  }
0xf5: {  	[sflag:s7] =	ssyncset.done $0x0  }
0xf6: {  	[sflag:s7] =	ssyncadd.s32 $0xFFFFF800  }
0xf7: {  	_ =	swait.ge [sflag:s7], $0x800  }
0xf8: {  	[sflag:s7] =	ssyncset.done $0x0  }
0xf9: {  	s15 =	rddreg [dreg:$0x3];
	[sflag:s7] =	ssyncadd.s32 $0xFFFFF800  }
0xfa: {  	[hbm4b:s15+s2] =	stream.linear.scatter [tilespmem:s4], [sflag:$0x2], $0x4000, $0x38;
	[tilespmem:$0x5000] =	vst v63  }
0xfb: {  	_ =	swait.ge [sflag:s3], $0x4000  }
0xfc: {  	[sflag:s3] =	ssyncset.done $0x0  }
0xfd: {  	s0 =	rddreg [dreg:$0xd];
	[sflag:s3] =	ssyncadd.s32 $0xFFFFC000  }
0xfe: {  	[tilespmem:s4], [sflag:$0x1] =	stream.indirect.gather [hbm4b:s5+s6], $0x10, s0, s6, $0xb8;
	[tilespmem:$0x5000] =	vst v63  }
0xff: {  	s15 =	rddreg [dreg:$0xe]  }
0x100: {  	[tilespmem:s8], [sflag:$0x1] =	stream.indirect.gather [hbm4b:s5+s6], $0x10, s15, s6, $0xb8;
	[tilespmem:$0x5000] =	vst v63  }
0x101: {  	s0 =	rddreg [dreg:$0xf]  }
0x102: {  	[tilespmem:s9], [sflag:$0x1] =	stream.indirect.gather [hbm4b:s5+s6], $0x10, s0, s6, $0xb8;
	[tilespmem:$0x5000] =	vst v63  }
0x103: {  	s15 =	rddreg [dreg:$0x10]  }
0x104: {  	[tilespmem:s10], [sflag:$0x1] =	stream.indirect.gather [hbm4b:s5+s6], $0x10, s15, s6, $0xb8;
	[tilespmem:$0x5000] =	vst v63  }
0x105: {  	s0 =	rddreg [dreg:$0x11]  }
0x106: {  	[tilespmem:s11], [sflag:$0x1] =	stream.indirect.gather [hbm4b:s5+s6], $0x10, s0, s6, $0xb8;
	[tilespmem:$0x5000] =	vst v63  }
0x107: {  	s15 =	rddreg [dreg:$0x12]  }
0x108: {  	[tilespmem:s12], [sflag:$0x1] =	stream.indirect.gather [hbm4b:s5+s6], $0x10, s15, s6, $0xb8;
	[tilespmem:$0x5000] =	vst v63  }
0x109: {  	s0 =	rddreg [dreg:$0x13]  }
0x10a: {  	[tilespmem:s13], [sflag:$0x1] =	stream.indirect.gather [hbm4b:s5+s6], $0x10, s0, s6, $0xb8;
	[tilespmem:$0x5000] =	vst v63  }
0x10b: {  	s15 =	rddreg [dreg:$0x14]  }
0x10c: {  	[tilespmem:s14], [sflag:$0x1] =	stream.indirect.gather [hbm4b:s5+s6], $0x10, s15, s6, $0xb8;
	[tilespmem:$0x5000] =	vst v63  }
0x10d: {  	_ =	swait.ge [sflag:s7], $0x800  }
0x10e: {  	[sflag:s7] =	ssyncset.done $0x0  }
0x10f: {  	[sflag:s7] =	ssyncadd.s32 $0xFFFFF800  }
0x110: {  	_ =	swait.ge [sflag:s7], $0x800  }
0x111: {  	[sflag:s7] =	ssyncset.done $0x0  }
0x112: {  	[sflag:s7] =	ssyncadd.s32 $0xFFFFF800  }
0x113: {  	_ =	swait.ge [sflag:s7], $0x800  }
0x114: {  	[sflag:s7] =	ssyncset.done $0x0  }
0x115: {  	[sflag:s7] =	ssyncadd.s32 $0xFFFFF800  }
0x116: {  	_ =	swait.ge [sflag:s7], $0x800  }
0x117: {  	[sflag:s7] =	ssyncset.done $0x0  }
0x118: {  	[sflag:s7] =	ssyncadd.s32 $0xFFFFF800  }
0x119: {  	_ =	swait.ge [sflag:s7], $0x800  }
0x11a: {  	[sflag:s7] =	ssyncset.done $0x0  }
0x11b: {  	[sflag:s7] =	ssyncadd.s32 $0xFFFFF800  }
0x11c: {  	_ =	swait.ge [sflag:s7], $0x800  }
0x11d: {  	[sflag:s7] =	ssyncset.done $0x0  }
0x11e: {  	[sflag:s7] =	ssyncadd.s32 $0xFFFFF800  }
0x11f: {  	_ =	swait.ge [sflag:s7], $0x800  }
0x120: {  	[sflag:s7] =	ssyncset.done $0x0  }
0x121: {  	[sflag:s7] =	ssyncadd.s32 $0xFFFFF800  }
0x122: {  	_ =	swait.ge [sflag:s7], $0x800  }
0x123: {  	[sflag:s7] =	ssyncset.done $0x0  }
0x124: {  	s15 =	rddreg [dreg:$0x4];
	[sflag:s7] =	ssyncadd.s32 $0xFFFFF800  }
0x125: {  	[hbm4b:s15+s2] =	stream.linear.scatter [tilespmem:s4], [sflag:$0x2], $0x4000, $0x38;
	[tilespmem:$0x5000] =	vst v63  }
0x126: {  	_ =	swait.ge [sflag:s3], $0x4000  }
0x127: {  	[sflag:s3] =	ssyncset.done $0x0  }
0x128: {  	s15 =	simm.s32 $0x800;
	[sflag:s3] =	ssyncadd.s32 $0xFFFFC000  }
0x129: {  	[tilespmem:s4], [sflag:$0x1] =	stream.indirect.gather [hbm4b:s5+s6], $0x10, s15, s6, $0xb8;
	[tilespmem:$0x5000] =	vst v63  }
0x12a: {  	_ = 	snop  }
0x12b: {  	[tilespmem:s8], [sflag:$0x1] =	stream.indirect.gather [hbm4b:s5+s6], $0x10, s25, s6, $0xb8;
	[tilespmem:$0x5000] =	vst v63  }
0x12c: {  	_ = 	snop  }
0x12d: {  	[tilespmem:s9], [sflag:$0x1] =	stream.indirect.gather [hbm4b:s5+s6], $0x10, s26, s6, $0xb8;
	[tilespmem:$0x5000] =	vst v63  }
0x12e: {  	_ = 	snop  }
0x12f: {  	[tilespmem:s10], [sflag:$0x1] =	stream.indirect.gather [hbm4b:s5+s6], $0x10, s28, s6, $0xb8;
	[tilespmem:$0x5000] =	vst v63  }
0x130: {  	_ = 	snop  }
0x131: {  	[tilespmem:s11], [sflag:$0x1] =	stream.indirect.gather [hbm4b:s5+s6], $0x10, s29, s6, $0xb8;
	[tilespmem:$0x5000] =	vst v63  }
0x132: {  	_ = 	snop  }
0x133: {  	[tilespmem:s12], [sflag:$0x1] =	stream.indirect.gather [hbm4b:s5+s6], $0x10, s30, s6, $0xb8;
	[tilespmem:$0x5000] =	vst v63  }
0x134: {  	_ = 	snop  }
0x135: {  	[tilespmem:s13], [sflag:$0x1] =	stream.indirect.gather [hbm4b:s5+s6], $0x10, s31, s6, $0xb8;
	[tilespmem:$0x5000] =	vst v63  }
0x136: {  	_ = 	snop  }
0x137: {  	[tilespmem:s14], [sflag:$0x1] =	stream.indirect.gather [hbm4b:s5+s6], $0x10, s24, s6, $0xb8;
	[tilespmem:$0x5000] =	vst v63  }
0x138: {  	_ =	swait.ge [sflag:s7], $0x800  }
0x139: {  	[sflag:s7] =	ssyncset.done $0x0  }
0x13a: {  	[sflag:s7] =	ssyncadd.s32 $0xFFFFF800  }
0x13b: {  	_ =	swait.ge [sflag:s7], $0x800  }
0x13c: {  	[sflag:s7] =	ssyncset.done $0x0  }
0x13d: {  	[sflag:s7] =	ssyncadd.s32 $0xFFFFF800  }
0x13e: {  	_ =	swait.ge [sflag:s7], $0x800  }
0x13f: {  	[sflag:s7] =	ssyncset.done $0x0  }
0x140: {  	[sflag:s7] =	ssyncadd.s32 $0xFFFFF800  }
0x141: {  	_ =	swait.ge [sflag:s7], $0x800  }
0x142: {  	[sflag:s7] =	ssyncset.done $0x0  }
0x143: {  	[sflag:s7] =	ssyncadd.s32 $0xFFFFF800  }
0x144: {  	_ =	swait.ge [sflag:s7], $0x800  }
0x145: {  	[sflag:s7] =	ssyncset.done $0x0  }
0x146: {  	[sflag:s7] =	ssyncadd.s32 $0xFFFFF800  }
0x147: {  	_ =	swait.ge [sflag:s7], $0x800  }
0x148: {  	[sflag:s7] =	ssyncset.done $0x0  }
0x149: {  	[sflag:s7] =	ssyncadd.s32 $0xFFFFF800  }
0x14a: {  	_ =	swait.ge [sflag:s7], $0x800  }
0x14b: {  	[sflag:s7] =	ssyncset.done $0x0  }
0x14c: {  	[sflag:s7] =	ssyncadd.s32 $0xFFFFF800  }
0x14d: {  	_ =	swait.ge [sflag:s7], $0x800  }
0x14e: {  	[sflag:s7] =	ssyncset.done $0x0  }
0x14f: {  	s15 =	rddreg [dreg:$0x5];
	[sflag:s7] =	ssyncadd.s32 $0xFFFFF800  }
0x150: {  	[hbm4b:s15+s2] =	stream.linear.scatter [tilespmem:s4], [sflag:$0x2], $0x4000, $0x38;
	[tilespmem:$0x5000] =	vst v63  }
0x151: {  	_ =	swait.ge [sflag:s3], $0x4000  }
0x152: {  	[sflag:s3] =	ssyncset.done $0x0  }
0x153: {  	[sflag:s3] =	ssyncadd.s32 $0xFFFFC000  }
0x154: {  	[tilespmem:s4], [sflag:$0x1] =	stream.indirect.gather [hbm4b:s5+s6], $0x10, s16, s6, $0xb8;
	[tilespmem:$0x5000] =	vst v63  }
0x155: {  	_ = 	snop  }
0x156: {  	[tilespmem:s8], [sflag:$0x1] =	stream.indirect.gather [hbm4b:s5+s6], $0x10, s17, s6, $0xb8;
	[tilespmem:$0x5000] =	vst v63  }
0x157: {  	_ = 	snop  }
0x158: {  	[tilespmem:s9], [sflag:$0x1] =	stream.indirect.gather [hbm4b:s5+s6], $0x10, s18, s6, $0xb8;
	[tilespmem:$0x5000] =	vst v63  }
0x159: {  	_ = 	snop  }
0x15a: {  	[tilespmem:s10], [sflag:$0x1] =	stream.indirect.gather [hbm4b:s5+s6], $0x10, s19, s6, $0xb8;
	[tilespmem:$0x5000] =	vst v63  }
0x15b: {  	_ = 	snop  }
0x15c: {  	[tilespmem:s11], [sflag:$0x1] =	stream.indirect.gather [hbm4b:s5+s6], $0x10, s20, s6, $0xb8;
	[tilespmem:$0x5000] =	vst v63  }
0x15d: {  	_ = 	snop  }
0x15e: {  	[tilespmem:s12], [sflag:$0x1] =	stream.indirect.gather [hbm4b:s5+s6], $0x10, s21, s6, $0xb8;
	[tilespmem:$0x5000] =	vst v63  }
0x15f: {  	_ = 	snop  }
0x160: {  	[tilespmem:s13], [sflag:$0x1] =	stream.indirect.gather [hbm4b:s5+s6], $0x10, s22, s6, $0xb8;
	[tilespmem:$0x5000] =	vst v63  }
0x161: {  	_ = 	snop  }
0x162: {  	[tilespmem:s14], [sflag:$0x1] =	stream.indirect.gather [hbm4b:s5+s6], $0x10, s23, s6, $0xb8;
	[tilespmem:$0x5000] =	vst v63  }
0x163: {  	_ =	swait.ge [sflag:s7], $0x800  }
0x164: {  	[sflag:s7] =	ssyncset.done $0x0  }
0x165: {  	[sflag:s7] =	ssyncadd.s32 $0xFFFFF800  }
0x166: {  	_ =	swait.ge [sflag:s7], $0x800  }
0x167: {  	[sflag:s7] =	ssyncset.done $0x0  }
0x168: {  	[sflag:s7] =	ssyncadd.s32 $0xFFFFF800  }
0x169: {  	_ =	swait.ge [sflag:s7], $0x800  }
0x16a: {  	[sflag:s7] =	ssyncset.done $0x0  }
0x16b: {  	[sflag:s7] =	ssyncadd.s32 $0xFFFFF800  }
0x16c: {  	_ =	swait.ge [sflag:s7], $0x800  }
0x16d: {  	[sflag:s7] =	ssyncset.done $0x0  }
0x16e: {  	[sflag:s7] =	ssyncadd.s32 $0xFFFFF800  }
0x16f: {  	_ =	swait.ge [sflag:s7], $0x800  }
0x170: {  	[sflag:s7] =	ssyncset.done $0x0  }
0x171: {  	[sflag:s7] =	ssyncadd.s32 $0xFFFFF800  }
0x172: {  	_ =	swait.ge [sflag:s7], $0x800  }
0x173: {  	[sflag:s7] =	ssyncset.done $0x0  }
0x174: {  	[sflag:s7] =	ssyncadd.s32 $0xFFFFF800  }
0x175: {  	_ =	swait.ge [sflag:s7], $0x800  }
0x176: {  	[sflag:s7] =	ssyncset.done $0x0  }
0x177: {  	[sflag:s7] =	ssyncadd.s32 $0xFFFFF800  }
0x178: {  	p1 =	sne.s32 s1, $0x1;
	_ =	swait.ge [sflag:s7], $0x800  }
.Ltmp2:
0x179: {  	[sflag:s7] =	ssyncset.done $0x0;
	(pc) =	sbr.rel @p1 .LBB2_4-.Ltmp2, $4  }
0x17a: {  	s15 =	rddreg [dreg:$0x6];
	[sflag:s7] =	ssyncadd.s32 $0xFFFFF800  }
0x17b: {  	[hbm4b:s15+s2] =	stream.linear.scatter [tilespmem:s4], [sflag:$0x2], $0x4000, $0x38;
	[tilespmem:$0x5000] =	vst v63  }
0x17c: {  	_ =	swait.ge [sflag:s3], $0x4000  }
0x17d: {  	s1 =	sadd.s32 $0xFFFFFFFF, s1;
	s0 =	rddreg [dreg:$0x2];
	[sflag:s3] =	ssyncset.done $0x0  }
0x17e: {  	s23 =	simm.s32 $0xB80  }
0x17f: {  	s31 =	simm.s32 $0xB00;
	s30 =	simm.s32 $0xA80;
	s29 =	simm.s32 $0xA00  }
0x180: {  	s28 =	simm.s32 $0x980;
	s26 =	simm.s32 $0x900;
	s25 =	simm.s32 $0x880  }
0x181: {  	s24 =	simm.s32 $0x800;
	s22 =	simm.s32 $0xF00;
	s21 =	simm.s32 $0xE80  }
0x182: {  	s20 =	simm.s32 $0xE00;
	s19 =	simm.s32 $0xD80;
	s18 =	simm.s32 $0xD00  }
0x183: {  	s17 =	simm.s32 $0xC80;
	s16 =	simm.s32 $0xC00;
	s15 =	stileid.u32  }
.LBB2_6:
0x184: {  	[sflag:s3] =	ssyncadd.s32 @p0 $0xFFFFC000  }
0x185: {  	[tilespmem:s2], [sflag:$0x2] =	stream.linear.gather [hbm4b:s0+s2], $0x1000, $0x38;
	[tilespmem:$0x5000] =	vst v63  }
0x186: {  	_ =	swait.ge [sflag:s3], $0x1000  }
0x187: {  	[sflag:s3] =	ssyncset.done $0x0  }
0x188: {  	[sflag:s3] =	ssyncadd.s32 $0xFFFFF000  }
0x189: {  	[tilespmem:s4], [sflag:$0x1] =	stream.indirect.gather [hbm4b:s5+s6], $0x10, s2, s6, $0xb8;
	[tilespmem:$0x5000] =	vst v63  }
0x18a: {  	_ = 	snop  }
0x18b: {  	[tilespmem:s8], [sflag:$0x1] =	stream.indirect.gather [hbm4b:s5+s6], $0x10, s6, s6, $0xb8;
	[tilespmem:$0x5000] =	vst v63  }
0x18c: {  	s0 =	rddreg [dreg:$0x7]  }
0x18d: {  	[tilespmem:s9], [sflag:$0x1] =	stream.indirect.gather [hbm4b:s5+s6], $0x10, s0, s6, $0xb8;
	[tilespmem:$0x5000] =	vst v63  }
0x18e: {  	s1 =	rddreg [dreg:$0x8]  }
0x18f: {  	[tilespmem:s10], [sflag:$0x1] =	stream.indirect.gather [hbm4b:s5+s6], $0x10, s1, s6, $0xb8;
	[tilespmem:$0x5000] =	vst v63  }
0x190: {  	s0 =	rddreg [dreg:$0x9]  }
0x191: {  	[tilespmem:s11], [sflag:$0x1] =	stream.indirect.gather [hbm4b:s5+s6], $0x10, s0, s6, $0xb8;
	[tilespmem:$0x5000] =	vst v63  }
0x192: {  	s1 =	rddreg [dreg:$0xa]  }
0x193: {  	[tilespmem:s12], [sflag:$0x1] =	stream.indirect.gather [hbm4b:s5+s6], $0x10, s1, s6, $0xb8;
	[tilespmem:$0x5000] =	vst v63  }
0x194: {  	s0 =	rddreg [dreg:$0xb]  }
0x195: {  	[tilespmem:s13], [sflag:$0x1] =	stream.indirect.gather [hbm4b:s5+s6], $0x10, s0, s6, $0xb8;
	[tilespmem:$0x5000] =	vst v63  }
0x196: {  	s1 =	rddreg [dreg:$0xc]  }
0x197: {  	[tilespmem:s14], [sflag:$0x1] =	stream.indirect.gather [hbm4b:s5+s6], $0x10, s1, s6, $0xb8;
	[tilespmem:$0x5000] =	vst v63  }
0x198: {  	_ =	swait.ge [sflag:s7], $0x800  }
0x199: {  	[sflag:s7] =	ssyncset.done $0x0  }
0x19a: {  	[sflag:s7] =	ssyncadd.s32 $0xFFFFF800  }
0x19b: {  	_ =	swait.ge [sflag:s7], $0x800  }
0x19c: {  	[sflag:s7] =	ssyncset.done $0x0  }
0x19d: {  	[sflag:s7] =	ssyncadd.s32 $0xFFFFF800  }
0x19e: {  	_ =	swait.ge [sflag:s7], $0x800  }
0x19f: {  	[sflag:s7] =	ssyncset.done $0x0  }
0x1a0: {  	[sflag:s7] =	ssyncadd.s32 $0xFFFFF800  }
0x1a1: {  	_ =	swait.ge [sflag:s7], $0x800  }
0x1a2: {  	[sflag:s7] =	ssyncset.done $0x0  }
0x1a3: {  	[sflag:s7] =	ssyncadd.s32 $0xFFFFF800  }
0x1a4: {  	_ =	swait.ge [sflag:s7], $0x800  }
0x1a5: {  	[sflag:s7] =	ssyncset.done $0x0  }
0x1a6: {  	[sflag:s7] =	ssyncadd.s32 $0xFFFFF800  }
0x1a7: {  	_ =	swait.ge [sflag:s7], $0x800  }
0x1a8: {  	[sflag:s7] =	ssyncset.done $0x0  }
0x1a9: {  	[sflag:s7] =	ssyncadd.s32 $0xFFFFF800  }
0x1aa: {  	_ =	swait.ge [sflag:s7], $0x800  }
0x1ab: {  	[sflag:s7] =	ssyncset.done $0x0  }
0x1ac: {  	[sflag:s7] =	ssyncadd.s32 $0xFFFFF800  }
0x1ad: {  	_ =	swait.ge [sflag:s7], $0x800  }
0x1ae: {  	[sflag:s7] =	ssyncset.done $0x0  }
0x1af: {  	s1 =	rddreg [dreg:$0x3];
	[sflag:s7] =	ssyncadd.s32 $0xFFFFF800  }
0x1b0: {  	[hbm4b:s1+s2] =	stream.linear.scatter [tilespmem:s4], [sflag:$0x2], $0x4000, $0x38;
	[tilespmem:$0x5000] =	vst v63  }
0x1b1: {  	_ =	swait.ge [sflag:s3], $0x4000  }
0x1b2: {  	[sflag:s3] =	ssyncset.done $0x0  }
0x1b3: {  	s0 =	rddreg [dreg:$0xd];
	[sflag:s3] =	ssyncadd.s32 $0xFFFFC000  }
0x1b4: {  	[tilespmem:s4], [sflag:$0x1] =	stream.indirect.gather [hbm4b:s5+s6], $0x10, s0, s6, $0xb8;
	[tilespmem:$0x5000] =	vst v63  }
0x1b5: {  	s1 =	rddreg [dreg:$0xe]  }
0x1b6: {  	[tilespmem:s8], [sflag:$0x1] =	stream.indirect.gather [hbm4b:s5+s6], $0x10, s1, s6, $0xb8;
	[tilespmem:$0x5000] =	vst v63  }
0x1b7: {  	s0 =	rddreg [dreg:$0xf]  }
0x1b8: {  	[tilespmem:s9], [sflag:$0x1] =	stream.indirect.gather [hbm4b:s5+s6], $0x10, s0, s6, $0xb8;
	[tilespmem:$0x5000] =	vst v63  }
0x1b9: {  	s1 =	rddreg [dreg:$0x10]  }
0x1ba: {  	[tilespmem:s10], [sflag:$0x1] =	stream.indirect.gather [hbm4b:s5+s6], $0x10, s1, s6, $0xb8;
	[tilespmem:$0x5000] =	vst v63  }
0x1bb: {  	s0 =	rddreg [dreg:$0x11]  }
0x1bc: {  	[tilespmem:s11], [sflag:$0x1] =	stream.indirect.gather [hbm4b:s5+s6], $0x10, s0, s6, $0xb8;
	[tilespmem:$0x5000] =	vst v63  }
0x1bd: {  	s1 =	rddreg [dreg:$0x12]  }
0x1be: {  	[tilespmem:s12], [sflag:$0x1] =	stream.indirect.gather [hbm4b:s5+s6], $0x10, s1, s6, $0xb8;
	[tilespmem:$0x5000] =	vst v63  }
0x1bf: {  	s0 =	rddreg [dreg:$0x13]  }
0x1c0: {  	[tilespmem:s13], [sflag:$0x1] =	stream.indirect.gather [hbm4b:s5+s6], $0x10, s0, s6, $0xb8;
	[tilespmem:$0x5000] =	vst v63  }
0x1c1: {  	s1 =	rddreg [dreg:$0x14]  }
0x1c2: {  	[tilespmem:s14], [sflag:$0x1] =	stream.indirect.gather [hbm4b:s5+s6], $0x10, s1, s6, $0xb8;
	[tilespmem:$0x5000] =	vst v63  }
0x1c3: {  	_ =	swait.ge [sflag:s7], $0x800  }
0x1c4: {  	[sflag:s7] =	ssyncset.done $0x0  }
0x1c5: {  	[sflag:s7] =	ssyncadd.s32 $0xFFFFF800  }
0x1c6: {  	_ =	swait.ge [sflag:s7], $0x800  }
0x1c7: {  	[sflag:s7] =	ssyncset.done $0x0  }
0x1c8: {  	[sflag:s7] =	ssyncadd.s32 $0xFFFFF800  }
0x1c9: {  	_ =	swait.ge [sflag:s7], $0x800  }
0x1ca: {  	[sflag:s7] =	ssyncset.done $0x0  }
0x1cb: {  	[sflag:s7] =	ssyncadd.s32 $0xFFFFF800  }
0x1cc: {  	_ =	swait.ge [sflag:s7], $0x800  }
0x1cd: {  	[sflag:s7] =	ssyncset.done $0x0  }
0x1ce: {  	[sflag:s7] =	ssyncadd.s32 $0xFFFFF800  }
0x1cf: {  	_ =	swait.ge [sflag:s7], $0x800  }
0x1d0: {  	[sflag:s7] =	ssyncset.done $0x0  }
0x1d1: {  	[sflag:s7] =	ssyncadd.s32 $0xFFFFF800  }
0x1d2: {  	_ =	swait.ge [sflag:s7], $0x800  }
0x1d3: {  	[sflag:s7] =	ssyncset.done $0x0  }
0x1d4: {  	[sflag:s7] =	ssyncadd.s32 $0xFFFFF800  }
0x1d5: {  	_ =	swait.ge [sflag:s7], $0x800  }
0x1d6: {  	[sflag:s7] =	ssyncset.done $0x0  }
0x1d7: {  	[sflag:s7] =	ssyncadd.s32 $0xFFFFF800  }
0x1d8: {  	_ =	swait.ge [sflag:s7], $0x800  }
0x1d9: {  	[sflag:s7] =	ssyncset.done $0x0  }
0x1da: {  	s1 =	rddreg [dreg:$0x4];
	[sflag:s7] =	ssyncadd.s32 $0xFFFFF800  }
0x1db: {  	[hbm4b:s1+s2] =	stream.linear.scatter [tilespmem:s4], [sflag:$0x2], $0x4000, $0x38;
	[tilespmem:$0x5000] =	vst v63  }
0x1dc: {  	_ =	swait.ge [sflag:s3], $0x4000  }
0x1dd: {  	[sflag:s3] =	ssyncset.done $0x0  }
0x1de: {  	[sflag:s3] =	ssyncadd.s32 $0xFFFFC000  }
0x1df: {  	[tilespmem:s4], [sflag:$0x1] =	stream.indirect.gather [hbm4b:s5+s6], $0x10, s24, s6, $0xb8;
	[tilespmem:$0x5000] =	vst v63  }
0x1e0: {  	_ = 	snop  }
0x1e1: {  	[tilespmem:s8], [sflag:$0x1] =	stream.indirect.gather [hbm4b:s5+s6], $0x10, s25, s6, $0xb8;
	[tilespmem:$0x5000] =	vst v63  }
0x1e2: {  	_ = 	snop  }
0x1e3: {  	[tilespmem:s9], [sflag:$0x1] =	stream.indirect.gather [hbm4b:s5+s6], $0x10, s26, s6, $0xb8;
	[tilespmem:$0x5000] =	vst v63  }
0x1e4: {  	_ = 	snop  }
0x1e5: {  	[tilespmem:s10], [sflag:$0x1] =	stream.indirect.gather [hbm4b:s5+s6], $0x10, s28, s6, $0xb8;
	[tilespmem:$0x5000] =	vst v63  }
0x1e6: {  	_ = 	snop  }
0x1e7: {  	[tilespmem:s11], [sflag:$0x1] =	stream.indirect.gather [hbm4b:s5+s6], $0x10, s29, s6, $0xb8;
	[tilespmem:$0x5000] =	vst v63  }
0x1e8: {  	_ = 	snop  }
0x1e9: {  	[tilespmem:s12], [sflag:$0x1] =	stream.indirect.gather [hbm4b:s5+s6], $0x10, s30, s6, $0xb8;
	[tilespmem:$0x5000] =	vst v63  }
0x1ea: {  	_ = 	snop  }
0x1eb: {  	[tilespmem:s13], [sflag:$0x1] =	stream.indirect.gather [hbm4b:s5+s6], $0x10, s31, s6, $0xb8;
	[tilespmem:$0x5000] =	vst v63  }
0x1ec: {  	_ = 	snop  }
0x1ed: {  	[tilespmem:s14], [sflag:$0x1] =	stream.indirect.gather [hbm4b:s5+s6], $0x10, s23, s6, $0xb8;
	[tilespmem:$0x5000] =	vst v63  }
0x1ee: {  	_ =	swait.ge [sflag:s7], $0x800  }
0x1ef: {  	[sflag:s7] =	ssyncset.done $0x0  }
0x1f0: {  	[sflag:s7] =	ssyncadd.s32 $0xFFFFF800  }
0x1f1: {  	_ =	swait.ge [sflag:s7], $0x800  }
0x1f2: {  	[sflag:s7] =	ssyncset.done $0x0  }
0x1f3: {  	[sflag:s7] =	ssyncadd.s32 $0xFFFFF800  }
0x1f4: {  	_ =	swait.ge [sflag:s7], $0x800  }
0x1f5: {  	[sflag:s7] =	ssyncset.done $0x0  }
0x1f6: {  	[sflag:s7] =	ssyncadd.s32 $0xFFFFF800  }
0x1f7: {  	_ =	swait.ge [sflag:s7], $0x800  }
0x1f8: {  	[sflag:s7] =	ssyncset.done $0x0  }
0x1f9: {  	[sflag:s7] =	ssyncadd.s32 $0xFFFFF800  }
0x1fa: {  	_ =	swait.ge [sflag:s7], $0x800  }
0x1fb: {  	[sflag:s7] =	ssyncset.done $0x0  }
0x1fc: {  	[sflag:s7] =	ssyncadd.s32 $0xFFFFF800  }
0x1fd: {  	_ =	swait.ge [sflag:s7], $0x800  }
0x1fe: {  	[sflag:s7] =	ssyncset.done $0x0  }
0x1ff: {  	[sflag:s7] =	ssyncadd.s32 $0xFFFFF800  }
0x200: {  	_ =	swait.ge [sflag:s7], $0x800  }
0x201: {  	[sflag:s7] =	ssyncset.done $0x0  }
0x202: {  	[sflag:s7] =	ssyncadd.s32 $0xFFFFF800  }
0x203: {  	_ =	swait.ge [sflag:s7], $0x800  }
0x204: {  	[sflag:s7] =	ssyncset.done $0x0  }
0x205: {  	s29 =	rddreg [dreg:$0x5];
	[sflag:s7] =	ssyncadd.s32 $0xFFFFF800  }
0x206: {  	[hbm4b:s29+s2] =	stream.linear.scatter [tilespmem:s4], [sflag:$0x2], $0x4000, $0x38;
	[tilespmem:$0x5000] =	vst v63  }
0x207: {  	_ =	swait.ge [sflag:s3], $0x4000  }
0x208: {  	[sflag:s3] =	ssyncset.done $0x0  }
0x209: {  	[sflag:s3] =	ssyncadd.s32 $0xFFFFC000  }
0x20a: {  	[tilespmem:s4], [sflag:$0x1] =	stream.indirect.gather [hbm4b:s5+s6], $0x10, s16, s6, $0xb8;
	[tilespmem:$0x5000] =	vst v63  }
0x20b: {  	_ = 	snop  }
0x20c: {  	[tilespmem:s8], [sflag:$0x1] =	stream.indirect.gather [hbm4b:s5+s6], $0x10, s17, s6, $0xb8;
	[tilespmem:$0x5000] =	vst v63  }
0x20d: {  	_ = 	snop  }
0x20e: {  	[tilespmem:s9], [sflag:$0x1] =	stream.indirect.gather [hbm4b:s5+s6], $0x10, s18, s6, $0xb8;
	[tilespmem:$0x5000] =	vst v63  }
0x20f: {  	_ = 	snop  }
0x210: {  	[tilespmem:s10], [sflag:$0x1] =	stream.indirect.gather [hbm4b:s5+s6], $0x10, s19, s6, $0xb8;
	[tilespmem:$0x5000] =	vst v63  }
0x211: {  	_ = 	snop  }
0x212: {  	[tilespmem:s11], [sflag:$0x1] =	stream.indirect.gather [hbm4b:s5+s6], $0x10, s20, s6, $0xb8;
	[tilespmem:$0x5000] =	vst v63  }
0x213: {  	_ = 	snop  }
0x214: {  	[tilespmem:s12], [sflag:$0x1] =	stream.indirect.gather [hbm4b:s5+s6], $0x10, s21, s6, $0xb8;
	[tilespmem:$0x5000] =	vst v63  }
0x215: {  	_ = 	snop  }
0x216: {  	[tilespmem:s13], [sflag:$0x1] =	stream.indirect.gather [hbm4b:s5+s6], $0x10, s22, s6, $0xb8;
	[tilespmem:$0x5000] =	vst v63  }
0x217: {  	s30 =	simm.s32 $0xF80  }
0x218: {  	[tilespmem:s14], [sflag:$0x1] =	stream.indirect.gather [hbm4b:s5+s6], $0x10, s30, s6, $0xb8;
	[tilespmem:$0x5000] =	vst v63  }
0x219: {  	_ =	swait.ge [sflag:s7], $0x800  }
0x21a: {  	[sflag:s7] =	ssyncset.done $0x0  }
0x21b: {  	[sflag:s7] =	ssyncadd.s32 $0xFFFFF800  }
0x21c: {  	_ =	swait.ge [sflag:s7], $0x800  }
0x21d: {  	[sflag:s7] =	ssyncset.done $0x0  }
0x21e: {  	[sflag:s7] =	ssyncadd.s32 $0xFFFFF800  }
0x21f: {  	_ =	swait.ge [sflag:s7], $0x800  }
0x220: {  	[sflag:s7] =	ssyncset.done $0x0  }
0x221: {  	[sflag:s7] =	ssyncadd.s32 $0xFFFFF800  }
0x222: {  	_ =	swait.ge [sflag:s7], $0x800  }
0x223: {  	[sflag:s7] =	ssyncset.done $0x0  }
0x224: {  	[sflag:s7] =	ssyncadd.s32 $0xFFFFF800  }
0x225: {  	_ =	swait.ge [sflag:s7], $0x800  }
0x226: {  	[sflag:s7] =	ssyncset.done $0x0  }
0x227: {  	[sflag:s7] =	ssyncadd.s32 $0xFFFFF800  }
0x228: {  	_ =	swait.ge [sflag:s7], $0x800  }
0x229: {  	[sflag:s7] =	ssyncset.done $0x0  }
0x22a: {  	[sflag:s7] =	ssyncadd.s32 $0xFFFFF800  }
0x22b: {  	_ =	swait.ge [sflag:s7], $0x800  }
0x22c: {  	[sflag:s7] =	ssyncset.done $0x0  }
0x22d: {  	[sflag:s7] =	ssyncadd.s32 $0xFFFFF800  }
0x22e: {  	_ =	swait.ge [sflag:s7], $0x800  }
0x22f: {  	[sflag:s7] =	ssyncset.done $0x0  }
0x230: {  	s31 =	rddreg [dreg:$0x6];
	[sflag:s7] =	ssyncadd.s32 $0xFFFFF800  }
0x231: {  	[hbm4b:s31+s2] =	stream.linear.scatter [tilespmem:s4], [sflag:$0x2], $0x4000, $0x38;
	[tilespmem:$0x5000] =	vst v63  }
0x232: {  	_ =	swait.ge [sflag:s3], $0x4000  }
0x233: {  	[sflag:s3] =	ssyncset.done $0x0  }
0x234: {  	[sflag:s3] =	ssyncadd.s32 $0xFFFFC000  }
0x235: {  	_ =	sfence.sel $0x180000  }
0x236: {  	[bflag:$0x0] =	sbarrier.arrive $0xFFFF  }
0x237: {  	_ =	strace $0x90000050  }
0x238: {  	[bflag:$0x2] =	sbarrier.arrive $0xFFFF  }
0x239: {  	p0 =	sne.s32 s15, $0x0;
	s0 =	rddreg [dreg:$0x1]  }
0x23a: {  	s0 =	sadd.s32 @!p0 $0x100000, s0  }
0x23b: {  	[sflag:s0] =	ssyncadd.tile.s32 @!p0 $0x1;
	_ =	shalt  }
.LBB2_1:
0x23c: {  	s23 =	simm.s32 $0xB80  }
.Ltmp3:
0x23d: {  	s31 =	simm.s32 $0xB00;
	s30 =	simm.s32 $0xA80;
	(pc) =	sbr.rel .LBB2_6-.Ltmp3, $4  }
0x23e: {  	s29 =	simm.s32 $0xA00;
	s28 =	simm.s32 $0x980;
	s26 =	simm.s32 $0x900  }
0x23f: {  	s25 =	simm.s32 $0x880;
	s24 =	simm.s32 $0x800;
	s22 =	simm.s32 $0xF00  }
0x240: {  	s21 =	simm.s32 $0xE80;
	s20 =	simm.s32 $0xE00;
	s19 =	simm.s32 $0xD80  }
0x241: {  	s18 =	simm.s32 $0xD00;
	s17 =	simm.s32 $0xC80;
	s16 =	simm.s32 $0xC00  }
.LBB2_3:
0x242: {  	s23 =	simm.s32 $0xB80;
	s31 =	simm.s32 $0xB00  }
.Ltmp4:
0x243: {  	s30 =	simm.s32 $0xA80;
	s29 =	simm.s32 $0xA00;
	(pc) =	sbr.rel .LBB2_6-.Ltmp4, $4  }
0x244: {  	s28 =	simm.s32 $0x980;
	s26 =	simm.s32 $0x900;
	s25 =	simm.s32 $0x880  }
0x245: {  	s24 =	simm.s32 $0x800;
	s22 =	simm.s32 $0xF00;
	s21 =	simm.s32 $0xE80  }
0x246: {  	s20 =	simm.s32 $0xE00;
	s19 =	simm.s32 $0xD80;
	s18 =	simm.s32 $0xD00  }
0x247: {  	s17 =	simm.s32 $0xC80;
	s16 =	simm.s32 $0xC00;
	s15 =	stileid.u32  }
.Lfunc_end2:
_tile_overlayer_lowered:
.L_overlay_start_2:
0x248: {  	(tag) =	ssettag $0x2  }
0x249: {  	s0 =	rddreg [dreg:$0x0];
	s2 =	stileid.u32  }
0x24a: {  	s1 =	rddreg [dreg:$0x1];
	p0 =	sne.s32 s2, $0x0  }
0x24b: {  	s3 =	rddreg [dreg:$0x2];
	[bflag:$0x3] =	sbarrier.arrive $0xFFFF;
	s2 =	simm.s32 @!p0 $0x1C02  }
0x24c: {  	[timem:s3], [sflag:s2] =	dma.local @!p0 [hbm:s0], s1  }
0x24d: {  	s0 =	simm.s32 @!p0 $0x2  }
0x24e: {  	_ =	swait.ge @!p0 [sflag:s0], s1  }
0x24f: {  	s1 =	ssub.s32 @!p0 $0x0, s1;
	[sflag:s0] =	ssyncset.done @!p0 $0x0  }
0x250: {  	[sflag:s0] =	ssyncadd.s32 @!p0 s1  }
0x251: {  	[bflag:$0x3] =	sbarrier.arrive $0xFFFF  }
0x252: {  	_ =	shalt  }

// kernel: kernel.14.cloned.1.call-start
scs
__scs_entry_jumppad:
0x0: {  	(pc) =	sbr.rel $0x88, $3  }
0x1: {  	(tag) =	ssettag $0x0;
	lr =	simm.s32 $0x1  }
0x2: {  	[smem:$0x3F98] =	sst lr;
	_ =	strace $0xD0000000  }
0x3: {  	_ = 	snop  }
0x4: {  	_ = 	snop  }
0x5: {  	_ = 	snop  }
0x6: {  	_ = 	snop  }
0x7: {  	_ = 	snop  }
__scs_overlays_trampoline_lowered:
0x8: {  	[smem:$0x3FA7] =	sst s0  }
0x9: {  	[smem:$0x3FA8] =	sst s1  }
0xa: {  	[smem:$0x3FA9] =	sst s2  }
0xb: {  	[smem:$0x3FAA] =	sst s3  }
0xc: {  	[smem:$0x3FAB] =	sst s4  }
0xd: {  	[smem:$0x3FAC] =	sst s5  }
0xe: {  	[smem:$0x3FAD] =	sst s6  }
0xf: {  	[smem:$0x3FAE] =	sst s7  }
0x10: {  	[smem:$0x3FAF] =	sst s8  }
0x11: {  	[smem:$0x3FB0] =	sst s9;
	s0 =	simm.s32 @!p0 $0x0  }
0x12: {  	s1 =	sld [smem:$0x3F96];
	s0 =	simm.s32 @p0 $0x1  }
0x13: {  	[smem:$0x3FB1] =	sst s0;
	s0 =	simm.s32 @!p1 $0x0  }
0x14: {  	s2 =	sld [smem:$0x3F95];
	s0 =	simm.s32 @p1 $0x1  }
0x15: {  	[smem:$0x3FB2] =	sst s0;
	s0 =	simm.s32 @!p2 $0x0  }
0x16: {  	s3 =	sld [smem:$0x3FDB];
	s0 =	simm.s32 @p2 $0x1  }
0x17: {  	s4 =	simm.s32 $0x1BF5;
	[smem:$0x3FB4] =	sst s0  }
0x18: {  	s0 =	sld [smem:$0x3F97];
	_ =	swait.ge [sflag:s4], $0x0  }
0x19: {  	s7 =	sld [smem:$0x3F98]  }
0x1a: {  	s8 =	sadd.s32 $0xFFFFE003, lr  }
0x1b: {  	s9 =	sadd.s32 $0xFFFFFEF7, lr;
	s5 =	simm.s32 $0xFFFFFFFF;
	p2 =	slt.u32 s8, $0xFFFFF086  }
0x1c: {  	p1 =	slt.u32 s9, $0xF7A;
	s5 =	simm.s32 @!p2 $0x0  }
0x1d: {  	s5 =	simm.s32 @p1 $0x1;
	p0 =	seq.s32 s7, s2  }
0x1e: {  	s7 =	smul.u32 @!p0 $0xF7A, s2;
	p2 =	seq.s32 @!p0 s5, $0x0  }
0x1f: {  	s9 =	smul.u32 $0xF7A, s1;
	s8 =	simm.s32 @!p0 $0x1BF5;
	p2 =	por !p2, p0  }
0x20: {  	[sflag:s8] =	ssyncset.s32 @!p0 $0xFFFFF086;
	s6 =	sadd.s32 @!p0 s3, s7;
	s7 =	simm.s32 @!p0 $0x108  }
0x21: {  	s3 =	sadd.s32 s3, s9;
	s6 =	sadd.s32 @!p0 $0x88, s6;
	s7 =	simm.s32 @p2 $0x1082  }
0x22: {  	[simem:s7], [sflag:s8] =	dma.local @!p0 [hbm:s6], $0xF7A  }
0x23: {  	s9 =	sor.u32 $0xD0000000, s2;
	s6 =	simm.s32 $0x108;
	_ =	swait.ge @!p0 [sflag:s8], $0x0  }
0x24: {  	s3 =	sadd.s32 $0x88, s3;
	s6 =	simm.s32 @!p1 $0x1082;
	[sflag:s4] =	ssyncset.s32 $0xFFFFF086  }
0x25: {  	[simem:s6], [sflag:s4] =	dma.local [hbm:s3], $0xF7A  }
0x26: {  	[smem:$0x3F98] =	sst s1;
	(tag) =	ssettag s2;
	_ =	strace s9  }
0x27: {  	s1 =	sld [smem:$0x3FA8]  }
0x28: {  	s2 =	sld [smem:$0x3FA9]  }
0x29: {  	s4 =	sld [smem:$0x3FAB]  }
0x2a: {  	p0 =	seq.s32 s5, $0x0;
	s5 =	sld [smem:$0x3FAC]  }
0x2b: {  	s6 =	sld [smem:$0x3FAD]  }
0x2c: {  	s7 =	sld [smem:$0x3FAE]  }
0x2d: {  	s3 =	simm.s32 $0x108;
	s8 =	sld [smem:$0x3FAF]  }
0x2e: {  	s3 =	simm.s32 @!p0 $0x1082;
	s9 =	sld [smem:$0x3FB0]  }
0x2f: {  	lr =	sadd.s32 s0, s3;
	s0 =	sld [smem:$0x3FA7]  }
0x30: {  	s3 =	sld [smem:$0x3FAA]  }
0x31: {  	[smem:$0x3FB3] =	sst s10  }
0x32: {  	s10 =	sld [smem:$0x3FB1];
	_ =	sdelay $0x3  }
0x33: {  	p0 =	seq.s32 s10, $0x1;
	s10 =	sld [smem:$0x3FB3];
	_ =	sdelay $0x3  }
0x34: {  	[smem:$0x3FB3] =	sst s10  }
0x35: {  	s10 =	sld [smem:$0x3FB2];
	_ =	sdelay $0x3  }
0x36: {  	p1 =	seq.s32 s10, $0x1;
	s10 =	sld [smem:$0x3FB3];
	_ =	sdelay $0x3  }
0x37: {  	[smem:$0x3FB3] =	sst s10  }
0x38: {  	s10 =	sld [smem:$0x3FB4]  }
0x39: {  	_ = 	snop;
	(pc) =	sbr.ind lr, $3  }
0x3a: {  	_ = 	snop  }
0x3b: {  	_ = 	snop  }
0x3c: {  	p2 =	seq.s32 s10, $0x1;
	s10 =	sld [smem:$0x3FB3]  }
0x3d: {  	_ =	shalt  }
0x3e: {  	_ =	shalt  }
0x3f: {  	_ =	shalt  }
0x40: {  	_ =	shalt  }
0x41: {  	_ =	shalt  }
0x42: {  	_ =	shalt  }
0x43: {  	_ =	shalt  }
0x44: {  	_ =	shalt  }
0x45: {  	_ =	shalt  }
0x46: {  	_ =	shalt  }
0x47: {  	_ =	shalt  }
0x48: {  	_ =	shalt  }
0x49: {  	_ =	shalt  }
0x4a: {  	_ =	shalt  }
0x4b: {  	_ =	shalt  }
0x4c: {  	_ =	shalt  }
0x4d: {  	_ =	shalt  }
0x4e: {  	_ =	shalt  }
0x4f: {  	_ =	shalt  }
0x50: {  	_ =	shalt  }
0x51: {  	_ =	shalt  }
0x52: {  	_ =	shalt  }
0x53: {  	_ =	shalt  }
0x54: {  	_ =	shalt  }
0x55: {  	_ =	shalt  }
0x56: {  	_ =	shalt  }
0x57: {  	_ =	shalt  }
0x58: {  	_ =	shalt  }
0x59: {  	_ =	shalt  }
0x5a: {  	_ =	shalt  }
0x5b: {  	_ =	shalt  }
0x5c: {  	_ =	shalt  }
0x5d: {  	_ =	shalt  }
0x5e: {  	_ =	shalt  }
0x5f: {  	_ =	shalt  }
0x60: {  	_ =	shalt  }
0x61: {  	_ =	shalt  }
0x62: {  	_ =	shalt  }
0x63: {  	_ =	shalt  }
0x64: {  	_ =	shalt  }
0x65: {  	_ =	shalt  }
0x66: {  	_ =	shalt  }
0x67: {  	_ =	shalt  }
0x68: {  	_ =	shalt  }
0x69: {  	_ =	shalt  }
0x6a: {  	_ =	shalt  }
0x6b: {  	_ =	shalt  }
0x6c: {  	_ =	shalt  }
0x6d: {  	_ =	shalt  }
0x6e: {  	_ =	shalt  }
0x6f: {  	_ =	shalt  }
0x70: {  	_ =	shalt  }
0x71: {  	_ =	shalt  }
0x72: {  	_ =	shalt  }
0x73: {  	_ =	shalt  }
0x74: {  	_ =	shalt  }
0x75: {  	_ =	shalt  }
0x76: {  	_ =	shalt  }
0x77: {  	_ =	shalt  }
0x78: {  	_ =	shalt  }
0x79: {  	_ =	shalt  }
0x7a: {  	_ =	shalt  }
0x7b: {  	_ =	shalt  }
0x7c: {  	_ =	shalt  }
0x7d: {  	_ =	shalt  }
0x7e: {  	_ =	shalt  }
0x7f: {  	_ =	shalt  }
0x80: {  	_ =	shalt  }
0x81: {  	_ =	shalt  }
0x82: {  	_ =	shalt  }
0x83: {  	_ =	shalt  }
0x84: {  	_ =	shalt  }
0x85: {  	_ =	shalt  }
0x86: {  	_ =	shalt  }
0x87: {  	_ =	shalt  }
.Lfunc_end0:
.L_simem_size_0:
called_computation.1_lowered:
.L_overlay_start_0:
0x88: {  	s2 =	sld [smem:$0x3FD9]  }
0x89: {  	s3 =	sld [smem:$0x3FFE];
	_ =	sdelay $0x1  }
0x8a: {  	s1 =	srdreg.scid  }
0x8b: {  	s0 =	sand.u32 $0x1, s1  }
0x8c: {  	s17 =	sshll.u32 s0, $0xA;
	s2 =	sadd.s32 s3, s2  }
0x8d: {  	s2 =	sadd.s32 s2, s17  }
0x8e: {  	[smem:$0x3FBF] =	sst s2  }
0x8f: {  	_ = 	snop  }
0x90: {  	(tm) =	ssettm $0x1  }
0x91: {  	s18 =	sld [smem:$0x3FFB];
	_ =	sdelay $0x3  }
0x92: {  	_ =	strace s18  }
0x93: {  	s2 =	sld [smem:$0x3FFC];
	_ =	sdelay $0x3  }
0x94: {  	_ =	strace s2  }
0x95: {  	s2 =	sld [smem:$0x3FFD];
	_ =	sdelay $0x3  }
0x96: {  	_ =	strace s2  }
0x97: {  	_ =	strace $0x8FFFFFFF  }
0x98: {  	s19 =	sld [smem:$0x3FDB];
	_ =	sdelay $0x1  }
0x99: {  	s20 =	simm.s32 $_scs_section_size  }
0x9a: {  	s4 =	simm.s32 $_size__tile_overlayer_lowered;
	s5 =	simm.s32 $_tile_overlayer_lowered  }
0x9b: {  	s6 =	simm.s32 $0x1BFF;
	s21 =	sshll.u32 s5, $0x1;
	s3 =	sadd.s32 s20, s19  }
0x9c: {  	s22 =	simm.s32 $0x0;
	s4 =	sshll.u32 s4, $0x1;
	s5 =	sadd.s32 s21, s3  }
0x9d: {  	[timem:s22], [sflag:s6] =	dma.local [hbm:s5], s4  }
0x9e: {  	_ =	swait.ge [sflag:s6], s4  }
0x9f: {  	s4 =	ssub.s32 $0x0, s4;
	[sflag:s6] =	ssyncset.done $0x0  }
0xa0: {  	[sflag:s6] =	ssyncadd.s32 s4;
	_ =	sdelay $0x1  }
0xa1: {  	s23 =	simm.s32 $0x1B8B  }
0xa2: {  	_ =	swait.ge [sflag:s23], $0x1  }
0xa3: {  	[sflag:s23] =	ssyncset.done $0x0  }
0xa4: {  	[sflag:s23] =	ssyncadd.s32 $0xFFFFFFFF  }
0xa5: {  	s4 =	sld [smem:$0x0]  }
0xa6: {  	s5 =	sand.u32 $0xFFFFFFFE, s1  }
0xa7: {  	p0 =	sne.s32 s1, s5  }
0xa8: {  	s5 =	sshll.u32 @p0 s5, $0xE  }
0xa9: {  	s5 =	sadd.s32 @p0 $0x11B8D, s5;
	s6 =	sshll.u32 @p0 s4, $0x11  }
0xaa: {  	s5 =	sor.u32 @p0 s6, s5  }
0xab: {  	[sflag:s5] =	ssyncadd.remote.s32 @p0 $0x1;
	_ =	sdelay $0x1  }
0xac: {  	s5 =	simm.s32 @p0 $0x1B8D  }
0xad: {  	_ =	swait.eq @p0 [sflag:s5], $0x1  }
0xae: {  	[sflag:s5] =	ssyncadd.s32 @p0 $0xFFFFFFFF  }
0xaf: {  	s6 =	sshll.u32 @!p0 s1, $0xE  }
0xb0: {  	s6 =	sor.u32 @!p0 $0x4000, s6;
	s5 =	simm.s32 @!p0 $0x1B8D  }
0xb1: {  	s4 =	sshll.u32 @!p0 s4, $0x11;
	s6 =	sadd.s32 @!p0 $0x11B8D, s6;
	_ =	swait.eq @!p0 [sflag:s5], $0x1  }
0xb2: {  	s4 =	sor.u32 @!p0 s4, s6;
	[sflag:s5] =	ssyncadd.s32 @!p0 $0xFFFFFFFF  }
0xb3: {  	s25 =	simm.s32 $0x1B8E;
	s24 =	sld [smem:$0x3FFE];
	[sflag:s4] =	ssyncadd.remote.s32 @!p0 $0x1  }
0xb4: {  	s26 =	simm.s32 $execute0_lowered;
	[smem:$0x3FD2] =	sst s25  }
0xb5: {  	s5 =	sshll.u32 s26, $0x1;
	_ =	strace $0x8000004C;
	[dreg:$0x1] =	wrdreg $0xFFFFFFFF  }
0xb6: {  	s28 =	simm.s32 $_size_execute0_lowered;
	s3 =	sadd.s32 s3, s5;
	[dreg:$0x0] =	wrdreg $0x0  }
0xb7: {  	s5 =	sshll.u32 s28, $0x1;
	[dreg:$0x2] =	wrdreg s3  }
0xb8: {  	[dreg:$0x3] =	wrdreg s5  }
0xb9: {  	[dreg:$0x4] =	wrdreg $0xC0  }
0xba: {  	_ =	task [dreg:s22], $0x5FFFF  }
0xbb: {  	[dreg:$0x1] =	wrdreg $0xFFFFFFFF  }
0xbc: {  	[dreg:$0x0] =	wrdreg $0x60  }
0xbd: {  	[dreg:$0x2] =	wrdreg s24  }
0xbe: {  	[dreg:$0x3] =	wrdreg $0xA  }
0xbf: {  	_ =	task.clear_ibuf [dreg:s22], $0x4FFFF;
	_ =	strace $0x9000004C  }
0xc0: {  	s29 =	simm.s32 $0xA;
	_ =	strace $0x8000004E  }
0xc1: {  	_ =	swait.ge [sflag:s29], $0x1  }
0xc2: {  	[sflag:s29] =	ssyncadd.s32 $0xFFFFFFFF  }
0xc3: {  	_ =	strace $0x9000004E  }
0xc4: {  	_ =	sfence  }
0xc5: {  	s30 =	sld [smem:$0x0];
	_ =	sdelay $0x2  }
0xc6: {  	s31 =	sshll.u32 s1, $0xD;
	s1 =	sshrl.u32 s1, $0x2  }
0xc7: {  	s4 =	sand.u32 $0x4000, s31;
	s1 =	sadd.s32 s1, s30  }
0xc8: {  	s0 =	sor.u32 s4, s0;
	s1 =	sshll.u32 s1, $0x11  }
0xc9: {  	s0 =	sor.u32 s1, s0  }
0xca: {  	s0 =	sadd.s32 $0x8F2B, s0  }
0xcb: {  	[sflag:s0] =	ssyncadd.remote.s32 $0x1  }
0xcc: {  	_ =	sfence.sel $0xFFFF  }
0xcd: {  	[dreg:$0x0] =	wrdreg $0xFFFFFFFF;
	(pc) =	sbr.abs _section_cstart, $3  }
0xce: {  	[dreg:$0x1] =	wrdreg $0xFFFFFFFF  }
0xcf: {  	_ =	task.clear_ibuf [dreg:s22], $0x2FFFF;
	_ =	strace $0x9FFFFFFF  }
0xd0: {  	(tm) =	ssettm $0x7FFFFFFF  }
0xd1: {  	_ =	shalt  }
tec
execute0_lowered:
.L_overlay_start_1:
0x0: {  	(tag) =	ssettag $0x1  }
0x1: {  	s0 =	srdreg.scid  }
0x2: {  	s15 =	stileid.u32;
	s3 =	rddreg [dreg:$0x0];
	s12 =	simm.s32 $0x100  }
0x3: {  	s13 =	simm.s32 $0x180;
	s14 =	simm.s32 $0x200;
	s16 =	simm.s32 $0x280  }
0x4: {  	s6 =	simm.s32 $0x80;
	s17 =	simm.s32 $0x300;
	s0 =	sand.u32 $0x1, s0  }
0x5: {  	s18 =	simm.s32 $0x380;
	s1 =	sshll.u32 s15, $0xD;
	s2 =	sshll.u32 s0, $0xC  }
0x6: {  	s19 =	simm.s32 $0x400;
	s1 =	sor.u32 s2, s1;
	s2 =	simm.s32 $0x0  }
0x7: {  	s20 =	simm.s32 $0x480;
	s21 =	simm.s32 $0x500;
	[smem:$0x7FF] =	sst s2  }
0x8: {  	s22 =	simm.s32 $0x580;
	_ =	strace $0x8000004D;
	[dreg:$0x7] =	wrdreg s12  }
0x9: {  	s23 =	simm.s32 $0x600;
	s24 =	simm.s32 $0x680;
	[dreg:$0x8] =	wrdreg s13  }
0xa: {  	s25 =	simm.s32 $0x700;
	s7 =	simm.s32 $0x1;
	[dreg:$0x9] =	wrdreg s14  }
0xb: {  	s26 =	simm.s32 $0x780;
	s28 =	simm.s32 $0x980;
	[dreg:$0xa] =	wrdreg s16  }
0xc: {  	s29 =	simm.s32 $0xA00;
	s30 =	simm.s32 $0xA80;
	[dreg:$0xb] =	wrdreg s17  }
0xd: {  	s31 =	simm.s32 $0xB00;
	p0 =	por $0x0, $0x0;
	[dreg:$0xc] =	wrdreg s18  }
0xe: {  	s5 =	sadd.s32 $0x12C00, s3;
	s0 =	ssub.s32 $0x2, s0;
	[dreg:$0xd] =	wrdreg s19  }
0xf: {  	s11 =	sshrl.u32 s0, $0x1;
	s4 =	sshrl.u32 s1, $0x3;
	[dreg:$0xe] =	wrdreg s20  }
0x10: {  	s1 =	sshll.u32 s1, $0x1;
	s0 =	ssub.s32 s0, s11;
	[dreg:$0xf] =	wrdreg s21  }
0x11: {  	s11 =	simm.s32 $0x3000;
	s4 =	sadd.s32 s4, s3;
	[dreg:$0x10] =	wrdreg s22  }
0x12: {  	s1 =	sadd.s32 s1, s3;
	s0 =	smax.u32 s0, $0x1;
	[dreg:$0x11] =	wrdreg s23  }
0x13: {  	s3 =	simm.s32 $0x2;
	s12 =	simm.s32 $0x3800;
	[dreg:$0x12] =	wrdreg s24  }
0x14: {  	s13 =	simm.s32 $0x4000;
	s14 =	simm.s32 $0x4800;
	[dreg:$0x13] =	wrdreg s25  }
0x15: {  	[dreg:$0x14] =	wrdreg s26;
	s25 =	simm.s32 $0x880;
	s26 =	simm.s32 $0x900  }
0x16: {  	s24 =	simm.s32 $0xB80;
	s16 =	simm.s32 $0xC00;
	s17 =	simm.s32 $0xC80  }
0x17: {  	s18 =	simm.s32 $0xD00;
	s19 =	simm.s32 $0xD80;
	s4 =	sadd.s32 $0xAC00, s4  }
0x18: {  	s20 =	simm.s32 $0xE00;
	s8 =	sadd.s32 $0x27CC00, s1;
	[dreg:$0x2] =	wrdreg s4  }
0x19: {  	s9 =	sadd.s32 $0x27D400, s1;
	p1 =	sne.s32 s0, $0x1;
	[dreg:$0x3] =	wrdreg s8  }
.Ltmp0:
0x1a: {  	s10 =	sadd.s32 $0x27DC00, s1;
	[dreg:$0x4] =	wrdreg s9;
	(pc) =	sbr.rel @!p1 .LBB2_1-.Ltmp0, $4  }
0x1b: {  	s21 =	simm.s32 $0xE80;
	s1 =	sadd.s32 $0x27E400, s1;
	[dreg:$0x5] =	wrdreg s10  }
0x1c: {  	s22 =	simm.s32 $0xF00;
	s23 =	simm.s32 $0xF80;
	[dreg:$0x6] =	wrdreg s1  }
0x1d: {  	s4 =	simm.s32 $0x1000;
	s8 =	simm.s32 $0x1800;
	s9 =	simm.s32 $0x2000  }
0x1e: {  	s10 =	simm.s32 $0x2800;
	s1 =	sadd.s32 $0xFFFFFFFF, s0;
	s0 =	rddreg [dreg:$0x2]  }
0x1f: {  	[tilespmem:s2], [sflag:$0x2] =	stream.linear.gather [hbm4b:s0+s2], $0x1000, $0x38;
	[tilespmem:$0x5000] =	vst v63  }
0x20: {  	_ =	swait.ge [sflag:s3], $0x1000  }
0x21: {  	[sflag:s3] =	ssyncset.done $0x0  }
0x22: {  	[sflag:s3] =	ssyncadd.s32 $0xFFFFF000  }
0x23: {  	[tilespmem:s4], [sflag:$0x1] =	stream.indirect.gather [hbm4b:s5+s6], $0x10, s2, s6, $0xb8;
	[tilespmem:$0x5000] =	vst v63  }
0x24: {  	_ = 	snop  }
0x25: {  	[tilespmem:s8], [sflag:$0x1] =	stream.indirect.gather [hbm4b:s5+s6], $0x10, s6, s6, $0xb8;
	[tilespmem:$0x5000] =	vst v63  }
0x26: {  	s0 =	rddreg [dreg:$0x7]  }
0x27: {  	[tilespmem:s9], [sflag:$0x1] =	stream.indirect.gather [hbm4b:s5+s6], $0x10, s0, s6, $0xb8;
	[tilespmem:$0x5000] =	vst v63  }
0x28: {  	s15 =	smov.u32 s1;
	s1 =	rddreg [dreg:$0x8]  }
0x29: {  	[tilespmem:s10], [sflag:$0x1] =	stream.indirect.gather [hbm4b:s5+s6], $0x10, s1, s6, $0xb8;
	[tilespmem:$0x5000] =	vst v63  }
0x2a: {  	s0 =	rddreg [dreg:$0x9]  }
0x2b: {  	[tilespmem:s11], [sflag:$0x1] =	stream.indirect.gather [hbm4b:s5+s6], $0x10, s0, s6, $0xb8;
	[tilespmem:$0x5000] =	vst v63  }
0x2c: {  	s1 =	rddreg [dreg:$0xa]  }
0x2d: {  	[tilespmem:s12], [sflag:$0x1] =	stream.indirect.gather [hbm4b:s5+s6], $0x10, s1, s6, $0xb8;
	[tilespmem:$0x5000] =	vst v63  }
0x2e: {  	s0 =	rddreg [dreg:$0xb]  }
0x2f: {  	[tilespmem:s13], [sflag:$0x1] =	stream.indirect.gather [hbm4b:s5+s6], $0x10, s0, s6, $0xb8;
	[tilespmem:$0x5000] =	vst v63  }
0x30: {  	s1 =	rddreg [dreg:$0xc]  }
0x31: {  	[tilespmem:s14], [sflag:$0x1] =	stream.indirect.gather [hbm4b:s5+s6], $0x10, s1, s6, $0xb8;
	[tilespmem:$0x5000] =	vst v63  }
0x32: {  	_ =	swait.ge [sflag:s7], $0x800  }
0x33: {  	[sflag:s7] =	ssyncset.done $0x0  }
0x34: {  	[sflag:s7] =	ssyncadd.s32 $0xFFFFF800  }
0x35: {  	_ =	swait.ge [sflag:s7], $0x800  }
0x36: {  	[sflag:s7] =	ssyncset.done $0x0  }
0x37: {  	[sflag:s7] =	ssyncadd.s32 $0xFFFFF800  }
0x38: {  	_ =	swait.ge [sflag:s7], $0x800  }
0x39: {  	[sflag:s7] =	ssyncset.done $0x0  }
0x3a: {  	[sflag:s7] =	ssyncadd.s32 $0xFFFFF800  }
0x3b: {  	_ =	swait.ge [sflag:s7], $0x800  }
0x3c: {  	[sflag:s7] =	ssyncset.done $0x0  }
0x3d: {  	[sflag:s7] =	ssyncadd.s32 $0xFFFFF800  }
0x3e: {  	_ =	swait.ge [sflag:s7], $0x800  }
0x3f: {  	[sflag:s7] =	ssyncset.done $0x0  }
0x40: {  	[sflag:s7] =	ssyncadd.s32 $0xFFFFF800  }
0x41: {  	_ =	swait.ge [sflag:s7], $0x800  }
0x42: {  	[sflag:s7] =	ssyncset.done $0x0  }
0x43: {  	[sflag:s7] =	ssyncadd.s32 $0xFFFFF800  }
0x44: {  	_ =	swait.ge [sflag:s7], $0x800  }
0x45: {  	[sflag:s7] =	ssyncset.done $0x0  }
0x46: {  	[sflag:s7] =	ssyncadd.s32 $0xFFFFF800  }
0x47: {  	_ =	swait.ge [sflag:s7], $0x800  }
0x48: {  	[sflag:s7] =	ssyncset.done $0x0  }
0x49: {  	s1 =	rddreg [dreg:$0x3];
	[sflag:s7] =	ssyncadd.s32 $0xFFFFF800  }
0x4a: {  	[hbm4b:s1+s2] =	stream.linear.scatter [tilespmem:s4], [sflag:$0x2], $0x4000, $0x38;
	[tilespmem:$0x5000] =	vst v63  }
0x4b: {  	_ =	swait.ge [sflag:s3], $0x4000  }
0x4c: {  	[sflag:s3] =	ssyncset.done $0x0  }
0x4d: {  	s0 =	rddreg [dreg:$0xd];
	[sflag:s3] =	ssyncadd.s32 $0xFFFFC000  }
0x4e: {  	[tilespmem:s4], [sflag:$0x1] =	stream.indirect.gather [hbm4b:s5+s6], $0x10, s0, s6, $0xb8;
	[tilespmem:$0x5000] =	vst v63  }
0x4f: {  	s1 =	rddreg [dreg:$0xe]  }
0x50: {  	[tilespmem:s8], [sflag:$0x1] =	stream.indirect.gather [hbm4b:s5+s6], $0x10, s1, s6, $0xb8;
	[tilespmem:$0x5000] =	vst v63  }
0x51: {  	s0 =	rddreg [dreg:$0xf]  }
0x52: {  	[tilespmem:s9], [sflag:$0x1] =	stream.indirect.gather [hbm4b:s5+s6], $0x10, s0, s6, $0xb8;
	[tilespmem:$0x5000] =	vst v63  }
0x53: {  	s1 =	rddreg [dreg:$0x10]  }
0x54: {  	[tilespmem:s10], [sflag:$0x1] =	stream.indirect.gather [hbm4b:s5+s6], $0x10, s1, s6, $0xb8;
	[tilespmem:$0x5000] =	vst v63  }
0x55: {  	s0 =	rddreg [dreg:$0x11]  }
0x56: {  	[tilespmem:s11], [sflag:$0x1] =	stream.indirect.gather [hbm4b:s5+s6], $0x10, s0, s6, $0xb8;
	[tilespmem:$0x5000] =	vst v63  }
0x57: {  	s1 =	rddreg [dreg:$0x12]  }
0x58: {  	[tilespmem:s12], [sflag:$0x1] =	stream.indirect.gather [hbm4b:s5+s6], $0x10, s1, s6, $0xb8;
	[tilespmem:$0x5000] =	vst v63  }
0x59: {  	s0 =	rddreg [dreg:$0x13]  }
0x5a: {  	[tilespmem:s13], [sflag:$0x1] =	stream.indirect.gather [hbm4b:s5+s6], $0x10, s0, s6, $0xb8;
	[tilespmem:$0x5000] =	vst v63  }
0x5b: {  	s1 =	rddreg [dreg:$0x14]  }
0x5c: {  	[tilespmem:s14], [sflag:$0x1] =	stream.indirect.gather [hbm4b:s5+s6], $0x10, s1, s6, $0xb8;
	[tilespmem:$0x5000] =	vst v63  }
0x5d: {  	_ =	swait.ge [sflag:s7], $0x800  }
0x5e: {  	[sflag:s7] =	ssyncset.done $0x0  }
0x5f: {  	[sflag:s7] =	ssyncadd.s32 $0xFFFFF800  }
0x60: {  	_ =	swait.ge [sflag:s7], $0x800  }
0x61: {  	[sflag:s7] =	ssyncset.done $0x0  }
0x62: {  	[sflag:s7] =	ssyncadd.s32 $0xFFFFF800  }
0x63: {  	_ =	swait.ge [sflag:s7], $0x800  }
0x64: {  	[sflag:s7] =	ssyncset.done $0x0  }
0x65: {  	[sflag:s7] =	ssyncadd.s32 $0xFFFFF800  }
0x66: {  	_ =	swait.ge [sflag:s7], $0x800  }
0x67: {  	[sflag:s7] =	ssyncset.done $0x0  }
0x68: {  	[sflag:s7] =	ssyncadd.s32 $0xFFFFF800  }
0x69: {  	_ =	swait.ge [sflag:s7], $0x800  }
0x6a: {  	[sflag:s7] =	ssyncset.done $0x0  }
0x6b: {  	[sflag:s7] =	ssyncadd.s32 $0xFFFFF800  }
0x6c: {  	_ =	swait.ge [sflag:s7], $0x800  }
0x6d: {  	[sflag:s7] =	ssyncset.done $0x0  }
0x6e: {  	[sflag:s7] =	ssyncadd.s32 $0xFFFFF800  }
0x6f: {  	_ =	swait.ge [sflag:s7], $0x800  }
0x70: {  	[sflag:s7] =	ssyncset.done $0x0  }
0x71: {  	[sflag:s7] =	ssyncadd.s32 $0xFFFFF800  }
0x72: {  	_ =	swait.ge [sflag:s7], $0x800  }
0x73: {  	[sflag:s7] =	ssyncset.done $0x0  }
0x74: {  	s1 =	rddreg [dreg:$0x4];
	[sflag:s7] =	ssyncadd.s32 $0xFFFFF800  }
0x75: {  	[hbm4b:s1+s2] =	stream.linear.scatter [tilespmem:s4], [sflag:$0x2], $0x4000, $0x38;
	[tilespmem:$0x5000] =	vst v63  }
0x76: {  	_ =	swait.ge [sflag:s3], $0x4000  }
0x77: {  	[sflag:s3] =	ssyncset.done $0x0  }
0x78: {  	s1 =	simm.s32 $0x800;
	[sflag:s3] =	ssyncadd.s32 $0xFFFFC000  }
0x79: {  	[tilespmem:s4], [sflag:$0x1] =	stream.indirect.gather [hbm4b:s5+s6], $0x10, s1, s6, $0xb8;
	[tilespmem:$0x5000] =	vst v63  }
0x7a: {  	_ = 	snop  }
0x7b: {  	[tilespmem:s8], [sflag:$0x1] =	stream.indirect.gather [hbm4b:s5+s6], $0x10, s25, s6, $0xb8;
	[tilespmem:$0x5000] =	vst v63  }
0x7c: {  	_ = 	snop  }
0x7d: {  	[tilespmem:s9], [sflag:$0x1] =	stream.indirect.gather [hbm4b:s5+s6], $0x10, s26, s6, $0xb8;
	[tilespmem:$0x5000] =	vst v63  }
0x7e: {  	_ = 	snop  }
0x7f: {  	[tilespmem:s10], [sflag:$0x1] =	stream.indirect.gather [hbm4b:s5+s6], $0x10, s28, s6, $0xb8;
	[tilespmem:$0x5000] =	vst v63  }
0x80: {  	_ = 	snop  }
0x81: {  	[tilespmem:s11], [sflag:$0x1] =	stream.indirect.gather [hbm4b:s5+s6], $0x10, s29, s6, $0xb8;
	[tilespmem:$0x5000] =	vst v63  }
0x82: {  	_ = 	snop  }
0x83: {  	[tilespmem:s12], [sflag:$0x1] =	stream.indirect.gather [hbm4b:s5+s6], $0x10, s30, s6, $0xb8;
	[tilespmem:$0x5000] =	vst v63  }
0x84: {  	_ = 	snop  }
0x85: {  	[tilespmem:s13], [sflag:$0x1] =	stream.indirect.gather [hbm4b:s5+s6], $0x10, s31, s6, $0xb8;
	[tilespmem:$0x5000] =	vst v63  }
0x86: {  	_ = 	snop  }
0x87: {  	[tilespmem:s14], [sflag:$0x1] =	stream.indirect.gather [hbm4b:s5+s6], $0x10, s24, s6, $0xb8;
	[tilespmem:$0x5000] =	vst v63  }
0x88: {  	_ =	swait.ge [sflag:s7], $0x800  }
0x89: {  	[sflag:s7] =	ssyncset.done $0x0  }
0x8a: {  	[sflag:s7] =	ssyncadd.s32 $0xFFFFF800  }
0x8b: {  	_ =	swait.ge [sflag:s7], $0x800  }
0x8c: {  	[sflag:s7] =	ssyncset.done $0x0  }
0x8d: {  	[sflag:s7] =	ssyncadd.s32 $0xFFFFF800  }
0x8e: {  	_ =	swait.ge [sflag:s7], $0x800  }
0x8f: {  	[sflag:s7] =	ssyncset.done $0x0  }
0x90: {  	[sflag:s7] =	ssyncadd.s32 $0xFFFFF800  }
0x91: {  	_ =	swait.ge [sflag:s7], $0x800  }
0x92: {  	[sflag:s7] =	ssyncset.done $0x0  }
0x93: {  	[sflag:s7] =	ssyncadd.s32 $0xFFFFF800  }
0x94: {  	_ =	swait.ge [sflag:s7], $0x800  }
0x95: {  	[sflag:s7] =	ssyncset.done $0x0  }
0x96: {  	[sflag:s7] =	ssyncadd.s32 $0xFFFFF800  }
0x97: {  	_ =	swait.ge [sflag:s7], $0x800  }
0x98: {  	[sflag:s7] =	ssyncset.done $0x0  }
0x99: {  	[sflag:s7] =	ssyncadd.s32 $0xFFFFF800  }
0x9a: {  	_ =	swait.ge [sflag:s7], $0x800  }
0x9b: {  	[sflag:s7] =	ssyncset.done $0x0  }
0x9c: {  	[sflag:s7] =	ssyncadd.s32 $0xFFFFF800  }
0x9d: {  	_ =	swait.ge [sflag:s7], $0x800  }
0x9e: {  	[sflag:s7] =	ssyncset.done $0x0  }
0x9f: {  	s1 =	rddreg [dreg:$0x5];
	[sflag:s7] =	ssyncadd.s32 $0xFFFFF800  }
0xa0: {  	[hbm4b:s1+s2] =	stream.linear.scatter [tilespmem:s4], [sflag:$0x2], $0x4000, $0x38;
	[tilespmem:$0x5000] =	vst v63  }
0xa1: {  	_ =	swait.ge [sflag:s3], $0x4000  }
0xa2: {  	[sflag:s3] =	ssyncset.done $0x0  }
0xa3: {  	[sflag:s3] =	ssyncadd.s32 $0xFFFFC000  }
0xa4: {  	[tilespmem:s4], [sflag:$0x1] =	stream.indirect.gather [hbm4b:s5+s6], $0x10, s16, s6, $0xb8;
	[tilespmem:$0x5000] =	vst v63  }
0xa5: {  	_ = 	snop  }
0xa6: {  	[tilespmem:s8], [sflag:$0x1] =	stream.indirect.gather [hbm4b:s5+s6], $0x10, s17, s6, $0xb8;
	[tilespmem:$0x5000] =	vst v63  }
0xa7: {  	_ = 	snop  }
0xa8: {  	[tilespmem:s9], [sflag:$0x1] =	stream.indirect.gather [hbm4b:s5+s6], $0x10, s18, s6, $0xb8;
	[tilespmem:$0x5000] =	vst v63  }
0xa9: {  	_ = 	snop  }
0xaa: {  	[tilespmem:s10], [sflag:$0x1] =	stream.indirect.gather [hbm4b:s5+s6], $0x10, s19, s6, $0xb8;
	[tilespmem:$0x5000] =	vst v63  }
0xab: {  	_ = 	snop  }
0xac: {  	[tilespmem:s11], [sflag:$0x1] =	stream.indirect.gather [hbm4b:s5+s6], $0x10, s20, s6, $0xb8;
	[tilespmem:$0x5000] =	vst v63  }
0xad: {  	_ = 	snop  }
0xae: {  	[tilespmem:s12], [sflag:$0x1] =	stream.indirect.gather [hbm4b:s5+s6], $0x10, s21, s6, $0xb8;
	[tilespmem:$0x5000] =	vst v63  }
0xaf: {  	_ = 	snop  }
0xb0: {  	[tilespmem:s13], [sflag:$0x1] =	stream.indirect.gather [hbm4b:s5+s6], $0x10, s22, s6, $0xb8;
	[tilespmem:$0x5000] =	vst v63  }
0xb1: {  	_ = 	snop  }
0xb2: {  	[tilespmem:s14], [sflag:$0x1] =	stream.indirect.gather [hbm4b:s5+s6], $0x10, s23, s6, $0xb8;
	[tilespmem:$0x5000] =	vst v63  }
0xb3: {  	_ =	swait.ge [sflag:s7], $0x800  }
0xb4: {  	[sflag:s7] =	ssyncset.done $0x0  }
0xb5: {  	[sflag:s7] =	ssyncadd.s32 $0xFFFFF800  }
0xb6: {  	_ =	swait.ge [sflag:s7], $0x800  }
0xb7: {  	[sflag:s7] =	ssyncset.done $0x0  }
0xb8: {  	[sflag:s7] =	ssyncadd.s32 $0xFFFFF800  }
0xb9: {  	_ =	swait.ge [sflag:s7], $0x800  }
0xba: {  	[sflag:s7] =	ssyncset.done $0x0  }
0xbb: {  	[sflag:s7] =	ssyncadd.s32 $0xFFFFF800  }
0xbc: {  	_ =	swait.ge [sflag:s7], $0x800  }
0xbd: {  	[sflag:s7] =	ssyncset.done $0x0  }
0xbe: {  	[sflag:s7] =	ssyncadd.s32 $0xFFFFF800  }
0xbf: {  	_ =	swait.ge [sflag:s7], $0x800  }
0xc0: {  	[sflag:s7] =	ssyncset.done $0x0  }
0xc1: {  	[sflag:s7] =	ssyncadd.s32 $0xFFFFF800  }
0xc2: {  	_ =	swait.ge [sflag:s7], $0x800  }
0xc3: {  	[sflag:s7] =	ssyncset.done $0x0  }
0xc4: {  	[sflag:s7] =	ssyncadd.s32 $0xFFFFF800  }
0xc5: {  	_ =	swait.ge [sflag:s7], $0x800  }
0xc6: {  	[sflag:s7] =	ssyncset.done $0x0  }
0xc7: {  	[sflag:s7] =	ssyncadd.s32 $0xFFFFF800  }
0xc8: {  	p1 =	sne.s32 s15, $0x1;
	_ =	swait.ge [sflag:s7], $0x800  }
.Ltmp1:
0xc9: {  	[sflag:s7] =	ssyncset.done $0x0;
	(pc) =	sbr.rel @!p1 .LBB2_3-.Ltmp1, $4  }
0xca: {  	s1 =	rddreg [dreg:$0x6];
	[sflag:s7] =	ssyncadd.s32 $0xFFFFF800  }
0xcb: {  	[hbm4b:s1+s2] =	stream.linear.scatter [tilespmem:s4], [sflag:$0x2], $0x4000, $0x38;
	[tilespmem:$0x5000] =	vst v63  }
0xcc: {  	p0 =	por $0x1, $0x1;
	_ =	swait.ge [sflag:s3], $0x4000  }
0xcd: {  	s1 =	sadd.s32 $0xFFFFFFFF, s15;
	s0 =	rddreg [dreg:$0x2];
	[sflag:s3] =	ssyncset.done $0x0  }
.LBB2_4:
0xce: {  	[sflag:s3] =	ssyncadd.s32 $0xFFFFC000  }
0xcf: {  	[tilespmem:s2], [sflag:$0x2] =	stream.linear.gather [hbm4b:s0+s2], $0x1000, $0x38;
	[tilespmem:$0x5000] =	vst v63  }
0xd0: {  	_ =	swait.ge [sflag:s3], $0x1000  }
0xd1: {  	[sflag:s3] =	ssyncset.done $0x0  }
0xd2: {  	[sflag:s3] =	ssyncadd.s32 $0xFFFFF000  }
0xd3: {  	[tilespmem:s4], [sflag:$0x1] =	stream.indirect.gather [hbm4b:s5+s6], $0x10, s2, s6, $0xb8;
	[tilespmem:$0x5000] =	vst v63  }
0xd4: {  	_ = 	snop  }
0xd5: {  	[tilespmem:s8], [sflag:$0x1] =	stream.indirect.gather [hbm4b:s5+s6], $0x10, s6, s6, $0xb8;
	[tilespmem:$0x5000] =	vst v63  }
0xd6: {  	s0 =	rddreg [dreg:$0x7]  }
0xd7: {  	[tilespmem:s9], [sflag:$0x1] =	stream.indirect.gather [hbm4b:s5+s6], $0x10, s0, s6, $0xb8;
	[tilespmem:$0x5000] =	vst v63  }
0xd8: {  	s15 =	rddreg [dreg:$0x8]  }
0xd9: {  	[tilespmem:s10], [sflag:$0x1] =	stream.indirect.gather [hbm4b:s5+s6], $0x10, s15, s6, $0xb8;
	[tilespmem:$0x5000] =	vst v63  }
0xda: {  	s0 =	rddreg [dreg:$0x9]  }
0xdb: {  	[tilespmem:s11], [sflag:$0x1] =	stream.indirect.gather [hbm4b:s5+s6], $0x10, s0, s6, $0xb8;
	[tilespmem:$0x5000] =	vst v63  }
0xdc: {  	s15 =	rddreg [dreg:$0xa]  }
0xdd: {  	[tilespmem:s12], [sflag:$0x1] =	stream.indirect.gather [hbm4b:s5+s6], $0x10, s15, s6, $0xb8;
	[tilespmem:$0x5000] =	vst v63  }
0xde: {  	s0 =	rddreg [dreg:$0xb]  }
0xdf: {  	[tilespmem:s13], [sflag:$0x1] =	stream.indirect.gather [hbm4b:s5+s6], $0x10, s0, s6, $0xb8;
	[tilespmem:$0x5000] =	vst v63  }
0xe0: {  	s15 =	rddreg [dreg:$0xc]  }
0xe1: {  	[tilespmem:s14], [sflag:$0x1] =	stream.indirect.gather [hbm4b:s5+s6], $0x10, s15, s6, $0xb8;
	[tilespmem:$0x5000] =	vst v63  }
0xe2: {  	_ =	swait.ge [sflag:s7], $0x800  }
0xe3: {  	[sflag:s7] =	ssyncset.done $0x0  }
0xe4: {  	[sflag:s7] =	ssyncadd.s32 $0xFFFFF800  }
0xe5: {  	_ =	swait.ge [sflag:s7], $0x800  }
0xe6: {  	[sflag:s7] =	ssyncset.done $0x0  }
0xe7: {  	[sflag:s7] =	ssyncadd.s32 $0xFFFFF800  }
0xe8: {  	_ =	swait.ge [sflag:s7], $0x800  }
0xe9: {  	[sflag:s7] =	ssyncset.done $0x0  }
0xea: {  	[sflag:s7] =	ssyncadd.s32 $0xFFFFF800  }
0xeb: {  	_ =	swait.ge [sflag:s7], $0x800  }
0xec: {  	[sflag:s7] =	ssyncset.done $0x0  }
0xed: {  	[sflag:s7] =	ssyncadd.s32 $0xFFFFF800  }
0xee: {  	_ =	swait.ge [sflag:s7], $0x800  }
0xef: {  	[sflag:s7] =	ssyncset.done $0x0  }
0xf0: {  	[sflag:s7] =	ssyncadd.s32 $0xFFFFF800  }
0xf1: {  	_ =	swait.ge [sflag:s7], $0x800  }
0xf2: {  	[sflag:s7] =	ssyncset.done $0x0  }
0xf3: {  	[sflag:s7] =	ssyncadd.s32 $0xFFFFF800  }
0xf4: {  	_ =	swait.ge [sflag:s7], $0x800  }
0xf5: {  	[sflag:s7] =	ssyncset.done $0x0  }
0xf6: {  	[sflag:s7] =	ssyncadd.s32 $0xFFFFF800  }
0xf7: {  	_ =	swait.ge [sflag:s7], $0x800  }
0xf8: {  	[sflag:s7] =	ssyncset.done $0x0  }
0xf9: {  	s15 =	rddreg [dreg:$0x3];
	[sflag:s7] =	ssyncadd.s32 $0xFFFFF800  }
0xfa: {  	[hbm4b:s15+s2] =	stream.linear.scatter [tilespmem:s4], [sflag:$0x2], $0x4000, $0x38;
	[tilespmem:$0x5000] =	vst v63  }
0xfb: {  	_ =	swait.ge [sflag:s3], $0x4000  }
0xfc: {  	[sflag:s3] =	ssyncset.done $0x0  }
0xfd: {  	s0 =	rddreg [dreg:$0xd];
	[sflag:s3] =	ssyncadd.s32 $0xFFFFC000  }
0xfe: {  	[tilespmem:s4], [sflag:$0x1] =	stream.indirect.gather [hbm4b:s5+s6], $0x10, s0, s6, $0xb8;
	[tilespmem:$0x5000] =	vst v63  }
0xff: {  	s15 =	rddreg [dreg:$0xe]  }
0x100: {  	[tilespmem:s8], [sflag:$0x1] =	stream.indirect.gather [hbm4b:s5+s6], $0x10, s15, s6, $0xb8;
	[tilespmem:$0x5000] =	vst v63  }
0x101: {  	s0 =	rddreg [dreg:$0xf]  }
0x102: {  	[tilespmem:s9], [sflag:$0x1] =	stream.indirect.gather [hbm4b:s5+s6], $0x10, s0, s6, $0xb8;
	[tilespmem:$0x5000] =	vst v63  }
0x103: {  	s15 =	rddreg [dreg:$0x10]  }
0x104: {  	[tilespmem:s10], [sflag:$0x1] =	stream.indirect.gather [hbm4b:s5+s6], $0x10, s15, s6, $0xb8;
	[tilespmem:$0x5000] =	vst v63  }
0x105: {  	s0 =	rddreg [dreg:$0x11]  }
0x106: {  	[tilespmem:s11], [sflag:$0x1] =	stream.indirect.gather [hbm4b:s5+s6], $0x10, s0, s6, $0xb8;
	[tilespmem:$0x5000] =	vst v63  }
0x107: {  	s15 =	rddreg [dreg:$0x12]  }
0x108: {  	[tilespmem:s12], [sflag:$0x1] =	stream.indirect.gather [hbm4b:s5+s6], $0x10, s15, s6, $0xb8;
	[tilespmem:$0x5000] =	vst v63  }
0x109: {  	s0 =	rddreg [dreg:$0x13]  }
0x10a: {  	[tilespmem:s13], [sflag:$0x1] =	stream.indirect.gather [hbm4b:s5+s6], $0x10, s0, s6, $0xb8;
	[tilespmem:$0x5000] =	vst v63  }
0x10b: {  	s15 =	rddreg [dreg:$0x14]  }
0x10c: {  	[tilespmem:s14], [sflag:$0x1] =	stream.indirect.gather [hbm4b:s5+s6], $0x10, s15, s6, $0xb8;
	[tilespmem:$0x5000] =	vst v63  }
0x10d: {  	_ =	swait.ge [sflag:s7], $0x800  }
0x10e: {  	[sflag:s7] =	ssyncset.done $0x0  }
0x10f: {  	[sflag:s7] =	ssyncadd.s32 $0xFFFFF800  }
0x110: {  	_ =	swait.ge [sflag:s7], $0x800  }
0x111: {  	[sflag:s7] =	ssyncset.done $0x0  }
0x112: {  	[sflag:s7] =	ssyncadd.s32 $0xFFFFF800  }
0x113: {  	_ =	swait.ge [sflag:s7], $0x800  }
0x114: {  	[sflag:s7] =	ssyncset.done $0x0  }
0x115: {  	[sflag:s7] =	ssyncadd.s32 $0xFFFFF800  }
0x116: {  	_ =	swait.ge [sflag:s7], $0x800  }
0x117: {  	[sflag:s7] =	ssyncset.done $0x0  }
0x118: {  	[sflag:s7] =	ssyncadd.s32 $0xFFFFF800  }
0x119: {  	_ =	swait.ge [sflag:s7], $0x800  }
0x11a: {  	[sflag:s7] =	ssyncset.done $0x0  }
0x11b: {  	[sflag:s7] =	ssyncadd.s32 $0xFFFFF800  }
0x11c: {  	_ =	swait.ge [sflag:s7], $0x800  }
0x11d: {  	[sflag:s7] =	ssyncset.done $0x0  }
0x11e: {  	[sflag:s7] =	ssyncadd.s32 $0xFFFFF800  }
0x11f: {  	_ =	swait.ge [sflag:s7], $0x800  }
0x120: {  	[sflag:s7] =	ssyncset.done $0x0  }
0x121: {  	[sflag:s7] =	ssyncadd.s32 $0xFFFFF800  }
0x122: {  	_ =	swait.ge [sflag:s7], $0x800  }
0x123: {  	[sflag:s7] =	ssyncset.done $0x0  }
0x124: {  	s15 =	rddreg [dreg:$0x4];
	[sflag:s7] =	ssyncadd.s32 $0xFFFFF800  }
0x125: {  	[hbm4b:s15+s2] =	stream.linear.scatter [tilespmem:s4], [sflag:$0x2], $0x4000, $0x38;
	[tilespmem:$0x5000] =	vst v63  }
0x126: {  	_ =	swait.ge [sflag:s3], $0x4000  }
0x127: {  	[sflag:s3] =	ssyncset.done $0x0  }
0x128: {  	s15 =	simm.s32 $0x800;
	[sflag:s3] =	ssyncadd.s32 $0xFFFFC000  }
0x129: {  	[tilespmem:s4], [sflag:$0x1] =	stream.indirect.gather [hbm4b:s5+s6], $0x10, s15, s6, $0xb8;
	[tilespmem:$0x5000] =	vst v63  }
0x12a: {  	_ = 	snop  }
0x12b: {  	[tilespmem:s8], [sflag:$0x1] =	stream.indirect.gather [hbm4b:s5+s6], $0x10, s25, s6, $0xb8;
	[tilespmem:$0x5000] =	vst v63  }
0x12c: {  	_ = 	snop  }
0x12d: {  	[tilespmem:s9], [sflag:$0x1] =	stream.indirect.gather [hbm4b:s5+s6], $0x10, s26, s6, $0xb8;
	[tilespmem:$0x5000] =	vst v63  }
0x12e: {  	_ = 	snop  }
0x12f: {  	[tilespmem:s10], [sflag:$0x1] =	stream.indirect.gather [hbm4b:s5+s6], $0x10, s28, s6, $0xb8;
	[tilespmem:$0x5000] =	vst v63  }
0x130: {  	_ = 	snop  }
0x131: {  	[tilespmem:s11], [sflag:$0x1] =	stream.indirect.gather [hbm4b:s5+s6], $0x10, s29, s6, $0xb8;
	[tilespmem:$0x5000] =	vst v63  }
0x132: {  	_ = 	snop  }
0x133: {  	[tilespmem:s12], [sflag:$0x1] =	stream.indirect.gather [hbm4b:s5+s6], $0x10, s30, s6, $0xb8;
	[tilespmem:$0x5000] =	vst v63  }
0x134: {  	_ = 	snop  }
0x135: {  	[tilespmem:s13], [sflag:$0x1] =	stream.indirect.gather [hbm4b:s5+s6], $0x10, s31, s6, $0xb8;
	[tilespmem:$0x5000] =	vst v63  }
0x136: {  	_ = 	snop  }
0x137: {  	[tilespmem:s14], [sflag:$0x1] =	stream.indirect.gather [hbm4b:s5+s6], $0x10, s24, s6, $0xb8;
	[tilespmem:$0x5000] =	vst v63  }
0x138: {  	_ =	swait.ge [sflag:s7], $0x800  }
0x139: {  	[sflag:s7] =	ssyncset.done $0x0  }
0x13a: {  	[sflag:s7] =	ssyncadd.s32 $0xFFFFF800  }
0x13b: {  	_ =	swait.ge [sflag:s7], $0x800  }
0x13c: {  	[sflag:s7] =	ssyncset.done $0x0  }
0x13d: {  	[sflag:s7] =	ssyncadd.s32 $0xFFFFF800  }
0x13e: {  	_ =	swait.ge [sflag:s7], $0x800  }
0x13f: {  	[sflag:s7] =	ssyncset.done $0x0  }
0x140: {  	[sflag:s7] =	ssyncadd.s32 $0xFFFFF800  }
0x141: {  	_ =	swait.ge [sflag:s7], $0x800  }
0x142: {  	[sflag:s7] =	ssyncset.done $0x0  }
0x143: {  	[sflag:s7] =	ssyncadd.s32 $0xFFFFF800  }
0x144: {  	_ =	swait.ge [sflag:s7], $0x800  }
0x145: {  	[sflag:s7] =	ssyncset.done $0x0  }
0x146: {  	[sflag:s7] =	ssyncadd.s32 $0xFFFFF800  }
0x147: {  	_ =	swait.ge [sflag:s7], $0x800  }
0x148: {  	[sflag:s7] =	ssyncset.done $0x0  }
0x149: {  	[sflag:s7] =	ssyncadd.s32 $0xFFFFF800  }
0x14a: {  	_ =	swait.ge [sflag:s7], $0x800  }
0x14b: {  	[sflag:s7] =	ssyncset.done $0x0  }
0x14c: {  	[sflag:s7] =	ssyncadd.s32 $0xFFFFF800  }
0x14d: {  	_ =	swait.ge [sflag:s7], $0x800  }
0x14e: {  	[sflag:s7] =	ssyncset.done $0x0  }
0x14f: {  	s15 =	rddreg [dreg:$0x5];
	[sflag:s7] =	ssyncadd.s32 $0xFFFFF800  }
0x150: {  	[hbm4b:s15+s2] =	stream.linear.scatter [tilespmem:s4], [sflag:$0x2], $0x4000, $0x38;
	[tilespmem:$0x5000] =	vst v63  }
0x151: {  	_ =	swait.ge [sflag:s3], $0x4000  }
0x152: {  	[sflag:s3] =	ssyncset.done $0x0  }
0x153: {  	[sflag:s3] =	ssyncadd.s32 $0xFFFFC000  }
0x154: {  	[tilespmem:s4], [sflag:$0x1] =	stream.indirect.gather [hbm4b:s5+s6], $0x10, s16, s6, $0xb8;
	[tilespmem:$0x5000] =	vst v63  }
0x155: {  	_ = 	snop  }
0x156: {  	[tilespmem:s8], [sflag:$0x1] =	stream.indirect.gather [hbm4b:s5+s6], $0x10, s17, s6, $0xb8;
	[tilespmem:$0x5000] =	vst v63  }
0x157: {  	_ = 	snop  }
0x158: {  	[tilespmem:s9], [sflag:$0x1] =	stream.indirect.gather [hbm4b:s5+s6], $0x10, s18, s6, $0xb8;
	[tilespmem:$0x5000] =	vst v63  }
0x159: {  	_ = 	snop  }
0x15a: {  	[tilespmem:s10], [sflag:$0x1] =	stream.indirect.gather [hbm4b:s5+s6], $0x10, s19, s6, $0xb8;
	[tilespmem:$0x5000] =	vst v63  }
0x15b: {  	_ = 	snop  }
0x15c: {  	[tilespmem:s11], [sflag:$0x1] =	stream.indirect.gather [hbm4b:s5+s6], $0x10, s20, s6, $0xb8;
	[tilespmem:$0x5000] =	vst v63  }
0x15d: {  	_ = 	snop  }
0x15e: {  	[tilespmem:s12], [sflag:$0x1] =	stream.indirect.gather [hbm4b:s5+s6], $0x10, s21, s6, $0xb8;
	[tilespmem:$0x5000] =	vst v63  }
0x15f: {  	_ = 	snop  }
0x160: {  	[tilespmem:s13], [sflag:$0x1] =	stream.indirect.gather [hbm4b:s5+s6], $0x10, s22, s6, $0xb8;
	[tilespmem:$0x5000] =	vst v63  }
0x161: {  	_ = 	snop  }
0x162: {  	[tilespmem:s14], [sflag:$0x1] =	stream.indirect.gather [hbm4b:s5+s6], $0x10, s23, s6, $0xb8;
	[tilespmem:$0x5000] =	vst v63  }
0x163: {  	_ =	swait.ge [sflag:s7], $0x800  }
0x164: {  	[sflag:s7] =	ssyncset.done $0x0  }
0x165: {  	[sflag:s7] =	ssyncadd.s32 $0xFFFFF800  }
0x166: {  	_ =	swait.ge [sflag:s7], $0x800  }
0x167: {  	[sflag:s7] =	ssyncset.done $0x0  }
0x168: {  	[sflag:s7] =	ssyncadd.s32 $0xFFFFF800  }
0x169: {  	_ =	swait.ge [sflag:s7], $0x800  }
0x16a: {  	[sflag:s7] =	ssyncset.done $0x0  }
0x16b: {  	[sflag:s7] =	ssyncadd.s32 $0xFFFFF800  }
0x16c: {  	_ =	swait.ge [sflag:s7], $0x800  }
0x16d: {  	[sflag:s7] =	ssyncset.done $0x0  }
0x16e: {  	[sflag:s7] =	ssyncadd.s32 $0xFFFFF800  }
0x16f: {  	_ =	swait.ge [sflag:s7], $0x800  }
0x170: {  	[sflag:s7] =	ssyncset.done $0x0  }
0x171: {  	[sflag:s7] =	ssyncadd.s32 $0xFFFFF800  }
0x172: {  	_ =	swait.ge [sflag:s7], $0x800  }
0x173: {  	[sflag:s7] =	ssyncset.done $0x0  }
0x174: {  	[sflag:s7] =	ssyncadd.s32 $0xFFFFF800  }
0x175: {  	_ =	swait.ge [sflag:s7], $0x800  }
0x176: {  	[sflag:s7] =	ssyncset.done $0x0  }
0x177: {  	[sflag:s7] =	ssyncadd.s32 $0xFFFFF800  }
0x178: {  	p1 =	sne.s32 s1, $0x1;
	_ =	swait.ge [sflag:s7], $0x800  }
.Ltmp2:
0x179: {  	[sflag:s7] =	ssyncset.done $0x0;
	(pc) =	sbr.rel @p1 .LBB2_4-.Ltmp2, $4  }
0x17a: {  	s15 =	rddreg [dreg:$0x6];
	[sflag:s7] =	ssyncadd.s32 $0xFFFFF800  }
0x17b: {  	[hbm4b:s15+s2] =	stream.linear.scatter [tilespmem:s4], [sflag:$0x2], $0x4000, $0x38;
	[tilespmem:$0x5000] =	vst v63  }
0x17c: {  	_ =	swait.ge [sflag:s3], $0x4000  }
0x17d: {  	s1 =	sadd.s32 $0xFFFFFFFF, s1;
	s0 =	rddreg [dreg:$0x2];
	[sflag:s3] =	ssyncset.done $0x0  }
0x17e: {  	s23 =	simm.s32 $0xB80  }
0x17f: {  	s31 =	simm.s32 $0xB00;
	s30 =	simm.s32 $0xA80;
	s29 =	simm.s32 $0xA00  }
0x180: {  	s28 =	simm.s32 $0x980;
	s26 =	simm.s32 $0x900;
	s25 =	simm.s32 $0x880  }
0x181: {  	s24 =	simm.s32 $0x800;
	s22 =	simm.s32 $0xF00;
	s21 =	simm.s32 $0xE80  }
0x182: {  	s20 =	simm.s32 $0xE00;
	s19 =	simm.s32 $0xD80;
	s18 =	simm.s32 $0xD00  }
0x183: {  	s17 =	simm.s32 $0xC80;
	s16 =	simm.s32 $0xC00;
	s15 =	stileid.u32  }
.LBB2_6:
0x184: {  	[sflag:s3] =	ssyncadd.s32 @p0 $0xFFFFC000  }
0x185: {  	[tilespmem:s2], [sflag:$0x2] =	stream.linear.gather [hbm4b:s0+s2], $0x1000, $0x38;
	[tilespmem:$0x5000] =	vst v63  }
0x186: {  	_ =	swait.ge [sflag:s3], $0x1000  }
0x187: {  	[sflag:s3] =	ssyncset.done $0x0  }
0x188: {  	[sflag:s3] =	ssyncadd.s32 $0xFFFFF000  }
0x189: {  	[tilespmem:s4], [sflag:$0x1] =	stream.indirect.gather [hbm4b:s5+s6], $0x10, s2, s6, $0xb8;
	[tilespmem:$0x5000] =	vst v63  }
0x18a: {  	_ = 	snop  }
0x18b: {  	[tilespmem:s8], [sflag:$0x1] =	stream.indirect.gather [hbm4b:s5+s6], $0x10, s6, s6, $0xb8;
	[tilespmem:$0x5000] =	vst v63  }
0x18c: {  	s0 =	rddreg [dreg:$0x7]  }
0x18d: {  	[tilespmem:s9], [sflag:$0x1] =	stream.indirect.gather [hbm4b:s5+s6], $0x10, s0, s6, $0xb8;
	[tilespmem:$0x5000] =	vst v63  }
0x18e: {  	s1 =	rddreg [dreg:$0x8]  }
0x18f: {  	[tilespmem:s10], [sflag:$0x1] =	stream.indirect.gather [hbm4b:s5+s6], $0x10, s1, s6, $0xb8;
	[tilespmem:$0x5000] =	vst v63  }
0x190: {  	s0 =	rddreg [dreg:$0x9]  }
0x191: {  	[tilespmem:s11], [sflag:$0x1] =	stream.indirect.gather [hbm4b:s5+s6], $0x10, s0, s6, $0xb8;
	[tilespmem:$0x5000] =	vst v63  }
0x192: {  	s1 =	rddreg [dreg:$0xa]  }
0x193: {  	[tilespmem:s12], [sflag:$0x1] =	stream.indirect.gather [hbm4b:s5+s6], $0x10, s1, s6, $0xb8;
	[tilespmem:$0x5000] =	vst v63  }
0x194: {  	s0 =	rddreg [dreg:$0xb]  }
0x195: {  	[tilespmem:s13], [sflag:$0x1] =	stream.indirect.gather [hbm4b:s5+s6], $0x10, s0, s6, $0xb8;
	[tilespmem:$0x5000] =	vst v63  }
0x196: {  	s1 =	rddreg [dreg:$0xc]  }
0x197: {  	[tilespmem:s14], [sflag:$0x1] =	stream.indirect.gather [hbm4b:s5+s6], $0x10, s1, s6, $0xb8;
	[tilespmem:$0x5000] =	vst v63  }
0x198: {  	_ =	swait.ge [sflag:s7], $0x800  }
0x199: {  	[sflag:s7] =	ssyncset.done $0x0  }
0x19a: {  	[sflag:s7] =	ssyncadd.s32 $0xFFFFF800  }
0x19b: {  	_ =	swait.ge [sflag:s7], $0x800  }
0x19c: {  	[sflag:s7] =	ssyncset.done $0x0  }
0x19d: {  	[sflag:s7] =	ssyncadd.s32 $0xFFFFF800  }
0x19e: {  	_ =	swait.ge [sflag:s7], $0x800  }
0x19f: {  	[sflag:s7] =	ssyncset.done $0x0  }
0x1a0: {  	[sflag:s7] =	ssyncadd.s32 $0xFFFFF800  }
0x1a1: {  	_ =	swait.ge [sflag:s7], $0x800  }
0x1a2: {  	[sflag:s7] =	ssyncset.done $0x0  }
0x1a3: {  	[sflag:s7] =	ssyncadd.s32 $0xFFFFF800  }
0x1a4: {  	_ =	swait.ge [sflag:s7], $0x800  }
0x1a5: {  	[sflag:s7] =	ssyncset.done $0x0  }
0x1a6: {  	[sflag:s7] =	ssyncadd.s32 $0xFFFFF800  }
0x1a7: {  	_ =	swait.ge [sflag:s7], $0x800  }
0x1a8: {  	[sflag:s7] =	ssyncset.done $0x0  }
0x1a9: {  	[sflag:s7] =	ssyncadd.s32 $0xFFFFF800  }
0x1aa: {  	_ =	swait.ge [sflag:s7], $0x800  }
0x1ab: {  	[sflag:s7] =	ssyncset.done $0x0  }
0x1ac: {  	[sflag:s7] =	ssyncadd.s32 $0xFFFFF800  }
0x1ad: {  	_ =	swait.ge [sflag:s7], $0x800  }
0x1ae: {  	[sflag:s7] =	ssyncset.done $0x0  }
0x1af: {  	s1 =	rddreg [dreg:$0x3];
	[sflag:s7] =	ssyncadd.s32 $0xFFFFF800  }
0x1b0: {  	[hbm4b:s1+s2] =	stream.linear.scatter [tilespmem:s4], [sflag:$0x2], $0x4000, $0x38;
	[tilespmem:$0x5000] =	vst v63  }
0x1b1: {  	_ =	swait.ge [sflag:s3], $0x4000  }
0x1b2: {  	[sflag:s3] =	ssyncset.done $0x0  }
0x1b3: {  	s0 =	rddreg [dreg:$0xd];
	[sflag:s3] =	ssyncadd.s32 $0xFFFFC000  }
0x1b4: {  	[tilespmem:s4], [sflag:$0x1] =	stream.indirect.gather [hbm4b:s5+s6], $0x10, s0, s6, $0xb8;
	[tilespmem:$0x5000] =	vst v63  }
0x1b5: {  	s1 =	rddreg [dreg:$0xe]  }
0x1b6: {  	[tilespmem:s8], [sflag:$0x1] =	stream.indirect.gather [hbm4b:s5+s6], $0x10, s1, s6, $0xb8;
	[tilespmem:$0x5000] =	vst v63  }
0x1b7: {  	s0 =	rddreg [dreg:$0xf]  }
0x1b8: {  	[tilespmem:s9], [sflag:$0x1] =	stream.indirect.gather [hbm4b:s5+s6], $0x10, s0, s6, $0xb8;
	[tilespmem:$0x5000] =	vst v63  }
0x1b9: {  	s1 =	rddreg [dreg:$0x10]  }
0x1ba: {  	[tilespmem:s10], [sflag:$0x1] =	stream.indirect.gather [hbm4b:s5+s6], $0x10, s1, s6, $0xb8;
	[tilespmem:$0x5000] =	vst v63  }
0x1bb: {  	s0 =	rddreg [dreg:$0x11]  }
0x1bc: {  	[tilespmem:s11], [sflag:$0x1] =	stream.indirect.gather [hbm4b:s5+s6], $0x10, s0, s6, $0xb8;
	[tilespmem:$0x5000] =	vst v63  }
0x1bd: {  	s1 =	rddreg [dreg:$0x12]  }
0x1be: {  	[tilespmem:s12], [sflag:$0x1] =	stream.indirect.gather [hbm4b:s5+s6], $0x10, s1, s6, $0xb8;
	[tilespmem:$0x5000] =	vst v63  }
0x1bf: {  	s0 =	rddreg [dreg:$0x13]  }
0x1c0: {  	[tilespmem:s13], [sflag:$0x1] =	stream.indirect.gather [hbm4b:s5+s6], $0x10, s0, s6, $0xb8;
	[tilespmem:$0x5000] =	vst v63  }
0x1c1: {  	s1 =	rddreg [dreg:$0x14]  }
0x1c2: {  	[tilespmem:s14], [sflag:$0x1] =	stream.indirect.gather [hbm4b:s5+s6], $0x10, s1, s6, $0xb8;
	[tilespmem:$0x5000] =	vst v63  }
0x1c3: {  	_ =	swait.ge [sflag:s7], $0x800  }
0x1c4: {  	[sflag:s7] =	ssyncset.done $0x0  }
0x1c5: {  	[sflag:s7] =	ssyncadd.s32 $0xFFFFF800  }
0x1c6: {  	_ =	swait.ge [sflag:s7], $0x800  }
0x1c7: {  	[sflag:s7] =	ssyncset.done $0x0  }
0x1c8: {  	[sflag:s7] =	ssyncadd.s32 $0xFFFFF800  }
0x1c9: {  	_ =	swait.ge [sflag:s7], $0x800  }
0x1ca: {  	[sflag:s7] =	ssyncset.done $0x0  }
0x1cb: {  	[sflag:s7] =	ssyncadd.s32 $0xFFFFF800  }
0x1cc: {  	_ =	swait.ge [sflag:s7], $0x800  }
0x1cd: {  	[sflag:s7] =	ssyncset.done $0x0  }
0x1ce: {  	[sflag:s7] =	ssyncadd.s32 $0xFFFFF800  }
0x1cf: {  	_ =	swait.ge [sflag:s7], $0x800  }
0x1d0: {  	[sflag:s7] =	ssyncset.done $0x0  }
0x1d1: {  	[sflag:s7] =	ssyncadd.s32 $0xFFFFF800  }
0x1d2: {  	_ =	swait.ge [sflag:s7], $0x800  }
0x1d3: {  	[sflag:s7] =	ssyncset.done $0x0  }
0x1d4: {  	[sflag:s7] =	ssyncadd.s32 $0xFFFFF800  }
0x1d5: {  	_ =	swait.ge [sflag:s7], $0x800  }
0x1d6: {  	[sflag:s7] =	ssyncset.done $0x0  }
0x1d7: {  	[sflag:s7] =	ssyncadd.s32 $0xFFFFF800  }
0x1d8: {  	_ =	swait.ge [sflag:s7], $0x800  }
0x1d9: {  	[sflag:s7] =	ssyncset.done $0x0  }
0x1da: {  	s1 =	rddreg [dreg:$0x4];
	[sflag:s7] =	ssyncadd.s32 $0xFFFFF800  }
0x1db: {  	[hbm4b:s1+s2] =	stream.linear.scatter [tilespmem:s4], [sflag:$0x2], $0x4000, $0x38;
	[tilespmem:$0x5000] =	vst v63  }
0x1dc: {  	_ =	swait.ge [sflag:s3], $0x4000  }
0x1dd: {  	[sflag:s3] =	ssyncset.done $0x0  }
0x1de: {  	[sflag:s3] =	ssyncadd.s32 $0xFFFFC000  }
0x1df: {  	[tilespmem:s4], [sflag:$0x1] =	stream.indirect.gather [hbm4b:s5+s6], $0x10, s24, s6, $0xb8;
	[tilespmem:$0x5000] =	vst v63  }
0x1e0: {  	_ = 	snop  }
0x1e1: {  	[tilespmem:s8], [sflag:$0x1] =	stream.indirect.gather [hbm4b:s5+s6], $0x10, s25, s6, $0xb8;
	[tilespmem:$0x5000] =	vst v63  }
0x1e2: {  	_ = 	snop  }
0x1e3: {  	[tilespmem:s9], [sflag:$0x1] =	stream.indirect.gather [hbm4b:s5+s6], $0x10, s26, s6, $0xb8;
	[tilespmem:$0x5000] =	vst v63  }
0x1e4: {  	_ = 	snop  }
0x1e5: {  	[tilespmem:s10], [sflag:$0x1] =	stream.indirect.gather [hbm4b:s5+s6], $0x10, s28, s6, $0xb8;
	[tilespmem:$0x5000] =	vst v63  }
0x1e6: {  	_ = 	snop  }
0x1e7: {  	[tilespmem:s11], [sflag:$0x1] =	stream.indirect.gather [hbm4b:s5+s6], $0x10, s29, s6, $0xb8;
	[tilespmem:$0x5000] =	vst v63  }
0x1e8: {  	_ = 	snop  }
0x1e9: {  	[tilespmem:s12], [sflag:$0x1] =	stream.indirect.gather [hbm4b:s5+s6], $0x10, s30, s6, $0xb8;
	[tilespmem:$0x5000] =	vst v63  }
0x1ea: {  	_ = 	snop  }
0x1eb: {  	[tilespmem:s13], [sflag:$0x1] =	stream.indirect.gather [hbm4b:s5+s6], $0x10, s31, s6, $0xb8;
	[tilespmem:$0x5000] =	vst v63  }
0x1ec: {  	_ = 	snop  }
0x1ed: {  	[tilespmem:s14], [sflag:$0x1] =	stream.indirect.gather [hbm4b:s5+s6], $0x10, s23, s6, $0xb8;
	[tilespmem:$0x5000] =	vst v63  }
0x1ee: {  	_ =	swait.ge [sflag:s7], $0x800  }
0x1ef: {  	[sflag:s7] =	ssyncset.done $0x0  }
0x1f0: {  	[sflag:s7] =	ssyncadd.s32 $0xFFFFF800  }
0x1f1: {  	_ =	swait.ge [sflag:s7], $0x800  }
0x1f2: {  	[sflag:s7] =	ssyncset.done $0x0  }
0x1f3: {  	[sflag:s7] =	ssyncadd.s32 $0xFFFFF800  }
0x1f4: {  	_ =	swait.ge [sflag:s7], $0x800  }
0x1f5: {  	[sflag:s7] =	ssyncset.done $0x0  }
0x1f6: {  	[sflag:s7] =	ssyncadd.s32 $0xFFFFF800  }
0x1f7: {  	_ =	swait.ge [sflag:s7], $0x800  }
0x1f8: {  	[sflag:s7] =	ssyncset.done $0x0  }
0x1f9: {  	[sflag:s7] =	ssyncadd.s32 $0xFFFFF800  }
0x1fa: {  	_ =	swait.ge [sflag:s7], $0x800  }
0x1fb: {  	[sflag:s7] =	ssyncset.done $0x0  }
0x1fc: {  	[sflag:s7] =	ssyncadd.s32 $0xFFFFF800  }
0x1fd: {  	_ =	swait.ge [sflag:s7], $0x800  }
0x1fe: {  	[sflag:s7] =	ssyncset.done $0x0  }
0x1ff: {  	[sflag:s7] =	ssyncadd.s32 $0xFFFFF800  }
0x200: {  	_ =	swait.ge [sflag:s7], $0x800  }
0x201: {  	[sflag:s7] =	ssyncset.done $0x0  }
0x202: {  	[sflag:s7] =	ssyncadd.s32 $0xFFFFF800  }
0x203: {  	_ =	swait.ge [sflag:s7], $0x800  }
0x204: {  	[sflag:s7] =	ssyncset.done $0x0  }
0x205: {  	s29 =	rddreg [dreg:$0x5];
	[sflag:s7] =	ssyncadd.s32 $0xFFFFF800  }
0x206: {  	[hbm4b:s29+s2] =	stream.linear.scatter [tilespmem:s4], [sflag:$0x2], $0x4000, $0x38;
	[tilespmem:$0x5000] =	vst v63  }
0x207: {  	_ =	swait.ge [sflag:s3], $0x4000  }
0x208: {  	[sflag:s3] =	ssyncset.done $0x0  }
0x209: {  	[sflag:s3] =	ssyncadd.s32 $0xFFFFC000  }
0x20a: {  	[tilespmem:s4], [sflag:$0x1] =	stream.indirect.gather [hbm4b:s5+s6], $0x10, s16, s6, $0xb8;
	[tilespmem:$0x5000] =	vst v63  }
0x20b: {  	_ = 	snop  }
0x20c: {  	[tilespmem:s8], [sflag:$0x1] =	stream.indirect.gather [hbm4b:s5+s6], $0x10, s17, s6, $0xb8;
	[tilespmem:$0x5000] =	vst v63  }
0x20d: {  	_ = 	snop  }
0x20e: {  	[tilespmem:s9], [sflag:$0x1] =	stream.indirect.gather [hbm4b:s5+s6], $0x10, s18, s6, $0xb8;
	[tilespmem:$0x5000] =	vst v63  }
0x20f: {  	_ = 	snop  }
0x210: {  	[tilespmem:s10], [sflag:$0x1] =	stream.indirect.gather [hbm4b:s5+s6], $0x10, s19, s6, $0xb8;
	[tilespmem:$0x5000] =	vst v63  }
0x211: {  	_ = 	snop  }
0x212: {  	[tilespmem:s11], [sflag:$0x1] =	stream.indirect.gather [hbm4b:s5+s6], $0x10, s20, s6, $0xb8;
	[tilespmem:$0x5000] =	vst v63  }
0x213: {  	_ = 	snop  }
0x214: {  	[tilespmem:s12], [sflag:$0x1] =	stream.indirect.gather [hbm4b:s5+s6], $0x10, s21, s6, $0xb8;
	[tilespmem:$0x5000] =	vst v63  }
0x215: {  	_ = 	snop  }
0x216: {  	[tilespmem:s13], [sflag:$0x1] =	stream.indirect.gather [hbm4b:s5+s6], $0x10, s22, s6, $0xb8;
	[tilespmem:$0x5000] =	vst v63  }
0x217: {  	s30 =	simm.s32 $0xF80  }
0x218: {  	[tilespmem:s14], [sflag:$0x1] =	stream.indirect.gather [hbm4b:s5+s6], $0x10, s30, s6, $0xb8;
	[tilespmem:$0x5000] =	vst v63  }
0x219: {  	_ =	swait.ge [sflag:s7], $0x800  }
0x21a: {  	[sflag:s7] =	ssyncset.done $0x0  }
0x21b: {  	[sflag:s7] =	ssyncadd.s32 $0xFFFFF800  }
0x21c: {  	_ =	swait.ge [sflag:s7], $0x800  }
0x21d: {  	[sflag:s7] =	ssyncset.done $0x0  }
0x21e: {  	[sflag:s7] =	ssyncadd.s32 $0xFFFFF800  }
0x21f: {  	_ =	swait.ge [sflag:s7], $0x800  }
0x220: {  	[sflag:s7] =	ssyncset.done $0x0  }
0x221: {  	[sflag:s7] =	ssyncadd.s32 $0xFFFFF800  }
0x222: {  	_ =	swait.ge [sflag:s7], $0x800  }
0x223: {  	[sflag:s7] =	ssyncset.done $0x0  }
0x224: {  	[sflag:s7] =	ssyncadd.s32 $0xFFFFF800  }
0x225: {  	_ =	swait.ge [sflag:s7], $0x800  }
0x226: {  	[sflag:s7] =	ssyncset.done $0x0  }
0x227: {  	[sflag:s7] =	ssyncadd.s32 $0xFFFFF800  }
0x228: {  	_ =	swait.ge [sflag:s7], $0x800  }
0x229: {  	[sflag:s7] =	ssyncset.done $0x0  }
0x22a: {  	[sflag:s7] =	ssyncadd.s32 $0xFFFFF800  }
0x22b: {  	_ =	swait.ge [sflag:s7], $0x800  }
0x22c: {  	[sflag:s7] =	ssyncset.done $0x0  }
0x22d: {  	[sflag:s7] =	ssyncadd.s32 $0xFFFFF800  }
0x22e: {  	_ =	swait.ge [sflag:s7], $0x800  }
0x22f: {  	[sflag:s7] =	ssyncset.done $0x0  }
0x230: {  	s31 =	rddreg [dreg:$0x6];
	[sflag:s7] =	ssyncadd.s32 $0xFFFFF800  }
0x231: {  	[hbm4b:s31+s2] =	stream.linear.scatter [tilespmem:s4], [sflag:$0x2], $0x4000, $0x38;
	[tilespmem:$0x5000] =	vst v63  }
0x232: {  	_ =	swait.ge [sflag:s3], $0x4000  }
0x233: {  	[sflag:s3] =	ssyncset.done $0x0  }
0x234: {  	[sflag:s3] =	ssyncadd.s32 $0xFFFFC000  }
0x235: {  	_ =	sfence.sel $0x180000  }
0x236: {  	[bflag:$0x0] =	sbarrier.arrive $0xFFFF  }
0x237: {  	_ =	strace $0x9000004D  }
0x238: {  	[bflag:$0x2] =	sbarrier.arrive $0xFFFF  }
0x239: {  	p0 =	sne.s32 s15, $0x0;
	s0 =	rddreg [dreg:$0x1]  }
0x23a: {  	s0 =	sadd.s32 @!p0 $0x100000, s0  }
0x23b: {  	[sflag:s0] =	ssyncadd.tile.s32 @!p0 $0x1;
	_ =	shalt  }
.LBB2_1:
0x23c: {  	s23 =	simm.s32 $0xB80  }
.Ltmp3:
0x23d: {  	s31 =	simm.s32 $0xB00;
	s30 =	simm.s32 $0xA80;
	(pc) =	sbr.rel .LBB2_6-.Ltmp3, $4  }
0x23e: {  	s29 =	simm.s32 $0xA00;
	s28 =	simm.s32 $0x980;
	s26 =	simm.s32 $0x900  }
0x23f: {  	s25 =	simm.s32 $0x880;
	s24 =	simm.s32 $0x800;
	s22 =	simm.s32 $0xF00  }
0x240: {  	s21 =	simm.s32 $0xE80;
	s20 =	simm.s32 $0xE00;
	s19 =	simm.s32 $0xD80  }
0x241: {  	s18 =	simm.s32 $0xD00;
	s17 =	simm.s32 $0xC80;
	s16 =	simm.s32 $0xC00  }
.LBB2_3:
0x242: {  	s23 =	simm.s32 $0xB80;
	s31 =	simm.s32 $0xB00  }
.Ltmp4:
0x243: {  	s30 =	simm.s32 $0xA80;
	s29 =	simm.s32 $0xA00;
	(pc) =	sbr.rel .LBB2_6-.Ltmp4, $4  }
0x244: {  	s28 =	simm.s32 $0x980;
	s26 =	simm.s32 $0x900;
	s25 =	simm.s32 $0x880  }
0x245: {  	s24 =	simm.s32 $0x800;
	s22 =	simm.s32 $0xF00;
	s21 =	simm.s32 $0xE80  }
0x246: {  	s20 =	simm.s32 $0xE00;
	s19 =	simm.s32 $0xD80;
	s18 =	simm.s32 $0xD00  }
0x247: {  	s17 =	simm.s32 $0xC80;
	s16 =	simm.s32 $0xC00;
	s15 =	stileid.u32  }
.Lfunc_end2:
_tile_overlayer_lowered:
.L_overlay_start_2:
0x248: {  	(tag) =	ssettag $0x2  }
0x249: {  	s0 =	rddreg [dreg:$0x0];
	s2 =	stileid.u32  }
0x24a: {  	s1 =	rddreg [dreg:$0x1];
	p0 =	sne.s32 s2, $0x0  }
0x24b: {  	s3 =	rddreg [dreg:$0x2];
	[bflag:$0x3] =	sbarrier.arrive $0xFFFF;
	s2 =	simm.s32 @!p0 $0x1C02  }
0x24c: {  	[timem:s3], [sflag:s2] =	dma.local @!p0 [hbm:s0], s1  }
0x24d: {  	s0 =	simm.s32 @!p0 $0x2  }
0x24e: {  	_ =	swait.ge @!p0 [sflag:s0], s1  }
0x24f: {  	s1 =	ssub.s32 @!p0 $0x0, s1;
	[sflag:s0] =	ssyncset.done @!p0 $0x0  }
0x250: {  	[sflag:s0] =	ssyncadd.s32 @!p0 s1  }
0x251: {  	[bflag:$0x3] =	sbarrier.arrive $0xFFFF  }
0x252: {  	_ =	shalt  }

// kernel: kernel.17.cloned.1.call-start
scs
__scs_entry_jumppad:
0x0: {  	(pc) =	sbr.rel $0x88, $3  }
0x1: {  	(tag) =	ssettag $0x0;
	lr =	simm.s32 $0x1  }
0x2: {  	[smem:$0x3F98] =	sst lr;
	_ =	strace $0xD0000000  }
0x3: {  	_ = 	snop  }
0x4: {  	_ = 	snop  }
0x5: {  	_ = 	snop  }
0x6: {  	_ = 	snop  }
0x7: {  	_ = 	snop  }
__scs_overlays_trampoline_lowered:
0x8: {  	[smem:$0x3FA7] =	sst s0  }
0x9: {  	[smem:$0x3FA8] =	sst s1  }
0xa: {  	[smem:$0x3FA9] =	sst s2  }
0xb: {  	[smem:$0x3FAA] =	sst s3  }
0xc: {  	[smem:$0x3FAB] =	sst s4  }
0xd: {  	[smem:$0x3FAC] =	sst s5  }
0xe: {  	[smem:$0x3FAD] =	sst s6  }
0xf: {  	[smem:$0x3FAE] =	sst s7  }
0x10: {  	[smem:$0x3FAF] =	sst s8  }
0x11: {  	[smem:$0x3FB0] =	sst s9;
	s0 =	simm.s32 @!p0 $0x0  }
0x12: {  	s1 =	sld [smem:$0x3F96];
	s0 =	simm.s32 @p0 $0x1  }
0x13: {  	[smem:$0x3FB1] =	sst s0;
	s0 =	simm.s32 @!p1 $0x0  }
0x14: {  	s2 =	sld [smem:$0x3F95];
	s0 =	simm.s32 @p1 $0x1  }
0x15: {  	[smem:$0x3FB2] =	sst s0;
	s0 =	simm.s32 @!p2 $0x0  }
0x16: {  	s3 =	sld [smem:$0x3FDB];
	s0 =	simm.s32 @p2 $0x1  }
0x17: {  	s4 =	simm.s32 $0x1BF5;
	[smem:$0x3FB4] =	sst s0  }
0x18: {  	s0 =	sld [smem:$0x3F97];
	_ =	swait.ge [sflag:s4], $0x0  }
0x19: {  	s7 =	sld [smem:$0x3F98]  }
0x1a: {  	s8 =	sadd.s32 $0xFFFFE003, lr  }
0x1b: {  	s9 =	sadd.s32 $0xFFFFFEF7, lr;
	s5 =	simm.s32 $0xFFFFFFFF;
	p2 =	slt.u32 s8, $0xFFFFF086  }
0x1c: {  	p1 =	slt.u32 s9, $0xF7A;
	s5 =	simm.s32 @!p2 $0x0  }
0x1d: {  	s5 =	simm.s32 @p1 $0x1;
	p0 =	seq.s32 s7, s2  }
0x1e: {  	s7 =	smul.u32 @!p0 $0xF7A, s2;
	p2 =	seq.s32 @!p0 s5, $0x0  }
0x1f: {  	s9 =	smul.u32 $0xF7A, s1;
	s8 =	simm.s32 @!p0 $0x1BF5;
	p2 =	por !p2, p0  }
0x20: {  	[sflag:s8] =	ssyncset.s32 @!p0 $0xFFFFF086;
	s6 =	sadd.s32 @!p0 s3, s7;
	s7 =	simm.s32 @!p0 $0x108  }
0x21: {  	s3 =	sadd.s32 s3, s9;
	s6 =	sadd.s32 @!p0 $0x88, s6;
	s7 =	simm.s32 @p2 $0x1082  }
0x22: {  	[simem:s7], [sflag:s8] =	dma.local @!p0 [hbm:s6], $0xF7A  }
0x23: {  	s9 =	sor.u32 $0xD0000000, s2;
	s6 =	simm.s32 $0x108;
	_ =	swait.ge @!p0 [sflag:s8], $0x0  }
0x24: {  	s3 =	sadd.s32 $0x88, s3;
	s6 =	simm.s32 @!p1 $0x1082;
	[sflag:s4] =	ssyncset.s32 $0xFFFFF086  }
0x25: {  	[simem:s6], [sflag:s4] =	dma.local [hbm:s3], $0xF7A  }
0x26: {  	[smem:$0x3F98] =	sst s1;
	(tag) =	ssettag s2;
	_ =	strace s9  }
0x27: {  	s1 =	sld [smem:$0x3FA8]  }
0x28: {  	s2 =	sld [smem:$0x3FA9]  }
0x29: {  	s4 =	sld [smem:$0x3FAB]  }
0x2a: {  	p0 =	seq.s32 s5, $0x0;
	s5 =	sld [smem:$0x3FAC]  }
0x2b: {  	s6 =	sld [smem:$0x3FAD]  }
0x2c: {  	s7 =	sld [smem:$0x3FAE]  }
0x2d: {  	s3 =	simm.s32 $0x108;
	s8 =	sld [smem:$0x3FAF]  }
0x2e: {  	s3 =	simm.s32 @!p0 $0x1082;
	s9 =	sld [smem:$0x3FB0]  }
0x2f: {  	lr =	sadd.s32 s0, s3;
	s0 =	sld [smem:$0x3FA7]  }
0x30: {  	s3 =	sld [smem:$0x3FAA]  }
0x31: {  	[smem:$0x3FB3] =	sst s10  }
0x32: {  	s10 =	sld [smem:$0x3FB1];
	_ =	sdelay $0x3  }
0x33: {  	p0 =	seq.s32 s10, $0x1;
	s10 =	sld [smem:$0x3FB3];
	_ =	sdelay $0x3  }
0x34: {  	[smem:$0x3FB3] =	sst s10  }
0x35: {  	s10 =	sld [smem:$0x3FB2];
	_ =	sdelay $0x3  }
0x36: {  	p1 =	seq.s32 s10, $0x1;
	s10 =	sld [smem:$0x3FB3];
	_ =	sdelay $0x3  }
0x37: {  	[smem:$0x3FB3] =	sst s10  }
0x38: {  	s10 =	sld [smem:$0x3FB4]  }
0x39: {  	_ = 	snop;
	(pc) =	sbr.ind lr, $3  }
0x3a: {  	_ = 	snop  }
0x3b: {  	_ = 	snop  }
0x3c: {  	p2 =	seq.s32 s10, $0x1;
	s10 =	sld [smem:$0x3FB3]  }
0x3d: {  	_ =	shalt  }
0x3e: {  	_ =	shalt  }
0x3f: {  	_ =	shalt  }
0x40: {  	_ =	shalt  }
0x41: {  	_ =	shalt  }
0x42: {  	_ =	shalt  }
0x43: {  	_ =	shalt  }
0x44: {  	_ =	shalt  }
0x45: {  	_ =	shalt  }
0x46: {  	_ =	shalt  }
0x47: {  	_ =	shalt  }
0x48: {  	_ =	shalt  }
0x49: {  	_ =	shalt  }
0x4a: {  	_ =	shalt  }
0x4b: {  	_ =	shalt  }
0x4c: {  	_ =	shalt  }
0x4d: {  	_ =	shalt  }
0x4e: {  	_ =	shalt  }
0x4f: {  	_ =	shalt  }
0x50: {  	_ =	shalt  }
0x51: {  	_ =	shalt  }
0x52: {  	_ =	shalt  }
0x53: {  	_ =	shalt  }
0x54: {  	_ =	shalt  }
0x55: {  	_ =	shalt  }
0x56: {  	_ =	shalt  }
0x57: {  	_ =	shalt  }
0x58: {  	_ =	shalt  }
0x59: {  	_ =	shalt  }
0x5a: {  	_ =	shalt  }
0x5b: {  	_ =	shalt  }
0x5c: {  	_ =	shalt  }
0x5d: {  	_ =	shalt  }
0x5e: {  	_ =	shalt  }
0x5f: {  	_ =	shalt  }
0x60: {  	_ =	shalt  }
0x61: {  	_ =	shalt  }
0x62: {  	_ =	shalt  }
0x63: {  	_ =	shalt  }
0x64: {  	_ =	shalt  }
0x65: {  	_ =	shalt  }
0x66: {  	_ =	shalt  }
0x67: {  	_ =	shalt  }
0x68: {  	_ =	shalt  }
0x69: {  	_ =	shalt  }
0x6a: {  	_ =	shalt  }
0x6b: {  	_ =	shalt  }
0x6c: {  	_ =	shalt  }
0x6d: {  	_ =	shalt  }
0x6e: {  	_ =	shalt  }
0x6f: {  	_ =	shalt  }
0x70: {  	_ =	shalt  }
0x71: {  	_ =	shalt  }
0x72: {  	_ =	shalt  }
0x73: {  	_ =	shalt  }
0x74: {  	_ =	shalt  }
0x75: {  	_ =	shalt  }
0x76: {  	_ =	shalt  }
0x77: {  	_ =	shalt  }
0x78: {  	_ =	shalt  }
0x79: {  	_ =	shalt  }
0x7a: {  	_ =	shalt  }
0x7b: {  	_ =	shalt  }
0x7c: {  	_ =	shalt  }
0x7d: {  	_ =	shalt  }
0x7e: {  	_ =	shalt  }
0x7f: {  	_ =	shalt  }
0x80: {  	_ =	shalt  }
0x81: {  	_ =	shalt  }
0x82: {  	_ =	shalt  }
0x83: {  	_ =	shalt  }
0x84: {  	_ =	shalt  }
0x85: {  	_ =	shalt  }
0x86: {  	_ =	shalt  }
0x87: {  	_ =	shalt  }
.Lfunc_end0:
.L_simem_size_0:
called_computation.2_lowered:
.L_overlay_start_0:
0x88: {  	s2 =	sld [smem:$0x3FD9]  }
0x89: {  	s3 =	sld [smem:$0x3FFE];
	_ =	sdelay $0x1  }
0x8a: {  	s1 =	srdreg.scid  }
0x8b: {  	s0 =	sand.u32 $0x1, s1  }
0x8c: {  	s17 =	sshll.u32 s0, $0xA;
	s2 =	sadd.s32 s3, s2  }
0x8d: {  	s2 =	sadd.s32 s2, s17  }
0x8e: {  	[smem:$0x3FBF] =	sst s2  }
0x8f: {  	_ = 	snop  }
0x90: {  	(tm) =	ssettm $0x1  }
0x91: {  	s18 =	sld [smem:$0x3FFB];
	_ =	sdelay $0x3  }
0x92: {  	_ =	strace s18  }
0x93: {  	s2 =	sld [smem:$0x3FFC];
	_ =	sdelay $0x3  }
0x94: {  	_ =	strace s2  }
0x95: {  	s2 =	sld [smem:$0x3FFD];
	_ =	sdelay $0x3  }
0x96: {  	_ =	strace s2  }
0x97: {  	_ =	strace $0x8FFFFFFF  }
0x98: {  	s19 =	sld [smem:$0x3FDB];
	_ =	sdelay $0x1  }
0x99: {  	s20 =	simm.s32 $_scs_section_size  }
0x9a: {  	s4 =	simm.s32 $_size__tile_overlayer_lowered;
	s5 =	simm.s32 $_tile_overlayer_lowered  }
0x9b: {  	s6 =	simm.s32 $0x1BFF;
	s21 =	sshll.u32 s5, $0x1;
	s3 =	sadd.s32 s20, s19  }
0x9c: {  	s22 =	simm.s32 $0x0;
	s4 =	sshll.u32 s4, $0x1;
	s5 =	sadd.s32 s21, s3  }
0x9d: {  	[timem:s22], [sflag:s6] =	dma.local [hbm:s5], s4  }
0x9e: {  	_ =	swait.ge [sflag:s6], s4  }
0x9f: {  	s4 =	ssub.s32 $0x0, s4;
	[sflag:s6] =	ssyncset.done $0x0  }
0xa0: {  	[sflag:s6] =	ssyncadd.s32 s4;
	_ =	sdelay $0x1  }
0xa1: {  	s23 =	simm.s32 $0x1B8B  }
0xa2: {  	_ =	swait.ge [sflag:s23], $0x1  }
0xa3: {  	[sflag:s23] =	ssyncset.done $0x0  }
0xa4: {  	[sflag:s23] =	ssyncadd.s32 $0xFFFFFFFF  }
0xa5: {  	s4 =	sld [smem:$0x0]  }
0xa6: {  	s5 =	sand.u32 $0xFFFFFFFE, s1  }
0xa7: {  	p0 =	sne.s32 s1, s5  }
0xa8: {  	s5 =	sshll.u32 @p0 s5, $0xE  }
0xa9: {  	s5 =	sadd.s32 @p0 $0x11B8D, s5;
	s6 =	sshll.u32 @p0 s4, $0x11  }
0xaa: {  	s5 =	sor.u32 @p0 s6, s5  }
0xab: {  	[sflag:s5] =	ssyncadd.remote.s32 @p0 $0x1;
	_ =	sdelay $0x1  }
0xac: {  	s5 =	simm.s32 @p0 $0x1B8D  }
0xad: {  	_ =	swait.eq @p0 [sflag:s5], $0x1  }
0xae: {  	[sflag:s5] =	ssyncadd.s32 @p0 $0xFFFFFFFF  }
0xaf: {  	s6 =	sshll.u32 @!p0 s1, $0xE  }
0xb0: {  	s6 =	sor.u32 @!p0 $0x4000, s6;
	s5 =	simm.s32 @!p0 $0x1B8D  }
0xb1: {  	s4 =	sshll.u32 @!p0 s4, $0x11;
	s6 =	sadd.s32 @!p0 $0x11B8D, s6;
	_ =	swait.eq @!p0 [sflag:s5], $0x1  }
0xb2: {  	s4 =	sor.u32 @!p0 s4, s6;
	[sflag:s5] =	ssyncadd.s32 @!p0 $0xFFFFFFFF  }
0xb3: {  	s25 =	simm.s32 $0x1B8E;
	s24 =	sld [smem:$0x3FFE];
	[sflag:s4] =	ssyncadd.remote.s32 @!p0 $0x1  }
0xb4: {  	s26 =	simm.s32 $execute0_lowered;
	[smem:$0x3FD2] =	sst s25  }
0xb5: {  	s5 =	sshll.u32 s26, $0x1;
	_ =	strace $0x80000049;
	[dreg:$0x1] =	wrdreg $0xFFFFFFFF  }
0xb6: {  	s28 =	simm.s32 $_size_execute0_lowered;
	s3 =	sadd.s32 s3, s5;
	[dreg:$0x0] =	wrdreg $0x0  }
0xb7: {  	s5 =	sshll.u32 s28, $0x1;
	[dreg:$0x2] =	wrdreg s3  }
0xb8: {  	[dreg:$0x3] =	wrdreg s5  }
0xb9: {  	[dreg:$0x4] =	wrdreg $0xC0  }
0xba: {  	_ =	task [dreg:s22], $0x5FFFF  }
0xbb: {  	[dreg:$0x1] =	wrdreg $0xFFFFFFFF  }
0xbc: {  	[dreg:$0x0] =	wrdreg $0x60  }
0xbd: {  	[dreg:$0x2] =	wrdreg s24  }
0xbe: {  	[dreg:$0x3] =	wrdreg $0xB  }
0xbf: {  	_ =	task.clear_ibuf [dreg:s22], $0x4FFFF;
	_ =	strace $0x90000049  }
0xc0: {  	s29 =	simm.s32 $0xB;
	_ =	strace $0x8000004B  }
0xc1: {  	_ =	swait.ge [sflag:s29], $0x1  }
0xc2: {  	[sflag:s29] =	ssyncadd.s32 $0xFFFFFFFF  }
0xc3: {  	_ =	strace $0x9000004B  }
0xc4: {  	_ =	sfence  }
0xc5: {  	s30 =	sld [smem:$0x0];
	_ =	sdelay $0x2  }
0xc6: {  	s31 =	sshll.u32 s1, $0xD;
	s1 =	sshrl.u32 s1, $0x2  }
0xc7: {  	s4 =	sand.u32 $0x4000, s31;
	s1 =	sadd.s32 s1, s30  }
0xc8: {  	s0 =	sor.u32 s4, s0;
	s1 =	sshll.u32 s1, $0x11  }
0xc9: {  	s0 =	sor.u32 s1, s0  }
0xca: {  	s0 =	sadd.s32 $0x8F2B, s0  }
0xcb: {  	[sflag:s0] =	ssyncadd.remote.s32 $0x1  }
0xcc: {  	_ =	sfence.sel $0xFFFF  }
0xcd: {  	[dreg:$0x0] =	wrdreg $0xFFFFFFFF;
	(pc) =	sbr.abs _section_cstart, $3  }
0xce: {  	[dreg:$0x1] =	wrdreg $0xFFFFFFFF  }
0xcf: {  	_ =	task.clear_ibuf [dreg:s22], $0x2FFFF;
	_ =	strace $0x9FFFFFFF  }
0xd0: {  	(tm) =	ssettm $0x7FFFFFFF  }
0xd1: {  	_ =	shalt  }
tec
execute0_lowered:
.L_overlay_start_1:
0x0: {  	(tag) =	ssettag $0x1  }
0x1: {  	s0 =	srdreg.scid  }
0x2: {  	s15 =	stileid.u32;
	s3 =	rddreg [dreg:$0x0];
	s12 =	simm.s32 $0x100  }
0x3: {  	s13 =	simm.s32 $0x180;
	s14 =	simm.s32 $0x200;
	s16 =	simm.s32 $0x280  }
0x4: {  	s6 =	simm.s32 $0x80;
	s17 =	simm.s32 $0x300;
	s0 =	sand.u32 $0x1, s0  }
0x5: {  	s18 =	simm.s32 $0x380;
	s1 =	sshll.u32 s15, $0xD;
	s2 =	sshll.u32 s0, $0xC  }
0x6: {  	s19 =	simm.s32 $0x400;
	s1 =	sor.u32 s2, s1;
	s2 =	simm.s32 $0x0  }
0x7: {  	s20 =	simm.s32 $0x480;
	s21 =	simm.s32 $0x500;
	[smem:$0x7FF] =	sst s2  }
0x8: {  	s22 =	simm.s32 $0x580;
	_ =	strace $0x8000004A;
	[dreg:$0x7] =	wrdreg s12  }
0x9: {  	s23 =	simm.s32 $0x600;
	s24 =	simm.s32 $0x680;
	[dreg:$0x8] =	wrdreg s13  }
0xa: {  	s25 =	simm.s32 $0x700;
	s7 =	simm.s32 $0x1;
	[dreg:$0x9] =	wrdreg s14  }
0xb: {  	s26 =	simm.s32 $0x780;
	s28 =	simm.s32 $0x980;
	[dreg:$0xa] =	wrdreg s16  }
0xc: {  	s29 =	simm.s32 $0xA00;
	s30 =	simm.s32 $0xA80;
	[dreg:$0xb] =	wrdreg s17  }
0xd: {  	s31 =	simm.s32 $0xB00;
	p0 =	por $0x0, $0x0;
	[dreg:$0xc] =	wrdreg s18  }
0xe: {  	s5 =	sadd.s32 $0x12C00, s3;
	s0 =	ssub.s32 $0x2, s0;
	[dreg:$0xd] =	wrdreg s19  }
0xf: {  	s11 =	sshrl.u32 s0, $0x1;
	s4 =	sshrl.u32 s1, $0x3;
	[dreg:$0xe] =	wrdreg s20  }
0x10: {  	s1 =	sshll.u32 s1, $0x1;
	s0 =	ssub.s32 s0, s11;
	[dreg:$0xf] =	wrdreg s21  }
0x11: {  	s11 =	simm.s32 $0x3000;
	s4 =	sadd.s32 s4, s3;
	[dreg:$0x10] =	wrdreg s22  }
0x12: {  	s1 =	sadd.s32 s1, s3;
	s0 =	smax.u32 s0, $0x1;
	[dreg:$0x11] =	wrdreg s23  }
0x13: {  	s3 =	simm.s32 $0x2;
	s12 =	simm.s32 $0x3800;
	[dreg:$0x12] =	wrdreg s24  }
0x14: {  	s13 =	simm.s32 $0x4000;
	s14 =	simm.s32 $0x4800;
	[dreg:$0x13] =	wrdreg s25  }
0x15: {  	[dreg:$0x14] =	wrdreg s26;
	s25 =	simm.s32 $0x880;
	s26 =	simm.s32 $0x900  }
0x16: {  	s24 =	simm.s32 $0xB80;
	s16 =	simm.s32 $0xC00;
	s17 =	simm.s32 $0xC80  }
0x17: {  	s18 =	simm.s32 $0xD00;
	s19 =	simm.s32 $0xD80;
	s4 =	sadd.s32 $0x6C00, s4  }
0x18: {  	s20 =	simm.s32 $0xE00;
	s8 =	sadd.s32 $0x23CC00, s1;
	[dreg:$0x2] =	wrdreg s4  }
0x19: {  	s9 =	sadd.s32 $0x23D400, s1;
	p1 =	sne.s32 s0, $0x1;
	[dreg:$0x3] =	wrdreg s8  }
.Ltmp0:
0x1a: {  	s10 =	sadd.s32 $0x23DC00, s1;
	[dreg:$0x4] =	wrdreg s9;
	(pc) =	sbr.rel @!p1 .LBB2_1-.Ltmp0, $4  }
0x1b: {  	s21 =	simm.s32 $0xE80;
	s1 =	sadd.s32 $0x23E400, s1;
	[dreg:$0x5] =	wrdreg s10  }
0x1c: {  	s22 =	simm.s32 $0xF00;
	s23 =	simm.s32 $0xF80;
	[dreg:$0x6] =	wrdreg s1  }
0x1d: {  	s4 =	simm.s32 $0x1000;
	s8 =	simm.s32 $0x1800;
	s9 =	simm.s32 $0x2000  }
0x1e: {  	s10 =	simm.s32 $0x2800;
	s1 =	sadd.s32 $0xFFFFFFFF, s0;
	s0 =	rddreg [dreg:$0x2]  }
0x1f: {  	[tilespmem:s2], [sflag:$0x2] =	stream.linear.gather [hbm4b:s0+s2], $0x1000, $0x38;
	[tilespmem:$0x5000] =	vst v63  }
0x20: {  	_ =	swait.ge [sflag:s3], $0x1000  }
0x21: {  	[sflag:s3] =	ssyncset.done $0x0  }
0x22: {  	[sflag:s3] =	ssyncadd.s32 $0xFFFFF000  }
0x23: {  	[tilespmem:s4], [sflag:$0x1] =	stream.indirect.gather [hbm4b:s5+s6], $0x10, s2, s6, $0xb8;
	[tilespmem:$0x5000] =	vst v63  }
0x24: {  	_ = 	snop  }
0x25: {  	[tilespmem:s8], [sflag:$0x1] =	stream.indirect.gather [hbm4b:s5+s6], $0x10, s6, s6, $0xb8;
	[tilespmem:$0x5000] =	vst v63  }
0x26: {  	s0 =	rddreg [dreg:$0x7]  }
0x27: {  	[tilespmem:s9], [sflag:$0x1] =	stream.indirect.gather [hbm4b:s5+s6], $0x10, s0, s6, $0xb8;
	[tilespmem:$0x5000] =	vst v63  }
0x28: {  	s15 =	smov.u32 s1;
	s1 =	rddreg [dreg:$0x8]  }
0x29: {  	[tilespmem:s10], [sflag:$0x1] =	stream.indirect.gather [hbm4b:s5+s6], $0x10, s1, s6, $0xb8;
	[tilespmem:$0x5000] =	vst v63  }
0x2a: {  	s0 =	rddreg [dreg:$0x9]  }
0x2b: {  	[tilespmem:s11], [sflag:$0x1] =	stream.indirect.gather [hbm4b:s5+s6], $0x10, s0, s6, $0xb8;
	[tilespmem:$0x5000] =	vst v63  }
0x2c: {  	s1 =	rddreg [dreg:$0xa]  }
0x2d: {  	[tilespmem:s12], [sflag:$0x1] =	stream.indirect.gather [hbm4b:s5+s6], $0x10, s1, s6, $0xb8;
	[tilespmem:$0x5000] =	vst v63  }
0x2e: {  	s0 =	rddreg [dreg:$0xb]  }
0x2f: {  	[tilespmem:s13], [sflag:$0x1] =	stream.indirect.gather [hbm4b:s5+s6], $0x10, s0, s6, $0xb8;
	[tilespmem:$0x5000] =	vst v63  }
0x30: {  	s1 =	rddreg [dreg:$0xc]  }
0x31: {  	[tilespmem:s14], [sflag:$0x1] =	stream.indirect.gather [hbm4b:s5+s6], $0x10, s1, s6, $0xb8;
	[tilespmem:$0x5000] =	vst v63  }
0x32: {  	_ =	swait.ge [sflag:s7], $0x800  }
0x33: {  	[sflag:s7] =	ssyncset.done $0x0  }
0x34: {  	[sflag:s7] =	ssyncadd.s32 $0xFFFFF800  }
0x35: {  	_ =	swait.ge [sflag:s7], $0x800  }
0x36: {  	[sflag:s7] =	ssyncset.done $0x0  }
0x37: {  	[sflag:s7] =	ssyncadd.s32 $0xFFFFF800  }
0x38: {  	_ =	swait.ge [sflag:s7], $0x800  }
0x39: {  	[sflag:s7] =	ssyncset.done $0x0  }
0x3a: {  	[sflag:s7] =	ssyncadd.s32 $0xFFFFF800  }
0x3b: {  	_ =	swait.ge [sflag:s7], $0x800  }
0x3c: {  	[sflag:s7] =	ssyncset.done $0x0  }
0x3d: {  	[sflag:s7] =	ssyncadd.s32 $0xFFFFF800  }
0x3e: {  	_ =	swait.ge [sflag:s7], $0x800  }
0x3f: {  	[sflag:s7] =	ssyncset.done $0x0  }
0x40: {  	[sflag:s7] =	ssyncadd.s32 $0xFFFFF800  }
0x41: {  	_ =	swait.ge [sflag:s7], $0x800  }
0x42: {  	[sflag:s7] =	ssyncset.done $0x0  }
0x43: {  	[sflag:s7] =	ssyncadd.s32 $0xFFFFF800  }
0x44: {  	_ =	swait.ge [sflag:s7], $0x800  }
0x45: {  	[sflag:s7] =	ssyncset.done $0x0  }
0x46: {  	[sflag:s7] =	ssyncadd.s32 $0xFFFFF800  }
0x47: {  	_ =	swait.ge [sflag:s7], $0x800  }
0x48: {  	[sflag:s7] =	ssyncset.done $0x0  }
0x49: {  	s1 =	rddreg [dreg:$0x3];
	[sflag:s7] =	ssyncadd.s32 $0xFFFFF800  }
0x4a: {  	[hbm4b:s1+s2] =	stream.linear.scatter [tilespmem:s4], [sflag:$0x2], $0x4000, $0x38;
	[tilespmem:$0x5000] =	vst v63  }
0x4b: {  	_ =	swait.ge [sflag:s3], $0x4000  }
0x4c: {  	[sflag:s3] =	ssyncset.done $0x0  }
0x4d: {  	s0 =	rddreg [dreg:$0xd];
	[sflag:s3] =	ssyncadd.s32 $0xFFFFC000  }
0x4e: {  	[tilespmem:s4], [sflag:$0x1] =	stream.indirect.gather [hbm4b:s5+s6], $0x10, s0, s6, $0xb8;
	[tilespmem:$0x5000] =	vst v63  }
0x4f: {  	s1 =	rddreg [dreg:$0xe]  }
0x50: {  	[tilespmem:s8], [sflag:$0x1] =	stream.indirect.gather [hbm4b:s5+s6], $0x10, s1, s6, $0xb8;
	[tilespmem:$0x5000] =	vst v63  }
0x51: {  	s0 =	rddreg [dreg:$0xf]  }
0x52: {  	[tilespmem:s9], [sflag:$0x1] =	stream.indirect.gather [hbm4b:s5+s6], $0x10, s0, s6, $0xb8;
	[tilespmem:$0x5000] =	vst v63  }
0x53: {  	s1 =	rddreg [dreg:$0x10]  }
0x54: {  	[tilespmem:s10], [sflag:$0x1] =	stream.indirect.gather [hbm4b:s5+s6], $0x10, s1, s6, $0xb8;
	[tilespmem:$0x5000] =	vst v63  }
0x55: {  	s0 =	rddreg [dreg:$0x11]  }
0x56: {  	[tilespmem:s11], [sflag:$0x1] =	stream.indirect.gather [hbm4b:s5+s6], $0x10, s0, s6, $0xb8;
	[tilespmem:$0x5000] =	vst v63  }
0x57: {  	s1 =	rddreg [dreg:$0x12]  }
0x58: {  	[tilespmem:s12], [sflag:$0x1] =	stream.indirect.gather [hbm4b:s5+s6], $0x10, s1, s6, $0xb8;
	[tilespmem:$0x5000] =	vst v63  }
0x59: {  	s0 =	rddreg [dreg:$0x13]  }
0x5a: {  	[tilespmem:s13], [sflag:$0x1] =	stream.indirect.gather [hbm4b:s5+s6], $0x10, s0, s6, $0xb8;
	[tilespmem:$0x5000] =	vst v63  }
0x5b: {  	s1 =	rddreg [dreg:$0x14]  }
0x5c: {  	[tilespmem:s14], [sflag:$0x1] =	stream.indirect.gather [hbm4b:s5+s6], $0x10, s1, s6, $0xb8;
	[tilespmem:$0x5000] =	vst v63  }
0x5d: {  	_ =	swait.ge [sflag:s7], $0x800  }
0x5e: {  	[sflag:s7] =	ssyncset.done $0x0  }
0x5f: {  	[sflag:s7] =	ssyncadd.s32 $0xFFFFF800  }
0x60: {  	_ =	swait.ge [sflag:s7], $0x800  }
0x61: {  	[sflag:s7] =	ssyncset.done $0x0  }
0x62: {  	[sflag:s7] =	ssyncadd.s32 $0xFFFFF800  }
0x63: {  	_ =	swait.ge [sflag:s7], $0x800  }
0x64: {  	[sflag:s7] =	ssyncset.done $0x0  }
0x65: {  	[sflag:s7] =	ssyncadd.s32 $0xFFFFF800  }
0x66: {  	_ =	swait.ge [sflag:s7], $0x800  }
0x67: {  	[sflag:s7] =	ssyncset.done $0x0  }
0x68: {  	[sflag:s7] =	ssyncadd.s32 $0xFFFFF800  }
0x69: {  	_ =	swait.ge [sflag:s7], $0x800  }
0x6a: {  	[sflag:s7] =	ssyncset.done $0x0  }
0x6b: {  	[sflag:s7] =	ssyncadd.s32 $0xFFFFF800  }
0x6c: {  	_ =	swait.ge [sflag:s7], $0x800  }
0x6d: {  	[sflag:s7] =	ssyncset.done $0x0  }
0x6e: {  	[sflag:s7] =	ssyncadd.s32 $0xFFFFF800  }
0x6f: {  	_ =	swait.ge [sflag:s7], $0x800  }
0x70: {  	[sflag:s7] =	ssyncset.done $0x0  }
0x71: {  	[sflag:s7] =	ssyncadd.s32 $0xFFFFF800  }
0x72: {  	_ =	swait.ge [sflag:s7], $0x800  }
0x73: {  	[sflag:s7] =	ssyncset.done $0x0  }
0x74: {  	s1 =	rddreg [dreg:$0x4];
	[sflag:s7] =	ssyncadd.s32 $0xFFFFF800  }
0x75: {  	[hbm4b:s1+s2] =	stream.linear.scatter [tilespmem:s4], [sflag:$0x2], $0x4000, $0x38;
	[tilespmem:$0x5000] =	vst v63  }
0x76: {  	_ =	swait.ge [sflag:s3], $0x4000  }
0x77: {  	[sflag:s3] =	ssyncset.done $0x0  }
0x78: {  	s1 =	simm.s32 $0x800;
	[sflag:s3] =	ssyncadd.s32 $0xFFFFC000  }
0x79: {  	[tilespmem:s4], [sflag:$0x1] =	stream.indirect.gather [hbm4b:s5+s6], $0x10, s1, s6, $0xb8;
	[tilespmem:$0x5000] =	vst v63  }
0x7a: {  	_ = 	snop  }
0x7b: {  	[tilespmem:s8], [sflag:$0x1] =	stream.indirect.gather [hbm4b:s5+s6], $0x10, s25, s6, $0xb8;
	[tilespmem:$0x5000] =	vst v63  }
0x7c: {  	_ = 	snop  }
0x7d: {  	[tilespmem:s9], [sflag:$0x1] =	stream.indirect.gather [hbm4b:s5+s6], $0x10, s26, s6, $0xb8;
	[tilespmem:$0x5000] =	vst v63  }
0x7e: {  	_ = 	snop  }
0x7f: {  	[tilespmem:s10], [sflag:$0x1] =	stream.indirect.gather [hbm4b:s5+s6], $0x10, s28, s6, $0xb8;
	[tilespmem:$0x5000] =	vst v63  }
0x80: {  	_ = 	snop  }
0x81: {  	[tilespmem:s11], [sflag:$0x1] =	stream.indirect.gather [hbm4b:s5+s6], $0x10, s29, s6, $0xb8;
	[tilespmem:$0x5000] =	vst v63  }
0x82: {  	_ = 	snop  }
0x83: {  	[tilespmem:s12], [sflag:$0x1] =	stream.indirect.gather [hbm4b:s5+s6], $0x10, s30, s6, $0xb8;
	[tilespmem:$0x5000] =	vst v63  }
0x84: {  	_ = 	snop  }
0x85: {  	[tilespmem:s13], [sflag:$0x1] =	stream.indirect.gather [hbm4b:s5+s6], $0x10, s31, s6, $0xb8;
	[tilespmem:$0x5000] =	vst v63  }
0x86: {  	_ = 	snop  }
0x87: {  	[tilespmem:s14], [sflag:$0x1] =	stream.indirect.gather [hbm4b:s5+s6], $0x10, s24, s6, $0xb8;
	[tilespmem:$0x5000] =	vst v63  }
0x88: {  	_ =	swait.ge [sflag:s7], $0x800  }
0x89: {  	[sflag:s7] =	ssyncset.done $0x0  }
0x8a: {  	[sflag:s7] =	ssyncadd.s32 $0xFFFFF800  }
0x8b: {  	_ =	swait.ge [sflag:s7], $0x800  }
0x8c: {  	[sflag:s7] =	ssyncset.done $0x0  }
0x8d: {  	[sflag:s7] =	ssyncadd.s32 $0xFFFFF800  }
0x8e: {  	_ =	swait.ge [sflag:s7], $0x800  }
0x8f: {  	[sflag:s7] =	ssyncset.done $0x0  }
0x90: {  	[sflag:s7] =	ssyncadd.s32 $0xFFFFF800  }
0x91: {  	_ =	swait.ge [sflag:s7], $0x800  }
0x92: {  	[sflag:s7] =	ssyncset.done $0x0  }
0x93: {  	[sflag:s7] =	ssyncadd.s32 $0xFFFFF800  }
0x94: {  	_ =	swait.ge [sflag:s7], $0x800  }
0x95: {  	[sflag:s7] =	ssyncset.done $0x0  }
0x96: {  	[sflag:s7] =	ssyncadd.s32 $0xFFFFF800  }
0x97: {  	_ =	swait.ge [sflag:s7], $0x800  }
0x98: {  	[sflag:s7] =	ssyncset.done $0x0  }
0x99: {  	[sflag:s7] =	ssyncadd.s32 $0xFFFFF800  }
0x9a: {  	_ =	swait.ge [sflag:s7], $0x800  }
0x9b: {  	[sflag:s7] =	ssyncset.done $0x0  }
0x9c: {  	[sflag:s7] =	ssyncadd.s32 $0xFFFFF800  }
0x9d: {  	_ =	swait.ge [sflag:s7], $0x800  }
0x9e: {  	[sflag:s7] =	ssyncset.done $0x0  }
0x9f: {  	s1 =	rddreg [dreg:$0x5];
	[sflag:s7] =	ssyncadd.s32 $0xFFFFF800  }
0xa0: {  	[hbm4b:s1+s2] =	stream.linear.scatter [tilespmem:s4], [sflag:$0x2], $0x4000, $0x38;
	[tilespmem:$0x5000] =	vst v63  }
0xa1: {  	_ =	swait.ge [sflag:s3], $0x4000  }
0xa2: {  	[sflag:s3] =	ssyncset.done $0x0  }
0xa3: {  	[sflag:s3] =	ssyncadd.s32 $0xFFFFC000  }
0xa4: {  	[tilespmem:s4], [sflag:$0x1] =	stream.indirect.gather [hbm4b:s5+s6], $0x10, s16, s6, $0xb8;
	[tilespmem:$0x5000] =	vst v63  }
0xa5: {  	_ = 	snop  }
0xa6: {  	[tilespmem:s8], [sflag:$0x1] =	stream.indirect.gather [hbm4b:s5+s6], $0x10, s17, s6, $0xb8;
	[tilespmem:$0x5000] =	vst v63  }
0xa7: {  	_ = 	snop  }
0xa8: {  	[tilespmem:s9], [sflag:$0x1] =	stream.indirect.gather [hbm4b:s5+s6], $0x10, s18, s6, $0xb8;
	[tilespmem:$0x5000] =	vst v63  }
0xa9: {  	_ = 	snop  }
0xaa: {  	[tilespmem:s10], [sflag:$0x1] =	stream.indirect.gather [hbm4b:s5+s6], $0x10, s19, s6, $0xb8;
	[tilespmem:$0x5000] =	vst v63  }
0xab: {  	_ = 	snop  }
0xac: {  	[tilespmem:s11], [sflag:$0x1] =	stream.indirect.gather [hbm4b:s5+s6], $0x10, s20, s6, $0xb8;
	[tilespmem:$0x5000] =	vst v63  }
0xad: {  	_ = 	snop  }
0xae: {  	[tilespmem:s12], [sflag:$0x1] =	stream.indirect.gather [hbm4b:s5+s6], $0x10, s21, s6, $0xb8;
	[tilespmem:$0x5000] =	vst v63  }
0xaf: {  	_ = 	snop  }
0xb0: {  	[tilespmem:s13], [sflag:$0x1] =	stream.indirect.gather [hbm4b:s5+s6], $0x10, s22, s6, $0xb8;
	[tilespmem:$0x5000] =	vst v63  }
0xb1: {  	_ = 	snop  }
0xb2: {  	[tilespmem:s14], [sflag:$0x1] =	stream.indirect.gather [hbm4b:s5+s6], $0x10, s23, s6, $0xb8;
	[tilespmem:$0x5000] =	vst v63  }
0xb3: {  	_ =	swait.ge [sflag:s7], $0x800  }
0xb4: {  	[sflag:s7] =	ssyncset.done $0x0  }
0xb5: {  	[sflag:s7] =	ssyncadd.s32 $0xFFFFF800  }
0xb6: {  	_ =	swait.ge [sflag:s7], $0x800  }
0xb7: {  	[sflag:s7] =	ssyncset.done $0x0  }
0xb8: {  	[sflag:s7] =	ssyncadd.s32 $0xFFFFF800  }
0xb9: {  	_ =	swait.ge [sflag:s7], $0x800  }
0xba: {  	[sflag:s7] =	ssyncset.done $0x0  }
0xbb: {  	[sflag:s7] =	ssyncadd.s32 $0xFFFFF800  }
0xbc: {  	_ =	swait.ge [sflag:s7], $0x800  }
0xbd: {  	[sflag:s7] =	ssyncset.done $0x0  }
0xbe: {  	[sflag:s7] =	ssyncadd.s32 $0xFFFFF800  }
0xbf: {  	_ =	swait.ge [sflag:s7], $0x800  }
0xc0: {  	[sflag:s7] =	ssyncset.done $0x0  }
0xc1: {  	[sflag:s7] =	ssyncadd.s32 $0xFFFFF800  }
0xc2: {  	_ =	swait.ge [sflag:s7], $0x800  }
0xc3: {  	[sflag:s7] =	ssyncset.done $0x0  }
0xc4: {  	[sflag:s7] =	ssyncadd.s32 $0xFFFFF800  }
0xc5: {  	_ =	swait.ge [sflag:s7], $0x800  }
0xc6: {  	[sflag:s7] =	ssyncset.done $0x0  }
0xc7: {  	[sflag:s7] =	ssyncadd.s32 $0xFFFFF800  }
0xc8: {  	p1 =	sne.s32 s15, $0x1;
	_ =	swait.ge [sflag:s7], $0x800  }
.Ltmp1:
0xc9: {  	[sflag:s7] =	ssyncset.done $0x0;
	(pc) =	sbr.rel @!p1 .LBB2_3-.Ltmp1, $4  }
0xca: {  	s1 =	rddreg [dreg:$0x6];
	[sflag:s7] =	ssyncadd.s32 $0xFFFFF800  }
0xcb: {  	[hbm4b:s1+s2] =	stream.linear.scatter [tilespmem:s4], [sflag:$0x2], $0x4000, $0x38;
	[tilespmem:$0x5000] =	vst v63  }
0xcc: {  	p0 =	por $0x1, $0x1;
	_ =	swait.ge [sflag:s3], $0x4000  }
0xcd: {  	s1 =	sadd.s32 $0xFFFFFFFF, s15;
	s0 =	rddreg [dreg:$0x2];
	[sflag:s3] =	ssyncset.done $0x0  }
.LBB2_4:
0xce: {  	[sflag:s3] =	ssyncadd.s32 $0xFFFFC000  }
0xcf: {  	[tilespmem:s2], [sflag:$0x2] =	stream.linear.gather [hbm4b:s0+s2], $0x1000, $0x38;
	[tilespmem:$0x5000] =	vst v63  }
0xd0: {  	_ =	swait.ge [sflag:s3], $0x1000  }
0xd1: {  	[sflag:s3] =	ssyncset.done $0x0  }
0xd2: {  	[sflag:s3] =	ssyncadd.s32 $0xFFFFF000  }
0xd3: {  	[tilespmem:s4], [sflag:$0x1] =	stream.indirect.gather [hbm4b:s5+s6], $0x10, s2, s6, $0xb8;
	[tilespmem:$0x5000] =	vst v63  }
0xd4: {  	_ = 	snop  }
0xd5: {  	[tilespmem:s8], [sflag:$0x1] =	stream.indirect.gather [hbm4b:s5+s6], $0x10, s6, s6, $0xb8;
	[tilespmem:$0x5000] =	vst v63  }
0xd6: {  	s0 =	rddreg [dreg:$0x7]  }
0xd7: {  	[tilespmem:s9], [sflag:$0x1] =	stream.indirect.gather [hbm4b:s5+s6], $0x10, s0, s6, $0xb8;
	[tilespmem:$0x5000] =	vst v63  }
0xd8: {  	s15 =	rddreg [dreg:$0x8]  }
0xd9: {  	[tilespmem:s10], [sflag:$0x1] =	stream.indirect.gather [hbm4b:s5+s6], $0x10, s15, s6, $0xb8;
	[tilespmem:$0x5000] =	vst v63  }
0xda: {  	s0 =	rddreg [dreg:$0x9]  }
0xdb: {  	[tilespmem:s11], [sflag:$0x1] =	stream.indirect.gather [hbm4b:s5+s6], $0x10, s0, s6, $0xb8;
	[tilespmem:$0x5000] =	vst v63  }
0xdc: {  	s15 =	rddreg [dreg:$0xa]  }
0xdd: {  	[tilespmem:s12], [sflag:$0x1] =	stream.indirect.gather [hbm4b:s5+s6], $0x10, s15, s6, $0xb8;
	[tilespmem:$0x5000] =	vst v63  }
0xde: {  	s0 =	rddreg [dreg:$0xb]  }
0xdf: {  	[tilespmem:s13], [sflag:$0x1] =	stream.indirect.gather [hbm4b:s5+s6], $0x10, s0, s6, $0xb8;
	[tilespmem:$0x5000] =	vst v63  }
0xe0: {  	s15 =	rddreg [dreg:$0xc]  }
0xe1: {  	[tilespmem:s14], [sflag:$0x1] =	stream.indirect.gather [hbm4b:s5+s6], $0x10, s15, s6, $0xb8;
	[tilespmem:$0x5000] =	vst v63  }
0xe2: {  	_ =	swait.ge [sflag:s7], $0x800  }
0xe3: {  	[sflag:s7] =	ssyncset.done $0x0  }
0xe4: {  	[sflag:s7] =	ssyncadd.s32 $0xFFFFF800  }
0xe5: {  	_ =	swait.ge [sflag:s7], $0x800  }
0xe6: {  	[sflag:s7] =	ssyncset.done $0x0  }
0xe7: {  	[sflag:s7] =	ssyncadd.s32 $0xFFFFF800  }
0xe8: {  	_ =	swait.ge [sflag:s7], $0x800  }
0xe9: {  	[sflag:s7] =	ssyncset.done $0x0  }
0xea: {  	[sflag:s7] =	ssyncadd.s32 $0xFFFFF800  }
0xeb: {  	_ =	swait.ge [sflag:s7], $0x800  }
0xec: {  	[sflag:s7] =	ssyncset.done $0x0  }
0xed: {  	[sflag:s7] =	ssyncadd.s32 $0xFFFFF800  }
0xee: {  	_ =	swait.ge [sflag:s7], $0x800  }
0xef: {  	[sflag:s7] =	ssyncset.done $0x0  }
0xf0: {  	[sflag:s7] =	ssyncadd.s32 $0xFFFFF800  }
0xf1: {  	_ =	swait.ge [sflag:s7], $0x800  }
0xf2: {  	[sflag:s7] =	ssyncset.done $0x0  }
0xf3: {  	[sflag:s7] =	ssyncadd.s32 $0xFFFFF800  }
0xf4: {  	_ =	swait.ge [sflag:s7], $0x800  }
0xf5: {  	[sflag:s7] =	ssyncset.done $0x0  }
0xf6: {  	[sflag:s7] =	ssyncadd.s32 $0xFFFFF800  }
0xf7: {  	_ =	swait.ge [sflag:s7], $0x800  }
0xf8: {  	[sflag:s7] =	ssyncset.done $0x0  }
0xf9: {  	s15 =	rddreg [dreg:$0x3];
	[sflag:s7] =	ssyncadd.s32 $0xFFFFF800  }
0xfa: {  	[hbm4b:s15+s2] =	stream.linear.scatter [tilespmem:s4], [sflag:$0x2], $0x4000, $0x38;
	[tilespmem:$0x5000] =	vst v63  }
0xfb: {  	_ =	swait.ge [sflag:s3], $0x4000  }
0xfc: {  	[sflag:s3] =	ssyncset.done $0x0  }
0xfd: {  	s0 =	rddreg [dreg:$0xd];
	[sflag:s3] =	ssyncadd.s32 $0xFFFFC000  }
0xfe: {  	[tilespmem:s4], [sflag:$0x1] =	stream.indirect.gather [hbm4b:s5+s6], $0x10, s0, s6, $0xb8;
	[tilespmem:$0x5000] =	vst v63  }
0xff: {  	s15 =	rddreg [dreg:$0xe]  }
0x100: {  	[tilespmem:s8], [sflag:$0x1] =	stream.indirect.gather [hbm4b:s5+s6], $0x10, s15, s6, $0xb8;
	[tilespmem:$0x5000] =	vst v63  }
0x101: {  	s0 =	rddreg [dreg:$0xf]  }
0x102: {  	[tilespmem:s9], [sflag:$0x1] =	stream.indirect.gather [hbm4b:s5+s6], $0x10, s0, s6, $0xb8;
	[tilespmem:$0x5000] =	vst v63  }
0x103: {  	s15 =	rddreg [dreg:$0x10]  }
0x104: {  	[tilespmem:s10], [sflag:$0x1] =	stream.indirect.gather [hbm4b:s5+s6], $0x10, s15, s6, $0xb8;
	[tilespmem:$0x5000] =	vst v63  }
0x105: {  	s0 =	rddreg [dreg:$0x11]  }
0x106: {  	[tilespmem:s11], [sflag:$0x1] =	stream.indirect.gather [hbm4b:s5+s6], $0x10, s0, s6, $0xb8;
	[tilespmem:$0x5000] =	vst v63  }
0x107: {  	s15 =	rddreg [dreg:$0x12]  }
0x108: {  	[tilespmem:s12], [sflag:$0x1] =	stream.indirect.gather [hbm4b:s5+s6], $0x10, s15, s6, $0xb8;
	[tilespmem:$0x5000] =	vst v63  }
0x109: {  	s0 =	rddreg [dreg:$0x13]  }
0x10a: {  	[tilespmem:s13], [sflag:$0x1] =	stream.indirect.gather [hbm4b:s5+s6], $0x10, s0, s6, $0xb8;
	[tilespmem:$0x5000] =	vst v63  }
0x10b: {  	s15 =	rddreg [dreg:$0x14]  }
0x10c: {  	[tilespmem:s14], [sflag:$0x1] =	stream.indirect.gather [hbm4b:s5+s6], $0x10, s15, s6, $0xb8;
	[tilespmem:$0x5000] =	vst v63  }
0x10d: {  	_ =	swait.ge [sflag:s7], $0x800  }
0x10e: {  	[sflag:s7] =	ssyncset.done $0x0  }
0x10f: {  	[sflag:s7] =	ssyncadd.s32 $0xFFFFF800  }
0x110: {  	_ =	swait.ge [sflag:s7], $0x800  }
0x111: {  	[sflag:s7] =	ssyncset.done $0x0  }
0x112: {  	[sflag:s7] =	ssyncadd.s32 $0xFFFFF800  }
0x113: {  	_ =	swait.ge [sflag:s7], $0x800  }
0x114: {  	[sflag:s7] =	ssyncset.done $0x0  }
0x115: {  	[sflag:s7] =	ssyncadd.s32 $0xFFFFF800  }
0x116: {  	_ =	swait.ge [sflag:s7], $0x800  }
0x117: {  	[sflag:s7] =	ssyncset.done $0x0  }
0x118: {  	[sflag:s7] =	ssyncadd.s32 $0xFFFFF800  }
0x119: {  	_ =	swait.ge [sflag:s7], $0x800  }
0x11a: {  	[sflag:s7] =	ssyncset.done $0x0  }
0x11b: {  	[sflag:s7] =	ssyncadd.s32 $0xFFFFF800  }
0x11c: {  	_ =	swait.ge [sflag:s7], $0x800  }
0x11d: {  	[sflag:s7] =	ssyncset.done $0x0  }
0x11e: {  	[sflag:s7] =	ssyncadd.s32 $0xFFFFF800  }
0x11f: {  	_ =	swait.ge [sflag:s7], $0x800  }
0x120: {  	[sflag:s7] =	ssyncset.done $0x0  }
0x121: {  	[sflag:s7] =	ssyncadd.s32 $0xFFFFF800  }
0x122: {  	_ =	swait.ge [sflag:s7], $0x800  }
0x123: {  	[sflag:s7] =	ssyncset.done $0x0  }
0x124: {  	s15 =	rddreg [dreg:$0x4];
	[sflag:s7] =	ssyncadd.s32 $0xFFFFF800  }
0x125: {  	[hbm4b:s15+s2] =	stream.linear.scatter [tilespmem:s4], [sflag:$0x2], $0x4000, $0x38;
	[tilespmem:$0x5000] =	vst v63  }
0x126: {  	_ =	swait.ge [sflag:s3], $0x4000  }
0x127: {  	[sflag:s3] =	ssyncset.done $0x0  }
0x128: {  	s15 =	simm.s32 $0x800;
	[sflag:s3] =	ssyncadd.s32 $0xFFFFC000  }
0x129: {  	[tilespmem:s4], [sflag:$0x1] =	stream.indirect.gather [hbm4b:s5+s6], $0x10, s15, s6, $0xb8;
	[tilespmem:$0x5000] =	vst v63  }
0x12a: {  	_ = 	snop  }
0x12b: {  	[tilespmem:s8], [sflag:$0x1] =	stream.indirect.gather [hbm4b:s5+s6], $0x10, s25, s6, $0xb8;
	[tilespmem:$0x5000] =	vst v63  }
0x12c: {  	_ = 	snop  }
0x12d: {  	[tilespmem:s9], [sflag:$0x1] =	stream.indirect.gather [hbm4b:s5+s6], $0x10, s26, s6, $0xb8;
	[tilespmem:$0x5000] =	vst v63  }
0x12e: {  	_ = 	snop  }
0x12f: {  	[tilespmem:s10], [sflag:$0x1] =	stream.indirect.gather [hbm4b:s5+s6], $0x10, s28, s6, $0xb8;
	[tilespmem:$0x5000] =	vst v63  }
0x130: {  	_ = 	snop  }
0x131: {  	[tilespmem:s11], [sflag:$0x1] =	stream.indirect.gather [hbm4b:s5+s6], $0x10, s29, s6, $0xb8;
	[tilespmem:$0x5000] =	vst v63  }
0x132: {  	_ = 	snop  }
0x133: {  	[tilespmem:s12], [sflag:$0x1] =	stream.indirect.gather [hbm4b:s5+s6], $0x10, s30, s6, $0xb8;
	[tilespmem:$0x5000] =	vst v63  }
0x134: {  	_ = 	snop  }
0x135: {  	[tilespmem:s13], [sflag:$0x1] =	stream.indirect.gather [hbm4b:s5+s6], $0x10, s31, s6, $0xb8;
	[tilespmem:$0x5000] =	vst v63  }
0x136: {  	_ = 	snop  }
0x137: {  	[tilespmem:s14], [sflag:$0x1] =	stream.indirect.gather [hbm4b:s5+s6], $0x10, s24, s6, $0xb8;
	[tilespmem:$0x5000] =	vst v63  }
0x138: {  	_ =	swait.ge [sflag:s7], $0x800  }
0x139: {  	[sflag:s7] =	ssyncset.done $0x0  }
0x13a: {  	[sflag:s7] =	ssyncadd.s32 $0xFFFFF800  }
0x13b: {  	_ =	swait.ge [sflag:s7], $0x800  }
0x13c: {  	[sflag:s7] =	ssyncset.done $0x0  }
0x13d: {  	[sflag:s7] =	ssyncadd.s32 $0xFFFFF800  }
0x13e: {  	_ =	swait.ge [sflag:s7], $0x800  }
0x13f: {  	[sflag:s7] =	ssyncset.done $0x0  }
0x140: {  	[sflag:s7] =	ssyncadd.s32 $0xFFFFF800  }
0x141: {  	_ =	swait.ge [sflag:s7], $0x800  }
0x142: {  	[sflag:s7] =	ssyncset.done $0x0  }
0x143: {  	[sflag:s7] =	ssyncadd.s32 $0xFFFFF800  }
0x144: {  	_ =	swait.ge [sflag:s7], $0x800  }
0x145: {  	[sflag:s7] =	ssyncset.done $0x0  }
0x146: {  	[sflag:s7] =	ssyncadd.s32 $0xFFFFF800  }
0x147: {  	_ =	swait.ge [sflag:s7], $0x800  }
0x148: {  	[sflag:s7] =	ssyncset.done $0x0  }
0x149: {  	[sflag:s7] =	ssyncadd.s32 $0xFFFFF800  }
0x14a: {  	_ =	swait.ge [sflag:s7], $0x800  }
0x14b: {  	[sflag:s7] =	ssyncset.done $0x0  }
0x14c: {  	[sflag:s7] =	ssyncadd.s32 $0xFFFFF800  }
0x14d: {  	_ =	swait.ge [sflag:s7], $0x800  }
0x14e: {  	[sflag:s7] =	ssyncset.done $0x0  }
0x14f: {  	s15 =	rddreg [dreg:$0x5];
	[sflag:s7] =	ssyncadd.s32 $0xFFFFF800  }
0x150: {  	[hbm4b:s15+s2] =	stream.linear.scatter [tilespmem:s4], [sflag:$0x2], $0x4000, $0x38;
	[tilespmem:$0x5000] =	vst v63  }
0x151: {  	_ =	swait.ge [sflag:s3], $0x4000  }
0x152: {  	[sflag:s3] =	ssyncset.done $0x0  }
0x153: {  	[sflag:s3] =	ssyncadd.s32 $0xFFFFC000  }
0x154: {  	[tilespmem:s4], [sflag:$0x1] =	stream.indirect.gather [hbm4b:s5+s6], $0x10, s16, s6, $0xb8;
	[tilespmem:$0x5000] =	vst v63  }
0x155: {  	_ = 	snop  }
0x156: {  	[tilespmem:s8], [sflag:$0x1] =	stream.indirect.gather [hbm4b:s5+s6], $0x10, s17, s6, $0xb8;
	[tilespmem:$0x5000] =	vst v63  }
0x157: {  	_ = 	snop  }
0x158: {  	[tilespmem:s9], [sflag:$0x1] =	stream.indirect.gather [hbm4b:s5+s6], $0x10, s18, s6, $0xb8;
	[tilespmem:$0x5000] =	vst v63  }
0x159: {  	_ = 	snop  }
0x15a: {  	[tilespmem:s10], [sflag:$0x1] =	stream.indirect.gather [hbm4b:s5+s6], $0x10, s19, s6, $0xb8;
	[tilespmem:$0x5000] =	vst v63  }
0x15b: {  	_ = 	snop  }
0x15c: {  	[tilespmem:s11], [sflag:$0x1] =	stream.indirect.gather [hbm4b:s5+s6], $0x10, s20, s6, $0xb8;
	[tilespmem:$0x5000] =	vst v63  }
0x15d: {  	_ = 	snop  }
0x15e: {  	[tilespmem:s12], [sflag:$0x1] =	stream.indirect.gather [hbm4b:s5+s6], $0x10, s21, s6, $0xb8;
	[tilespmem:$0x5000] =	vst v63  }
0x15f: {  	_ = 	snop  }
0x160: {  	[tilespmem:s13], [sflag:$0x1] =	stream.indirect.gather [hbm4b:s5+s6], $0x10, s22, s6, $0xb8;
	[tilespmem:$0x5000] =	vst v63  }
0x161: {  	_ = 	snop  }
0x162: {  	[tilespmem:s14], [sflag:$0x1] =	stream.indirect.gather [hbm4b:s5+s6], $0x10, s23, s6, $0xb8;
	[tilespmem:$0x5000] =	vst v63  }
0x163: {  	_ =	swait.ge [sflag:s7], $0x800  }
0x164: {  	[sflag:s7] =	ssyncset.done $0x0  }
0x165: {  	[sflag:s7] =	ssyncadd.s32 $0xFFFFF800  }
0x166: {  	_ =	swait.ge [sflag:s7], $0x800  }
0x167: {  	[sflag:s7] =	ssyncset.done $0x0  }
0x168: {  	[sflag:s7] =	ssyncadd.s32 $0xFFFFF800  }
0x169: {  	_ =	swait.ge [sflag:s7], $0x800  }
0x16a: {  	[sflag:s7] =	ssyncset.done $0x0  }
0x16b: {  	[sflag:s7] =	ssyncadd.s32 $0xFFFFF800  }
0x16c: {  	_ =	swait.ge [sflag:s7], $0x800  }
0x16d: {  	[sflag:s7] =	ssyncset.done $0x0  }
0x16e: {  	[sflag:s7] =	ssyncadd.s32 $0xFFFFF800  }
0x16f: {  	_ =	swait.ge [sflag:s7], $0x800  }
0x170: {  	[sflag:s7] =	ssyncset.done $0x0  }
0x171: {  	[sflag:s7] =	ssyncadd.s32 $0xFFFFF800  }
0x172: {  	_ =	swait.ge [sflag:s7], $0x800  }
0x173: {  	[sflag:s7] =	ssyncset.done $0x0  }
0x174: {  	[sflag:s7] =	ssyncadd.s32 $0xFFFFF800  }
0x175: {  	_ =	swait.ge [sflag:s7], $0x800  }
0x176: {  	[sflag:s7] =	ssyncset.done $0x0  }
0x177: {  	[sflag:s7] =	ssyncadd.s32 $0xFFFFF800  }
0x178: {  	p1 =	sne.s32 s1, $0x1;
	_ =	swait.ge [sflag:s7], $0x800  }
.Ltmp2:
0x179: {  	[sflag:s7] =	ssyncset.done $0x0;
	(pc) =	sbr.rel @p1 .LBB2_4-.Ltmp2, $4  }
0x17a: {  	s15 =	rddreg [dreg:$0x6];
	[sflag:s7] =	ssyncadd.s32 $0xFFFFF800  }
0x17b: {  	[hbm4b:s15+s2] =	stream.linear.scatter [tilespmem:s4], [sflag:$0x2], $0x4000, $0x38;
	[tilespmem:$0x5000] =	vst v63  }
0x17c: {  	_ =	swait.ge [sflag:s3], $0x4000  }
0x17d: {  	s1 =	sadd.s32 $0xFFFFFFFF, s1;
	s0 =	rddreg [dreg:$0x2];
	[sflag:s3] =	ssyncset.done $0x0  }
0x17e: {  	s23 =	simm.s32 $0xB80  }
0x17f: {  	s31 =	simm.s32 $0xB00;
	s30 =	simm.s32 $0xA80;
	s29 =	simm.s32 $0xA00  }
0x180: {  	s28 =	simm.s32 $0x980;
	s26 =	simm.s32 $0x900;
	s25 =	simm.s32 $0x880  }
0x181: {  	s24 =	simm.s32 $0x800;
	s22 =	simm.s32 $0xF00;
	s21 =	simm.s32 $0xE80  }
0x182: {  	s20 =	simm.s32 $0xE00;
	s19 =	simm.s32 $0xD80;
	s18 =	simm.s32 $0xD00  }
0x183: {  	s17 =	simm.s32 $0xC80;
	s16 =	simm.s32 $0xC00;
	s15 =	stileid.u32  }
.LBB2_6:
0x184: {  	[sflag:s3] =	ssyncadd.s32 @p0 $0xFFFFC000  }
0x185: {  	[tilespmem:s2], [sflag:$0x2] =	stream.linear.gather [hbm4b:s0+s2], $0x1000, $0x38;
	[tilespmem:$0x5000] =	vst v63  }
0x186: {  	_ =	swait.ge [sflag:s3], $0x1000  }
0x187: {  	[sflag:s3] =	ssyncset.done $0x0  }
0x188: {  	[sflag:s3] =	ssyncadd.s32 $0xFFFFF000  }
0x189: {  	[tilespmem:s4], [sflag:$0x1] =	stream.indirect.gather [hbm4b:s5+s6], $0x10, s2, s6, $0xb8;
	[tilespmem:$0x5000] =	vst v63  }
0x18a: {  	_ = 	snop  }
0x18b: {  	[tilespmem:s8], [sflag:$0x1] =	stream.indirect.gather [hbm4b:s5+s6], $0x10, s6, s6, $0xb8;
	[tilespmem:$0x5000] =	vst v63  }
0x18c: {  	s0 =	rddreg [dreg:$0x7]  }
0x18d: {  	[tilespmem:s9], [sflag:$0x1] =	stream.indirect.gather [hbm4b:s5+s6], $0x10, s0, s6, $0xb8;
	[tilespmem:$0x5000] =	vst v63  }
0x18e: {  	s1 =	rddreg [dreg:$0x8]  }
0x18f: {  	[tilespmem:s10], [sflag:$0x1] =	stream.indirect.gather [hbm4b:s5+s6], $0x10, s1, s6, $0xb8;
	[tilespmem:$0x5000] =	vst v63  }
0x190: {  	s0 =	rddreg [dreg:$0x9]  }
0x191: {  	[tilespmem:s11], [sflag:$0x1] =	stream.indirect.gather [hbm4b:s5+s6], $0x10, s0, s6, $0xb8;
	[tilespmem:$0x5000] =	vst v63  }
0x192: {  	s1 =	rddreg [dreg:$0xa]  }
0x193: {  	[tilespmem:s12], [sflag:$0x1] =	stream.indirect.gather [hbm4b:s5+s6], $0x10, s1, s6, $0xb8;
	[tilespmem:$0x5000] =	vst v63  }
0x194: {  	s0 =	rddreg [dreg:$0xb]  }
0x195: {  	[tilespmem:s13], [sflag:$0x1] =	stream.indirect.gather [hbm4b:s5+s6], $0x10, s0, s6, $0xb8;
	[tilespmem:$0x5000] =	vst v63  }
0x196: {  	s1 =	rddreg [dreg:$0xc]  }
0x197: {  	[tilespmem:s14], [sflag:$0x1] =	stream.indirect.gather [hbm4b:s5+s6], $0x10, s1, s6, $0xb8;
	[tilespmem:$0x5000] =	vst v63  }
0x198: {  	_ =	swait.ge [sflag:s7], $0x800  }
0x199: {  	[sflag:s7] =	ssyncset.done $0x0  }
0x19a: {  	[sflag:s7] =	ssyncadd.s32 $0xFFFFF800  }
0x19b: {  	_ =	swait.ge [sflag:s7], $0x800  }
0x19c: {  	[sflag:s7] =	ssyncset.done $0x0  }
0x19d: {  	[sflag:s7] =	ssyncadd.s32 $0xFFFFF800  }
0x19e: {  	_ =	swait.ge [sflag:s7], $0x800  }
0x19f: {  	[sflag:s7] =	ssyncset.done $0x0  }
0x1a0: {  	[sflag:s7] =	ssyncadd.s32 $0xFFFFF800  }
0x1a1: {  	_ =	swait.ge [sflag:s7], $0x800  }
0x1a2: {  	[sflag:s7] =	ssyncset.done $0x0  }
0x1a3: {  	[sflag:s7] =	ssyncadd.s32 $0xFFFFF800  }
0x1a4: {  	_ =	swait.ge [sflag:s7], $0x800  }
0x1a5: {  	[sflag:s7] =	ssyncset.done $0x0  }
0x1a6: {  	[sflag:s7] =	ssyncadd.s32 $0xFFFFF800  }
0x1a7: {  	_ =	swait.ge [sflag:s7], $0x800  }
0x1a8: {  	[sflag:s7] =	ssyncset.done $0x0  }
0x1a9: {  	[sflag:s7] =	ssyncadd.s32 $0xFFFFF800  }
0x1aa: {  	_ =	swait.ge [sflag:s7], $0x800  }
0x1ab: {  	[sflag:s7] =	ssyncset.done $0x0  }
0x1ac: {  	[sflag:s7] =	ssyncadd.s32 $0xFFFFF800  }
0x1ad: {  	_ =	swait.ge [sflag:s7], $0x800  }
0x1ae: {  	[sflag:s7] =	ssyncset.done $0x0  }
0x1af: {  	s1 =	rddreg [dreg:$0x3];
	[sflag:s7] =	ssyncadd.s32 $0xFFFFF800  }
0x1b0: {  	[hbm4b:s1+s2] =	stream.linear.scatter [tilespmem:s4], [sflag:$0x2], $0x4000, $0x38;
	[tilespmem:$0x5000] =	vst v63  }
0x1b1: {  	_ =	swait.ge [sflag:s3], $0x4000  }
0x1b2: {  	[sflag:s3] =	ssyncset.done $0x0  }
0x1b3: {  	s0 =	rddreg [dreg:$0xd];
	[sflag:s3] =	ssyncadd.s32 $0xFFFFC000  }
0x1b4: {  	[tilespmem:s4], [sflag:$0x1] =	stream.indirect.gather [hbm4b:s5+s6], $0x10, s0, s6, $0xb8;
	[tilespmem:$0x5000] =	vst v63  }
0x1b5: {  	s1 =	rddreg [dreg:$0xe]  }
0x1b6: {  	[tilespmem:s8], [sflag:$0x1] =	stream.indirect.gather [hbm4b:s5+s6], $0x10, s1, s6, $0xb8;
	[tilespmem:$0x5000] =	vst v63  }
0x1b7: {  	s0 =	rddreg [dreg:$0xf]  }
0x1b8: {  	[tilespmem:s9], [sflag:$0x1] =	stream.indirect.gather [hbm4b:s5+s6], $0x10, s0, s6, $0xb8;
	[tilespmem:$0x5000] =	vst v63  }
0x1b9: {  	s1 =	rddreg [dreg:$0x10]  }
0x1ba: {  	[tilespmem:s10], [sflag:$0x1] =	stream.indirect.gather [hbm4b:s5+s6], $0x10, s1, s6, $0xb8;
	[tilespmem:$0x5000] =	vst v63  }
0x1bb: {  	s0 =	rddreg [dreg:$0x11]  }
0x1bc: {  	[tilespmem:s11], [sflag:$0x1] =	stream.indirect.gather [hbm4b:s5+s6], $0x10, s0, s6, $0xb8;
	[tilespmem:$0x5000] =	vst v63  }
0x1bd: {  	s1 =	rddreg [dreg:$0x12]  }
0x1be: {  	[tilespmem:s12], [sflag:$0x1] =	stream.indirect.gather [hbm4b:s5+s6], $0x10, s1, s6, $0xb8;
	[tilespmem:$0x5000] =	vst v63  }
0x1bf: {  	s0 =	rddreg [dreg:$0x13]  }
0x1c0: {  	[tilespmem:s13], [sflag:$0x1] =	stream.indirect.gather [hbm4b:s5+s6], $0x10, s0, s6, $0xb8;
	[tilespmem:$0x5000] =	vst v63  }
0x1c1: {  	s1 =	rddreg [dreg:$0x14]  }
0x1c2: {  	[tilespmem:s14], [sflag:$0x1] =	stream.indirect.gather [hbm4b:s5+s6], $0x10, s1, s6, $0xb8;
	[tilespmem:$0x5000] =	vst v63  }
0x1c3: {  	_ =	swait.ge [sflag:s7], $0x800  }
0x1c4: {  	[sflag:s7] =	ssyncset.done $0x0  }
0x1c5: {  	[sflag:s7] =	ssyncadd.s32 $0xFFFFF800  }
0x1c6: {  	_ =	swait.ge [sflag:s7], $0x800  }
0x1c7: {  	[sflag:s7] =	ssyncset.done $0x0  }
0x1c8: {  	[sflag:s7] =	ssyncadd.s32 $0xFFFFF800  }
0x1c9: {  	_ =	swait.ge [sflag:s7], $0x800  }
0x1ca: {  	[sflag:s7] =	ssyncset.done $0x0  }
0x1cb: {  	[sflag:s7] =	ssyncadd.s32 $0xFFFFF800  }
0x1cc: {  	_ =	swait.ge [sflag:s7], $0x800  }
0x1cd: {  	[sflag:s7] =	ssyncset.done $0x0  }
0x1ce: {  	[sflag:s7] =	ssyncadd.s32 $0xFFFFF800  }
0x1cf: {  	_ =	swait.ge [sflag:s7], $0x800  }
0x1d0: {  	[sflag:s7] =	ssyncset.done $0x0  }
0x1d1: {  	[sflag:s7] =	ssyncadd.s32 $0xFFFFF800  }
0x1d2: {  	_ =	swait.ge [sflag:s7], $0x800  }
0x1d3: {  	[sflag:s7] =	ssyncset.done $0x0  }
0x1d4: {  	[sflag:s7] =	ssyncadd.s32 $0xFFFFF800  }
0x1d5: {  	_ =	swait.ge [sflag:s7], $0x800  }
0x1d6: {  	[sflag:s7] =	ssyncset.done $0x0  }
0x1d7: {  	[sflag:s7] =	ssyncadd.s32 $0xFFFFF800  }
0x1d8: {  	_ =	swait.ge [sflag:s7], $0x800  }
0x1d9: {  	[sflag:s7] =	ssyncset.done $0x0  }
0x1da: {  	s1 =	rddreg [dreg:$0x4];
	[sflag:s7] =	ssyncadd.s32 $0xFFFFF800  }
0x1db: {  	[hbm4b:s1+s2] =	stream.linear.scatter [tilespmem:s4], [sflag:$0x2], $0x4000, $0x38;
	[tilespmem:$0x5000] =	vst v63  }
0x1dc: {  	_ =	swait.ge [sflag:s3], $0x4000  }
0x1dd: {  	[sflag:s3] =	ssyncset.done $0x0  }
0x1de: {  	[sflag:s3] =	ssyncadd.s32 $0xFFFFC000  }
0x1df: {  	[tilespmem:s4], [sflag:$0x1] =	stream.indirect.gather [hbm4b:s5+s6], $0x10, s24, s6, $0xb8;
	[tilespmem:$0x5000] =	vst v63  }
0x1e0: {  	_ = 	snop  }
0x1e1: {  	[tilespmem:s8], [sflag:$0x1] =	stream.indirect.gather [hbm4b:s5+s6], $0x10, s25, s6, $0xb8;
	[tilespmem:$0x5000] =	vst v63  }
0x1e2: {  	_ = 	snop  }
0x1e3: {  	[tilespmem:s9], [sflag:$0x1] =	stream.indirect.gather [hbm4b:s5+s6], $0x10, s26, s6, $0xb8;
	[tilespmem:$0x5000] =	vst v63  }
0x1e4: {  	_ = 	snop  }
0x1e5: {  	[tilespmem:s10], [sflag:$0x1] =	stream.indirect.gather [hbm4b:s5+s6], $0x10, s28, s6, $0xb8;
	[tilespmem:$0x5000] =	vst v63  }
0x1e6: {  	_ = 	snop  }
0x1e7: {  	[tilespmem:s11], [sflag:$0x1] =	stream.indirect.gather [hbm4b:s5+s6], $0x10, s29, s6, $0xb8;
	[tilespmem:$0x5000] =	vst v63  }
0x1e8: {  	_ = 	snop  }
0x1e9: {  	[tilespmem:s12], [sflag:$0x1] =	stream.indirect.gather [hbm4b:s5+s6], $0x10, s30, s6, $0xb8;
	[tilespmem:$0x5000] =	vst v63  }
0x1ea: {  	_ = 	snop  }
0x1eb: {  	[tilespmem:s13], [sflag:$0x1] =	stream.indirect.gather [hbm4b:s5+s6], $0x10, s31, s6, $0xb8;
	[tilespmem:$0x5000] =	vst v63  }
0x1ec: {  	_ = 	snop  }
0x1ed: {  	[tilespmem:s14], [sflag:$0x1] =	stream.indirect.gather [hbm4b:s5+s6], $0x10, s23, s6, $0xb8;
	[tilespmem:$0x5000] =	vst v63  }
0x1ee: {  	_ =	swait.ge [sflag:s7], $0x800  }
0x1ef: {  	[sflag:s7] =	ssyncset.done $0x0  }
0x1f0: {  	[sflag:s7] =	ssyncadd.s32 $0xFFFFF800  }
0x1f1: {  	_ =	swait.ge [sflag:s7], $0x800  }
0x1f2: {  	[sflag:s7] =	ssyncset.done $0x0  }
0x1f3: {  	[sflag:s7] =	ssyncadd.s32 $0xFFFFF800  }
0x1f4: {  	_ =	swait.ge [sflag:s7], $0x800  }
0x1f5: {  	[sflag:s7] =	ssyncset.done $0x0  }
0x1f6: {  	[sflag:s7] =	ssyncadd.s32 $0xFFFFF800  }
0x1f7: {  	_ =	swait.ge [sflag:s7], $0x800  }
0x1f8: {  	[sflag:s7] =	ssyncset.done $0x0  }
0x1f9: {  	[sflag:s7] =	ssyncadd.s32 $0xFFFFF800  }
0x1fa: {  	_ =	swait.ge [sflag:s7], $0x800  }
0x1fb: {  	[sflag:s7] =	ssyncset.done $0x0  }
0x1fc: {  	[sflag:s7] =	ssyncadd.s32 $0xFFFFF800  }
0x1fd: {  	_ =	swait.ge [sflag:s7], $0x800  }
0x1fe: {  	[sflag:s7] =	ssyncset.done $0x0  }
0x1ff: {  	[sflag:s7] =	ssyncadd.s32 $0xFFFFF800  }
0x200: {  	_ =	swait.ge [sflag:s7], $0x800  }
0x201: {  	[sflag:s7] =	ssyncset.done $0x0  }
0x202: {  	[sflag:s7] =	ssyncadd.s32 $0xFFFFF800  }
0x203: {  	_ =	swait.ge [sflag:s7], $0x800  }
0x204: {  	[sflag:s7] =	ssyncset.done $0x0  }
0x205: {  	s29 =	rddreg [dreg:$0x5];
	[sflag:s7] =	ssyncadd.s32 $0xFFFFF800  }
0x206: {  	[hbm4b:s29+s2] =	stream.linear.scatter [tilespmem:s4], [sflag:$0x2], $0x4000, $0x38;
	[tilespmem:$0x5000] =	vst v63  }
0x207: {  	_ =	swait.ge [sflag:s3], $0x4000  }
0x208: {  	[sflag:s3] =	ssyncset.done $0x0  }
0x209: {  	[sflag:s3] =	ssyncadd.s32 $0xFFFFC000  }
0x20a: {  	[tilespmem:s4], [sflag:$0x1] =	stream.indirect.gather [hbm4b:s5+s6], $0x10, s16, s6, $0xb8;
	[tilespmem:$0x5000] =	vst v63  }
0x20b: {  	_ = 	snop  }
0x20c: {  	[tilespmem:s8], [sflag:$0x1] =	stream.indirect.gather [hbm4b:s5+s6], $0x10, s17, s6, $0xb8;
	[tilespmem:$0x5000] =	vst v63  }
0x20d: {  	_ = 	snop  }
0x20e: {  	[tilespmem:s9], [sflag:$0x1] =	stream.indirect.gather [hbm4b:s5+s6], $0x10, s18, s6, $0xb8;
	[tilespmem:$0x5000] =	vst v63  }
0x20f: {  	_ = 	snop  }
0x210: {  	[tilespmem:s10], [sflag:$0x1] =	stream.indirect.gather [hbm4b:s5+s6], $0x10, s19, s6, $0xb8;
	[tilespmem:$0x5000] =	vst v63  }
0x211: {  	_ = 	snop  }
0x212: {  	[tilespmem:s11], [sflag:$0x1] =	stream.indirect.gather [hbm4b:s5+s6], $0x10, s20, s6, $0xb8;
	[tilespmem:$0x5000] =	vst v63  }
0x213: {  	_ = 	snop  }
0x214: {  	[tilespmem:s12], [sflag:$0x1] =	stream.indirect.gather [hbm4b:s5+s6], $0x10, s21, s6, $0xb8;
	[tilespmem:$0x5000] =	vst v63  }
0x215: {  	_ = 	snop  }
0x216: {  	[tilespmem:s13], [sflag:$0x1] =	stream.indirect.gather [hbm4b:s5+s6], $0x10, s22, s6, $0xb8;
	[tilespmem:$0x5000] =	vst v63  }
0x217: {  	s30 =	simm.s32 $0xF80  }
0x218: {  	[tilespmem:s14], [sflag:$0x1] =	stream.indirect.gather [hbm4b:s5+s6], $0x10, s30, s6, $0xb8;
	[tilespmem:$0x5000] =	vst v63  }
0x219: {  	_ =	swait.ge [sflag:s7], $0x800  }
0x21a: {  	[sflag:s7] =	ssyncset.done $0x0  }
0x21b: {  	[sflag:s7] =	ssyncadd.s32 $0xFFFFF800  }
0x21c: {  	_ =	swait.ge [sflag:s7], $0x800  }
0x21d: {  	[sflag:s7] =	ssyncset.done $0x0  }
0x21e: {  	[sflag:s7] =	ssyncadd.s32 $0xFFFFF800  }
0x21f: {  	_ =	swait.ge [sflag:s7], $0x800  }
0x220: {  	[sflag:s7] =	ssyncset.done $0x0  }
0x221: {  	[sflag:s7] =	ssyncadd.s32 $0xFFFFF800  }
0x222: {  	_ =	swait.ge [sflag:s7], $0x800  }
0x223: {  	[sflag:s7] =	ssyncset.done $0x0  }
0x224: {  	[sflag:s7] =	ssyncadd.s32 $0xFFFFF800  }
0x225: {  	_ =	swait.ge [sflag:s7], $0x800  }
0x226: {  	[sflag:s7] =	ssyncset.done $0x0  }
0x227: {  	[sflag:s7] =	ssyncadd.s32 $0xFFFFF800  }
0x228: {  	_ =	swait.ge [sflag:s7], $0x800  }
0x229: {  	[sflag:s7] =	ssyncset.done $0x0  }
0x22a: {  	[sflag:s7] =	ssyncadd.s32 $0xFFFFF800  }
0x22b: {  	_ =	swait.ge [sflag:s7], $0x800  }
0x22c: {  	[sflag:s7] =	ssyncset.done $0x0  }
0x22d: {  	[sflag:s7] =	ssyncadd.s32 $0xFFFFF800  }
0x22e: {  	_ =	swait.ge [sflag:s7], $0x800  }
0x22f: {  	[sflag:s7] =	ssyncset.done $0x0  }
0x230: {  	s31 =	rddreg [dreg:$0x6];
	[sflag:s7] =	ssyncadd.s32 $0xFFFFF800  }
0x231: {  	[hbm4b:s31+s2] =	stream.linear.scatter [tilespmem:s4], [sflag:$0x2], $0x4000, $0x38;
	[tilespmem:$0x5000] =	vst v63  }
0x232: {  	_ =	swait.ge [sflag:s3], $0x4000  }
0x233: {  	[sflag:s3] =	ssyncset.done $0x0  }
0x234: {  	[sflag:s3] =	ssyncadd.s32 $0xFFFFC000  }
0x235: {  	_ =	sfence.sel $0x180000  }
0x236: {  	[bflag:$0x0] =	sbarrier.arrive $0xFFFF  }
0x237: {  	_ =	strace $0x9000004A  }
0x238: {  	[bflag:$0x2] =	sbarrier.arrive $0xFFFF  }
0x239: {  	p0 =	sne.s32 s15, $0x0;
	s0 =	rddreg [dreg:$0x1]  }
0x23a: {  	s0 =	sadd.s32 @!p0 $0x100000, s0  }
0x23b: {  	[sflag:s0] =	ssyncadd.tile.s32 @!p0 $0x1;
	_ =	shalt  }
.LBB2_1:
0x23c: {  	s23 =	simm.s32 $0xB80  }
.Ltmp3:
0x23d: {  	s31 =	simm.s32 $0xB00;
	s30 =	simm.s32 $0xA80;
	(pc) =	sbr.rel .LBB2_6-.Ltmp3, $4  }
0x23e: {  	s29 =	simm.s32 $0xA00;
	s28 =	simm.s32 $0x980;
	s26 =	simm.s32 $0x900  }
0x23f: {  	s25 =	simm.s32 $0x880;
	s24 =	simm.s32 $0x800;
	s22 =	simm.s32 $0xF00  }
0x240: {  	s21 =	simm.s32 $0xE80;
	s20 =	simm.s32 $0xE00;
	s19 =	simm.s32 $0xD80  }
0x241: {  	s18 =	simm.s32 $0xD00;
	s17 =	simm.s32 $0xC80;
	s16 =	simm.s32 $0xC00  }
.LBB2_3:
0x242: {  	s23 =	simm.s32 $0xB80;
	s31 =	simm.s32 $0xB00  }
.Ltmp4:
0x243: {  	s30 =	simm.s32 $0xA80;
	s29 =	simm.s32 $0xA00;
	(pc) =	sbr.rel .LBB2_6-.Ltmp4, $4  }
0x244: {  	s28 =	simm.s32 $0x980;
	s26 =	simm.s32 $0x900;
	s25 =	simm.s32 $0x880  }
0x245: {  	s24 =	simm.s32 $0x800;
	s22 =	simm.s32 $0xF00;
	s21 =	simm.s32 $0xE80  }
0x246: {  	s20 =	simm.s32 $0xE00;
	s19 =	simm.s32 $0xD80;
	s18 =	simm.s32 $0xD00  }
0x247: {  	s17 =	simm.s32 $0xC80;
	s16 =	simm.s32 $0xC00;
	s15 =	stileid.u32  }
.Lfunc_end2:
_tile_overlayer_lowered:
.L_overlay_start_2:
0x248: {  	(tag) =	ssettag $0x2  }
0x249: {  	s0 =	rddreg [dreg:$0x0];
	s2 =	stileid.u32  }
0x24a: {  	s1 =	rddreg [dreg:$0x1];
	p0 =	sne.s32 s2, $0x0  }
0x24b: {  	s3 =	rddreg [dreg:$0x2];
	[bflag:$0x3] =	sbarrier.arrive $0xFFFF;
	s2 =	simm.s32 @!p0 $0x1C02  }
0x24c: {  	[timem:s3], [sflag:s2] =	dma.local @!p0 [hbm:s0], s1  }
0x24d: {  	s0 =	simm.s32 @!p0 $0x2  }
0x24e: {  	_ =	swait.ge @!p0 [sflag:s0], s1  }
0x24f: {  	s1 =	ssub.s32 @!p0 $0x0, s1;
	[sflag:s0] =	ssyncset.done @!p0 $0x0  }
0x250: {  	[sflag:s0] =	ssyncadd.s32 @!p0 s1  }
0x251: {  	[bflag:$0x3] =	sbarrier.arrive $0xFFFF  }
0x252: {  	_ =	shalt  }

// kernel: kernel.20.cloned.1.call-start
scs
__scs_entry_jumppad:
0x0: {  	(pc) =	sbr.rel $0x88, $3  }
0x1: {  	(tag) =	ssettag $0x0;
	lr =	simm.s32 $0x1  }
0x2: {  	[smem:$0x3F98] =	sst lr;
	_ =	strace $0xD0000000  }
0x3: {  	_ = 	snop  }
0x4: {  	_ = 	snop  }
0x5: {  	_ = 	snop  }
0x6: {  	_ = 	snop  }
0x7: {  	_ = 	snop  }
__scs_overlays_trampoline_lowered:
0x8: {  	[smem:$0x3FA7] =	sst s0  }
0x9: {  	[smem:$0x3FA8] =	sst s1  }
0xa: {  	[smem:$0x3FA9] =	sst s2  }
0xb: {  	[smem:$0x3FAA] =	sst s3  }
0xc: {  	[smem:$0x3FAB] =	sst s4  }
0xd: {  	[smem:$0x3FAC] =	sst s5  }
0xe: {  	[smem:$0x3FAD] =	sst s6  }
0xf: {  	[smem:$0x3FAE] =	sst s7  }
0x10: {  	[smem:$0x3FAF] =	sst s8  }
0x11: {  	[smem:$0x3FB0] =	sst s9;
	s0 =	simm.s32 @!p0 $0x0  }
0x12: {  	s1 =	sld [smem:$0x3F96];
	s0 =	simm.s32 @p0 $0x1  }
0x13: {  	[smem:$0x3FB1] =	sst s0;
	s0 =	simm.s32 @!p1 $0x0  }
0x14: {  	s2 =	sld [smem:$0x3F95];
	s0 =	simm.s32 @p1 $0x1  }
0x15: {  	[smem:$0x3FB2] =	sst s0;
	s0 =	simm.s32 @!p2 $0x0  }
0x16: {  	s3 =	sld [smem:$0x3FDB];
	s0 =	simm.s32 @p2 $0x1  }
0x17: {  	s4 =	simm.s32 $0x1BF5;
	[smem:$0x3FB4] =	sst s0  }
0x18: {  	s0 =	sld [smem:$0x3F97];
	_ =	swait.ge [sflag:s4], $0x0  }
0x19: {  	s7 =	sld [smem:$0x3F98]  }
0x1a: {  	s8 =	sadd.s32 $0xFFFFE003, lr  }
0x1b: {  	s9 =	sadd.s32 $0xFFFFFEF7, lr;
	s5 =	simm.s32 $0xFFFFFFFF;
	p2 =	slt.u32 s8, $0xFFFFF086  }
0x1c: {  	p1 =	slt.u32 s9, $0xF7A;
	s5 =	simm.s32 @!p2 $0x0  }
0x1d: {  	s5 =	simm.s32 @p1 $0x1;
	p0 =	seq.s32 s7, s2  }
0x1e: {  	s7 =	smul.u32 @!p0 $0xF7A, s2;
	p2 =	seq.s32 @!p0 s5, $0x0  }
0x1f: {  	s9 =	smul.u32 $0xF7A, s1;
	s8 =	simm.s32 @!p0 $0x1BF5;
	p2 =	por !p2, p0  }
0x20: {  	[sflag:s8] =	ssyncset.s32 @!p0 $0xFFFFF086;
	s6 =	sadd.s32 @!p0 s3, s7;
	s7 =	simm.s32 @!p0 $0x108  }
0x21: {  	s3 =	sadd.s32 s3, s9;
	s6 =	sadd.s32 @!p0 $0x88, s6;
	s7 =	simm.s32 @p2 $0x1082  }
0x22: {  	[simem:s7], [sflag:s8] =	dma.local @!p0 [hbm:s6], $0xF7A  }
0x23: {  	s9 =	sor.u32 $0xD0000000, s2;
	s6 =	simm.s32 $0x108;
	_ =	swait.ge @!p0 [sflag:s8], $0x0  }
0x24: {  	s3 =	sadd.s32 $0x88, s3;
	s6 =	simm.s32 @!p1 $0x1082;
	[sflag:s4] =	ssyncset.s32 $0xFFFFF086  }
0x25: {  	[simem:s6], [sflag:s4] =	dma.local [hbm:s3], $0xF7A  }
0x26: {  	[smem:$0x3F98] =	sst s1;
	(tag) =	ssettag s2;
	_ =	strace s9  }
0x27: {  	s1 =	sld [smem:$0x3FA8]  }
0x28: {  	s2 =	sld [smem:$0x3FA9]  }
0x29: {  	s4 =	sld [smem:$0x3FAB]  }
0x2a: {  	p0 =	seq.s32 s5, $0x0;
	s5 =	sld [smem:$0x3FAC]  }
0x2b: {  	s6 =	sld [smem:$0x3FAD]  }
0x2c: {  	s7 =	sld [smem:$0x3FAE]  }
0x2d: {  	s3 =	simm.s32 $0x108;
	s8 =	sld [smem:$0x3FAF]  }
0x2e: {  	s3 =	simm.s32 @!p0 $0x1082;
	s9 =	sld [smem:$0x3FB0]  }
0x2f: {  	lr =	sadd.s32 s0, s3;
	s0 =	sld [smem:$0x3FA7]  }
0x30: {  	s3 =	sld [smem:$0x3FAA]  }
0x31: {  	[smem:$0x3FB3] =	sst s10  }
0x32: {  	s10 =	sld [smem:$0x3FB1];
	_ =	sdelay $0x3  }
0x33: {  	p0 =	seq.s32 s10, $0x1;
	s10 =	sld [smem:$0x3FB3];
	_ =	sdelay $0x3  }
0x34: {  	[smem:$0x3FB3] =	sst s10  }
0x35: {  	s10 =	sld [smem:$0x3FB2];
	_ =	sdelay $0x3  }
0x36: {  	p1 =	seq.s32 s10, $0x1;
	s10 =	sld [smem:$0x3FB3];
	_ =	sdelay $0x3  }
0x37: {  	[smem:$0x3FB3] =	sst s10  }
0x38: {  	s10 =	sld [smem:$0x3FB4]  }
0x39: {  	_ = 	snop;
	(pc) =	sbr.ind lr, $3  }
0x3a: {  	_ = 	snop  }
0x3b: {  	_ = 	snop  }
0x3c: {  	p2 =	seq.s32 s10, $0x1;
	s10 =	sld [smem:$0x3FB3]  }
0x3d: {  	_ =	shalt  }
0x3e: {  	_ =	shalt  }
0x3f: {  	_ =	shalt  }
0x40: {  	_ =	shalt  }
0x41: {  	_ =	shalt  }
0x42: {  	_ =	shalt  }
0x43: {  	_ =	shalt  }
0x44: {  	_ =	shalt  }
0x45: {  	_ =	shalt  }
0x46: {  	_ =	shalt  }
0x47: {  	_ =	shalt  }
0x48: {  	_ =	shalt  }
0x49: {  	_ =	shalt  }
0x4a: {  	_ =	shalt  }
0x4b: {  	_ =	shalt  }
0x4c: {  	_ =	shalt  }
0x4d: {  	_ =	shalt  }
0x4e: {  	_ =	shalt  }
0x4f: {  	_ =	shalt  }
0x50: {  	_ =	shalt  }
0x51: {  	_ =	shalt  }
0x52: {  	_ =	shalt  }
0x53: {  	_ =	shalt  }
0x54: {  	_ =	shalt  }
0x55: {  	_ =	shalt  }
0x56: {  	_ =	shalt  }
0x57: {  	_ =	shalt  }
0x58: {  	_ =	shalt  }
0x59: {  	_ =	shalt  }
0x5a: {  	_ =	shalt  }
0x5b: {  	_ =	shalt  }
0x5c: {  	_ =	shalt  }
0x5d: {  	_ =	shalt  }
0x5e: {  	_ =	shalt  }
0x5f: {  	_ =	shalt  }
0x60: {  	_ =	shalt  }
0x61: {  	_ =	shalt  }
0x62: {  	_ =	shalt  }
0x63: {  	_ =	shalt  }
0x64: {  	_ =	shalt  }
0x65: {  	_ =	shalt  }
0x66: {  	_ =	shalt  }
0x67: {  	_ =	shalt  }
0x68: {  	_ =	shalt  }
0x69: {  	_ =	shalt  }
0x6a: {  	_ =	shalt  }
0x6b: {  	_ =	shalt  }
0x6c: {  	_ =	shalt  }
0x6d: {  	_ =	shalt  }
0x6e: {  	_ =	shalt  }
0x6f: {  	_ =	shalt  }
0x70: {  	_ =	shalt  }
0x71: {  	_ =	shalt  }
0x72: {  	_ =	shalt  }
0x73: {  	_ =	shalt  }
0x74: {  	_ =	shalt  }
0x75: {  	_ =	shalt  }
0x76: {  	_ =	shalt  }
0x77: {  	_ =	shalt  }
0x78: {  	_ =	shalt  }
0x79: {  	_ =	shalt  }
0x7a: {  	_ =	shalt  }
0x7b: {  	_ =	shalt  }
0x7c: {  	_ =	shalt  }
0x7d: {  	_ =	shalt  }
0x7e: {  	_ =	shalt  }
0x7f: {  	_ =	shalt  }
0x80: {  	_ =	shalt  }
0x81: {  	_ =	shalt  }
0x82: {  	_ =	shalt  }
0x83: {  	_ =	shalt  }
0x84: {  	_ =	shalt  }
0x85: {  	_ =	shalt  }
0x86: {  	_ =	shalt  }
0x87: {  	_ =	shalt  }
.Lfunc_end0:
.L_simem_size_0:
called_computation.3_lowered:
.L_overlay_start_0:
0x88: {  	s2 =	sld [smem:$0x3FD9]  }
0x89: {  	s3 =	sld [smem:$0x3FFE];
	_ =	sdelay $0x1  }
0x8a: {  	s1 =	srdreg.scid  }
0x8b: {  	s0 =	sand.u32 $0x1, s1  }
0x8c: {  	s16 =	sshll.u32 s0, $0xA;
	s2 =	sadd.s32 s3, s2  }
0x8d: {  	s2 =	sadd.s32 s2, s16  }
0x8e: {  	[smem:$0x3FBF] =	sst s2  }
0x8f: {  	_ = 	snop  }
0x90: {  	(tm) =	ssettm $0x1  }
0x91: {  	s17 =	sld [smem:$0x3FFB];
	_ =	sdelay $0x3  }
0x92: {  	_ =	strace s17  }
0x93: {  	s2 =	sld [smem:$0x3FFC];
	_ =	sdelay $0x3  }
0x94: {  	_ =	strace s2  }
0x95: {  	s2 =	sld [smem:$0x3FFD];
	_ =	sdelay $0x3  }
0x96: {  	_ =	strace s2  }
0x97: {  	_ =	strace $0x8FFFFFFF  }
0x98: {  	s18 =	sld [smem:$0x3FDB];
	_ =	sdelay $0x1  }
0x99: {  	s19 =	simm.s32 $_scs_section_size  }
0x9a: {  	s4 =	simm.s32 $_size__tile_overlayer_lowered;
	s5 =	simm.s32 $_tile_overlayer_lowered  }
0x9b: {  	s22 =	simm.s32 $0x1BFF;
	s21 =	sshll.u32 s5, $0x1;
	s2 =	sadd.s32 s19, s18  }
0x9c: {  	s6 =	simm.s32 $0x0;
	s20 =	sshll.u32 s4, $0x1;
	s4 =	sadd.s32 s21, s2  }
0x9d: {  	[timem:s6], [sflag:s22] =	dma.local [hbm:s4], s20  }
0x9e: {  	_ =	swait.ge [sflag:s22], s20  }
0x9f: {  	s3 =	ssub.s32 $0x0, s20;
	[sflag:s22] =	ssyncset.done $0x0  }
0xa0: {  	[sflag:s22] =	ssyncadd.s32 s3;
	_ =	sdelay $0x1  }
0xa1: {  	s23 =	simm.s32 $0x1B8B  }
0xa2: {  	_ =	swait.ge [sflag:s23], $0x1  }
0xa3: {  	[sflag:s23] =	ssyncset.done $0x0  }
0xa4: {  	s25 =	simm.s32 $0x1B8E;
	s24 =	sld [smem:$0x3FFE];
	[sflag:s23] =	ssyncadd.s32 $0xFFFFFFFF  }
0xa5: {  	s26 =	simm.s32 $execute0_lowered;
	[smem:$0x3FD2] =	sst s25  }
0xa6: {  	s4 =	sshll.u32 s26, $0x1;
	_ =	strace $0x80000046;
	[dreg:$0x1] =	wrdreg $0xFFFFFFFF  }
0xa7: {  	s28 =	simm.s32 $_size_execute0_lowered;
	s2 =	sadd.s32 s2, s4;
	[dreg:$0x0] =	wrdreg $0x0  }
0xa8: {  	s4 =	sshll.u32 s28, $0x1;
	[dreg:$0x2] =	wrdreg s2  }
0xa9: {  	[dreg:$0x3] =	wrdreg s4  }
0xaa: {  	[dreg:$0x4] =	wrdreg $0xC0  }
0xab: {  	_ =	task [dreg:s6], $0x5FFFF  }
0xac: {  	[dreg:$0x1] =	wrdreg $0xFFFFFFFF  }
0xad: {  	[dreg:$0x0] =	wrdreg $0x60  }
0xae: {  	[dreg:$0x2] =	wrdreg s24  }
0xaf: {  	[dreg:$0x3] =	wrdreg $0xC  }
0xb0: {  	_ =	task.clear_ibuf [dreg:s6], $0x4FFFF;
	_ =	strace $0x90000046  }
0xb1: {  	s29 =	simm.s32 $0xC;
	_ =	strace $0x80000048  }
0xb2: {  	_ =	swait.ge [sflag:s29], $0x1  }
0xb3: {  	[sflag:s29] =	ssyncadd.s32 $0xFFFFFFFF  }
0xb4: {  	_ =	strace $0x90000048  }
0xb5: {  	_ =	sfence  }
0xb6: {  	s30 =	sld [smem:$0x0];
	_ =	sdelay $0x2  }
0xb7: {  	s31 =	sshll.u32 s1, $0xD;
	s1 =	sshrl.u32 s1, $0x2  }
0xb8: {  	s3 =	sand.u32 $0x4000, s31;
	s1 =	sadd.s32 s1, s30  }
0xb9: {  	s0 =	sor.u32 s3, s0;
	s1 =	sshll.u32 s1, $0x11  }
0xba: {  	s0 =	sor.u32 s1, s0  }
0xbb: {  	s0 =	sadd.s32 $0x8F2B, s0  }
0xbc: {  	[sflag:s0] =	ssyncadd.remote.s32 $0x1  }
0xbd: {  	_ =	sfence.sel $0xFFFF  }
0xbe: {  	[dreg:$0x0] =	wrdreg $0xFFFFFFFF;
	(pc) =	sbr.abs _section_cstart, $3  }
0xbf: {  	[dreg:$0x1] =	wrdreg $0xFFFFFFFF  }
0xc0: {  	_ =	task.clear_ibuf [dreg:s6], $0x2FFFF;
	_ =	strace $0x9FFFFFFF  }
0xc1: {  	(tm) =	ssettm $0x7FFFFFFF  }
tec
execute0_lowered:
.L_overlay_start_1:
0x0: {  	(tag) =	ssettag $0x1  }
0x1: {  	s0 =	srdreg.scid  }
0x2: {  	s15 =	stileid.u32;
	s3 =	rddreg [dreg:$0x0];
	s12 =	simm.s32 $0x100  }
0x3: {  	s13 =	simm.s32 $0x180;
	s14 =	simm.s32 $0x200;
	s16 =	simm.s32 $0x280  }
0x4: {  	s6 =	simm.s32 $0x80;
	s17 =	simm.s32 $0x300;
	s0 =	sand.u32 $0x1, s0  }
0x5: {  	s18 =	simm.s32 $0x380;
	s1 =	sshll.u32 s15, $0xD;
	s2 =	sshll.u32 s0, $0xC  }
0x6: {  	s19 =	simm.s32 $0x400;
	s1 =	sor.u32 s2, s1;
	s2 =	simm.s32 $0x0  }
0x7: {  	s20 =	simm.s32 $0x480;
	s21 =	simm.s32 $0x500;
	[smem:$0x7FF] =	sst s2  }
0x8: {  	s22 =	simm.s32 $0x580;
	_ =	strace $0x80000047;
	[dreg:$0x7] =	wrdreg s12  }
0x9: {  	s23 =	simm.s32 $0x600;
	s24 =	simm.s32 $0x680;
	[dreg:$0x8] =	wrdreg s13  }
0xa: {  	s25 =	simm.s32 $0x700;
	s7 =	simm.s32 $0x1;
	[dreg:$0x9] =	wrdreg s14  }
0xb: {  	s26 =	simm.s32 $0x780;
	s28 =	simm.s32 $0x980;
	[dreg:$0xa] =	wrdreg s16  }
0xc: {  	s29 =	simm.s32 $0xA00;
	s30 =	simm.s32 $0xA80;
	[dreg:$0xb] =	wrdreg s17  }
0xd: {  	s31 =	simm.s32 $0xB00;
	p0 =	por $0x0, $0x0;
	[dreg:$0xc] =	wrdreg s18  }
0xe: {  	s5 =	sadd.s32 $0x12C00, s3;
	s0 =	ssub.s32 $0x2, s0;
	[dreg:$0xd] =	wrdreg s19  }
0xf: {  	s11 =	sshrl.u32 s0, $0x1;
	s4 =	sshrl.u32 s1, $0x3;
	[dreg:$0xe] =	wrdreg s20  }
0x10: {  	s1 =	sshll.u32 s1, $0x1;
	s0 =	ssub.s32 s0, s11;
	[dreg:$0xf] =	wrdreg s21  }
0x11: {  	s11 =	simm.s32 $0x3000;
	s4 =	sadd.s32 s4, s3;
	[dreg:$0x10] =	wrdreg s22  }
0x12: {  	s1 =	sadd.s32 s1, s3;
	s0 =	smax.u32 s0, $0x1;
	[dreg:$0x11] =	wrdreg s23  }
0x13: {  	s3 =	simm.s32 $0x2;
	s12 =	simm.s32 $0x3800;
	[dreg:$0x12] =	wrdreg s24  }
0x14: {  	s13 =	simm.s32 $0x4000;
	s14 =	simm.s32 $0x4800;
	[dreg:$0x13] =	wrdreg s25  }
0x15: {  	[dreg:$0x14] =	wrdreg s26;
	s25 =	simm.s32 $0x880;
	s26 =	simm.s32 $0x900  }
0x16: {  	s24 =	simm.s32 $0xB80;
	s16 =	simm.s32 $0xC00;
	s17 =	simm.s32 $0xC80  }
0x17: {  	s18 =	simm.s32 $0xD00;
	s19 =	simm.s32 $0xD80;
	s4 =	sadd.s32 $0x2C00, s4  }
0x18: {  	s20 =	simm.s32 $0xE00;
	s8 =	sadd.s32 $0x1FCC00, s1;
	[dreg:$0x2] =	wrdreg s4  }
0x19: {  	s9 =	sadd.s32 $0x1FD400, s1;
	p1 =	sne.s32 s0, $0x1;
	[dreg:$0x3] =	wrdreg s8  }
.Ltmp0:
0x1a: {  	s10 =	sadd.s32 $0x1FDC00, s1;
	[dreg:$0x4] =	wrdreg s9;
	(pc) =	sbr.rel @!p1 .LBB2_1-.Ltmp0, $4  }
0x1b: {  	s21 =	simm.s32 $0xE80;
	s1 =	sadd.s32 $0x1FE400, s1;
	[dreg:$0x5] =	wrdreg s10  }
0x1c: {  	s22 =	simm.s32 $0xF00;
	s23 =	simm.s32 $0xF80;
	[dreg:$0x6] =	wrdreg s1  }
0x1d: {  	s4 =	simm.s32 $0x1000;
	s8 =	simm.s32 $0x1800;
	s9 =	simm.s32 $0x2000  }
0x1e: {  	s10 =	simm.s32 $0x2800;
	s1 =	sadd.s32 $0xFFFFFFFF, s0;
	s0 =	rddreg [dreg:$0x2]  }
0x1f: {  	[tilespmem:s2], [sflag:$0x2] =	stream.linear.gather [hbm4b:s0+s2], $0x1000, $0x38;
	[tilespmem:$0x5000] =	vst v63  }
0x20: {  	_ =	swait.ge [sflag:s3], $0x1000  }
0x21: {  	[sflag:s3] =	ssyncset.done $0x0  }
0x22: {  	[sflag:s3] =	ssyncadd.s32 $0xFFFFF000  }
0x23: {  	[tilespmem:s4], [sflag:$0x1] =	stream.indirect.gather [hbm4b:s5+s6], $0x10, s2, s6, $0xb8;
	[tilespmem:$0x5000] =	vst v63  }
0x24: {  	_ = 	snop  }
0x25: {  	[tilespmem:s8], [sflag:$0x1] =	stream.indirect.gather [hbm4b:s5+s6], $0x10, s6, s6, $0xb8;
	[tilespmem:$0x5000] =	vst v63  }
0x26: {  	s0 =	rddreg [dreg:$0x7]  }
0x27: {  	[tilespmem:s9], [sflag:$0x1] =	stream.indirect.gather [hbm4b:s5+s6], $0x10, s0, s6, $0xb8;
	[tilespmem:$0x5000] =	vst v63  }
0x28: {  	s15 =	smov.u32 s1;
	s1 =	rddreg [dreg:$0x8]  }
0x29: {  	[tilespmem:s10], [sflag:$0x1] =	stream.indirect.gather [hbm4b:s5+s6], $0x10, s1, s6, $0xb8;
	[tilespmem:$0x5000] =	vst v63  }
0x2a: {  	s0 =	rddreg [dreg:$0x9]  }
0x2b: {  	[tilespmem:s11], [sflag:$0x1] =	stream.indirect.gather [hbm4b:s5+s6], $0x10, s0, s6, $0xb8;
	[tilespmem:$0x5000] =	vst v63  }
0x2c: {  	s1 =	rddreg [dreg:$0xa]  }
0x2d: {  	[tilespmem:s12], [sflag:$0x1] =	stream.indirect.gather [hbm4b:s5+s6], $0x10, s1, s6, $0xb8;
	[tilespmem:$0x5000] =	vst v63  }
0x2e: {  	s0 =	rddreg [dreg:$0xb]  }
0x2f: {  	[tilespmem:s13], [sflag:$0x1] =	stream.indirect.gather [hbm4b:s5+s6], $0x10, s0, s6, $0xb8;
	[tilespmem:$0x5000] =	vst v63  }
0x30: {  	s1 =	rddreg [dreg:$0xc]  }
0x31: {  	[tilespmem:s14], [sflag:$0x1] =	stream.indirect.gather [hbm4b:s5+s6], $0x10, s1, s6, $0xb8;
	[tilespmem:$0x5000] =	vst v63  }
0x32: {  	_ =	swait.ge [sflag:s7], $0x800  }
0x33: {  	[sflag:s7] =	ssyncset.done $0x0  }
0x34: {  	[sflag:s7] =	ssyncadd.s32 $0xFFFFF800  }
0x35: {  	_ =	swait.ge [sflag:s7], $0x800  }
0x36: {  	[sflag:s7] =	ssyncset.done $0x0  }
0x37: {  	[sflag:s7] =	ssyncadd.s32 $0xFFFFF800  }
0x38: {  	_ =	swait.ge [sflag:s7], $0x800  }
0x39: {  	[sflag:s7] =	ssyncset.done $0x0  }
0x3a: {  	[sflag:s7] =	ssyncadd.s32 $0xFFFFF800  }
0x3b: {  	_ =	swait.ge [sflag:s7], $0x800  }
0x3c: {  	[sflag:s7] =	ssyncset.done $0x0  }
0x3d: {  	[sflag:s7] =	ssyncadd.s32 $0xFFFFF800  }
0x3e: {  	_ =	swait.ge [sflag:s7], $0x800  }
0x3f: {  	[sflag:s7] =	ssyncset.done $0x0  }
0x40: {  	[sflag:s7] =	ssyncadd.s32 $0xFFFFF800  }
0x41: {  	_ =	swait.ge [sflag:s7], $0x800  }
0x42: {  	[sflag:s7] =	ssyncset.done $0x0  }
0x43: {  	[sflag:s7] =	ssyncadd.s32 $0xFFFFF800  }
0x44: {  	_ =	swait.ge [sflag:s7], $0x800  }
0x45: {  	[sflag:s7] =	ssyncset.done $0x0  }
0x46: {  	[sflag:s7] =	ssyncadd.s32 $0xFFFFF800  }
0x47: {  	_ =	swait.ge [sflag:s7], $0x800  }
0x48: {  	[sflag:s7] =	ssyncset.done $0x0  }
0x49: {  	s1 =	rddreg [dreg:$0x3];
	[sflag:s7] =	ssyncadd.s32 $0xFFFFF800  }
0x4a: {  	[hbm4b:s1+s2] =	stream.linear.scatter [tilespmem:s4], [sflag:$0x2], $0x4000, $0x38;
	[tilespmem:$0x5000] =	vst v63  }
0x4b: {  	_ =	swait.ge [sflag:s3], $0x4000  }
0x4c: {  	[sflag:s3] =	ssyncset.done $0x0  }
0x4d: {  	s0 =	rddreg [dreg:$0xd];
	[sflag:s3] =	ssyncadd.s32 $0xFFFFC000  }
0x4e: {  	[tilespmem:s4], [sflag:$0x1] =	stream.indirect.gather [hbm4b:s5+s6], $0x10, s0, s6, $0xb8;
	[tilespmem:$0x5000] =	vst v63  }
0x4f: {  	s1 =	rddreg [dreg:$0xe]  }
0x50: {  	[tilespmem:s8], [sflag:$0x1] =	stream.indirect.gather [hbm4b:s5+s6], $0x10, s1, s6, $0xb8;
	[tilespmem:$0x5000] =	vst v63  }
0x51: {  	s0 =	rddreg [dreg:$0xf]  }
0x52: {  	[tilespmem:s9], [sflag:$0x1] =	stream.indirect.gather [hbm4b:s5+s6], $0x10, s0, s6, $0xb8;
	[tilespmem:$0x5000] =	vst v63  }
0x53: {  	s1 =	rddreg [dreg:$0x10]  }
0x54: {  	[tilespmem:s10], [sflag:$0x1] =	stream.indirect.gather [hbm4b:s5+s6], $0x10, s1, s6, $0xb8;
	[tilespmem:$0x5000] =	vst v63  }
0x55: {  	s0 =	rddreg [dreg:$0x11]  }
0x56: {  	[tilespmem:s11], [sflag:$0x1] =	stream.indirect.gather [hbm4b:s5+s6], $0x10, s0, s6, $0xb8;
	[tilespmem:$0x5000] =	vst v63  }
0x57: {  	s1 =	rddreg [dreg:$0x12]  }
0x58: {  	[tilespmem:s12], [sflag:$0x1] =	stream.indirect.gather [hbm4b:s5+s6], $0x10, s1, s6, $0xb8;
	[tilespmem:$0x5000] =	vst v63  }
0x59: {  	s0 =	rddreg [dreg:$0x13]  }
0x5a: {  	[tilespmem:s13], [sflag:$0x1] =	stream.indirect.gather [hbm4b:s5+s6], $0x10, s0, s6, $0xb8;
	[tilespmem:$0x5000] =	vst v63  }
0x5b: {  	s1 =	rddreg [dreg:$0x14]  }
0x5c: {  	[tilespmem:s14], [sflag:$0x1] =	stream.indirect.gather [hbm4b:s5+s6], $0x10, s1, s6, $0xb8;
	[tilespmem:$0x5000] =	vst v63  }
0x5d: {  	_ =	swait.ge [sflag:s7], $0x800  }
0x5e: {  	[sflag:s7] =	ssyncset.done $0x0  }
0x5f: {  	[sflag:s7] =	ssyncadd.s32 $0xFFFFF800  }
0x60: {  	_ =	swait.ge [sflag:s7], $0x800  }
0x61: {  	[sflag:s7] =	ssyncset.done $0x0  }
0x62: {  	[sflag:s7] =	ssyncadd.s32 $0xFFFFF800  }
0x63: {  	_ =	swait.ge [sflag:s7], $0x800  }
0x64: {  	[sflag:s7] =	ssyncset.done $0x0  }
0x65: {  	[sflag:s7] =	ssyncadd.s32 $0xFFFFF800  }
0x66: {  	_ =	swait.ge [sflag:s7], $0x800  }
0x67: {  	[sflag:s7] =	ssyncset.done $0x0  }
0x68: {  	[sflag:s7] =	ssyncadd.s32 $0xFFFFF800  }
0x69: {  	_ =	swait.ge [sflag:s7], $0x800  }
0x6a: {  	[sflag:s7] =	ssyncset.done $0x0  }
0x6b: {  	[sflag:s7] =	ssyncadd.s32 $0xFFFFF800  }
0x6c: {  	_ =	swait.ge [sflag:s7], $0x800  }
0x6d: {  	[sflag:s7] =	ssyncset.done $0x0  }
0x6e: {  	[sflag:s7] =	ssyncadd.s32 $0xFFFFF800  }
0x6f: {  	_ =	swait.ge [sflag:s7], $0x800  }
0x70: {  	[sflag:s7] =	ssyncset.done $0x0  }
0x71: {  	[sflag:s7] =	ssyncadd.s32 $0xFFFFF800  }
0x72: {  	_ =	swait.ge [sflag:s7], $0x800  }
0x73: {  	[sflag:s7] =	ssyncset.done $0x0  }
0x74: {  	s1 =	rddreg [dreg:$0x4];
	[sflag:s7] =	ssyncadd.s32 $0xFFFFF800  }
0x75: {  	[hbm4b:s1+s2] =	stream.linear.scatter [tilespmem:s4], [sflag:$0x2], $0x4000, $0x38;
	[tilespmem:$0x5000] =	vst v63  }
0x76: {  	_ =	swait.ge [sflag:s3], $0x4000  }
0x77: {  	[sflag:s3] =	ssyncset.done $0x0  }
0x78: {  	s1 =	simm.s32 $0x800;
	[sflag:s3] =	ssyncadd.s32 $0xFFFFC000  }
0x79: {  	[tilespmem:s4], [sflag:$0x1] =	stream.indirect.gather [hbm4b:s5+s6], $0x10, s1, s6, $0xb8;
	[tilespmem:$0x5000] =	vst v63  }
0x7a: {  	_ = 	snop  }
0x7b: {  	[tilespmem:s8], [sflag:$0x1] =	stream.indirect.gather [hbm4b:s5+s6], $0x10, s25, s6, $0xb8;
	[tilespmem:$0x5000] =	vst v63  }
0x7c: {  	_ = 	snop  }
0x7d: {  	[tilespmem:s9], [sflag:$0x1] =	stream.indirect.gather [hbm4b:s5+s6], $0x10, s26, s6, $0xb8;
	[tilespmem:$0x5000] =	vst v63  }
0x7e: {  	_ = 	snop  }
0x7f: {  	[tilespmem:s10], [sflag:$0x1] =	stream.indirect.gather [hbm4b:s5+s6], $0x10, s28, s6, $0xb8;
	[tilespmem:$0x5000] =	vst v63  }
0x80: {  	_ = 	snop  }
0x81: {  	[tilespmem:s11], [sflag:$0x1] =	stream.indirect.gather [hbm4b:s5+s6], $0x10, s29, s6, $0xb8;
	[tilespmem:$0x5000] =	vst v63  }
0x82: {  	_ = 	snop  }
0x83: {  	[tilespmem:s12], [sflag:$0x1] =	stream.indirect.gather [hbm4b:s5+s6], $0x10, s30, s6, $0xb8;
	[tilespmem:$0x5000] =	vst v63  }
0x84: {  	_ = 	snop  }
0x85: {  	[tilespmem:s13], [sflag:$0x1] =	stream.indirect.gather [hbm4b:s5+s6], $0x10, s31, s6, $0xb8;
	[tilespmem:$0x5000] =	vst v63  }
0x86: {  	_ = 	snop  }
0x87: {  	[tilespmem:s14], [sflag:$0x1] =	stream.indirect.gather [hbm4b:s5+s6], $0x10, s24, s6, $0xb8;
	[tilespmem:$0x5000] =	vst v63  }
0x88: {  	_ =	swait.ge [sflag:s7], $0x800  }
0x89: {  	[sflag:s7] =	ssyncset.done $0x0  }
0x8a: {  	[sflag:s7] =	ssyncadd.s32 $0xFFFFF800  }
0x8b: {  	_ =	swait.ge [sflag:s7], $0x800  }
0x8c: {  	[sflag:s7] =	ssyncset.done $0x0  }
0x8d: {  	[sflag:s7] =	ssyncadd.s32 $0xFFFFF800  }
0x8e: {  	_ =	swait.ge [sflag:s7], $0x800  }
0x8f: {  	[sflag:s7] =	ssyncset.done $0x0  }
0x90: {  	[sflag:s7] =	ssyncadd.s32 $0xFFFFF800  }
0x91: {  	_ =	swait.ge [sflag:s7], $0x800  }
0x92: {  	[sflag:s7] =	ssyncset.done $0x0  }
0x93: {  	[sflag:s7] =	ssyncadd.s32 $0xFFFFF800  }
0x94: {  	_ =	swait.ge [sflag:s7], $0x800  }
0x95: {  	[sflag:s7] =	ssyncset.done $0x0  }
0x96: {  	[sflag:s7] =	ssyncadd.s32 $0xFFFFF800  }
0x97: {  	_ =	swait.ge [sflag:s7], $0x800  }
0x98: {  	[sflag:s7] =	ssyncset.done $0x0  }
0x99: {  	[sflag:s7] =	ssyncadd.s32 $0xFFFFF800  }
0x9a: {  	_ =	swait.ge [sflag:s7], $0x800  }
0x9b: {  	[sflag:s7] =	ssyncset.done $0x0  }
0x9c: {  	[sflag:s7] =	ssyncadd.s32 $0xFFFFF800  }
0x9d: {  	_ =	swait.ge [sflag:s7], $0x800  }
0x9e: {  	[sflag:s7] =	ssyncset.done $0x0  }
0x9f: {  	s1 =	rddreg [dreg:$0x5];
	[sflag:s7] =	ssyncadd.s32 $0xFFFFF800  }
0xa0: {  	[hbm4b:s1+s2] =	stream.linear.scatter [tilespmem:s4], [sflag:$0x2], $0x4000, $0x38;
	[tilespmem:$0x5000] =	vst v63  }
0xa1: {  	_ =	swait.ge [sflag:s3], $0x4000  }
0xa2: {  	[sflag:s3] =	ssyncset.done $0x0  }
0xa3: {  	[sflag:s3] =	ssyncadd.s32 $0xFFFFC000  }
0xa4: {  	[tilespmem:s4], [sflag:$0x1] =	stream.indirect.gather [hbm4b:s5+s6], $0x10, s16, s6, $0xb8;
	[tilespmem:$0x5000] =	vst v63  }
0xa5: {  	_ = 	snop  }
0xa6: {  	[tilespmem:s8], [sflag:$0x1] =	stream.indirect.gather [hbm4b:s5+s6], $0x10, s17, s6, $0xb8;
	[tilespmem:$0x5000] =	vst v63  }
0xa7: {  	_ = 	snop  }
0xa8: {  	[tilespmem:s9], [sflag:$0x1] =	stream.indirect.gather [hbm4b:s5+s6], $0x10, s18, s6, $0xb8;
	[tilespmem:$0x5000] =	vst v63  }
0xa9: {  	_ = 	snop  }
0xaa: {  	[tilespmem:s10], [sflag:$0x1] =	stream.indirect.gather [hbm4b:s5+s6], $0x10, s19, s6, $0xb8;
	[tilespmem:$0x5000] =	vst v63  }
0xab: {  	_ = 	snop  }
0xac: {  	[tilespmem:s11], [sflag:$0x1] =	stream.indirect.gather [hbm4b:s5+s6], $0x10, s20, s6, $0xb8;
	[tilespmem:$0x5000] =	vst v63  }
0xad: {  	_ = 	snop  }
0xae: {  	[tilespmem:s12], [sflag:$0x1] =	stream.indirect.gather [hbm4b:s5+s6], $0x10, s21, s6, $0xb8;
	[tilespmem:$0x5000] =	vst v63  }
0xaf: {  	_ = 	snop  }
0xb0: {  	[tilespmem:s13], [sflag:$0x1] =	stream.indirect.gather [hbm4b:s5+s6], $0x10, s22, s6, $0xb8;
	[tilespmem:$0x5000] =	vst v63  }
0xb1: {  	_ = 	snop  }
0xb2: {  	[tilespmem:s14], [sflag:$0x1] =	stream.indirect.gather [hbm4b:s5+s6], $0x10, s23, s6, $0xb8;
	[tilespmem:$0x5000] =	vst v63  }
0xb3: {  	_ =	swait.ge [sflag:s7], $0x800  }
0xb4: {  	[sflag:s7] =	ssyncset.done $0x0  }
0xb5: {  	[sflag:s7] =	ssyncadd.s32 $0xFFFFF800  }
0xb6: {  	_ =	swait.ge [sflag:s7], $0x800  }
0xb7: {  	[sflag:s7] =	ssyncset.done $0x0  }
0xb8: {  	[sflag:s7] =	ssyncadd.s32 $0xFFFFF800  }
0xb9: {  	_ =	swait.ge [sflag:s7], $0x800  }
0xba: {  	[sflag:s7] =	ssyncset.done $0x0  }
0xbb: {  	[sflag:s7] =	ssyncadd.s32 $0xFFFFF800  }
0xbc: {  	_ =	swait.ge [sflag:s7], $0x800  }
0xbd: {  	[sflag:s7] =	ssyncset.done $0x0  }
0xbe: {  	[sflag:s7] =	ssyncadd.s32 $0xFFFFF800  }
0xbf: {  	_ =	swait.ge [sflag:s7], $0x800  }
0xc0: {  	[sflag:s7] =	ssyncset.done $0x0  }
0xc1: {  	[sflag:s7] =	ssyncadd.s32 $0xFFFFF800  }
0xc2: {  	_ =	swait.ge [sflag:s7], $0x800  }
0xc3: {  	[sflag:s7] =	ssyncset.done $0x0  }
0xc4: {  	[sflag:s7] =	ssyncadd.s32 $0xFFFFF800  }
0xc5: {  	_ =	swait.ge [sflag:s7], $0x800  }
0xc6: {  	[sflag:s7] =	ssyncset.done $0x0  }
0xc7: {  	[sflag:s7] =	ssyncadd.s32 $0xFFFFF800  }
0xc8: {  	p1 =	sne.s32 s15, $0x1;
	_ =	swait.ge [sflag:s7], $0x800  }
.Ltmp1:
0xc9: {  	[sflag:s7] =	ssyncset.done $0x0;
	(pc) =	sbr.rel @!p1 .LBB2_3-.Ltmp1, $4  }
0xca: {  	s1 =	rddreg [dreg:$0x6];
	[sflag:s7] =	ssyncadd.s32 $0xFFFFF800  }
0xcb: {  	[hbm4b:s1+s2] =	stream.linear.scatter [tilespmem:s4], [sflag:$0x2], $0x4000, $0x38;
	[tilespmem:$0x5000] =	vst v63  }
0xcc: {  	p0 =	por $0x1, $0x1;
	_ =	swait.ge [sflag:s3], $0x4000  }
0xcd: {  	s1 =	sadd.s32 $0xFFFFFFFF, s15;
	s0 =	rddreg [dreg:$0x2];
	[sflag:s3] =	ssyncset.done $0x0  }
.LBB2_4:
0xce: {  	[sflag:s3] =	ssyncadd.s32 $0xFFFFC000  }
0xcf: {  	[tilespmem:s2], [sflag:$0x2] =	stream.linear.gather [hbm4b:s0+s2], $0x1000, $0x38;
	[tilespmem:$0x5000] =	vst v63  }
0xd0: {  	_ =	swait.ge [sflag:s3], $0x1000  }
0xd1: {  	[sflag:s3] =	ssyncset.done $0x0  }
0xd2: {  	[sflag:s3] =	ssyncadd.s32 $0xFFFFF000  }
0xd3: {  	[tilespmem:s4], [sflag:$0x1] =	stream.indirect.gather [hbm4b:s5+s6], $0x10, s2, s6, $0xb8;
	[tilespmem:$0x5000] =	vst v63  }
0xd4: {  	_ = 	snop  }
0xd5: {  	[tilespmem:s8], [sflag:$0x1] =	stream.indirect.gather [hbm4b:s5+s6], $0x10, s6, s6, $0xb8;
	[tilespmem:$0x5000] =	vst v63  }
0xd6: {  	s0 =	rddreg [dreg:$0x7]  }
0xd7: {  	[tilespmem:s9], [sflag:$0x1] =	stream.indirect.gather [hbm4b:s5+s6], $0x10, s0, s6, $0xb8;
	[tilespmem:$0x5000] =	vst v63  }
0xd8: {  	s15 =	rddreg [dreg:$0x8]  }
0xd9: {  	[tilespmem:s10], [sflag:$0x1] =	stream.indirect.gather [hbm4b:s5+s6], $0x10, s15, s6, $0xb8;
	[tilespmem:$0x5000] =	vst v63  }
0xda: {  	s0 =	rddreg [dreg:$0x9]  }
0xdb: {  	[tilespmem:s11], [sflag:$0x1] =	stream.indirect.gather [hbm4b:s5+s6], $0x10, s0, s6, $0xb8;
	[tilespmem:$0x5000] =	vst v63  }
0xdc: {  	s15 =	rddreg [dreg:$0xa]  }
0xdd: {  	[tilespmem:s12], [sflag:$0x1] =	stream.indirect.gather [hbm4b:s5+s6], $0x10, s15, s6, $0xb8;
	[tilespmem:$0x5000] =	vst v63  }
0xde: {  	s0 =	rddreg [dreg:$0xb]  }
0xdf: {  	[tilespmem:s13], [sflag:$0x1] =	stream.indirect.gather [hbm4b:s5+s6], $0x10, s0, s6, $0xb8;
	[tilespmem:$0x5000] =	vst v63  }
0xe0: {  	s15 =	rddreg [dreg:$0xc]  }
0xe1: {  	[tilespmem:s14], [sflag:$0x1] =	stream.indirect.gather [hbm4b:s5+s6], $0x10, s15, s6, $0xb8;
	[tilespmem:$0x5000] =	vst v63  }
0xe2: {  	_ =	swait.ge [sflag:s7], $0x800  }
0xe3: {  	[sflag:s7] =	ssyncset.done $0x0  }
0xe4: {  	[sflag:s7] =	ssyncadd.s32 $0xFFFFF800  }
0xe5: {  	_ =	swait.ge [sflag:s7], $0x800  }
0xe6: {  	[sflag:s7] =	ssyncset.done $0x0  }
0xe7: {  	[sflag:s7] =	ssyncadd.s32 $0xFFFFF800  }
0xe8: {  	_ =	swait.ge [sflag:s7], $0x800  }
0xe9: {  	[sflag:s7] =	ssyncset.done $0x0  }
0xea: {  	[sflag:s7] =	ssyncadd.s32 $0xFFFFF800  }
0xeb: {  	_ =	swait.ge [sflag:s7], $0x800  }
0xec: {  	[sflag:s7] =	ssyncset.done $0x0  }
0xed: {  	[sflag:s7] =	ssyncadd.s32 $0xFFFFF800  }
0xee: {  	_ =	swait.ge [sflag:s7], $0x800  }
0xef: {  	[sflag:s7] =	ssyncset.done $0x0  }
0xf0: {  	[sflag:s7] =	ssyncadd.s32 $0xFFFFF800  }
0xf1: {  	_ =	swait.ge [sflag:s7], $0x800  }
0xf2: {  	[sflag:s7] =	ssyncset.done $0x0  }
0xf3: {  	[sflag:s7] =	ssyncadd.s32 $0xFFFFF800  }
0xf4: {  	_ =	swait.ge [sflag:s7], $0x800  }
0xf5: {  	[sflag:s7] =	ssyncset.done $0x0  }
0xf6: {  	[sflag:s7] =	ssyncadd.s32 $0xFFFFF800  }
0xf7: {  	_ =	swait.ge [sflag:s7], $0x800  }
0xf8: {  	[sflag:s7] =	ssyncset.done $0x0  }
0xf9: {  	s15 =	rddreg [dreg:$0x3];
	[sflag:s7] =	ssyncadd.s32 $0xFFFFF800  }
0xfa: {  	[hbm4b:s15+s2] =	stream.linear.scatter [tilespmem:s4], [sflag:$0x2], $0x4000, $0x38;
	[tilespmem:$0x5000] =	vst v63  }
0xfb: {  	_ =	swait.ge [sflag:s3], $0x4000  }
0xfc: {  	[sflag:s3] =	ssyncset.done $0x0  }
0xfd: {  	s0 =	rddreg [dreg:$0xd];
	[sflag:s3] =	ssyncadd.s32 $0xFFFFC000  }
0xfe: {  	[tilespmem:s4], [sflag:$0x1] =	stream.indirect.gather [hbm4b:s5+s6], $0x10, s0, s6, $0xb8;
	[tilespmem:$0x5000] =	vst v63  }
0xff: {  	s15 =	rddreg [dreg:$0xe]  }
0x100: {  	[tilespmem:s8], [sflag:$0x1] =	stream.indirect.gather [hbm4b:s5+s6], $0x10, s15, s6, $0xb8;
	[tilespmem:$0x5000] =	vst v63  }
0x101: {  	s0 =	rddreg [dreg:$0xf]  }
0x102: {  	[tilespmem:s9], [sflag:$0x1] =	stream.indirect.gather [hbm4b:s5+s6], $0x10, s0, s6, $0xb8;
	[tilespmem:$0x5000] =	vst v63  }
0x103: {  	s15 =	rddreg [dreg:$0x10]  }
0x104: {  	[tilespmem:s10], [sflag:$0x1] =	stream.indirect.gather [hbm4b:s5+s6], $0x10, s15, s6, $0xb8;
	[tilespmem:$0x5000] =	vst v63  }
0x105: {  	s0 =	rddreg [dreg:$0x11]  }
0x106: {  	[tilespmem:s11], [sflag:$0x1] =	stream.indirect.gather [hbm4b:s5+s6], $0x10, s0, s6, $0xb8;
	[tilespmem:$0x5000] =	vst v63  }
0x107: {  	s15 =	rddreg [dreg:$0x12]  }
0x108: {  	[tilespmem:s12], [sflag:$0x1] =	stream.indirect.gather [hbm4b:s5+s6], $0x10, s15, s6, $0xb8;
	[tilespmem:$0x5000] =	vst v63  }
0x109: {  	s0 =	rddreg [dreg:$0x13]  }
0x10a: {  	[tilespmem:s13], [sflag:$0x1] =	stream.indirect.gather [hbm4b:s5+s6], $0x10, s0, s6, $0xb8;
	[tilespmem:$0x5000] =	vst v63  }
0x10b: {  	s15 =	rddreg [dreg:$0x14]  }
0x10c: {  	[tilespmem:s14], [sflag:$0x1] =	stream.indirect.gather [hbm4b:s5+s6], $0x10, s15, s6, $0xb8;
	[tilespmem:$0x5000] =	vst v63  }
0x10d: {  	_ =	swait.ge [sflag:s7], $0x800  }
0x10e: {  	[sflag:s7] =	ssyncset.done $0x0  }
0x10f: {  	[sflag:s7] =	ssyncadd.s32 $0xFFFFF800  }
0x110: {  	_ =	swait.ge [sflag:s7], $0x800  }
0x111: {  	[sflag:s7] =	ssyncset.done $0x0  }
0x112: {  	[sflag:s7] =	ssyncadd.s32 $0xFFFFF800  }
0x113: {  	_ =	swait.ge [sflag:s7], $0x800  }
0x114: {  	[sflag:s7] =	ssyncset.done $0x0  }
0x115: {  	[sflag:s7] =	ssyncadd.s32 $0xFFFFF800  }
0x116: {  	_ =	swait.ge [sflag:s7], $0x800  }
0x117: {  	[sflag:s7] =	ssyncset.done $0x0  }
0x118: {  	[sflag:s7] =	ssyncadd.s32 $0xFFFFF800  }
0x119: {  	_ =	swait.ge [sflag:s7], $0x800  }
0x11a: {  	[sflag:s7] =	ssyncset.done $0x0  }
0x11b: {  	[sflag:s7] =	ssyncadd.s32 $0xFFFFF800  }
0x11c: {  	_ =	swait.ge [sflag:s7], $0x800  }
0x11d: {  	[sflag:s7] =	ssyncset.done $0x0  }
0x11e: {  	[sflag:s7] =	ssyncadd.s32 $0xFFFFF800  }
0x11f: {  	_ =	swait.ge [sflag:s7], $0x800  }
0x120: {  	[sflag:s7] =	ssyncset.done $0x0  }
0x121: {  	[sflag:s7] =	ssyncadd.s32 $0xFFFFF800  }
0x122: {  	_ =	swait.ge [sflag:s7], $0x800  }
0x123: {  	[sflag:s7] =	ssyncset.done $0x0  }
0x124: {  	s15 =	rddreg [dreg:$0x4];
	[sflag:s7] =	ssyncadd.s32 $0xFFFFF800  }
0x125: {  	[hbm4b:s15+s2] =	stream.linear.scatter [tilespmem:s4], [sflag:$0x2], $0x4000, $0x38;
	[tilespmem:$0x5000] =	vst v63  }
0x126: {  	_ =	swait.ge [sflag:s3], $0x4000  }
0x127: {  	[sflag:s3] =	ssyncset.done $0x0  }
0x128: {  	s15 =	simm.s32 $0x800;
	[sflag:s3] =	ssyncadd.s32 $0xFFFFC000  }
0x129: {  	[tilespmem:s4], [sflag:$0x1] =	stream.indirect.gather [hbm4b:s5+s6], $0x10, s15, s6, $0xb8;
	[tilespmem:$0x5000] =	vst v63  }
0x12a: {  	_ = 	snop  }
0x12b: {  	[tilespmem:s8], [sflag:$0x1] =	stream.indirect.gather [hbm4b:s5+s6], $0x10, s25, s6, $0xb8;
	[tilespmem:$0x5000] =	vst v63  }
0x12c: {  	_ = 	snop  }
0x12d: {  	[tilespmem:s9], [sflag:$0x1] =	stream.indirect.gather [hbm4b:s5+s6], $0x10, s26, s6, $0xb8;
	[tilespmem:$0x5000] =	vst v63  }
0x12e: {  	_ = 	snop  }
0x12f: {  	[tilespmem:s10], [sflag:$0x1] =	stream.indirect.gather [hbm4b:s5+s6], $0x10, s28, s6, $0xb8;
	[tilespmem:$0x5000] =	vst v63  }
0x130: {  	_ = 	snop  }
0x131: {  	[tilespmem:s11], [sflag:$0x1] =	stream.indirect.gather [hbm4b:s5+s6], $0x10, s29, s6, $0xb8;
	[tilespmem:$0x5000] =	vst v63  }
0x132: {  	_ = 	snop  }
0x133: {  	[tilespmem:s12], [sflag:$0x1] =	stream.indirect.gather [hbm4b:s5+s6], $0x10, s30, s6, $0xb8;
	[tilespmem:$0x5000] =	vst v63  }
0x134: {  	_ = 	snop  }
0x135: {  	[tilespmem:s13], [sflag:$0x1] =	stream.indirect.gather [hbm4b:s5+s6], $0x10, s31, s6, $0xb8;
	[tilespmem:$0x5000] =	vst v63  }
0x136: {  	_ = 	snop  }
0x137: {  	[tilespmem:s14], [sflag:$0x1] =	stream.indirect.gather [hbm4b:s5+s6], $0x10, s24, s6, $0xb8;
	[tilespmem:$0x5000] =	vst v63  }
0x138: {  	_ =	swait.ge [sflag:s7], $0x800  }
0x139: {  	[sflag:s7] =	ssyncset.done $0x0  }
0x13a: {  	[sflag:s7] =	ssyncadd.s32 $0xFFFFF800  }
0x13b: {  	_ =	swait.ge [sflag:s7], $0x800  }
0x13c: {  	[sflag:s7] =	ssyncset.done $0x0  }
0x13d: {  	[sflag:s7] =	ssyncadd.s32 $0xFFFFF800  }
0x13e: {  	_ =	swait.ge [sflag:s7], $0x800  }
0x13f: {  	[sflag:s7] =	ssyncset.done $0x0  }
0x140: {  	[sflag:s7] =	ssyncadd.s32 $0xFFFFF800  }
0x141: {  	_ =	swait.ge [sflag:s7], $0x800  }
0x142: {  	[sflag:s7] =	ssyncset.done $0x0  }
0x143: {  	[sflag:s7] =	ssyncadd.s32 $0xFFFFF800  }
0x144: {  	_ =	swait.ge [sflag:s7], $0x800  }
0x145: {  	[sflag:s7] =	ssyncset.done $0x0  }
0x146: {  	[sflag:s7] =	ssyncadd.s32 $0xFFFFF800  }
0x147: {  	_ =	swait.ge [sflag:s7], $0x800  }
0x148: {  	[sflag:s7] =	ssyncset.done $0x0  }
0x149: {  	[sflag:s7] =	ssyncadd.s32 $0xFFFFF800  }
0x14a: {  	_ =	swait.ge [sflag:s7], $0x800  }
0x14b: {  	[sflag:s7] =	ssyncset.done $0x0  }
0x14c: {  	[sflag:s7] =	ssyncadd.s32 $0xFFFFF800  }
0x14d: {  	_ =	swait.ge [sflag:s7], $0x800  }
0x14e: {  	[sflag:s7] =	ssyncset.done $0x0  }
0x14f: {  	s15 =	rddreg [dreg:$0x5];
	[sflag:s7] =	ssyncadd.s32 $0xFFFFF800  }
0x150: {  	[hbm4b:s15+s2] =	stream.linear.scatter [tilespmem:s4], [sflag:$0x2], $0x4000, $0x38;
	[tilespmem:$0x5000] =	vst v63  }
0x151: {  	_ =	swait.ge [sflag:s3], $0x4000  }
0x152: {  	[sflag:s3] =	ssyncset.done $0x0  }
0x153: {  	[sflag:s3] =	ssyncadd.s32 $0xFFFFC000  }
0x154: {  	[tilespmem:s4], [sflag:$0x1] =	stream.indirect.gather [hbm4b:s5+s6], $0x10, s16, s6, $0xb8;
	[tilespmem:$0x5000] =	vst v63  }
0x155: {  	_ = 	snop  }
0x156: {  	[tilespmem:s8], [sflag:$0x1] =	stream.indirect.gather [hbm4b:s5+s6], $0x10, s17, s6, $0xb8;
	[tilespmem:$0x5000] =	vst v63  }
0x157: {  	_ = 	snop  }
0x158: {  	[tilespmem:s9], [sflag:$0x1] =	stream.indirect.gather [hbm4b:s5+s6], $0x10, s18, s6, $0xb8;
	[tilespmem:$0x5000] =	vst v63  }
0x159: {  	_ = 	snop  }
0x15a: {  	[tilespmem:s10], [sflag:$0x1] =	stream.indirect.gather [hbm4b:s5+s6], $0x10, s19, s6, $0xb8;
	[tilespmem:$0x5000] =	vst v63  }
0x15b: {  	_ = 	snop  }
0x15c: {  	[tilespmem:s11], [sflag:$0x1] =	stream.indirect.gather [hbm4b:s5+s6], $0x10, s20, s6, $0xb8;
	[tilespmem:$0x5000] =	vst v63  }
0x15d: {  	_ = 	snop  }
0x15e: {  	[tilespmem:s12], [sflag:$0x1] =	stream.indirect.gather [hbm4b:s5+s6], $0x10, s21, s6, $0xb8;
	[tilespmem:$0x5000] =	vst v63  }
0x15f: {  	_ = 	snop  }
0x160: {  	[tilespmem:s13], [sflag:$0x1] =	stream.indirect.gather [hbm4b:s5+s6], $0x10, s22, s6, $0xb8;
	[tilespmem:$0x5000] =	vst v63  }
0x161: {  	_ = 	snop  }
0x162: {  	[tilespmem:s14], [sflag:$0x1] =	stream.indirect.gather [hbm4b:s5+s6], $0x10, s23, s6, $0xb8;
	[tilespmem:$0x5000] =	vst v63  }
0x163: {  	_ =	swait.ge [sflag:s7], $0x800  }
0x164: {  	[sflag:s7] =	ssyncset.done $0x0  }
0x165: {  	[sflag:s7] =	ssyncadd.s32 $0xFFFFF800  }
0x166: {  	_ =	swait.ge [sflag:s7], $0x800  }
0x167: {  	[sflag:s7] =	ssyncset.done $0x0  }
0x168: {  	[sflag:s7] =	ssyncadd.s32 $0xFFFFF800  }
0x169: {  	_ =	swait.ge [sflag:s7], $0x800  }
0x16a: {  	[sflag:s7] =	ssyncset.done $0x0  }
0x16b: {  	[sflag:s7] =	ssyncadd.s32 $0xFFFFF800  }
0x16c: {  	_ =	swait.ge [sflag:s7], $0x800  }
0x16d: {  	[sflag:s7] =	ssyncset.done $0x0  }
0x16e: {  	[sflag:s7] =	ssyncadd.s32 $0xFFFFF800  }
0x16f: {  	_ =	swait.ge [sflag:s7], $0x800  }
0x170: {  	[sflag:s7] =	ssyncset.done $0x0  }
0x171: {  	[sflag:s7] =	ssyncadd.s32 $0xFFFFF800  }
0x172: {  	_ =	swait.ge [sflag:s7], $0x800  }
0x173: {  	[sflag:s7] =	ssyncset.done $0x0  }
0x174: {  	[sflag:s7] =	ssyncadd.s32 $0xFFFFF800  }
0x175: {  	_ =	swait.ge [sflag:s7], $0x800  }
0x176: {  	[sflag:s7] =	ssyncset.done $0x0  }
0x177: {  	[sflag:s7] =	ssyncadd.s32 $0xFFFFF800  }
0x178: {  	p1 =	sne.s32 s1, $0x1;
	_ =	swait.ge [sflag:s7], $0x800  }
.Ltmp2:
0x179: {  	[sflag:s7] =	ssyncset.done $0x0;
	(pc) =	sbr.rel @p1 .LBB2_4-.Ltmp2, $4  }
0x17a: {  	s15 =	rddreg [dreg:$0x6];
	[sflag:s7] =	ssyncadd.s32 $0xFFFFF800  }
0x17b: {  	[hbm4b:s15+s2] =	stream.linear.scatter [tilespmem:s4], [sflag:$0x2], $0x4000, $0x38;
	[tilespmem:$0x5000] =	vst v63  }
0x17c: {  	_ =	swait.ge [sflag:s3], $0x4000  }
0x17d: {  	s1 =	sadd.s32 $0xFFFFFFFF, s1;
	s0 =	rddreg [dreg:$0x2];
	[sflag:s3] =	ssyncset.done $0x0  }
0x17e: {  	s23 =	simm.s32 $0xB80  }
0x17f: {  	s31 =	simm.s32 $0xB00;
	s30 =	simm.s32 $0xA80;
	s29 =	simm.s32 $0xA00  }
0x180: {  	s28 =	simm.s32 $0x980;
	s26 =	simm.s32 $0x900;
	s25 =	simm.s32 $0x880  }
0x181: {  	s24 =	simm.s32 $0x800;
	s22 =	simm.s32 $0xF00;
	s21 =	simm.s32 $0xE80  }
0x182: {  	s20 =	simm.s32 $0xE00;
	s19 =	simm.s32 $0xD80;
	s18 =	simm.s32 $0xD00  }
0x183: {  	s17 =	simm.s32 $0xC80;
	s16 =	simm.s32 $0xC00;
	s15 =	stileid.u32  }
.LBB2_6:
0x184: {  	[sflag:s3] =	ssyncadd.s32 @p0 $0xFFFFC000  }
0x185: {  	[tilespmem:s2], [sflag:$0x2] =	stream.linear.gather [hbm4b:s0+s2], $0x1000, $0x38;
	[tilespmem:$0x5000] =	vst v63  }
0x186: {  	_ =	swait.ge [sflag:s3], $0x1000  }
0x187: {  	[sflag:s3] =	ssyncset.done $0x0  }
0x188: {  	[sflag:s3] =	ssyncadd.s32 $0xFFFFF000  }
0x189: {  	[tilespmem:s4], [sflag:$0x1] =	stream.indirect.gather [hbm4b:s5+s6], $0x10, s2, s6, $0xb8;
	[tilespmem:$0x5000] =	vst v63  }
0x18a: {  	_ = 	snop  }
0x18b: {  	[tilespmem:s8], [sflag:$0x1] =	stream.indirect.gather [hbm4b:s5+s6], $0x10, s6, s6, $0xb8;
	[tilespmem:$0x5000] =	vst v63  }
0x18c: {  	s0 =	rddreg [dreg:$0x7]  }
0x18d: {  	[tilespmem:s9], [sflag:$0x1] =	stream.indirect.gather [hbm4b:s5+s6], $0x10, s0, s6, $0xb8;
	[tilespmem:$0x5000] =	vst v63  }
0x18e: {  	s1 =	rddreg [dreg:$0x8]  }
0x18f: {  	[tilespmem:s10], [sflag:$0x1] =	stream.indirect.gather [hbm4b:s5+s6], $0x10, s1, s6, $0xb8;
	[tilespmem:$0x5000] =	vst v63  }
0x190: {  	s0 =	rddreg [dreg:$0x9]  }
0x191: {  	[tilespmem:s11], [sflag:$0x1] =	stream.indirect.gather [hbm4b:s5+s6], $0x10, s0, s6, $0xb8;
	[tilespmem:$0x5000] =	vst v63  }
0x192: {  	s1 =	rddreg [dreg:$0xa]  }
0x193: {  	[tilespmem:s12], [sflag:$0x1] =	stream.indirect.gather [hbm4b:s5+s6], $0x10, s1, s6, $0xb8;
	[tilespmem:$0x5000] =	vst v63  }
0x194: {  	s0 =	rddreg [dreg:$0xb]  }
0x195: {  	[tilespmem:s13], [sflag:$0x1] =	stream.indirect.gather [hbm4b:s5+s6], $0x10, s0, s6, $0xb8;
	[tilespmem:$0x5000] =	vst v63  }
0x196: {  	s1 =	rddreg [dreg:$0xc]  }
0x197: {  	[tilespmem:s14], [sflag:$0x1] =	stream.indirect.gather [hbm4b:s5+s6], $0x10, s1, s6, $0xb8;
	[tilespmem:$0x5000] =	vst v63  }
0x198: {  	_ =	swait.ge [sflag:s7], $0x800  }
0x199: {  	[sflag:s7] =	ssyncset.done $0x0  }
0x19a: {  	[sflag:s7] =	ssyncadd.s32 $0xFFFFF800  }
0x19b: {  	_ =	swait.ge [sflag:s7], $0x800  }
0x19c: {  	[sflag:s7] =	ssyncset.done $0x0  }
0x19d: {  	[sflag:s7] =	ssyncadd.s32 $0xFFFFF800  }
0x19e: {  	_ =	swait.ge [sflag:s7], $0x800  }
0x19f: {  	[sflag:s7] =	ssyncset.done $0x0  }
0x1a0: {  	[sflag:s7] =	ssyncadd.s32 $0xFFFFF800  }
0x1a1: {  	_ =	swait.ge [sflag:s7], $0x800  }
0x1a2: {  	[sflag:s7] =	ssyncset.done $0x0  }
0x1a3: {  	[sflag:s7] =	ssyncadd.s32 $0xFFFFF800  }
0x1a4: {  	_ =	swait.ge [sflag:s7], $0x800  }
0x1a5: {  	[sflag:s7] =	ssyncset.done $0x0  }
0x1a6: {  	[sflag:s7] =	ssyncadd.s32 $0xFFFFF800  }
0x1a7: {  	_ =	swait.ge [sflag:s7], $0x800  }
0x1a8: {  	[sflag:s7] =	ssyncset.done $0x0  }
0x1a9: {  	[sflag:s7] =	ssyncadd.s32 $0xFFFFF800  }
0x1aa: {  	_ =	swait.ge [sflag:s7], $0x800  }
0x1ab: {  	[sflag:s7] =	ssyncset.done $0x0  }
0x1ac: {  	[sflag:s7] =	ssyncadd.s32 $0xFFFFF800  }
0x1ad: {  	_ =	swait.ge [sflag:s7], $0x800  }
0x1ae: {  	[sflag:s7] =	ssyncset.done $0x0  }
0x1af: {  	s1 =	rddreg [dreg:$0x3];
	[sflag:s7] =	ssyncadd.s32 $0xFFFFF800  }
0x1b0: {  	[hbm4b:s1+s2] =	stream.linear.scatter [tilespmem:s4], [sflag:$0x2], $0x4000, $0x38;
	[tilespmem:$0x5000] =	vst v63  }
0x1b1: {  	_ =	swait.ge [sflag:s3], $0x4000  }
0x1b2: {  	[sflag:s3] =	ssyncset.done $0x0  }
0x1b3: {  	s0 =	rddreg [dreg:$0xd];
	[sflag:s3] =	ssyncadd.s32 $0xFFFFC000  }
0x1b4: {  	[tilespmem:s4], [sflag:$0x1] =	stream.indirect.gather [hbm4b:s5+s6], $0x10, s0, s6, $0xb8;
	[tilespmem:$0x5000] =	vst v63  }
0x1b5: {  	s1 =	rddreg [dreg:$0xe]  }
0x1b6: {  	[tilespmem:s8], [sflag:$0x1] =	stream.indirect.gather [hbm4b:s5+s6], $0x10, s1, s6, $0xb8;
	[tilespmem:$0x5000] =	vst v63  }
0x1b7: {  	s0 =	rddreg [dreg:$0xf]  }
0x1b8: {  	[tilespmem:s9], [sflag:$0x1] =	stream.indirect.gather [hbm4b:s5+s6], $0x10, s0, s6, $0xb8;
	[tilespmem:$0x5000] =	vst v63  }
0x1b9: {  	s1 =	rddreg [dreg:$0x10]  }
0x1ba: {  	[tilespmem:s10], [sflag:$0x1] =	stream.indirect.gather [hbm4b:s5+s6], $0x10, s1, s6, $0xb8;
	[tilespmem:$0x5000] =	vst v63  }
0x1bb: {  	s0 =	rddreg [dreg:$0x11]  }
0x1bc: {  	[tilespmem:s11], [sflag:$0x1] =	stream.indirect.gather [hbm4b:s5+s6], $0x10, s0, s6, $0xb8;
	[tilespmem:$0x5000] =	vst v63  }
0x1bd: {  	s1 =	rddreg [dreg:$0x12]  }
0x1be: {  	[tilespmem:s12], [sflag:$0x1] =	stream.indirect.gather [hbm4b:s5+s6], $0x10, s1, s6, $0xb8;
	[tilespmem:$0x5000] =	vst v63  }
0x1bf: {  	s0 =	rddreg [dreg:$0x13]  }
0x1c0: {  	[tilespmem:s13], [sflag:$0x1] =	stream.indirect.gather [hbm4b:s5+s6], $0x10, s0, s6, $0xb8;
	[tilespmem:$0x5000] =	vst v63  }
0x1c1: {  	s1 =	rddreg [dreg:$0x14]  }
0x1c2: {  	[tilespmem:s14], [sflag:$0x1] =	stream.indirect.gather [hbm4b:s5+s6], $0x10, s1, s6, $0xb8;
	[tilespmem:$0x5000] =	vst v63  }
0x1c3: {  	_ =	swait.ge [sflag:s7], $0x800  }
0x1c4: {  	[sflag:s7] =	ssyncset.done $0x0  }
0x1c5: {  	[sflag:s7] =	ssyncadd.s32 $0xFFFFF800  }
0x1c6: {  	_ =	swait.ge [sflag:s7], $0x800  }
0x1c7: {  	[sflag:s7] =	ssyncset.done $0x0  }
0x1c8: {  	[sflag:s7] =	ssyncadd.s32 $0xFFFFF800  }
0x1c9: {  	_ =	swait.ge [sflag:s7], $0x800  }
0x1ca: {  	[sflag:s7] =	ssyncset.done $0x0  }
0x1cb: {  	[sflag:s7] =	ssyncadd.s32 $0xFFFFF800  }
0x1cc: {  	_ =	swait.ge [sflag:s7], $0x800  }
0x1cd: {  	[sflag:s7] =	ssyncset.done $0x0  }
0x1ce: {  	[sflag:s7] =	ssyncadd.s32 $0xFFFFF800  }
0x1cf: {  	_ =	swait.ge [sflag:s7], $0x800  }
0x1d0: {  	[sflag:s7] =	ssyncset.done $0x0  }
0x1d1: {  	[sflag:s7] =	ssyncadd.s32 $0xFFFFF800  }
0x1d2: {  	_ =	swait.ge [sflag:s7], $0x800  }
0x1d3: {  	[sflag:s7] =	ssyncset.done $0x0  }
0x1d4: {  	[sflag:s7] =	ssyncadd.s32 $0xFFFFF800  }
0x1d5: {  	_ =	swait.ge [sflag:s7], $0x800  }
0x1d6: {  	[sflag:s7] =	ssyncset.done $0x0  }
0x1d7: {  	[sflag:s7] =	ssyncadd.s32 $0xFFFFF800  }
0x1d8: {  	_ =	swait.ge [sflag:s7], $0x800  }
0x1d9: {  	[sflag:s7] =	ssyncset.done $0x0  }
0x1da: {  	s1 =	rddreg [dreg:$0x4];
	[sflag:s7] =	ssyncadd.s32 $0xFFFFF800  }
0x1db: {  	[hbm4b:s1+s2] =	stream.linear.scatter [tilespmem:s4], [sflag:$0x2], $0x4000, $0x38;
	[tilespmem:$0x5000] =	vst v63  }
0x1dc: {  	_ =	swait.ge [sflag:s3], $0x4000  }
0x1dd: {  	[sflag:s3] =	ssyncset.done $0x0  }
0x1de: {  	[sflag:s3] =	ssyncadd.s32 $0xFFFFC000  }
0x1df: {  	[tilespmem:s4], [sflag:$0x1] =	stream.indirect.gather [hbm4b:s5+s6], $0x10, s24, s6, $0xb8;
	[tilespmem:$0x5000] =	vst v63  }
0x1e0: {  	_ = 	snop  }
0x1e1: {  	[tilespmem:s8], [sflag:$0x1] =	stream.indirect.gather [hbm4b:s5+s6], $0x10, s25, s6, $0xb8;
	[tilespmem:$0x5000] =	vst v63  }
0x1e2: {  	_ = 	snop  }
0x1e3: {  	[tilespmem:s9], [sflag:$0x1] =	stream.indirect.gather [hbm4b:s5+s6], $0x10, s26, s6, $0xb8;
	[tilespmem:$0x5000] =	vst v63  }
0x1e4: {  	_ = 	snop  }
0x1e5: {  	[tilespmem:s10], [sflag:$0x1] =	stream.indirect.gather [hbm4b:s5+s6], $0x10, s28, s6, $0xb8;
	[tilespmem:$0x5000] =	vst v63  }
0x1e6: {  	_ = 	snop  }
0x1e7: {  	[tilespmem:s11], [sflag:$0x1] =	stream.indirect.gather [hbm4b:s5+s6], $0x10, s29, s6, $0xb8;
	[tilespmem:$0x5000] =	vst v63  }
0x1e8: {  	_ = 	snop  }
0x1e9: {  	[tilespmem:s12], [sflag:$0x1] =	stream.indirect.gather [hbm4b:s5+s6], $0x10, s30, s6, $0xb8;
	[tilespmem:$0x5000] =	vst v63  }
0x1ea: {  	_ = 	snop  }
0x1eb: {  	[tilespmem:s13], [sflag:$0x1] =	stream.indirect.gather [hbm4b:s5+s6], $0x10, s31, s6, $0xb8;
	[tilespmem:$0x5000] =	vst v63  }
0x1ec: {  	_ = 	snop  }
0x1ed: {  	[tilespmem:s14], [sflag:$0x1] =	stream.indirect.gather [hbm4b:s5+s6], $0x10, s23, s6, $0xb8;
	[tilespmem:$0x5000] =	vst v63  }
0x1ee: {  	_ =	swait.ge [sflag:s7], $0x800  }
0x1ef: {  	[sflag:s7] =	ssyncset.done $0x0  }
0x1f0: {  	[sflag:s7] =	ssyncadd.s32 $0xFFFFF800  }
0x1f1: {  	_ =	swait.ge [sflag:s7], $0x800  }
0x1f2: {  	[sflag:s7] =	ssyncset.done $0x0  }
0x1f3: {  	[sflag:s7] =	ssyncadd.s32 $0xFFFFF800  }
0x1f4: {  	_ =	swait.ge [sflag:s7], $0x800  }
0x1f5: {  	[sflag:s7] =	ssyncset.done $0x0  }
0x1f6: {  	[sflag:s7] =	ssyncadd.s32 $0xFFFFF800  }
0x1f7: {  	_ =	swait.ge [sflag:s7], $0x800  }
0x1f8: {  	[sflag:s7] =	ssyncset.done $0x0  }
0x1f9: {  	[sflag:s7] =	ssyncadd.s32 $0xFFFFF800  }
0x1fa: {  	_ =	swait.ge [sflag:s7], $0x800  }
0x1fb: {  	[sflag:s7] =	ssyncset.done $0x0  }
0x1fc: {  	[sflag:s7] =	ssyncadd.s32 $0xFFFFF800  }
0x1fd: {  	_ =	swait.ge [sflag:s7], $0x800  }
0x1fe: {  	[sflag:s7] =	ssyncset.done $0x0  }
0x1ff: {  	[sflag:s7] =	ssyncadd.s32 $0xFFFFF800  }
0x200: {  	_ =	swait.ge [sflag:s7], $0x800  }
0x201: {  	[sflag:s7] =	ssyncset.done $0x0  }
0x202: {  	[sflag:s7] =	ssyncadd.s32 $0xFFFFF800  }
0x203: {  	_ =	swait.ge [sflag:s7], $0x800  }
0x204: {  	[sflag:s7] =	ssyncset.done $0x0  }
0x205: {  	s29 =	rddreg [dreg:$0x5];
	[sflag:s7] =	ssyncadd.s32 $0xFFFFF800  }
0x206: {  	[hbm4b:s29+s2] =	stream.linear.scatter [tilespmem:s4], [sflag:$0x2], $0x4000, $0x38;
	[tilespmem:$0x5000] =	vst v63  }
0x207: {  	_ =	swait.ge [sflag:s3], $0x4000  }
0x208: {  	[sflag:s3] =	ssyncset.done $0x0  }
0x209: {  	[sflag:s3] =	ssyncadd.s32 $0xFFFFC000  }
0x20a: {  	[tilespmem:s4], [sflag:$0x1] =	stream.indirect.gather [hbm4b:s5+s6], $0x10, s16, s6, $0xb8;
	[tilespmem:$0x5000] =	vst v63  }
0x20b: {  	_ = 	snop  }
0x20c: {  	[tilespmem:s8], [sflag:$0x1] =	stream.indirect.gather [hbm4b:s5+s6], $0x10, s17, s6, $0xb8;
	[tilespmem:$0x5000] =	vst v63  }
0x20d: {  	_ = 	snop  }
0x20e: {  	[tilespmem:s9], [sflag:$0x1] =	stream.indirect.gather [hbm4b:s5+s6], $0x10, s18, s6, $0xb8;
	[tilespmem:$0x5000] =	vst v63  }
0x20f: {  	_ = 	snop  }
0x210: {  	[tilespmem:s10], [sflag:$0x1] =	stream.indirect.gather [hbm4b:s5+s6], $0x10, s19, s6, $0xb8;
	[tilespmem:$0x5000] =	vst v63  }
0x211: {  	_ = 	snop  }
0x212: {  	[tilespmem:s11], [sflag:$0x1] =	stream.indirect.gather [hbm4b:s5+s6], $0x10, s20, s6, $0xb8;
	[tilespmem:$0x5000] =	vst v63  }
0x213: {  	_ = 	snop  }
0x214: {  	[tilespmem:s12], [sflag:$0x1] =	stream.indirect.gather [hbm4b:s5+s6], $0x10, s21, s6, $0xb8;
	[tilespmem:$0x5000] =	vst v63  }
0x215: {  	_ = 	snop  }
0x216: {  	[tilespmem:s13], [sflag:$0x1] =	stream.indirect.gather [hbm4b:s5+s6], $0x10, s22, s6, $0xb8;
	[tilespmem:$0x5000] =	vst v63  }
0x217: {  	s30 =	simm.s32 $0xF80  }
0x218: {  	[tilespmem:s14], [sflag:$0x1] =	stream.indirect.gather [hbm4b:s5+s6], $0x10, s30, s6, $0xb8;
	[tilespmem:$0x5000] =	vst v63  }
0x219: {  	_ =	swait.ge [sflag:s7], $0x800  }
0x21a: {  	[sflag:s7] =	ssyncset.done $0x0  }
0x21b: {  	[sflag:s7] =	ssyncadd.s32 $0xFFFFF800  }
0x21c: {  	_ =	swait.ge [sflag:s7], $0x800  }
0x21d: {  	[sflag:s7] =	ssyncset.done $0x0  }
0x21e: {  	[sflag:s7] =	ssyncadd.s32 $0xFFFFF800  }
0x21f: {  	_ =	swait.ge [sflag:s7], $0x800  }
0x220: {  	[sflag:s7] =	ssyncset.done $0x0  }
0x221: {  	[sflag:s7] =	ssyncadd.s32 $0xFFFFF800  }
0x222: {  	_ =	swait.ge [sflag:s7], $0x800  }
0x223: {  	[sflag:s7] =	ssyncset.done $0x0  }
0x224: {  	[sflag:s7] =	ssyncadd.s32 $0xFFFFF800  }
0x225: {  	_ =	swait.ge [sflag:s7], $0x800  }
0x226: {  	[sflag:s7] =	ssyncset.done $0x0  }
0x227: {  	[sflag:s7] =	ssyncadd.s32 $0xFFFFF800  }
0x228: {  	_ =	swait.ge [sflag:s7], $0x800  }
0x229: {  	[sflag:s7] =	ssyncset.done $0x0  }
0x22a: {  	[sflag:s7] =	ssyncadd.s32 $0xFFFFF800  }
0x22b: {  	_ =	swait.ge [sflag:s7], $0x800  }
0x22c: {  	[sflag:s7] =	ssyncset.done $0x0  }
0x22d: {  	[sflag:s7] =	ssyncadd.s32 $0xFFFFF800  }
0x22e: {  	_ =	swait.ge [sflag:s7], $0x800  }
0x22f: {  	[sflag:s7] =	ssyncset.done $0x0  }
0x230: {  	s31 =	rddreg [dreg:$0x6];
	[sflag:s7] =	ssyncadd.s32 $0xFFFFF800  }
0x231: {  	[hbm4b:s31+s2] =	stream.linear.scatter [tilespmem:s4], [sflag:$0x2], $0x4000, $0x38;
	[tilespmem:$0x5000] =	vst v63  }
0x232: {  	_ =	swait.ge [sflag:s3], $0x4000  }
0x233: {  	[sflag:s3] =	ssyncset.done $0x0  }
0x234: {  	[sflag:s3] =	ssyncadd.s32 $0xFFFFC000  }
0x235: {  	_ =	sfence.sel $0x180000  }
0x236: {  	[bflag:$0x0] =	sbarrier.arrive $0xFFFF  }
0x237: {  	_ =	strace $0x90000047  }
0x238: {  	[bflag:$0x2] =	sbarrier.arrive $0xFFFF  }
0x239: {  	p0 =	sne.s32 s15, $0x0;
	s0 =	rddreg [dreg:$0x1]  }
0x23a: {  	s0 =	sadd.s32 @!p0 $0x100000, s0  }
0x23b: {  	[sflag:s0] =	ssyncadd.tile.s32 @!p0 $0x1;
	_ =	shalt  }
.LBB2_1:
0x23c: {  	s23 =	simm.s32 $0xB80  }
.Ltmp3:
0x23d: {  	s31 =	simm.s32 $0xB00;
	s30 =	simm.s32 $0xA80;
	(pc) =	sbr.rel .LBB2_6-.Ltmp3, $4  }
0x23e: {  	s29 =	simm.s32 $0xA00;
	s28 =	simm.s32 $0x980;
	s26 =	simm.s32 $0x900  }
0x23f: {  	s25 =	simm.s32 $0x880;
	s24 =	simm.s32 $0x800;
	s22 =	simm.s32 $0xF00  }
0x240: {  	s21 =	simm.s32 $0xE80;
	s20 =	simm.s32 $0xE00;
	s19 =	simm.s32 $0xD80  }
0x241: {  	s18 =	simm.s32 $0xD00;
	s17 =	simm.s32 $0xC80;
	s16 =	simm.s32 $0xC00  }
.LBB2_3:
0x242: {  	s23 =	simm.s32 $0xB80;
	s31 =	simm.s32 $0xB00  }
.Ltmp4:
0x243: {  	s30 =	simm.s32 $0xA80;
	s29 =	simm.s32 $0xA00;
	(pc) =	sbr.rel .LBB2_6-.Ltmp4, $4  }
0x244: {  	s28 =	simm.s32 $0x980;
	s26 =	simm.s32 $0x900;
	s25 =	simm.s32 $0x880  }
0x245: {  	s24 =	simm.s32 $0x800;
	s22 =	simm.s32 $0xF00;
	s21 =	simm.s32 $0xE80  }
0x246: {  	s20 =	simm.s32 $0xE00;
	s19 =	simm.s32 $0xD80;
	s18 =	simm.s32 $0xD00  }
0x247: {  	s17 =	simm.s32 $0xC80;
	s16 =	simm.s32 $0xC00;
	s15 =	stileid.u32  }
.Lfunc_end2:
_tile_overlayer_lowered:
.L_overlay_start_2:
0x248: {  	(tag) =	ssettag $0x2  }
0x249: {  	s0 =	rddreg [dreg:$0x0];
	s2 =	stileid.u32  }
0x24a: {  	s1 =	rddreg [dreg:$0x1];
	p0 =	sne.s32 s2, $0x0  }
0x24b: {  	s3 =	rddreg [dreg:$0x2];
	[bflag:$0x3] =	sbarrier.arrive $0xFFFF;
	s2 =	simm.s32 @!p0 $0x1C02  }
0x24c: {  	[timem:s3], [sflag:s2] =	dma.local @!p0 [hbm:s0], s1  }
0x24d: {  	s0 =	simm.s32 @!p0 $0x2  }
0x24e: {  	_ =	swait.ge @!p0 [sflag:s0], s1  }
0x24f: {  	s1 =	ssub.s32 @!p0 $0x0, s1;
	[sflag:s0] =	ssyncset.done @!p0 $0x0  }
0x250: {  	[sflag:s0] =	ssyncadd.s32 @!p0 s1  }
0x251: {  	[bflag:$0x3] =	sbarrier.arrive $0xFFFF  }
0x252: {  	_ =	shalt  }

</sc_bundles>
